<compile_context>
chip_gen: v7x
topology: tpu7x:2x2x1
jax: 0.10.2.dev20260603
libtpu: 0.0.44.dev20260713+nightly
codegen_flags: <defaults>
</compile_context>

<pallas_src>
import functools

import jax
import jax.numpy as jnp
from jax import lax
from jax.experimental import pallas as pl
from jax.experimental.pallas import tpu as pltpu
from jax.experimental.pallas import tpu_sc as plsc

BB = 256
BBC = 1024
K = 8192
EMB = 32
H = 64


def _lrelu(v):
    return jnp.where(v > 0, v, 0.01 * v)


def _dot(a, b):
    return jnp.dot(a, b, preferred_element_type=jnp.float32)


CW = 128
NCH = K // CW


def _enc_kernel(x_ref, w1_ref, b1_ref, w2_ref, b2_ref, w3_ref, b3_ref,
                wemb_ref, wsq_ref, h_ref, idx_ref):
    x = x_ref[...]
    h1 = _lrelu(_dot(x, w1_ref[...]) + b1_ref[...])
    h2 = _lrelu(_dot(h1, w2_ref[...]) + b2_ref[...])
    h3 = _lrelu(_dot(h2, w3_ref[...]) + b3_ref[...])
    h_ref[...] = h3
    z0 = h3[:, :EMB]
    z1 = h3[:, EMB:]

    def nearest_idx(z):
        rb = z.shape[0]
        lane = lax.broadcasted_iota(jnp.int32, (rb, CW), 1)
        zn = -2.0 * z
        acc = jnp.full((rb, CW), jnp.inf, jnp.float32)
        iacc = jnp.zeros((rb, CW), jnp.int32)
        for c in range(NCH):
            sl = slice(c * CW, (c + 1) * CW)
            d = _dot(zn, wemb_ref[:, sl]) + wsq_ref[:, sl]
            mask = d < acc
            acc = jnp.minimum(acc, d)
            iacc = jnp.where(mask, c, iacc)
        m = jnp.min(acc, axis=1, keepdims=True)
        j = iacc * CW + lane
        return jnp.min(jnp.where(acc <= m, j, K), axis=1)

    RH = 128
    for s, z in ((0, z0), (1, z1)):
        for r in range(h3.shape[0] // RH):
            idx_ref[s, r * RH:(r + 1) * RH] = nearest_idx(
                z[r * RH:(r + 1) * RH])


def _dec_kernel(h_ref, q0_ref, q1_ref, d1_ref, c1_ref,
                d2_ref, c2_ref, d3_ref, c3_ref,
                zq_ref, qi_ref, xp_ref):
    h = h_ref[...]
    qi = jnp.concatenate([q0_ref[:, :EMB], q1_ref[:, :EMB]], axis=1)
    qi_ref[...] = qi
    zq = h + (qi - h)
    zq_ref[...] = zq
    g1 = _lrelu(_dot(zq, d1_ref[...]) + c1_ref[...])
    g2 = _lrelu(_dot(g1, d2_ref[...]) + c2_ref[...])
    xp_ref[...] = jax.nn.sigmoid(_dot(g2, d3_ref[...]) + c3_ref[...])


def _make_sc_gather(n_idx, n_rows, d):
    info = plsc.get_sparse_core_info()
    nc, ns = info.num_cores, info.num_subcores
    nw = nc * ns
    b_per_w = n_idx // nw
    slab = n_rows // ns
    chunk = 128
    n_chunks = b_per_w // chunk
    mesh = plsc.VectorSubcoreMesh(core_axis_name="c", subcore_axis_name="s")

    @functools.partial(
        pl.kernel, mesh=mesh,
        out_type=jax.ShapeDtypeStruct((n_idx, d), jnp.float32),
        scratch_types=[
            pltpu.VMEM((b_per_w,), jnp.int32),
            pltpu.VMEM((b_per_w, d), jnp.float32),
            pltpu.VMEM_SHARED((n_rows, d), jnp.float32),
            pltpu.SemaphoreType.DMA,
        ],
    )
    def sc_gather(table_hbm, idx_hbm, out_hbm, idx_v, rows_v, table_sp, sem):
        cid = lax.axis_index("c")
        sid = lax.axis_index("s")
        wid = sid * nc + cid
        pltpu.sync_copy(table_hbm.at[pl.ds(sid * slab, slab)],
                        table_sp.at[pl.ds(sid * slab, slab)])
        base = wid * b_per_w
        pltpu.sync_copy(idx_hbm.at[pl.ds(base, b_per_w)], idx_v)
        plsc.subcore_barrier()
        copies = [
            pltpu.async_copy(
                table_sp.at[idx_v.at[pl.ds(c * chunk, chunk)]],
                rows_v.at[pl.ds(c * chunk, chunk)], sem)
            for c in range(n_chunks)
        ]
        for cp in copies:
            cp.wait()
        pltpu.sync_copy(rows_v, out_hbm.at[pl.ds(base, b_per_w)])

    return sc_gather


@jax.jit
def kernel(x, W1, b1, W2, b2, W3, b3, D1, c1, D2, c2, D3, c3, emb_w):
    B = x.shape[0]
    F = x.shape[1]
    f32 = jnp.float32
    emb_wT = jnp.pad(emb_w.T, ((0, 0), (0, 128 - EMB)))
    w2 = jnp.sum(emb_w * emb_w, axis=0)[None, :]
    W3p = jnp.concatenate([W3[:, 0::2], W3[:, 1::2]], axis=1)
    b3p = jnp.concatenate([b3[0::2], b3[1::2]])[None, :]
    D1p = jnp.concatenate([D1[0::2, :], D1[1::2, :]], axis=0)

    nb = B // BB
    row_spec = lambda w: pl.BlockSpec((BB, w), lambda i: (i, 0))
    full = lambda a: pl.BlockSpec(a.shape, lambda i: (0,) * a.ndim)
    idx_spec = pl.BlockSpec((2, BB), lambda i: (0, i))

    h, idx2 = pl.pallas_call(
        _enc_kernel,
        grid=(nb,),
        in_specs=[
            row_spec(F),
            full(W1), full(b1[None, :]), full(W2), full(b2[None, :]),
            full(W3p), full(b3p), full(emb_w), full(w2),
        ],
        out_specs=[row_spec(H), idx_spec],
        out_shape=[
            jax.ShapeDtypeStruct((B, H), f32),
            jax.ShapeDtypeStruct((2, B), jnp.int32),
        ],
    )(x, W1, b1[None, :], W2, b2[None, :], W3p, b3p, emb_w, w2)

    idx_all = idx2.reshape(2 * B)

    q_all = _make_sc_gather(2 * B, K, 128)(emb_wT, idx_all)

    nbc = B // BBC
    rowc = lambda w: pl.BlockSpec((BBC, w), lambda i: (i, 0))
    q0_spec = pl.BlockSpec((BBC, 128), lambda i: (i, 0))
    q1_spec = pl.BlockSpec((BBC, 128), lambda i: (i + nbc, 0))
    zq, qi, xp = pl.pallas_call(
        _dec_kernel,
        grid=(nbc,),
        in_specs=[
            rowc(H), q0_spec, q1_spec,
            full(D1p), full(c1[None, :]),
            full(D2), full(c2[None, :]), full(D3), full(c3[None, :]),
        ],
        out_specs=[rowc(H), rowc(H), rowc(F)],
        out_shape=[
            jax.ShapeDtypeStruct((B, H), f32),
            jax.ShapeDtypeStruct((B, H), f32),
            jax.ShapeDtypeStruct((B, F), f32),
        ],
    )(h, q_all, q_all, D1p, c1[None, :], D2, c2[None, :], D3, c3[None, :])

    idx = idx2.reshape(2, B).T
    tomix = lambda a: a.reshape(B, 2, EMB).transpose(0, 2, 1)
    z_e = tomix(h)
    z_q = tomix(zq)
    emb = tomix(qi)
    return idx, z_e, z_q, emb, xp

# --- scband reference (transcript-rebuilt; emitter-appended) ---
"""Pipeline reference for scband-vqvae-89395449299400 (READ-ONLY COPY).

The authoritative reference and input builder live on the scoring server;
editing this copy changes nothing except your own understanding.
"""

import jax, jax.numpy as jnp
import numpy as np

def lrelu(x):
    return jnp.where(x > 0, x, 0.01 * x)

def nearest_embed(z, weight):
    # z: [B, D, S], weight: [D, K] (emb_dim x num_embeddings, torch NearestEmbed layout)
    B, D, S = z.shape
    xf = jnp.transpose(z, (0, 2, 1)).reshape(-1, D)  # [B*S, D]
    dist = (jnp.sum(xf * xf, axis=1, keepdims=True)
            - 2.0 * (xf @ weight)
            + jnp.sum(weight * weight, axis=0)[None, :])  # [B*S, K]
    idx = jnp.argmin(dist, axis=1)                        # [B*S]
    q = jnp.take(weight.T, idx, axis=0)                   # [B*S, D] gather
    q = jnp.transpose(q.reshape(B, S, D), (0, 2, 1))      # shifted_shape + permute, matches torch
    return q, idx.reshape(B, S)

def setup_inputs(seed: int = 0):
    key = jax.random.key(seed)
    ks = jax.random.split(key, 10)
    B, F = 4096, 128
    hidden, emb_dim, K = 64, 32, 8192
    def w(k, shape, scale):
        return jax.random.normal(k, shape, dtype=jnp.float32) * scale
    inp = {}
    inp["x"] = jax.random.uniform(ks[0], (B, F), dtype=jnp.float32)
    inp["W1"] = w(ks[1], (F, 256), 0.088); inp["b1"] = jnp.zeros((256,), jnp.float32)
    inp["W2"] = w(ks[2], (256, 128), 0.0625); inp["b2"] = jnp.zeros((128,), jnp.float32)
    inp["W3"] = w(ks[3], (128, hidden), 0.088); inp["b3"] = jnp.zeros((hidden,), jnp.float32)
    inp["D1"] = w(ks[4], (hidden, 128), 0.125); inp["c1"] = jnp.zeros((128,), jnp.float32)
    inp["D2"] = w(ks[5], (128, 256), 0.088); inp["c2"] = jnp.zeros((256,), jnp.float32)
    inp["D3"] = w(ks[6], (256, F), 0.0625); inp["c3"] = jnp.zeros((F,), jnp.float32)
    inp["emb_w"] = w(ks[7], (emb_dim, K), 0.5)
    return inp

def reference(x, W1, b1, W2, b2, W3, b3, D1, c1, D2, c2, D3, c3, emb_w):
    B = x.shape[0]
    emb_dim = emb_w.shape[0]
    hidden = W3.shape[1]
    S = hidden // emb_dim
    # encoder: Linear->LeakyReLU x3
    h = lrelu(lrelu(lrelu(x @ W1 + b1) @ W2 + b2) @ W3 + b3)
    z_e = h.reshape(B, emb_dim, S)
    # z_q branch: weight_sg=True -> weight detached, straight-through on input
    q_sg, idx = nearest_embed(z_e, jax.lax.stop_gradient(emb_w))
    z_q = z_e + jax.lax.stop_gradient(q_sg - z_e)
    # emb branch: input detached, codebook receives gradient
    emb, _ = nearest_embed(jax.lax.stop_gradient(z_e), emb_w)
    # decoder
    dec_in = z_q.reshape(B, hidden)
    X_pred = jax.nn.sigmoid(lrelu(lrelu(dec_in @ D1 + c1) @ D2 + c2) @ D3 + c3)
    return idx, z_e, z_q, emb, X_pred

if __name__ == "__main__":
    import jax
    _d = setup_inputs()
    print(jax.jit(kernel)(*tuple(_d.values())))

</pallas_src>

<mosaic_0001>
#map = affine_map<(d0, d1) -> (0, 0)>
#map1 = affine_map<(d0, d1) -> (0)>
module attributes {stable_mosaic.version = 14 : i64} {
  func.func @sc_gather(%arg0: i32, %arg1: i32, %arg2: memref<8192x128xf32, #tpu.memory_space<hbm>>, %arg3: memref<8192xi32, #tpu.memory_space<hbm>>, %arg4: memref<8192x128xf32, #tpu.memory_space<hbm>>, %arg5: memref<256xi32, #tpu.memory_space<vmem>>, %arg6: memref<256x128xf32, #tpu.memory_space<vmem>>, %arg7: memref<8192x128xf32, #tpu.memory_space<vmem_shared>>, %arg8: memref<!tpu.dma_semaphore, #tpu.memory_space<semaphore_mem>>) attributes {dimension_semantics = [#tpu.dimension_semantics<core_parallel>, #tpu.dimension_semantics<subcore_parallel>], iteration_bounds = array<i64: 2, 16>, scalar_prefetch = 0 : i64, scratch_operands = 4 : i64, tpu.core_type = #tpu.core_type<sc_vector_subcore>, window_params = [{transform_indices = #map}, {transform_indices = #map1}, {transform_indices = #map}]} {
    %mul3A = arith.constant 2 : i32
    %mul3A_0 = arith.muli %arg1, %mul3A : i32
    %add3A = arith.addi %mul3A_0, %arg0 : i32
    %mul3A_1 = arith.constant 512 : i32
    %mul3A_2 = arith.muli %arg1, %mul3A_1 : i32
    %mul3A_3 = arith.constant 512 : i32
    %mul3A_4 = arith.muli %arg1, %mul3A_3 : i32
    "tpu.region"() ({
      %run_scoped3A = tpu.sem_alloc : memref<!tpu.dma_semaphore, #tpu.memory_space<semaphore_mem>>
      %dma_start3A_37 = arith.constant 0 : i32
      %dma_start3A_38 = tpu.memref_slice %arg7[%mul3A_4, %dma_start3A_37] : memref<8192x128xf32, #tpu.memory_space<vmem_shared>> -> memref<512x128xf32, #tpu.memory_space<vmem_shared>>
      %dma_start3A_39 = arith.constant 0 : i32
      %dma_start3A_40 = tpu.memref_slice %arg2[%mul3A_2, %dma_start3A_39] : memref<8192x128xf32, #tpu.memory_space<hbm>> -> memref<512x128xf32, #tpu.memory_space<hbm>>
      tpu.enqueue_dma source(%dma_start3A_40 : memref<512x128xf32, #tpu.memory_space<hbm>>) target(%dma_start3A_38 : memref<512x128xf32, #tpu.memory_space<vmem_shared>>) target_semaphore(%run_scoped3A : memref<!tpu.dma_semaphore, #tpu.memory_space<semaphore_mem>>)
      %dma_wait3A_41 = arith.constant 0 : i32
      %dma_wait3A_42 = tpu.memref_slice %arg7[%mul3A_4, %dma_wait3A_41] : memref<8192x128xf32, #tpu.memory_space<vmem_shared>> -> memref<512x128xf32, #tpu.memory_space<vmem_shared>>
      %dma_wait3A_43 = arith.constant 0 : i32
      %dma_wait3A_44 = tpu.memref_slice %arg2[%mul3A_2, %dma_wait3A_43] : memref<8192x128xf32, #tpu.memory_space<hbm>> -> memref<512x128xf32, #tpu.memory_space<hbm>>
      tpu.wait_dma2 semaphore(%run_scoped3A : memref<!tpu.dma_semaphore, #tpu.memory_space<semaphore_mem>>) src(%dma_wait3A_44 : memref<512x128xf32, #tpu.memory_space<hbm>>) dst(%dma_wait3A_42 : memref<512x128xf32, #tpu.memory_space<vmem_shared>>)
      tpu.yield
    }) : () -> ()
    %mul3A_5 = arith.constant 256 : i32
    %mul3A_6 = arith.muli %add3A, %mul3A_5 : i32
    "tpu.region"() ({
      %run_scoped3A = tpu.sem_alloc : memref<!tpu.dma_semaphore, #tpu.memory_space<semaphore_mem>>
      %dma_start3A_37 = tpu.memref_slice %arg3[%mul3A_6] : memref<8192xi32, #tpu.memory_space<hbm>> -> memref<256xi32, #tpu.memory_space<hbm>>
      %dma_start3A_38 = tpu.memref_slice %arg3[%mul3A_6] : memref<8192xi32, #tpu.memory_space<hbm>> -> memref<256xi32, #tpu.memory_space<hbm>>
      tpu.enqueue_dma source(%dma_start3A_38 : memref<256xi32, #tpu.memory_space<hbm>>) target(%arg5 : memref<256xi32, #tpu.memory_space<vmem>>) target_semaphore(%run_scoped3A : memref<!tpu.dma_semaphore, #tpu.memory_space<semaphore_mem>>)
      %dma_wait3A_39 = tpu.memref_slice %arg3[%mul3A_6] : memref<8192xi32, #tpu.memory_space<hbm>> -> memref<256xi32, #tpu.memory_space<hbm>>
      %dma_wait3A_40 = tpu.memref_slice %arg3[%mul3A_6] : memref<8192xi32, #tpu.memory_space<hbm>> -> memref<256xi32, #tpu.memory_space<hbm>>
      tpu.wait_dma2 semaphore(%run_scoped3A : memref<!tpu.dma_semaphore, #tpu.memory_space<semaphore_mem>>) src(%dma_wait3A_40 : memref<256xi32, #tpu.memory_space<hbm>>) dst(%arg5 : memref<256xi32, #tpu.memory_space<vmem>>)
      tpu.yield
    }) : () -> ()
    %barrier3A = arith.constant 0 : index
    tpu.barrier barrier_id(%barrier3A)
    %dma_start3A = arith.constant 0 : i32
    %dma_start3A_7 = arith.constant 0 : i32
    %dma_start3A_8 = tpu.memref_slice %arg6[%dma_start3A, %dma_start3A_7] : memref<256x128xf32, #tpu.memory_space<vmem>> -> memref<128x128xf32, #tpu.memory_space<vmem>>
    %dma_start3A_9 = arith.constant 0 : i32
    %dma_start3A_10 = tpu.memref_slice %arg5[%dma_start3A_9] : memref<256xi32, #tpu.memory_space<vmem>> -> memref<128xi32, #tpu.memory_space<vmem>>
    %dma_start3A_11 = arith.constant 0 : i32
    %dma_start3A_12 = arith.constant 0 : i32
    %dma_start3A_13 = tpu.memref_slice %arg7[%dma_start3A_11, %dma_start3A_12] : memref<8192x128xf32, #tpu.memory_space<vmem_shared>> -> memref<8192x128xf32, #tpu.memory_space<vmem_shared>>
    tpu.enqueue_indirect_dma source(%dma_start3A_13 : memref<8192x128xf32, #tpu.memory_space<vmem_shared>>) target(%dma_start3A_8 : memref<128x128xf32, #tpu.memory_space<vmem>>) offsets(%dma_start3A_10 : memref<128xi32, #tpu.memory_space<vmem>>) semaphore(%arg8 : memref<!tpu.dma_semaphore, #tpu.memory_space<semaphore_mem>>)
    %dma_start3A_14 = arith.constant 128 : i32
    %dma_start3A_15 = arith.constant 0 : i32
    %dma_start3A_16 = tpu.memref_slice %arg6[%dma_start3A_14, %dma_start3A_15] : memref<256x128xf32, #tpu.memory_space<vmem>> -> memref<128x128xf32, #tpu.memory_space<vmem>>
    %dma_start3A_17 = arith.constant 128 : i32
    %dma_start3A_18 = tpu.memref_slice %arg5[%dma_start3A_17] : memref<256xi32, #tpu.memory_space<vmem>> -> memref<128xi32, #tpu.memory_space<vmem>>
    %dma_start3A_19 = arith.constant 0 : i32
    %dma_start3A_20 = arith.constant 0 : i32
    %dma_start3A_21 = tpu.memref_slice %arg7[%dma_start3A_19, %dma_start3A_20] : memref<8192x128xf32, #tpu.memory_space<vmem_shared>> -> memref<8192x128xf32, #tpu.memory_space<vmem_shared>>
    tpu.enqueue_indirect_dma source(%dma_start3A_21 : memref<8192x128xf32, #tpu.memory_space<vmem_shared>>) target(%dma_start3A_16 : memref<128x128xf32, #tpu.memory_space<vmem>>) offsets(%dma_start3A_18 : memref<128xi32, #tpu.memory_space<vmem>>) semaphore(%arg8 : memref<!tpu.dma_semaphore, #tpu.memory_space<semaphore_mem>>)
    %dma_wait3A = arith.constant 0 : i32
    %dma_wait3A_22 = arith.constant 0 : i32
    %dma_wait3A_23 = tpu.memref_slice %arg6[%dma_wait3A, %dma_wait3A_22] : memref<256x128xf32, #tpu.memory_space<vmem>> -> memref<128x128xf32, #tpu.memory_space<vmem>>
    %dma_wait3A_24 = arith.constant 0 : i32
    %dma_wait3A_25 = tpu.memref_slice %arg5[%dma_wait3A_24] : memref<256xi32, #tpu.memory_space<vmem>> -> memref<128xi32, #tpu.memory_space<vmem>>
    %dma_wait3A_26 = arith.constant 0 : i32
    %dma_wait3A_27 = arith.constant 0 : i32
    %dma_wait3A_28 = tpu.memref_slice %arg7[%dma_wait3A_26, %dma_wait3A_27] : memref<8192x128xf32, #tpu.memory_space<vmem_shared>> -> memref<8192x128xf32, #tpu.memory_space<vmem_shared>>
    tpu.wait_indirect_dma semaphore(%arg8 : memref<!tpu.dma_semaphore, #tpu.memory_space<semaphore_mem>>) src(%dma_wait3A_28 : memref<8192x128xf32, #tpu.memory_space<vmem_shared>>) dst(%dma_wait3A_23 : memref<128x128xf32, #tpu.memory_space<vmem>>)
    %dma_wait3A_29 = arith.constant 128 : i32
    %dma_wait3A_30 = arith.constant 0 : i32
    %dma_wait3A_31 = tpu.memref_slice %arg6[%dma_wait3A_29, %dma_wait3A_30] : memref<256x128xf32, #tpu.memory_space<vmem>> -> memref<128x128xf32, #tpu.memory_space<vmem>>
    %dma_wait3A_32 = arith.constant 128 : i32
    %dma_wait3A_33 = tpu.memref_slice %arg5[%dma_wait3A_32] : memref<256xi32, #tpu.memory_space<vmem>> -> memref<128xi32, #tpu.memory_space<vmem>>
    %dma_wait3A_34 = arith.constant 0 : i32
    %dma_wait3A_35 = arith.constant 0 : i32
    %dma_wait3A_36 = tpu.memref_slice %arg7[%dma_wait3A_34, %dma_wait3A_35] : memref<8192x128xf32, #tpu.memory_space<vmem_shared>> -> memref<8192x128xf32, #tpu.memory_space<vmem_shared>>
    tpu.wait_indirect_dma semaphore(%arg8 : memref<!tpu.dma_semaphore, #tpu.memory_space<semaphore_mem>>) src(%dma_wait3A_36 : memref<8192x128xf32, #tpu.memory_space<vmem_shared>>) dst(%dma_wait3A_31 : memref<128x128xf32, #tpu.memory_space<vmem>>)
    "tpu.region"() ({
      %run_scoped3A = tpu.sem_alloc : memref<!tpu.dma_semaphore, #tpu.memory_space<semaphore_mem>>
      %dma_start3A_37 = arith.constant 0 : i32
      %dma_start3A_38 = tpu.memref_slice %arg4[%mul3A_6, %dma_start3A_37] : memref<8192x128xf32, #tpu.memory_space<hbm>> -> memref<256x128xf32, #tpu.memory_space<hbm>>
      %dma_start3A_39 = arith.constant 0 : i32
      %dma_start3A_40 = tpu.memref_slice %arg4[%mul3A_6, %dma_start3A_39] : memref<8192x128xf32, #tpu.memory_space<hbm>> -> memref<256x128xf32, #tpu.memory_space<hbm>>
      tpu.enqueue_dma source(%arg6 : memref<256x128xf32, #tpu.memory_space<vmem>>) target(%dma_start3A_40 : memref<256x128xf32, #tpu.memory_space<hbm>>) target_semaphore(%run_scoped3A : memref<!tpu.dma_semaphore, #tpu.memory_space<semaphore_mem>>)
      %dma_wait3A_41 = arith.constant 0 : i32
      %dma_wait3A_42 = tpu.memref_slice %arg4[%mul3A_6, %dma_wait3A_41] : memref<8192x128xf32, #tpu.memory_space<hbm>> -> memref<256x128xf32, #tpu.memory_space<hbm>>
      %dma_wait3A_43 = arith.constant 0 : i32
      %dma_wait3A_44 = tpu.memref_slice %arg4[%mul3A_6, %dma_wait3A_43] : memref<8192x128xf32, #tpu.memory_space<hbm>> -> memref<256x128xf32, #tpu.memory_space<hbm>>
      tpu.wait_dma2 semaphore(%run_scoped3A : memref<!tpu.dma_semaphore, #tpu.memory_space<semaphore_mem>>) src(%arg6 : memref<256x128xf32, #tpu.memory_space<vmem>>) dst(%dma_wait3A_44 : memref<256x128xf32, #tpu.memory_space<hbm>>)
      tpu.yield
    }) : () -> ()
    return
  }
}

module attributes {stable_mosaic.version = 14 : i64} {
  func.func @_enc_kernel(%arg0: i32, %arg1: memref<256x128xf32, #tpu.memory_space<vmem>>, %arg2: memref<128x256xf32, #tpu.memory_space<vmem>>, %arg3: memref<1x256xf32, #tpu.memory_space<vmem>>, %arg4: memref<256x128xf32, #tpu.memory_space<vmem>>, %arg5: memref<1x128xf32, #tpu.memory_space<vmem>>, %arg6: memref<128x64xf32, #tpu.memory_space<vmem>>, %arg7: memref<1x64xf32, #tpu.memory_space<vmem>>, %arg8: memref<32x8192xf32, #tpu.memory_space<vmem>>, %arg9: memref<1x8192xf32, #tpu.memory_space<vmem>>, %arg10: memref<256x64xf32, #tpu.memory_space<vmem>>, %arg11: memref<2x256xi32, #tpu.memory_space<vmem>>) attributes {dimension_semantics = [#tpu.dimension_semantics<arbitrary>], iteration_bounds = array<i64: 16>, scalar_prefetch = 0 : i64, scratch_operands = 0 : i64, tpu.core_type = #tpu.core_type<tc>, window_params = [{transform_indices = @transform_0, window_bounds = array<i64: 256, 128>}, {pipeline_mode = #tpu.pipeline_mode<synchronous>, transform_indices = @transform_1, window_bounds = array<i64: 128, 256>}, {pipeline_mode = #tpu.pipeline_mode<synchronous>, transform_indices = @transform_2, window_bounds = array<i64: 1, 256>}, {pipeline_mode = #tpu.pipeline_mode<synchronous>, transform_indices = @transform_3, window_bounds = array<i64: 256, 128>}, {pipeline_mode = #tpu.pipeline_mode<synchronous>, transform_indices = @transform_4, window_bounds = array<i64: 1, 128>}, {pipeline_mode = #tpu.pipeline_mode<synchronous>, transform_indices = @transform_5, window_bounds = array<i64: 128, 64>}, {pipeline_mode = #tpu.pipeline_mode<synchronous>, transform_indices = @transform_6, window_bounds = array<i64: 1, 64>}, {pipeline_mode = #tpu.pipeline_mode<synchronous>, transform_indices = @transform_7, window_bounds = array<i64: 32, 8192>}, {pipeline_mode = #tpu.pipeline_mode<synchronous>, transform_indices = @transform_8, window_bounds = array<i64: 1, 8192>}, {transform_indices = @transform_9, window_bounds = array<i64: 256, 64>}, {transform_indices = @transform_10, window_bounds = array<i64: 2, 256>}]} {
    %get3A = arith.constant 0 : index
    %get3A_0 = arith.constant 0 : index
    %get3A_1 = vector.load %arg1[%get3A, %get3A_0] : memref<256x128xf32, #tpu.memory_space<vmem>>, vector<256x128xf32>
    %get3A_2 = arith.constant 0 : index
    %get3A_3 = arith.constant 0 : index
    %get3A_4 = vector.load %arg2[%get3A_2, %get3A_3] : memref<128x256xf32, #tpu.memory_space<vmem>>, vector<128x256xf32>
    %dot_general3A = arith.constant dense<0.000000e+00> : vector<256x256xf32>
    %dot_general3A_5 = tpu.matmul %get3A_1, %get3A_4, %dot_general3A {dimension_numbers = #tpu.dot_dimension_numbers<[1], [0], [0], [1], [0, 0, 1, 1], [], []>, transpose_lhs_hint = false} : vector<256x128xf32>, vector<128x256xf32>, vector<256x256xf32> -> vector<256x256xf32>
    %get3A_6 = arith.constant 0 : index
    %get3A_7 = arith.constant 0 : index
    %get3A_8 = vector.load %arg3[%get3A_6, %get3A_7] : memref<1x256xf32, #tpu.memory_space<vmem>>, vector<1x256xf32>
    %add3A = vector.broadcast %get3A_8 : vector<1x256xf32> to vector<256x256xf32>
    %add3A_9 = arith.addf %dot_general3A_5, %add3A : vector<256x256xf32>
    %gt3A = arith.constant 0.000000e+00 : f32
    %gt3A_10 = vector.broadcast %gt3A : f32 to vector<256x256xf32>
    %gt3A_11 = arith.cmpf ogt, %add3A_9, %gt3A_10 : vector<256x256xf32>
    %mul3A = arith.constant 0.00999999977 : f32
    %mul3A_12 = vector.broadcast %mul3A : f32 to vector<256x256xf32>
    %mul3A_13 = arith.mulf %mul3A_12, %add3A_9 : vector<256x256xf32>
    %select_n3A = arith.select %gt3A_11, %add3A_9, %mul3A_13 : vector<256x256xi1>, vector<256x256xf32>
    %get3A_14 = arith.constant 0 : index
    %get3A_15 = arith.constant 0 : index
    %get3A_16 = vector.load %arg4[%get3A_14, %get3A_15] : memref<256x128xf32, #tpu.memory_space<vmem>>, vector<256x128xf32>
    %dot_general3A_17 = arith.constant dense<0.000000e+00> : vector<256x128xf32>
    %dot_general3A_18 = tpu.matmul %select_n3A, %get3A_16, %dot_general3A_17 {dimension_numbers = #tpu.dot_dimension_numbers<[1], [0], [0], [1], [0, 0, 1, 1], [], []>, transpose_lhs_hint = false} : vector<256x256xf32>, vector<256x128xf32>, vector<256x128xf32> -> vector<256x128xf32>
    %get3A_19 = arith.constant 0 : index
    %get3A_20 = arith.constant 0 : index
    %get3A_21 = vector.load %arg5[%get3A_19, %get3A_20] : memref<1x128xf32, #tpu.memory_space<vmem>>, vector<1x128xf32>
    %add3A_22 = vector.broadcast %get3A_21 : vector<1x128xf32> to vector<256x128xf32>
    %add3A_23 = arith.addf %dot_general3A_18, %add3A_22 : vector<256x128xf32>
    %gt3A_24 = arith.constant 0.000000e+00 : f32
    %gt3A_25 = vector.broadcast %gt3A_24 : f32 to vector<256x128xf32>
    %gt3A_26 = arith.cmpf ogt, %add3A_23, %gt3A_25 : vector<256x128xf32>
    %mul3A_27 = arith.constant 0.00999999977 : f32
    %mul3A_28 = vector.broadcast %mul3A_27 : f32 to vector<256x128xf32>
    %mul3A_29 = arith.mulf %mul3A_28, %add3A_23 : vector<256x128xf32>
    %select_n3A_30 = arith.select %gt3A_26, %add3A_23, %mul3A_29 : vector<256x128xi1>, vector<256x128xf32>
    %get3A_31 = arith.constant 0 : index
    %get3A_32 = arith.constant 0 : index
    %get3A_33 = vector.load %arg6[%get3A_31, %get3A_32] : memref<128x64xf32, #tpu.memory_space<vmem>>, vector<128x64xf32>
    %dot_general3A_34 = arith.constant dense<0.000000e+00> : vector<256x64xf32>
    %dot_general3A_35 = tpu.matmul %select_n3A_30, %get3A_33, %dot_general3A_34 {dimension_numbers = #tpu.dot_dimension_numbers<[1], [0], [0], [1], [0, 0, 1, 1], [], []>, transpose_lhs_hint = false} : vector<256x128xf32>, vector<128x64xf32>, vector<256x64xf32> -> vector<256x64xf32>
    %get3A_36 = arith.constant 0 : index
    %get3A_37 = arith.constant 0 : index
    %get3A_38 = vector.load %arg7[%get3A_36, %get3A_37] : memref<1x64xf32, #tpu.memory_space<vmem>>, vector<1x64xf32>
    %add3A_39 = vector.broadcast %get3A_38 : vector<1x64xf32> to vector<256x64xf32>
    %add3A_40 = arith.addf %dot_general3A_35, %add3A_39 : vector<256x64xf32>
    %gt3A_41 = arith.constant 0.000000e+00 : f32
    %gt3A_42 = vector.broadcast %gt3A_41 : f32 to vector<256x64xf32>
    %gt3A_43 = arith.cmpf ogt, %add3A_40, %gt3A_42 : vector<256x64xf32>
    %mul3A_44 = arith.constant 0.00999999977 : f32
    %mul3A_45 = vector.broadcast %mul3A_44 : f32 to vector<256x64xf32>
    %mul3A_46 = arith.mulf %mul3A_45, %add3A_40 : vector<256x64xf32>
    %select_n3A_47 = arith.select %gt3A_43, %add3A_40, %mul3A_46 : vector<256x64xi1>, vector<256x64xf32>
    %swap3A = arith.constant 0 : index
    %swap3A_48 = arith.constant 0 : index
    %swap3A_49 = vector.load %arg10[%swap3A, %swap3A_48] : memref<256x64xf32, #tpu.memory_space<vmem>>, vector<256x64xf32>
    tpu.vector_store %arg10[%swap3A, %swap3A_48], %select_n3A_47 {strides = array<i32>} : memref<256x64xf32, #tpu.memory_space<vmem>>, vector<256x64xf32>,
    %slice3A = vector.extract_strided_slice %select_n3A_47 {offsets = [0, 0], sizes = [256, 32], strides = [1, 1]} : vector<256x64xf32> to vector<256x32xf32>
    %slice3A_50 = vector.extract_strided_slice %select_n3A_47 {offsets = [0, 32], sizes = [256, 32], strides = [1, 1]} : vector<256x64xf32> to vector<256x32xf32>
    %slice3A_51 = vector.extract_strided_slice %slice3A {offsets = [0, 0], sizes = [128, 32], strides = [1, 1]} : vector<256x32xf32> to vector<128x32xf32>
    %iota3A = tpu.iota {dimensions = array<i32: 1>} : vector<128x128xi32>
    %mul3A_52 = arith.constant -2.000000e+00 : f32
    %mul3A_53 = vector.broadcast %mul3A_52 : f32 to vector<128x32xf32>
    %mul3A_54 = arith.mulf %mul3A_53, %slice3A_51 : vector<128x32xf32>
    %broadcast_in_dim3A = arith.constant 0x7F800000 : f32
    %broadcast_in_dim3A_55 = vector.broadcast %broadcast_in_dim3A : f32 to vector<128x128xf32>
    %broadcast_in_dim3A_56 = arith.constant 0 : i32
    %broadcast_in_dim3A_57 = vector.broadcast %broadcast_in_dim3A_56 : i32 to vector<128x128xi32>
    %get3A_58 = arith.constant 0 : index
    %get3A_59 = arith.constant 0 : index
    %get3A_60 = vector.load %arg8[%get3A_58, %get3A_59] : memref<32x8192xf32, #tpu.memory_space<vmem>>, vector<32x128xf32>
    %dot_general3A_61 = arith.constant dense<0.000000e+00> : vector<128x128xf32>
    %dot_general3A_62 = tpu.matmul %mul3A_54, %get3A_60, %dot_general3A_61 {dimension_numbers = #tpu.dot_dimension_numbers<[1], [0], [0], [1], [0, 0, 1, 1], [], []>, transpose_lhs_hint = false} : vector<128x32xf32>, vector<32x128xf32>, vector<128x128xf32> -> vector<128x128xf32>
    %get3A_63 = arith.constant 0 : index
    %get3A_64 = arith.constant 0 : index
    %get3A_65 = vector.load %arg9[%get3A_63, %get3A_64] : memref<1x8192xf32, #tpu.memory_space<vmem>>, vector<1x128xf32>
    %add3A_66 = vector.broadcast %get3A_65 : vector<1x128xf32> to vector<128x128xf32>
    %add3A_67 = arith.addf %dot_general3A_62, %add3A_66 : vector<128x128xf32>
    %lt3A = arith.cmpf olt, %add3A_67, %broadcast_in_dim3A_55 : vector<128x128xf32>
    %min3A = arith.minimumf %broadcast_in_dim3A_55, %add3A_67 : vector<128x128xf32>
    %jit3A = arith.constant 0 : i32
    %broadcast_in_dim3A_68 = vector.broadcast %jit3A : i32 to vector<128x128xi32>
    %select_n3A_69 = arith.select %lt3A, %broadcast_in_dim3A_68, %broadcast_in_dim3A_57 : vector<128x128xi1>, vector<128x128xi32>
    %get3A_70 = arith.constant 0 : index
    %get3A_71 = arith.constant 128 : index
    %get3A_72 = vector.load %arg8[%get3A_70, %get3A_71] : memref<32x8192xf32, #tpu.memory_space<vmem>>, vector<32x128xf32>
    %dot_general3A_73 = arith.constant dense<0.000000e+00> : vector<128x128xf32>
    %dot_general3A_74 = tpu.matmul %mul3A_54, %get3A_72, %dot_general3A_73 {dimension_numbers = #tpu.dot_dimension_numbers<[1], [0], [0], [1], [0, 0, 1, 1], [], []>, transpose_lhs_hint = false} : vector<128x32xf32>, vector<32x128xf32>, vector<128x128xf32> -> vector<128x128xf32>
    %get3A_75 = arith.constant 0 : index
    %get3A_76 = arith.constant 128 : index
    %get3A_77 = vector.load %arg9[%get3A_75, %get3A_76] : memref<1x8192xf32, #tpu.memory_space<vmem>>, vector<1x128xf32>
    %add3A_78 = vector.broadcast %get3A_77 : vector<1x128xf32> to vector<128x128xf32>
    %add3A_79 = arith.addf %dot_general3A_74, %add3A_78 : vector<128x128xf32>
    %lt3A_80 = arith.cmpf olt, %add3A_79, %min3A : vector<128x128xf32>
    %min3A_81 = arith.minimumf %min3A, %add3A_79 : vector<128x128xf32>
    %jit3A_82 = arith.constant 1 : i32
    %broadcast_in_dim3A_83 = vector.broadcast %jit3A_82 : i32 to vector<128x128xi32>
    %select_n3A_84 = arith.select %lt3A_80, %broadcast_in_dim3A_83, %select_n3A_69 : vector<128x128xi1>, vector<128x128xi32>
    %get3A_85 = arith.constant 0 : index
    %get3A_86 = arith.constant 256 : index
    %get3A_87 = vector.load %arg8[%get3A_85, %get3A_86] : memref<32x8192xf32, #tpu.memory_space<vmem>>, vector<32x128xf32>
    %dot_general3A_88 = arith.constant dense<0.000000e+00> : vector<128x128xf32>
    %dot_general3A_89 = tpu.matmul %mul3A_54, %get3A_87, %dot_general3A_88 {dimension_numbers = #tpu.dot_dimension_numbers<[1], [0], [0], [1], [0, 0, 1, 1], [], []>, transpose_lhs_hint = false} : vector<128x32xf32>, vector<32x128xf32>, vector<128x128xf32> -> vector<128x128xf32>
    %get3A_90 = arith.constant 0 : index
    %get3A_91 = arith.constant 256 : index
    %get3A_92 = vector.load %arg9[%get3A_90, %get3A_91] : memref<1x8192xf32, #tpu.memory_space<vmem>>, vector<1x128xf32>
    %add3A_93 = vector.broadcast %get3A_92 : vector<1x128xf32> to vector<128x128xf32>
    %add3A_94 = arith.addf %dot_general3A_89, %add3A_93 : vector<128x128xf32>
    %lt3A_95 = arith.cmpf olt, %add3A_94, %min3A_81 : vector<128x128xf32>
    %min3A_96 = arith.minimumf %min3A_81, %add3A_94 : vector<128x128xf32>
    %jit3A_97 = arith.constant 2 : i32
    %broadcast_in_dim3A_98 = vector.broadcast %jit3A_97 : i32 to vector<128x128xi32>
    %select_n3A_99 = arith.select %lt3A_95, %broadcast_in_dim3A_98, %select_n3A_84 : vector<128x128xi1>, vector<128x128xi32>
    %get3A_100 = arith.constant 0 : index
    %get3A_101 = arith.constant 384 : index
    %get3A_102 = vector.load %arg8[%get3A_100, %get3A_101] : memref<32x8192xf32, #tpu.memory_space<vmem>>, vector<32x128xf32>
    %dot_general3A_103 = arith.constant dense<0.000000e+00> : vector<128x128xf32>
    %dot_general3A_104 = tpu.matmul %mul3A_54, %get3A_102, %dot_general3A_103 {dimension_numbers = #tpu.dot_dimension_numbers<[1], [0], [0], [1], [0, 0, 1, 1], [], []>, transpose_lhs_hint = false} : vector<128x32xf32>, vector<32x128xf32>, vector<128x128xf32> -> vector<128x128xf32>
    %get3A_105 = arith.constant 0 : index
    %get3A_106 = arith.constant 384 : index
    %get3A_107 = vector.load %arg9[%get3A_105, %get3A_106] : memref<1x8192xf32, #tpu.memory_space<vmem>>, vector<1x128xf32>
    %add3A_108 = vector.broadcast %get3A_107 : vector<1x128xf32> to vector<128x128xf32>
    %add3A_109 = arith.addf %dot_general3A_104, %add3A_108 : vector<128x128xf32>
    %lt3A_110 = arith.cmpf olt, %add3A_109, %min3A_96 : vector<128x128xf32>
    %min3A_111 = arith.minimumf %min3A_96, %add3A_109 : vector<128x128xf32>
    %jit3A_112 = arith.constant 3 : i32
    %broadcast_in_dim3A_113 = vector.broadcast %jit3A_112 : i32 to vector<128x128xi32>
    %select_n3A_114 = arith.select %lt3A_110, %broadcast_in_dim3A_113, %select_n3A_99 : vector<128x128xi1>, vector<128x128xi32>
    %get3A_115 = arith.constant 0 : index
    %get3A_116 = arith.constant 512 : index
    %get3A_117 = vector.load %arg8[%get3A_115, %get3A_116] : memref<32x8192xf32, #tpu.memory_space<vmem>>, vector<32x128xf32>
    %dot_general3A_118 = arith.constant dense<0.000000e+00> : vector<128x128xf32>
    %dot_general3A_119 = tpu.matmul %mul3A_54, %get3A_117, %dot_general3A_118 {dimension_numbers = #tpu.dot_dimension_numbers<[1], [0], [0], [1], [0, 0, 1, 1], [], []>, transpose_lhs_hint = false} : vector<128x32xf32>, vector<32x128xf32>, vector<128x128xf32> -> vector<128x128xf32>
    %get3A_120 = arith.constant 0 : index
    %get3A_121 = arith.constant 512 : index
    %get3A_122 = vector.load %arg9[%get3A_120, %get3A_121] : memref<1x8192xf32, #tpu.memory_space<vmem>>, vector<1x128xf32>
    %add3A_123 = vector.broadcast %get3A_122 : vector<1x128xf32> to vector<128x128xf32>
    %add3A_124 = arith.addf %dot_general3A_119, %add3A_123 : vector<128x128xf32>
    %lt3A_125 = arith.cmpf olt, %add3A_124, %min3A_111 : vector<128x128xf32>
    %min3A_126 = arith.minimumf %min3A_111, %add3A_124 : vector<128x128xf32>
    %jit3A_127 = arith.constant 4 : i32
    %broadcast_in_dim3A_128 = vector.broadcast %jit3A_127 : i32 to vector<128x128xi32>
    %select_n3A_129 = arith.select %lt3A_125, %broadcast_in_dim3A_128, %select_n3A_114 : vector<128x128xi1>, vector<128x128xi32>
    %get3A_130 = arith.constant 0 : index
    %get3A_131 = arith.constant 640 : index
    %get3A_132 = vector.load %arg8[%get3A_130, %get3A_131] : memref<32x8192xf32, #tpu.memory_space<vmem>>, vector<32x128xf32>
    %dot_general3A_133 = arith.constant dense<0.000000e+00> : vector<128x128xf32>
    %dot_general3A_134 = tpu.matmul %mul3A_54, %get3A_132, %dot_general3A_133 {dimension_numbers = #tpu.dot_dimension_numbers<[1], [0], [0], [1], [0, 0, 1, 1], [], []>, transpose_lhs_hint = false} : vector<128x32xf32>, vector<32x128xf32>, vector<128x128xf32> -> vector<128x128xf32>
    %get3A_135 = arith.constant 0 : index
    %get3A_136 = arith.constant 640 : index
    %get3A_137 = vector.load %arg9[%get3A_135, %get3A_136] : memref<1x8192xf32, #tpu.memory_space<vmem>>, vector<1x128xf32>
    %add3A_138 = vector.broadcast %get3A_137 : vector<1x128xf32> to vector<128x128xf32>
    %add3A_139 = arith.addf %dot_general3A_134, %add3A_138 : vector<128x128xf32>
    %lt3A_140 = arith.cmpf olt, %add3A_139, %min3A_126 : vector<128x128xf32>
    %min3A_141 = arith.minimumf %min3A_126, %add3A_139 : vector<128x128xf32>
    %jit3A_142 = arith.constant 5 : i32
    %broadcast_in_dim3A_143 = vector.broadcast %jit3A_142 : i32 to vector<128x128xi32>
    %select_n3A_144 = arith.select %lt3A_140, %broadcast_in_dim3A_143, %select_n3A_129 : vector<128x128xi1>, vector<128x128xi32>
    %get3A_145 = arith.constant 0 : index
    %get3A_146 = arith.constant 768 : index
    %get3A_147 = vector.load %arg8[%get3A_145, %get3A_146] : memref<32x8192xf32, #tpu.memory_space<vmem>>, vector<32x128xf32>
    %dot_general3A_148 = arith.constant dense<0.000000e+00> : vector<128x128xf32>
    %dot_general3A_149 = tpu.matmul %mul3A_54, %get3A_147, %dot_general3A_148 {dimension_numbers = #tpu.dot_dimension_numbers<[1], [0], [0], [1], [0, 0, 1, 1], [], []>, transpose_lhs_hint = false} : vector<128x32xf32>, vector<32x128xf32>, vector<128x128xf32> -> vector<128x128xf32>
    %get3A_150 = arith.constant 0 : index
    %get3A_151 = arith.constant 768 : index
    %get3A_152 = vector.load %arg9[%get3A_150, %get3A_151] : memref<1x8192xf32, #tpu.memory_space<vmem>>, vector<1x128xf32>
    %add3A_153 = vector.broadcast %get3A_152 : vector<1x128xf32> to vector<128x128xf32>
    %add3A_154 = arith.addf %dot_general3A_149, %add3A_153 : vector<128x128xf32>
    %lt3A_155 = arith.cmpf olt, %add3A_154, %min3A_141 : vector<128x128xf32>
    %min3A_156 = arith.minimumf %min3A_141, %add3A_154 : vector<128x128xf32>
    %jit3A_157 = arith.constant 6 : i32
    %broadcast_in_dim3A_158 = vector.broadcast %jit3A_157 : i32 to vector<128x128xi32>
    %select_n3A_159 = arith.select %lt3A_155, %broadcast_in_dim3A_158, %select_n3A_144 : vector<128x128xi1>, vector<128x128xi32>
    %get3A_160 = arith.constant 0 : index
    %get3A_161 = arith.constant 896 : index
    %get3A_162 = vector.load %arg8[%get3A_160, %get3A_161] : memref<32x8192xf32, #tpu.memory_space<vmem>>, vector<32x128xf32>
    %dot_general3A_163 = arith.constant dense<0.000000e+00> : vector<128x128xf32>
    %dot_general3A_164 = tpu.matmul %mul3A_54, %get3A_162, %dot_general3A_163 {dimension_numbers = #tpu.dot_dimension_numbers<[1], [0], [0], [1], [0, 0, 1, 1], [], []>, transpose_lhs_hint = false} : vector<128x32xf32>, vector<32x128xf32>, vector<128x128xf32> -> vector<128x128xf32>
    %get3A_165 = arith.constant 0 : index
    %get3A_166 = arith.constant 896 : index
    %get3A_167 = vector.load %arg9[%get3A_165, %get3A_166] : memref<1x8192xf32, #tpu.memory_space<vmem>>, vector<1x128xf32>
    %add3A_168 = vector.broadcast %get3A_167 : vector<1x128xf32> to vector<128x128xf32>
    %add3A_169 = arith.addf %dot_general3A_164, %add3A_168 : vector<128x128xf32>
    %lt3A_170 = arith.cmpf olt, %add3A_169, %min3A_156 : vector<128x128xf32>
    %min3A_171 = arith.minimumf %min3A_156, %add3A_169 : vector<128x128xf32>
    %jit3A_172 = arith.constant 7 : i32
    %broadcast_in_dim3A_173 = vector.broadcast %jit3A_172 : i32 to vector<128x128xi32>
    %select_n3A_174 = arith.select %lt3A_170, %broadcast_in_dim3A_173, %select_n3A_159 : vector<128x128xi1>, vector<128x128xi32>
    %get3A_175 = arith.constant 0 : index
    %get3A_176 = arith.constant 1024 : index
    %get3A_177 = vector.load %arg8[%get3A_175, %get3A_176] : memref<32x8192xf32, #tpu.memory_space<vmem>>, vector<32x128xf32>
    %dot_general3A_178 = arith.constant dense<0.000000e+00> : vector<128x128xf32>
    %dot_general3A_179 = tpu.matmul %mul3A_54, %get3A_177, %dot_general3A_178 {dimension_numbers = #tpu.dot_dimension_numbers<[1], [0], [0], [1], [0, 0, 1, 1], [], []>, transpose_lhs_hint = false} : vector<128x32xf32>, vector<32x128xf32>, vector<128x128xf32> -> vector<128x128xf32>
    %get3A_180 = arith.constant 0 : index
    %get3A_181 = arith.constant 1024 : index
    %get3A_182 = vector.load %arg9[%get3A_180, %get3A_181] : memref<1x8192xf32, #tpu.memory_space<vmem>>, vector<1x128xf32>
    %add3A_183 = vector.broadcast %get3A_182 : vector<1x128xf32> to vector<128x128xf32>
    %add3A_184 = arith.addf %dot_general3A_179, %add3A_183 : vector<128x128xf32>
    %lt3A_185 = arith.cmpf olt, %add3A_184, %min3A_171 : vector<128x128xf32>
    %min3A_186 = arith.minimumf %min3A_171, %add3A_184 : vector<128x128xf32>
    %jit3A_187 = arith.constant 8 : i32
    %broadcast_in_dim3A_188 = vector.broadcast %jit3A_187 : i32 to vector<128x128xi32>
    %select_n3A_189 = arith.select %lt3A_185, %broadcast_in_dim3A_188, %select_n3A_174 : vector<128x128xi1>, vector<128x128xi32>
    %get3A_190 = arith.constant 0 : index
    %get3A_191 = arith.constant 1152 : index
    %get3A_192 = vector.load %arg8[%get3A_190, %get3A_191] : memref<32x8192xf32, #tpu.memory_space<vmem>>, vector<32x128xf32>
    %dot_general3A_193 = arith.constant dense<0.000000e+00> : vector<128x128xf32>
    %dot_general3A_194 = tpu.matmul %mul3A_54, %get3A_192, %dot_general3A_193 {dimension_numbers = #tpu.dot_dimension_numbers<[1], [0], [0], [1], [0, 0, 1, 1], [], []>, transpose_lhs_hint = false} : vector<128x32xf32>, vector<32x128xf32>, vector<128x128xf32> -> vector<128x128xf32>
    %get3A_195 = arith.constant 0 : index
    %get3A_196 = arith.constant 1152 : index
    %get3A_197 = vector.load %arg9[%get3A_195, %get3A_196] : memref<1x8192xf32, #tpu.memory_space<vmem>>, vector<1x128xf32>
    %add3A_198 = vector.broadcast %get3A_197 : vector<1x128xf32> to vector<128x128xf32>
    %add3A_199 = arith.addf %dot_general3A_194, %add3A_198 : vector<128x128xf32>
    %lt3A_200 = arith.cmpf olt, %add3A_199, %min3A_186 : vector<128x128xf32>
    %min3A_201 = arith.minimumf %min3A_186, %add3A_199 : vector<128x128xf32>
    %jit3A_202 = arith.constant 9 : i32
    %broadcast_in_dim3A_203 = vector.broadcast %jit3A_202 : i32 to vector<128x128xi32>
    %select_n3A_204 = arith.select %lt3A_200, %broadcast_in_dim3A_203, %select_n3A_189 : vector<128x128xi1>, vector<128x128xi32>
    %get3A_205 = arith.constant 0 : index
    %get3A_206 = arith.constant 1280 : index
    %get3A_207 = vector.load %arg8[%get3A_205, %get3A_206] : memref<32x8192xf32, #tpu.memory_space<vmem>>, vector<32x128xf32>
    %dot_general3A_208 = arith.constant dense<0.000000e+00> : vector<128x128xf32>
    %dot_general3A_209 = tpu.matmul %mul3A_54, %get3A_207, %dot_general3A_208 {dimension_numbers = #tpu.dot_dimension_numbers<[1], [0], [0], [1], [0, 0, 1, 1], [], []>, transpose_lhs_hint = false} : vector<128x32xf32>, vector<32x128xf32>, vector<128x128xf32> -> vector<128x128xf32>
    %get3A_210 = arith.constant 0 : index
    %get3A_211 = arith.constant 1280 : index
    %get3A_212 = vector.load %arg9[%get3A_210, %get3A_211] : memref<1x8192xf32, #tpu.memory_space<vmem>>, vector<1x128xf32>
    %add3A_213 = vector.broadcast %get3A_212 : vector<1x128xf32> to vector<128x128xf32>
    %add3A_214 = arith.addf %dot_general3A_209, %add3A_213 : vector<128x128xf32>
    %lt3A_215 = arith.cmpf olt, %add3A_214, %min3A_201 : vector<128x128xf32>
    %min3A_216 = arith.minimumf %min3A_201, %add3A_214 : vector<128x128xf32>
    %jit3A_217 = arith.constant 10 : i32
    %broadcast_in_dim3A_218 = vector.broadcast %jit3A_217 : i32 to vector<128x128xi32>
    %select_n3A_219 = arith.select %lt3A_215, %broadcast_in_dim3A_218, %select_n3A_204 : vector<128x128xi1>, vector<128x128xi32>
    %get3A_220 = arith.constant 0 : index
    %get3A_221 = arith.constant 1408 : index
    %get3A_222 = vector.load %arg8[%get3A_220, %get3A_221] : memref<32x8192xf32, #tpu.memory_space<vmem>>, vector<32x128xf32>
    %dot_general3A_223 = arith.constant dense<0.000000e+00> : vector<128x128xf32>
    %dot_general3A_224 = tpu.matmul %mul3A_54, %get3A_222, %dot_general3A_223 {dimension_numbers = #tpu.dot_dimension_numbers<[1], [0], [0], [1], [0, 0, 1, 1], [], []>, transpose_lhs_hint = false} : vector<128x32xf32>, vector<32x128xf32>, vector<128x128xf32> -> vector<128x128xf32>
    %get3A_225 = arith.constant 0 : index
    %get3A_226 = arith.constant 1408 : index
    %get3A_227 = vector.load %arg9[%get3A_225, %get3A_226] : memref<1x8192xf32, #tpu.memory_space<vmem>>, vector<1x128xf32>
    %add3A_228 = vector.broadcast %get3A_227 : vector<1x128xf32> to vector<128x128xf32>
    %add3A_229 = arith.addf %dot_general3A_224, %add3A_228 : vector<128x128xf32>
    %lt3A_230 = arith.cmpf olt, %add3A_229, %min3A_216 : vector<128x128xf32>
    %min3A_231 = arith.minimumf %min3A_216, %add3A_229 : vector<128x128xf32>
    %jit3A_232 = arith.constant 11 : i32
    %broadcast_in_dim3A_233 = vector.broadcast %jit3A_232 : i32 to vector<128x128xi32>
    %select_n3A_234 = arith.select %lt3A_230, %broadcast_in_dim3A_233, %select_n3A_219 : vector<128x128xi1>, vector<128x128xi32>
    %get3A_235 = arith.constant 0 : index
    %get3A_236 = arith.constant 1536 : index
    %get3A_237 = vector.load %arg8[%get3A_235, %get3A_236] : memref<32x8192xf32, #tpu.memory_space<vmem>>, vector<32x128xf32>
    %dot_general3A_238 = arith.constant dense<0.000000e+00> : vector<128x128xf32>
    %dot_general3A_239 = tpu.matmul %mul3A_54, %get3A_237, %dot_general3A_238 {dimension_numbers = #tpu.dot_dimension_numbers<[1], [0], [0], [1], [0, 0, 1, 1], [], []>, transpose_lhs_hint = false} : vector<128x32xf32>, vector<32x128xf32>, vector<128x128xf32> -> vector<128x128xf32>
    %get3A_240 = arith.constant 0 : index
    %get3A_241 = arith.constant 1536 : index
    %get3A_242 = vector.load %arg9[%get3A_240, %get3A_241] : memref<1x8192xf32, #tpu.memory_space<vmem>>, vector<1x128xf32>
    %add3A_243 = vector.broadcast %get3A_242 : vector<1x128xf32> to vector<128x128xf32>
    %add3A_244 = arith.addf %dot_general3A_239, %add3A_243 : vector<128x128xf32>
    %lt3A_245 = arith.cmpf olt, %add3A_244, %min3A_231 : vector<128x128xf32>
    %min3A_246 = arith.minimumf %min3A_231, %add3A_244 : vector<128x128xf32>
    %jit3A_247 = arith.constant 12 : i32
    %broadcast_in_dim3A_248 = vector.broadcast %jit3A_247 : i32 to vector<128x128xi32>
    %select_n3A_249 = arith.select %lt3A_245, %broadcast_in_dim3A_248, %select_n3A_234 : vector<128x128xi1>, vector<128x128xi32>
    %get3A_250 = arith.constant 0 : index
    %get3A_251 = arith.constant 1664 : index
    %get3A_252 = vector.load %arg8[%get3A_250, %get3A_251] : memref<32x8192xf32, #tpu.memory_space<vmem>>, vector<32x128xf32>
    %dot_general3A_253 = arith.constant dense<0.000000e+00> : vector<128x128xf32>
    %dot_general3A_254 = tpu.matmul %mul3A_54, %get3A_252, %dot_general3A_253 {dimension_numbers = #tpu.dot_dimension_numbers<[1], [0], [0], [1], [0, 0, 1, 1], [], []>, transpose_lhs_hint = false} : vector<128x32xf32>, vector<32x128xf32>, vector<128x128xf32> -> vector<128x128xf32>
    %get3A_255 = arith.constant 0 : index
    %get3A_256 = arith.constant 1664 : index
    %get3A_257 = vector.load %arg9[%get3A_255, %get3A_256] : memref<1x8192xf32, #tpu.memory_space<vmem>>, vector<1x128xf32>
    %add3A_258 = vector.broadcast %get3A_257 : vector<1x128xf32> to vector<128x128xf32>
    %add3A_259 = arith.addf %dot_general3A_254, %add3A_258 : vector<128x128xf32>
    %lt3A_260 = arith.cmpf olt, %add3A_259, %min3A_246 : vector<128x128xf32>
    %min3A_261 = arith.minimumf %min3A_246, %add3A_259 : vector<128x128xf32>
    %jit3A_262 = arith.constant 13 : i32
    %broadcast_in_dim3A_263 = vector.broadcast %jit3A_262 : i32 to vector<128x128xi32>
    %select_n3A_264 = arith.select %lt3A_260, %broadcast_in_dim3A_263, %select_n3A_249 : vector<128x128xi1>, vector<128x128xi32>
    %get3A_265 = arith.constant 0 : index
    %get3A_266 = arith.constant 1792 : index
    %get3A_267 = vector.load %arg8[%get3A_265, %get3A_266] : memref<32x8192xf32, #tpu.memory_space<vmem>>, vector<32x128xf32>
    %dot_general3A_268 = arith.constant dense<0.000000e+00> : vector<128x128xf32>
    %dot_general3A_269 = tpu.matmul %mul3A_54, %get3A_267, %dot_general3A_268 {dimension_numbers = #tpu.dot_dimension_numbers<[1], [0], [0], [1], [0, 0, 1, 1], [], []>, transpose_lhs_hint = false} : vector<128x32xf32>, vector<32x128xf32>, vector<128x128xf32> -> vector<128x128xf32>
    %get3A_270 = arith.constant 0 : index
    %get3A_271 = arith.constant 1792 : index
    %get3A_272 = vector.load %arg9[%get3A_270, %get3A_271] : memref<1x8192xf32, #tpu.memory_space<vmem>>, vector<1x128xf32>
    %add3A_273 = vector.broadcast %get3A_272 : vector<1x128xf32> to vector<128x128xf32>
    %add3A_274 = arith.addf %dot_general3A_269, %add3A_273 : vector<128x128xf32>
    %lt3A_275 = arith.cmpf olt, %add3A_274, %min3A_261 : vector<128x128xf32>
    %min3A_276 = arith.minimumf %min3A_261, %add3A_274 : vector<128x128xf32>
    %jit3A_277 = arith.constant 14 : i32
    %broadcast_in_dim3A_278 = vector.broadcast %jit3A_277 : i32 to vector<128x128xi32>
    %select_n3A_279 = arith.select %lt3A_275, %broadcast_in_dim3A_278, %select_n3A_264 : vector<128x128xi1>, vector<128x128xi32>
    %get3A_280 = arith.constant 0 : index
    %get3A_281 = arith.constant 1920 : index
    %get3A_282 = vector.load %arg8[%get3A_280, %get3A_281] : memref<32x8192xf32, #tpu.memory_space<vmem>>, vector<32x128xf32>
    %dot_general3A_283 = arith.constant dense<0.000000e+00> : vector<128x128xf32>
    %dot_general3A_284 = tpu.matmul %mul3A_54, %get3A_282, %dot_general3A_283 {dimension_numbers = #tpu.dot_dimension_numbers<[1], [0], [0], [1], [0, 0, 1, 1], [], []>, transpose_lhs_hint = false} : vector<128x32xf32>, vector<32x128xf32>, vector<128x128xf32> -> vector<128x128xf32>
    %get3A_285 = arith.constant 0 : index
    %get3A_286 = arith.constant 1920 : index
    %get3A_287 = vector.load %arg9[%get3A_285, %get3A_286] : memref<1x8192xf32, #tpu.memory_space<vmem>>, vector<1x128xf32>
    %add3A_288 = vector.broadcast %get3A_287 : vector<1x128xf32> to vector<128x128xf32>
    %add3A_289 = arith.addf %dot_general3A_284, %add3A_288 : vector<128x128xf32>
    %lt3A_290 = arith.cmpf olt, %add3A_289, %min3A_276 : vector<128x128xf32>
    %min3A_291 = arith.minimumf %min3A_276, %add3A_289 : vector<128x128xf32>
    %jit3A_292 = arith.constant 15 : i32
    %broadcast_in_dim3A_293 = vector.broadcast %jit3A_292 : i32 to vector<128x128xi32>
    %select_n3A_294 = arith.select %lt3A_290, %broadcast_in_dim3A_293, %select_n3A_279 : vector<128x128xi1>, vector<128x128xi32>
    %get3A_295 = arith.constant 0 : index
    %get3A_296 = arith.constant 2048 : index
    %get3A_297 = vector.load %arg8[%get3A_295, %get3A_296] : memref<32x8192xf32, #tpu.memory_space<vmem>>, vector<32x128xf32>
    %dot_general3A_298 = arith.constant dense<0.000000e+00> : vector<128x128xf32>
    %dot_general3A_299 = tpu.matmul %mul3A_54, %get3A_297, %dot_general3A_298 {dimension_numbers = #tpu.dot_dimension_numbers<[1], [0], [0], [1], [0, 0, 1, 1], [], []>, transpose_lhs_hint = false} : vector<128x32xf32>, vector<32x128xf32>, vector<128x128xf32> -> vector<128x128xf32>
    %get3A_300 = arith.constant 0 : index
    %get3A_301 = arith.constant 2048 : index
    %get3A_302 = vector.load %arg9[%get3A_300, %get3A_301] : memref<1x8192xf32, #tpu.memory_space<vmem>>, vector<1x128xf32>
    %add3A_303 = vector.broadcast %get3A_302 : vector<1x128xf32> to vector<128x128xf32>
    %add3A_304 = arith.addf %dot_general3A_299, %add3A_303 : vector<128x128xf32>
    %lt3A_305 = arith.cmpf olt, %add3A_304, %min3A_291 : vector<128x128xf32>
    %min3A_306 = arith.minimumf %min3A_291, %add3A_304 : vector<128x128xf32>
    %jit3A_307 = arith.constant 16 : i32
    %broadcast_in_dim3A_308 = vector.broadcast %jit3A_307 : i32 to vector<128x128xi32>
    %select_n3A_309 = arith.select %lt3A_305, %broadcast_in_dim3A_308, %select_n3A_294 : vector<128x128xi1>, vector<128x128xi32>
    %get3A_310 = arith.constant 0 : index
    %get3A_311 = arith.constant 2176 : index
    %get3A_312 = vector.load %arg8[%get3A_310, %get3A_311] : memref<32x8192xf32, #tpu.memory_space<vmem>>, vector<32x128xf32>
    %dot_general3A_313 = arith.constant dense<0.000000e+00> : vector<128x128xf32>
    %dot_general3A_314 = tpu.matmul %mul3A_54, %get3A_312, %dot_general3A_313 {dimension_numbers = #tpu.dot_dimension_numbers<[1], [0], [0], [1], [0, 0, 1, 1], [], []>, transpose_lhs_hint = false} : vector<128x32xf32>, vector<32x128xf32>, vector<128x128xf32> -> vector<128x128xf32>
    %get3A_315 = arith.constant 0 : index
    %get3A_316 = arith.constant 2176 : index
    %get3A_317 = vector.load %arg9[%get3A_315, %get3A_316] : memref<1x8192xf32, #tpu.memory_space<vmem>>, vector<1x128xf32>
    %add3A_318 = vector.broadcast %get3A_317 : vector<1x128xf32> to vector<128x128xf32>
    %add3A_319 = arith.addf %dot_general3A_314, %add3A_318 : vector<128x128xf32>
    %lt3A_320 = arith.cmpf olt, %add3A_319, %min3A_306 : vector<128x128xf32>
    %min3A_321 = arith.minimumf %min3A_306, %add3A_319 : vector<128x128xf32>
    %jit3A_322 = arith.constant 17 : i32
    %broadcast_in_dim3A_323 = vector.broadcast %jit3A_322 : i32 to vector<128x128xi32>
    %select_n3A_324 = arith.select %lt3A_320, %broadcast_in_dim3A_323, %select_n3A_309 : vector<128x128xi1>, vector<128x128xi32>
    %get3A_325 = arith.constant 0 : index
    %get3A_326 = arith.constant 2304 : index
    %get3A_327 = vector.load %arg8[%get3A_325, %get3A_326] : memref<32x8192xf32, #tpu.memory_space<vmem>>, vector<32x128xf32>
    %dot_general3A_328 = arith.constant dense<0.000000e+00> : vector<128x128xf32>
    %dot_general3A_329 = tpu.matmul %mul3A_54, %get3A_327, %dot_general3A_328 {dimension_numbers = #tpu.dot_dimension_numbers<[1], [0], [0], [1], [0, 0, 1, 1], [], []>, transpose_lhs_hint = false} : vector<128x32xf32>, vector<32x128xf32>, vector<128x128xf32> -> vector<128x128xf32>
    %get3A_330 = arith.constant 0 : index
    %get3A_331 = arith.constant 2304 : index
    %get3A_332 = vector.load %arg9[%get3A_330, %get3A_331] : memref<1x8192xf32, #tpu.memory_space<vmem>>, vector<1x128xf32>
    %add3A_333 = vector.broadcast %get3A_332 : vector<1x128xf32> to vector<128x128xf32>
    %add3A_334 = arith.addf %dot_general3A_329, %add3A_333 : vector<128x128xf32>
    %lt3A_335 = arith.cmpf olt, %add3A_334, %min3A_321 : vector<128x128xf32>
    %min3A_336 = arith.minimumf %min3A_321, %add3A_334 : vector<128x128xf32>
    %jit3A_337 = arith.constant 18 : i32
    %broadcast_in_dim3A_338 = vector.broadcast %jit3A_337 : i32 to vector<128x128xi32>
    %select_n3A_339 = arith.select %lt3A_335, %broadcast_in_dim3A_338, %select_n3A_324 : vector<128x128xi1>, vector<128x128xi32>
    %get3A_340 = arith.constant 0 : index
    %get3A_341 = arith.constant 2432 : index
    %get3A_342 = vector.load %arg8[%get3A_340, %get3A_341] : memref<32x8192xf32, #tpu.memory_space<vmem>>, vector<32x128xf32>
    %dot_general3A_343 = arith.constant dense<0.000000e+00> : vector<128x128xf32>
    %dot_general3A_344 = tpu.matmul %mul3A_54, %get3A_342, %dot_general3A_343 {dimension_numbers = #tpu.dot_dimension_numbers<[1], [0], [0], [1], [0, 0, 1, 1], [], []>, transpose_lhs_hint = false} : vector<128x32xf32>, vector<32x128xf32>, vector<128x128xf32> -> vector<128x128xf32>
    %get3A_345 = arith.constant 0 : index
    %get3A_346 = arith.constant 2432 : index
    %get3A_347 = vector.load %arg9[%get3A_345, %get3A_346] : memref<1x8192xf32, #tpu.memory_space<vmem>>, vector<1x128xf32>
    %add3A_348 = vector.broadcast %get3A_347 : vector<1x128xf32> to vector<128x128xf32>
    %add3A_349 = arith.addf %dot_general3A_344, %add3A_348 : vector<128x128xf32>
    %lt3A_350 = arith.cmpf olt, %add3A_349, %min3A_336 : vector<128x128xf32>
    %min3A_351 = arith.minimumf %min3A_336, %add3A_349 : vector<128x128xf32>
    %jit3A_352 = arith.constant 19 : i32
    %broadcast_in_dim3A_353 = vector.broadcast %jit3A_352 : i32 to vector<128x128xi32>
    %select_n3A_354 = arith.select %lt3A_350, %broadcast_in_dim3A_353, %select_n3A_339 : vector<128x128xi1>, vector<128x128xi32>
    %get3A_355 = arith.constant 0 : index
    %get3A_356 = arith.constant 2560 : index
    %get3A_357 = vector.load %arg8[%get3A_355, %get3A_356] : memref<32x8192xf32, #tpu.memory_space<vmem>>, vector<32x128xf32>
    %dot_general3A_358 = arith.constant dense<0.000000e+00> : vector<128x128xf32>
    %dot_general3A_359 = tpu.matmul %mul3A_54, %get3A_357, %dot_general3A_358 {dimension_numbers = #tpu.dot_dimension_numbers<[1], [0], [0], [1], [0, 0, 1, 1], [], []>, transpose_lhs_hint = false} : vector<128x32xf32>, vector<32x128xf32>, vector<128x128xf32> -> vector<128x128xf32>
    %get3A_360 = arith.constant 0 : index
    %get3A_361 = arith.constant 2560 : index
    %get3A_362 = vector.load %arg9[%get3A_360, %get3A_361] : memref<1x8192xf32, #tpu.memory_space<vmem>>, vector<1x128xf32>
    %add3A_363 = vector.broadcast %get3A_362 : vector<1x128xf32> to vector<128x128xf32>
    %add3A_364 = arith.addf %dot_general3A_359, %add3A_363 : vector<128x128xf32>
    %lt3A_365 = arith.cmpf olt, %add3A_364, %min3A_351 : vector<128x128xf32>
    %min3A_366 = arith.minimumf %min3A_351, %add3A_364 : vector<128x128xf32>
    %jit3A_367 = arith.constant 20 : i32
    %broadcast_in_dim3A_368 = vector.broadcast %jit3A_367 : i32 to vector<128x128xi32>
    %select_n3A_369 = arith.select %lt3A_365, %broadcast_in_dim3A_368, %select_n3A_354 : vector<128x128xi1>, vector<128x128xi32>
    %get3A_370 = arith.constant 0 : index
    %get3A_371 = arith.constant 2688 : index
    %get3A_372 = vector.load %arg8[%get3A_370, %get3A_371] : memref<32x8192xf32, #tpu.memory_space<vmem>>, vector<32x128xf32>
    %dot_general3A_373 = arith.constant dense<0.000000e+00> : vector<128x128xf32>
    %dot_general3A_374 = tpu.matmul %mul3A_54, %get3A_372, %dot_general3A_373 {dimension_numbers = #tpu.dot_dimension_numbers<[1], [0], [0], [1], [0, 0, 1, 1], [], []>, transpose_lhs_hint = false} : vector<128x32xf32>, vector<32x128xf32>, vector<128x128xf32> -> vector<128x128xf32>
    %get3A_375 = arith.constant 0 : index
    %get3A_376 = arith.constant 2688 : index
    %get3A_377 = vector.load %arg9[%get3A_375, %get3A_376] : memref<1x8192xf32, #tpu.memory_space<vmem>>, vector<1x128xf32>
    %add3A_378 = vector.broadcast %get3A_377 : vector<1x128xf32> to vector<128x128xf32>
    %add3A_379 = arith.addf %dot_general3A_374, %add3A_378 : vector<128x128xf32>
    %lt3A_380 = arith.cmpf olt, %add3A_379, %min3A_366 : vector<128x128xf32>
    %min3A_381 = arith.minimumf %min3A_366, %add3A_379 : vector<128x128xf32>
    %jit3A_382 = arith.constant 21 : i32
    %broadcast_in_dim3A_383 = vector.broadcast %jit3A_382 : i32 to vector<128x128xi32>
    %select_n3A_384 = arith.select %lt3A_380, %broadcast_in_dim3A_383, %select_n3A_369 : vector<128x128xi1>, vector<128x128xi32>
    %get3A_385 = arith.constant 0 : index
    %get3A_386 = arith.constant 2816 : index
    %get3A_387 = vector.load %arg8[%get3A_385, %get3A_386] : memref<32x8192xf32, #tpu.memory_space<vmem>>, vector<32x128xf32>
    %dot_general3A_388 = arith.constant dense<0.000000e+00> : vector<128x128xf32>
    %dot_general3A_389 = tpu.matmul %mul3A_54, %get3A_387, %dot_general3A_388 {dimension_numbers = #tpu.dot_dimension_numbers<[1], [0], [0], [1], [0, 0, 1, 1], [], []>, transpose_lhs_hint = false} : vector<128x32xf32>, vector<32x128xf32>, vector<128x128xf32> -> vector<128x128xf32>
    %get3A_390 = arith.constant 0 : index
    %get3A_391 = arith.constant 2816 : index
    %get3A_392 = vector.load %arg9[%get3A_390, %get3A_391] : memref<1x8192xf32, #tpu.memory_space<vmem>>, vector<1x128xf32>
    %add3A_393 = vector.broadcast %get3A_392 : vector<1x128xf32> to vector<128x128xf32>
    %add3A_394 = arith.addf %dot_general3A_389, %add3A_393 : vector<128x128xf32>
    %lt3A_395 = arith.cmpf olt, %add3A_394, %min3A_381 : vector<128x128xf32>
    %min3A_396 = arith.minimumf %min3A_381, %add3A_394 : vector<128x128xf32>
    %jit3A_397 = arith.constant 22 : i32
    %broadcast_in_dim3A_398 = vector.broadcast %jit3A_397 : i32 to vector<128x128xi32>
    %select_n3A_399 = arith.select %lt3A_395, %broadcast_in_dim3A_398, %select_n3A_384 : vector<128x128xi1>, vector<128x128xi32>
    %get3A_400 = arith.constant 0 : index
    %get3A_401 = arith.constant 2944 : index
    %get3A_402 = vector.load %arg8[%get3A_400, %get3A_401] : memref<32x8192xf32, #tpu.memory_space<vmem>>, vector<32x128xf32>
    %dot_general3A_403 = arith.constant dense<0.000000e+00> : vector<128x128xf32>
    %dot_general3A_404 = tpu.matmul %mul3A_54, %get3A_402, %dot_general3A_403 {dimension_numbers = #tpu.dot_dimension_numbers<[1], [0], [0], [1], [0, 0, 1, 1], [], []>, transpose_lhs_hint = false} : vector<128x32xf32>, vector<32x128xf32>, vector<128x128xf32> -> vector<128x128xf32>
    %get3A_405 = arith.constant 0 : index
    %get3A_406 = arith.constant 2944 : index
    %get3A_407 = vector.load %arg9[%get3A_405, %get3A_406] : memref<1x8192xf32, #tpu.memory_space<vmem>>, vector<1x128xf32>
    %add3A_408 = vector.broadcast %get3A_407 : vector<1x128xf32> to vector<128x128xf32>
    %add3A_409 = arith.addf %dot_general3A_404, %add3A_408 : vector<128x128xf32>
    %lt3A_410 = arith.cmpf olt, %add3A_409, %min3A_396 : vector<128x128xf32>
    %min3A_411 = arith.minimumf %min3A_396, %add3A_409 : vector<128x128xf32>
    %jit3A_412 = arith.constant 23 : i32
    %broadcast_in_dim3A_413 = vector.broadcast %jit3A_412 : i32 to vector<128x128xi32>
    %select_n3A_414 = arith.select %lt3A_410, %broadcast_in_dim3A_413, %select_n3A_399 : vector<128x128xi1>, vector<128x128xi32>
    %get3A_415 = arith.constant 0 : index
    %get3A_416 = arith.constant 3072 : index
    %get3A_417 = vector.load %arg8[%get3A_415, %get3A_416] : memref<32x8192xf32, #tpu.memory_space<vmem>>, vector<32x128xf32>
    %dot_general3A_418 = arith.constant dense<0.000000e+00> : vector<128x128xf32>
    %dot_general3A_419 = tpu.matmul %mul3A_54, %get3A_417, %dot_general3A_418 {dimension_numbers = #tpu.dot_dimension_numbers<[1], [0], [0], [1], [0, 0, 1, 1], [], []>, transpose_lhs_hint = false} : vector<128x32xf32>, vector<32x128xf32>, vector<128x128xf32> -> vector<128x128xf32>
    %get3A_420 = arith.constant 0 : index
    %get3A_421 = arith.constant 3072 : index
    %get3A_422 = vector.load %arg9[%get3A_420, %get3A_421] : memref<1x8192xf32, #tpu.memory_space<vmem>>, vector<1x128xf32>
    %add3A_423 = vector.broadcast %get3A_422 : vector<1x128xf32> to vector<128x128xf32>
    %add3A_424 = arith.addf %dot_general3A_419, %add3A_423 : vector<128x128xf32>
    %lt3A_425 = arith.cmpf olt, %add3A_424, %min3A_411 : vector<128x128xf32>
    %min3A_426 = arith.minimumf %min3A_411, %add3A_424 : vector<128x128xf32>
    %jit3A_427 = arith.constant 24 : i32
    %broadcast_in_dim3A_428 = vector.broadcast %jit3A_427 : i32 to vector<128x128xi32>
    %select_n3A_429 = arith.select %lt3A_425, %broadcast_in_dim3A_428, %select_n3A_414 : vector<128x128xi1>, vector<128x128xi32>
    %get3A_430 = arith.constant 0 : index
    %get3A_431 = arith.constant 3200 : index
    %get3A_432 = vector.load %arg8[%get3A_430, %get3A_431] : memref<32x8192xf32, #tpu.memory_space<vmem>>, vector<32x128xf32>
    %dot_general3A_433 = arith.constant dense<0.000000e+00> : vector<128x128xf32>
    %dot_general3A_434 = tpu.matmul %mul3A_54, %get3A_432, %dot_general3A_433 {dimension_numbers = #tpu.dot_dimension_numbers<[1], [0], [0], [1], [0, 0, 1, 1], [], []>, transpose_lhs_hint = false} : vector<128x32xf32>, vector<32x128xf32>, vector<128x128xf32> -> vector<128x128xf32>
    %get3A_435 = arith.constant 0 : index
    %get3A_436 = arith.constant 3200 : index
    %get3A_437 = vector.load %arg9[%get3A_435, %get3A_436] : memref<1x8192xf32, #tpu.memory_space<vmem>>, vector<1x128xf32>
    %add3A_438 = vector.broadcast %get3A_437 : vector<1x128xf32> to vector<128x128xf32>
    %add3A_439 = arith.addf %dot_general3A_434, %add3A_438 : vector<128x128xf32>
    %lt3A_440 = arith.cmpf olt, %add3A_439, %min3A_426 : vector<128x128xf32>
    %min3A_441 = arith.minimumf %min3A_426, %add3A_439 : vector<128x128xf32>
    %jit3A_442 = arith.constant 25 : i32
    %broadcast_in_dim3A_443 = vector.broadcast %jit3A_442 : i32 to vector<128x128xi32>
    %select_n3A_444 = arith.select %lt3A_440, %broadcast_in_dim3A_443, %select_n3A_429 : vector<128x128xi1>, vector<128x128xi32>
    %get3A_445 = arith.constant 0 : index
    %get3A_446 = arith.constant 3328 : index
    %get3A_447 = vector.load %arg8[%get3A_445, %get3A_446] : memref<32x8192xf32, #tpu.memory_space<vmem>>, vector<32x128xf32>
    %dot_general3A_448 = arith.constant dense<0.000000e+00> : vector<128x128xf32>
    %dot_general3A_449 = tpu.matmul %mul3A_54, %get3A_447, %dot_general3A_448 {dimension_numbers = #tpu.dot_dimension_numbers<[1], [0], [0], [1], [0, 0, 1, 1], [], []>, transpose_lhs_hint = false} : vector<128x32xf32>, vector<32x128xf32>, vector<128x128xf32> -> vector<128x128xf32>
    %get3A_450 = arith.constant 0 : index
    %get3A_451 = arith.constant 3328 : index
    %get3A_452 = vector.load %arg9[%get3A_450, %get3A_451] : memref<1x8192xf32, #tpu.memory_space<vmem>>, vector<1x128xf32>
    %add3A_453 = vector.broadcast %get3A_452 : vector<1x128xf32> to vector<128x128xf32>
    %add3A_454 = arith.addf %dot_general3A_449, %add3A_453 : vector<128x128xf32>
    %lt3A_455 = arith.cmpf olt, %add3A_454, %min3A_441 : vector<128x128xf32>
    %min3A_456 = arith.minimumf %min3A_441, %add3A_454 : vector<128x128xf32>
    %jit3A_457 = arith.constant 26 : i32
    %broadcast_in_dim3A_458 = vector.broadcast %jit3A_457 : i32 to vector<128x128xi32>
    %select_n3A_459 = arith.select %lt3A_455, %broadcast_in_dim3A_458, %select_n3A_444 : vector<128x128xi1>, vector<128x128xi32>
    %get3A_460 = arith.constant 0 : index
    %get3A_461 = arith.constant 3456 : index
    %get3A_462 = vector.load %arg8[%get3A_460, %get3A_461] : memref<32x8192xf32, #tpu.memory_space<vmem>>, vector<32x128xf32>
    %dot_general3A_463 = arith.constant dense<0.000000e+00> : vector<128x128xf32>
    %dot_general3A_464 = tpu.matmul %mul3A_54, %get3A_462, %dot_general3A_463 {dimension_numbers = #tpu.dot_dimension_numbers<[1], [0], [0], [1], [0, 0, 1, 1], [], []>, transpose_lhs_hint = false} : vector<128x32xf32>, vector<32x128xf32>, vector<128x128xf32> -> vector<128x128xf32>
    %get3A_465 = arith.constant 0 : index
    %get3A_466 = arith.constant 3456 : index
    %get3A_467 = vector.load %arg9[%get3A_465, %get3A_466] : memref<1x8192xf32, #tpu.memory_space<vmem>>, vector<1x128xf32>
    %add3A_468 = vector.broadcast %get3A_467 : vector<1x128xf32> to vector<128x128xf32>
    %add3A_469 = arith.addf %dot_general3A_464, %add3A_468 : vector<128x128xf32>
    %lt3A_470 = arith.cmpf olt, %add3A_469, %min3A_456 : vector<128x128xf32>
    %min3A_471 = arith.minimumf %min3A_456, %add3A_469 : vector<128x128xf32>
    %jit3A_472 = arith.constant 27 : i32
    %broadcast_in_dim3A_473 = vector.broadcast %jit3A_472 : i32 to vector<128x128xi32>
    %select_n3A_474 = arith.select %lt3A_470, %broadcast_in_dim3A_473, %select_n3A_459 : vector<128x128xi1>, vector<128x128xi32>
    %get3A_475 = arith.constant 0 : index
    %get3A_476 = arith.constant 3584 : index
    %get3A_477 = vector.load %arg8[%get3A_475, %get3A_476] : memref<32x8192xf32, #tpu.memory_space<vmem>>, vector<32x128xf32>
    %dot_general3A_478 = arith.constant dense<0.000000e+00> : vector<128x128xf32>
    %dot_general3A_479 = tpu.matmul %mul3A_54, %get3A_477, %dot_general3A_478 {dimension_numbers = #tpu.dot_dimension_numbers<[1], [0], [0], [1], [0, 0, 1, 1], [], []>, transpose_lhs_hint = false} : vector<128x32xf32>, vector<32x128xf32>, vector<128x128xf32> -> vector<128x128xf32>
    %get3A_480 = arith.constant 0 : index
    %get3A_481 = arith.constant 3584 : index
    %get3A_482 = vector.load %arg9[%get3A_480, %get3A_481] : memref<1x8192xf32, #tpu.memory_space<vmem>>, vector<1x128xf32>
    %add3A_483 = vector.broadcast %get3A_482 : vector<1x128xf32> to vector<128x128xf32>
    %add3A_484 = arith.addf %dot_general3A_479, %add3A_483 : vector<128x128xf32>
    %lt3A_485 = arith.cmpf olt, %add3A_484, %min3A_471 : vector<128x128xf32>
    %min3A_486 = arith.minimumf %min3A_471, %add3A_484 : vector<128x128xf32>
    %jit3A_487 = arith.constant 28 : i32
    %broadcast_in_dim3A_488 = vector.broadcast %jit3A_487 : i32 to vector<128x128xi32>
    %select_n3A_489 = arith.select %lt3A_485, %broadcast_in_dim3A_488, %select_n3A_474 : vector<128x128xi1>, vector<128x128xi32>
    %get3A_490 = arith.constant 0 : index
    %get3A_491 = arith.constant 3712 : index
    %get3A_492 = vector.load %arg8[%get3A_490, %get3A_491] : memref<32x8192xf32, #tpu.memory_space<vmem>>, vector<32x128xf32>
    %dot_general3A_493 = arith.constant dense<0.000000e+00> : vector<128x128xf32>
    %dot_general3A_494 = tpu.matmul %mul3A_54, %get3A_492, %dot_general3A_493 {dimension_numbers = #tpu.dot_dimension_numbers<[1], [0], [0], [1], [0, 0, 1, 1], [], []>, transpose_lhs_hint = false} : vector<128x32xf32>, vector<32x128xf32>, vector<128x128xf32> -> vector<128x128xf32>
    %get3A_495 = arith.constant 0 : index
    %get3A_496 = arith.constant 3712 : index
    %get3A_497 = vector.load %arg9[%get3A_495, %get3A_496] : memref<1x8192xf32, #tpu.memory_space<vmem>>, vector<1x128xf32>
    %add3A_498 = vector.broadcast %get3A_497 : vector<1x128xf32> to vector<128x128xf32>
    %add3A_499 = arith.addf %dot_general3A_494, %add3A_498 : vector<128x128xf32>
    %lt3A_500 = arith.cmpf olt, %add3A_499, %min3A_486 : vector<128x128xf32>
    %min3A_501 = arith.minimumf %min3A_486, %add3A_499 : vector<128x128xf32>
    %jit3A_502 = arith.constant 29 : i32
    %broadcast_in_dim3A_503 = vector.broadcast %jit3A_502 : i32 to vector<128x128xi32>
    %select_n3A_504 = arith.select %lt3A_500, %broadcast_in_dim3A_503, %select_n3A_489 : vector<128x128xi1>, vector<128x128xi32>
    %get3A_505 = arith.constant 0 : index
    %get3A_506 = arith.constant 3840 : index
    %get3A_507 = vector.load %arg8[%get3A_505, %get3A_506] : memref<32x8192xf32, #tpu.memory_space<vmem>>, vector<32x128xf32>
    %dot_general3A_508 = arith.constant dense<0.000000e+00> : vector<128x128xf32>
    %dot_general3A_509 = tpu.matmul %mul3A_54, %get3A_507, %dot_general3A_508 {dimension_numbers = #tpu.dot_dimension_numbers<[1], [0], [0], [1], [0, 0, 1, 1], [], []>, transpose_lhs_hint = false} : vector<128x32xf32>, vector<32x128xf32>, vector<128x128xf32> -> vector<128x128xf32>
    %get3A_510 = arith.constant 0 : index
    %get3A_511 = arith.constant 3840 : index
    %get3A_512 = vector.load %arg9[%get3A_510, %get3A_511] : memref<1x8192xf32, #tpu.memory_space<vmem>>, vector<1x128xf32>
    %add3A_513 = vector.broadcast %get3A_512 : vector<1x128xf32> to vector<128x128xf32>
    %add3A_514 = arith.addf %dot_general3A_509, %add3A_513 : vector<128x128xf32>
    %lt3A_515 = arith.cmpf olt, %add3A_514, %min3A_501 : vector<128x128xf32>
    %min3A_516 = arith.minimumf %min3A_501, %add3A_514 : vector<128x128xf32>
    %jit3A_517 = arith.constant 30 : i32
    %broadcast_in_dim3A_518 = vector.broadcast %jit3A_517 : i32 to vector<128x128xi32>
    %select_n3A_519 = arith.select %lt3A_515, %broadcast_in_dim3A_518, %select_n3A_504 : vector<128x128xi1>, vector<128x128xi32>
    %get3A_520 = arith.constant 0 : index
    %get3A_521 = arith.constant 3968 : index
    %get3A_522 = vector.load %arg8[%get3A_520, %get3A_521] : memref<32x8192xf32, #tpu.memory_space<vmem>>, vector<32x128xf32>
    %dot_general3A_523 = arith.constant dense<0.000000e+00> : vector<128x128xf32>
    %dot_general3A_524 = tpu.matmul %mul3A_54, %get3A_522, %dot_general3A_523 {dimension_numbers = #tpu.dot_dimension_numbers<[1], [0], [0], [1], [0, 0, 1, 1], [], []>, transpose_lhs_hint = false} : vector<128x32xf32>, vector<32x128xf32>, vector<128x128xf32> -> vector<128x128xf32>
    %get3A_525 = arith.constant 0 : index
    %get3A_526 = arith.constant 3968 : index
    %get3A_527 = vector.load %arg9[%get3A_525, %get3A_526] : memref<1x8192xf32, #tpu.memory_space<vmem>>, vector<1x128xf32>
    %add3A_528 = vector.broadcast %get3A_527 : vector<1x128xf32> to vector<128x128xf32>
    %add3A_529 = arith.addf %dot_general3A_524, %add3A_528 : vector<128x128xf32>
    %lt3A_530 = arith.cmpf olt, %add3A_529, %min3A_516 : vector<128x128xf32>
    %min3A_531 = arith.minimumf %min3A_516, %add3A_529 : vector<128x128xf32>
    %jit3A_532 = arith.constant 31 : i32
    %broadcast_in_dim3A_533 = vector.broadcast %jit3A_532 : i32 to vector<128x128xi32>
    %select_n3A_534 = arith.select %lt3A_530, %broadcast_in_dim3A_533, %select_n3A_519 : vector<128x128xi1>, vector<128x128xi32>
    %get3A_535 = arith.constant 0 : index
    %get3A_536 = arith.constant 4096 : index
    %get3A_537 = vector.load %arg8[%get3A_535, %get3A_536] : memref<32x8192xf32, #tpu.memory_space<vmem>>, vector<32x128xf32>
    %dot_general3A_538 = arith.constant dense<0.000000e+00> : vector<128x128xf32>
    %dot_general3A_539 = tpu.matmul %mul3A_54, %get3A_537, %dot_general3A_538 {dimension_numbers = #tpu.dot_dimension_numbers<[1], [0], [0], [1], [0, 0, 1, 1], [], []>, transpose_lhs_hint = false} : vector<128x32xf32>, vector<32x128xf32>, vector<128x128xf32> -> vector<128x128xf32>
    %get3A_540 = arith.constant 0 : index
    %get3A_541 = arith.constant 4096 : index
    %get3A_542 = vector.load %arg9[%get3A_540, %get3A_541] : memref<1x8192xf32, #tpu.memory_space<vmem>>, vector<1x128xf32>
    %add3A_543 = vector.broadcast %get3A_542 : vector<1x128xf32> to vector<128x128xf32>
    %add3A_544 = arith.addf %dot_general3A_539, %add3A_543 : vector<128x128xf32>
    %lt3A_545 = arith.cmpf olt, %add3A_544, %min3A_531 : vector<128x128xf32>
    %min3A_546 = arith.minimumf %min3A_531, %add3A_544 : vector<128x128xf32>
    %jit3A_547 = arith.constant 32 : i32
    %broadcast_in_dim3A_548 = vector.broadcast %jit3A_547 : i32 to vector<128x128xi32>
    %select_n3A_549 = arith.select %lt3A_545, %broadcast_in_dim3A_548, %select_n3A_534 : vector<128x128xi1>, vector<128x128xi32>
    %get3A_550 = arith.constant 0 : index
    %get3A_551 = arith.constant 4224 : index
    %get3A_552 = vector.load %arg8[%get3A_550, %get3A_551] : memref<32x8192xf32, #tpu.memory_space<vmem>>, vector<32x128xf32>
    %dot_general3A_553 = arith.constant dense<0.000000e+00> : vector<128x128xf32>
    %dot_general3A_554 = tpu.matmul %mul3A_54, %get3A_552, %dot_general3A_553 {dimension_numbers = #tpu.dot_dimension_numbers<[1], [0], [0], [1], [0, 0, 1, 1], [], []>, transpose_lhs_hint = false} : vector<128x32xf32>, vector<32x128xf32>, vector<128x128xf32> -> vector<128x128xf32>
    %get3A_555 = arith.constant 0 : index
    %get3A_556 = arith.constant 4224 : index
    %get3A_557 = vector.load %arg9[%get3A_555, %get3A_556] : memref<1x8192xf32, #tpu.memory_space<vmem>>, vector<1x128xf32>
    %add3A_558 = vector.broadcast %get3A_557 : vector<1x128xf32> to vector<128x128xf32>
    %add3A_559 = arith.addf %dot_general3A_554, %add3A_558 : vector<128x128xf32>
    %lt3A_560 = arith.cmpf olt, %add3A_559, %min3A_546 : vector<128x128xf32>
    %min3A_561 = arith.minimumf %min3A_546, %add3A_559 : vector<128x128xf32>
    %jit3A_562 = arith.constant 33 : i32
    %broadcast_in_dim3A_563 = vector.broadcast %jit3A_562 : i32 to vector<128x128xi32>
    %select_n3A_564 = arith.select %lt3A_560, %broadcast_in_dim3A_563, %select_n3A_549 : vector<128x128xi1>, vector<128x128xi32>
    %get3A_565 = arith.constant 0 : index
    %get3A_566 = arith.constant 4352 : index
    %get3A_567 = vector.load %arg8[%get3A_565, %get3A_566] : memref<32x8192xf32, #tpu.memory_space<vmem>>, vector<32x128xf32>
    %dot_general3A_568 = arith.constant dense<0.000000e+00> : vector<128x128xf32>
    %dot_general3A_569 = tpu.matmul %mul3A_54, %get3A_567, %dot_general3A_568 {dimension_numbers = #tpu.dot_dimension_numbers<[1], [0], [0], [1], [0, 0, 1, 1], [], []>, transpose_lhs_hint = false} : vector<128x32xf32>, vector<32x128xf32>, vector<128x128xf32> -> vector<128x128xf32>
    %get3A_570 = arith.constant 0 : index
    %get3A_571 = arith.constant 4352 : index
    %get3A_572 = vector.load %arg9[%get3A_570, %get3A_571] : memref<1x8192xf32, #tpu.memory_space<vmem>>, vector<1x128xf32>
    %add3A_573 = vector.broadcast %get3A_572 : vector<1x128xf32> to vector<128x128xf32>
    %add3A_574 = arith.addf %dot_general3A_569, %add3A_573 : vector<128x128xf32>
    %lt3A_575 = arith.cmpf olt, %add3A_574, %min3A_561 : vector<128x128xf32>
    %min3A_576 = arith.minimumf %min3A_561, %add3A_574 : vector<128x128xf32>
    %jit3A_577 = arith.constant 34 : i32
    %broadcast_in_dim3A_578 = vector.broadcast %jit3A_577 : i32 to vector<128x128xi32>
    %select_n3A_579 = arith.select %lt3A_575, %broadcast_in_dim3A_578, %select_n3A_564 : vector<128x128xi1>, vector<128x128xi32>
    %get3A_580 = arith.constant 0 : index
    %get3A_581 = arith.constant 4480 : index
    %get3A_582 = vector.load %arg8[%get3A_580, %get3A_581] : memref<32x8192xf32, #tpu.memory_space<vmem>>, vector<32x128xf32>
    %dot_general3A_583 = arith.constant dense<0.000000e+00> : vector<128x128xf32>
    %dot_general3A_584 = tpu.matmul %mul3A_54, %get3A_582, %dot_general3A_583 {dimension_numbers = #tpu.dot_dimension_numbers<[1], [0], [0], [1], [0, 0, 1, 1], [], []>, transpose_lhs_hint = false} : vector<128x32xf32>, vector<32x128xf32>, vector<128x128xf32> -> vector<128x128xf32>
    %get3A_585 = arith.constant 0 : index
    %get3A_586 = arith.constant 4480 : index
    %get3A_587 = vector.load %arg9[%get3A_585, %get3A_586] : memref<1x8192xf32, #tpu.memory_space<vmem>>, vector<1x128xf32>
    %add3A_588 = vector.broadcast %get3A_587 : vector<1x128xf32> to vector<128x128xf32>
    %add3A_589 = arith.addf %dot_general3A_584, %add3A_588 : vector<128x128xf32>
    %lt3A_590 = arith.cmpf olt, %add3A_589, %min3A_576 : vector<128x128xf32>
    %min3A_591 = arith.minimumf %min3A_576, %add3A_589 : vector<128x128xf32>
    %jit3A_592 = arith.constant 35 : i32
    %broadcast_in_dim3A_593 = vector.broadcast %jit3A_592 : i32 to vector<128x128xi32>
    %select_n3A_594 = arith.select %lt3A_590, %broadcast_in_dim3A_593, %select_n3A_579 : vector<128x128xi1>, vector<128x128xi32>
    %get3A_595 = arith.constant 0 : index
    %get3A_596 = arith.constant 4608 : index
    %get3A_597 = vector.load %arg8[%get3A_595, %get3A_596] : memref<32x8192xf32, #tpu.memory_space<vmem>>, vector<32x128xf32>
    %dot_general3A_598 = arith.constant dense<0.000000e+00> : vector<128x128xf32>
    %dot_general3A_599 = tpu.matmul %mul3A_54, %get3A_597, %dot_general3A_598 {dimension_numbers = #tpu.dot_dimension_numbers<[1], [0], [0], [1], [0, 0, 1, 1], [], []>, transpose_lhs_hint = false} : vector<128x32xf32>, vector<32x128xf32>, vector<128x128xf32> -> vector<128x128xf32>
    %get3A_600 = arith.constant 0 : index
    %get3A_601 = arith.constant 4608 : index
    %get3A_602 = vector.load %arg9[%get3A_600, %get3A_601] : memref<1x8192xf32, #tpu.memory_space<vmem>>, vector<1x128xf32>
    %add3A_603 = vector.broadcast %get3A_602 : vector<1x128xf32> to vector<128x128xf32>
    %add3A_604 = arith.addf %dot_general3A_599, %add3A_603 : vector<128x128xf32>
    %lt3A_605 = arith.cmpf olt, %add3A_604, %min3A_591 : vector<128x128xf32>
    %min3A_606 = arith.minimumf %min3A_591, %add3A_604 : vector<128x128xf32>
    %jit3A_607 = arith.constant 36 : i32
    %broadcast_in_dim3A_608 = vector.broadcast %jit3A_607 : i32 to vector<128x128xi32>
    %select_n3A_609 = arith.select %lt3A_605, %broadcast_in_dim3A_608, %select_n3A_594 : vector<128x128xi1>, vector<128x128xi32>
    %get3A_610 = arith.constant 0 : index
    %get3A_611 = arith.constant 4736 : index
    %get3A_612 = vector.load %arg8[%get3A_610, %get3A_611] : memref<32x8192xf32, #tpu.memory_space<vmem>>, vector<32x128xf32>
    %dot_general3A_613 = arith.constant dense<0.000000e+00> : vector<128x128xf32>
    %dot_general3A_614 = tpu.matmul %mul3A_54, %get3A_612, %dot_general3A_613 {dimension_numbers = #tpu.dot_dimension_numbers<[1], [0], [0], [1], [0, 0, 1, 1], [], []>, transpose_lhs_hint = false} : vector<128x32xf32>, vector<32x128xf32>, vector<128x128xf32> -> vector<128x128xf32>
    %get3A_615 = arith.constant 0 : index
    %get3A_616 = arith.constant 4736 : index
    %get3A_617 = vector.load %arg9[%get3A_615, %get3A_616] : memref<1x8192xf32, #tpu.memory_space<vmem>>, vector<1x128xf32>
    %add3A_618 = vector.broadcast %get3A_617 : vector<1x128xf32> to vector<128x128xf32>
    %add3A_619 = arith.addf %dot_general3A_614, %add3A_618 : vector<128x128xf32>
    %lt3A_620 = arith.cmpf olt, %add3A_619, %min3A_606 : vector<128x128xf32>
    %min3A_621 = arith.minimumf %min3A_606, %add3A_619 : vector<128x128xf32>
    %jit3A_622 = arith.constant 37 : i32
    %broadcast_in_dim3A_623 = vector.broadcast %jit3A_622 : i32 to vector<128x128xi32>
    %select_n3A_624 = arith.select %lt3A_620, %broadcast_in_dim3A_623, %select_n3A_609 : vector<128x128xi1>, vector<128x128xi32>
    %get3A_625 = arith.constant 0 : index
    %get3A_626 = arith.constant 4864 : index
    %get3A_627 = vector.load %arg8[%get3A_625, %get3A_626] : memref<32x8192xf32, #tpu.memory_space<vmem>>, vector<32x128xf32>
    %dot_general3A_628 = arith.constant dense<0.000000e+00> : vector<128x128xf32>
    %dot_general3A_629 = tpu.matmul %mul3A_54, %get3A_627, %dot_general3A_628 {dimension_numbers = #tpu.dot_dimension_numbers<[1], [0], [0], [1], [0, 0, 1, 1], [], []>, transpose_lhs_hint = false} : vector<128x32xf32>, vector<32x128xf32>, vector<128x128xf32> -> vector<128x128xf32>
    %get3A_630 = arith.constant 0 : index
    %get3A_631 = arith.constant 4864 : index
    %get3A_632 = vector.load %arg9[%get3A_630, %get3A_631] : memref<1x8192xf32, #tpu.memory_space<vmem>>, vector<1x128xf32>
    %add3A_633 = vector.broadcast %get3A_632 : vector<1x128xf32> to vector<128x128xf32>
    %add3A_634 = arith.addf %dot_general3A_629, %add3A_633 : vector<128x128xf32>
    %lt3A_635 = arith.cmpf olt, %add3A_634, %min3A_621 : vector<128x128xf32>
    %min3A_636 = arith.minimumf %min3A_621, %add3A_634 : vector<128x128xf32>
    %jit3A_637 = arith.constant 38 : i32
    %broadcast_in_dim3A_638 = vector.broadcast %jit3A_637 : i32 to vector<128x128xi32>
    %select_n3A_639 = arith.select %lt3A_635, %broadcast_in_dim3A_638, %select_n3A_624 : vector<128x128xi1>, vector<128x128xi32>
    %get3A_640 = arith.constant 0 : index
    %get3A_641 = arith.constant 4992 : index
    %get3A_642 = vector.load %arg8[%get3A_640, %get3A_641] : memref<32x8192xf32, #tpu.memory_space<vmem>>, vector<32x128xf32>
    %dot_general3A_643 = arith.constant dense<0.000000e+00> : vector<128x128xf32>
    %dot_general3A_644 = tpu.matmul %mul3A_54, %get3A_642, %dot_general3A_643 {dimension_numbers = #tpu.dot_dimension_numbers<[1], [0], [0], [1], [0, 0, 1, 1], [], []>, transpose_lhs_hint = false} : vector<128x32xf32>, vector<32x128xf32>, vector<128x128xf32> -> vector<128x128xf32>
    %get3A_645 = arith.constant 0 : index
    %get3A_646 = arith.constant 4992 : index
    %get3A_647 = vector.load %arg9[%get3A_645, %get3A_646] : memref<1x8192xf32, #tpu.memory_space<vmem>>, vector<1x128xf32>
    %add3A_648 = vector.broadcast %get3A_647 : vector<1x128xf32> to vector<128x128xf32>
    %add3A_649 = arith.addf %dot_general3A_644, %add3A_648 : vector<128x128xf32>
    %lt3A_650 = arith.cmpf olt, %add3A_649, %min3A_636 : vector<128x128xf32>
    %min3A_651 = arith.minimumf %min3A_636, %add3A_649 : vector<128x128xf32>
    %jit3A_652 = arith.constant 39 : i32
    %broadcast_in_dim3A_653 = vector.broadcast %jit3A_652 : i32 to vector<128x128xi32>
    %select_n3A_654 = arith.select %lt3A_650, %broadcast_in_dim3A_653, %select_n3A_639 : vector<128x128xi1>, vector<128x128xi32>
    %get3A_655 = arith.constant 0 : index
    %get3A_656 = arith.constant 5120 : index
    %get3A_657 = vector.load %arg8[%get3A_655, %get3A_656] : memref<32x8192xf32, #tpu.memory_space<vmem>>, vector<32x128xf32>
    %dot_general3A_658 = arith.constant dense<0.000000e+00> : vector<128x128xf32>
    %dot_general3A_659 = tpu.matmul %mul3A_54, %get3A_657, %dot_general3A_658 {dimension_numbers = #tpu.dot_dimension_numbers<[1], [0], [0], [1], [0, 0, 1, 1], [], []>, transpose_lhs_hint = false} : vector<128x32xf32>, vector<32x128xf32>, vector<128x128xf32> -> vector<128x128xf32>
    %get3A_660 = arith.constant 0 : index
    %get3A_661 = arith.constant 5120 : index
    %get3A_662 = vector.load %arg9[%get3A_660, %get3A_661] : memref<1x8192xf32, #tpu.memory_space<vmem>>, vector<1x128xf32>
    %add3A_663 = vector.broadcast %get3A_662 : vector<1x128xf32> to vector<128x128xf32>
    %add3A_664 = arith.addf %dot_general3A_659, %add3A_663 : vector<128x128xf32>
    %lt3A_665 = arith.cmpf olt, %add3A_664, %min3A_651 : vector<128x128xf32>
    %min3A_666 = arith.minimumf %min3A_651, %add3A_664 : vector<128x128xf32>
    %jit3A_667 = arith.constant 40 : i32
    %broadcast_in_dim3A_668 = vector.broadcast %jit3A_667 : i32 to vector<128x128xi32>
    %select_n3A_669 = arith.select %lt3A_665, %broadcast_in_dim3A_668, %select_n3A_654 : vector<128x128xi1>, vector<128x128xi32>
    %get3A_670 = arith.constant 0 : index
    %get3A_671 = arith.constant 5248 : index
    %get3A_672 = vector.load %arg8[%get3A_670, %get3A_671] : memref<32x8192xf32, #tpu.memory_space<vmem>>, vector<32x128xf32>
    %dot_general3A_673 = arith.constant dense<0.000000e+00> : vector<128x128xf32>
    %dot_general3A_674 = tpu.matmul %mul3A_54, %get3A_672, %dot_general3A_673 {dimension_numbers = #tpu.dot_dimension_numbers<[1], [0], [0], [1], [0, 0, 1, 1], [], []>, transpose_lhs_hint = false} : vector<128x32xf32>, vector<32x128xf32>, vector<128x128xf32> -> vector<128x128xf32>
    %get3A_675 = arith.constant 0 : index
    %get3A_676 = arith.constant 5248 : index
    %get3A_677 = vector.load %arg9[%get3A_675, %get3A_676] : memref<1x8192xf32, #tpu.memory_space<vmem>>, vector<1x128xf32>
    %add3A_678 = vector.broadcast %get3A_677 : vector<1x128xf32> to vector<128x128xf32>
    %add3A_679 = arith.addf %dot_general3A_674, %add3A_678 : vector<128x128xf32>
    %lt3A_680 = arith.cmpf olt, %add3A_679, %min3A_666 : vector<128x128xf32>
    %min3A_681 = arith.minimumf %min3A_666, %add3A_679 : vector<128x128xf32>
    %jit3A_682 = arith.constant 41 : i32
    %broadcast_in_dim3A_683 = vector.broadcast %jit3A_682 : i32 to vector<128x128xi32>
    %select_n3A_684 = arith.select %lt3A_680, %broadcast_in_dim3A_683, %select_n3A_669 : vector<128x128xi1>, vector<128x128xi32>
    %get3A_685 = arith.constant 0 : index
    %get3A_686 = arith.constant 5376 : index
    %get3A_687 = vector.load %arg8[%get3A_685, %get3A_686] : memref<32x8192xf32, #tpu.memory_space<vmem>>, vector<32x128xf32>
    %dot_general3A_688 = arith.constant dense<0.000000e+00> : vector<128x128xf32>
    %dot_general3A_689 = tpu.matmul %mul3A_54, %get3A_687, %dot_general3A_688 {dimension_numbers = #tpu.dot_dimension_numbers<[1], [0], [0], [1], [0, 0, 1, 1], [], []>, transpose_lhs_hint = false} : vector<128x32xf32>, vector<32x128xf32>, vector<128x128xf32> -> vector<128x128xf32>
    %get3A_690 = arith.constant 0 : index
    %get3A_691 = arith.constant 5376 : index
    %get3A_692 = vector.load %arg9[%get3A_690, %get3A_691] : memref<1x8192xf32, #tpu.memory_space<vmem>>, vector<1x128xf32>
    %add3A_693 = vector.broadcast %get3A_692 : vector<1x128xf32> to vector<128x128xf32>
    %add3A_694 = arith.addf %dot_general3A_689, %add3A_693 : vector<128x128xf32>
    %lt3A_695 = arith.cmpf olt, %add3A_694, %min3A_681 : vector<128x128xf32>
    %min3A_696 = arith.minimumf %min3A_681, %add3A_694 : vector<128x128xf32>
    %jit3A_697 = arith.constant 42 : i32
    %broadcast_in_dim3A_698 = vector.broadcast %jit3A_697 : i32 to vector<128x128xi32>
    %select_n3A_699 = arith.select %lt3A_695, %broadcast_in_dim3A_698, %select_n3A_684 : vector<128x128xi1>, vector<128x128xi32>
    %get3A_700 = arith.constant 0 : index
    %get3A_701 = arith.constant 5504 : index
    %get3A_702 = vector.load %arg8[%get3A_700, %get3A_701] : memref<32x8192xf32, #tpu.memory_space<vmem>>, vector<32x128xf32>
    %dot_general3A_703 = arith.constant dense<0.000000e+00> : vector<128x128xf32>
    %dot_general3A_704 = tpu.matmul %mul3A_54, %get3A_702, %dot_general3A_703 {dimension_numbers = #tpu.dot_dimension_numbers<[1], [0], [0], [1], [0, 0, 1, 1], [], []>, transpose_lhs_hint = false} : vector<128x32xf32>, vector<32x128xf32>, vector<128x128xf32> -> vector<128x128xf32>
    %get3A_705 = arith.constant 0 : index
    %get3A_706 = arith.constant 5504 : index
    %get3A_707 = vector.load %arg9[%get3A_705, %get3A_706] : memref<1x8192xf32, #tpu.memory_space<vmem>>, vector<1x128xf32>
    %add3A_708 = vector.broadcast %get3A_707 : vector<1x128xf32> to vector<128x128xf32>
    %add3A_709 = arith.addf %dot_general3A_704, %add3A_708 : vector<128x128xf32>
    %lt3A_710 = arith.cmpf olt, %add3A_709, %min3A_696 : vector<128x128xf32>
    %min3A_711 = arith.minimumf %min3A_696, %add3A_709 : vector<128x128xf32>
    %jit3A_712 = arith.constant 43 : i32
    %broadcast_in_dim3A_713 = vector.broadcast %jit3A_712 : i32 to vector<128x128xi32>
    %select_n3A_714 = arith.select %lt3A_710, %broadcast_in_dim3A_713, %select_n3A_699 : vector<128x128xi1>, vector<128x128xi32>
    %get3A_715 = arith.constant 0 : index
    %get3A_716 = arith.constant 5632 : index
    %get3A_717 = vector.load %arg8[%get3A_715, %get3A_716] : memref<32x8192xf32, #tpu.memory_space<vmem>>, vector<32x128xf32>
    %dot_general3A_718 = arith.constant dense<0.000000e+00> : vector<128x128xf32>
    %dot_general3A_719 = tpu.matmul %mul3A_54, %get3A_717, %dot_general3A_718 {dimension_numbers = #tpu.dot_dimension_numbers<[1], [0], [0], [1], [0, 0, 1, 1], [], []>, transpose_lhs_hint = false} : vector<128x32xf32>, vector<32x128xf32>, vector<128x128xf32> -> vector<128x128xf32>
    %get3A_720 = arith.constant 0 : index
    %get3A_721 = arith.constant 5632 : index
    %get3A_722 = vector.load %arg9[%get3A_720, %get3A_721] : memref<1x8192xf32, #tpu.memory_space<vmem>>, vector<1x128xf32>
    %add3A_723 = vector.broadcast %get3A_722 : vector<1x128xf32> to vector<128x128xf32>
    %add3A_724 = arith.addf %dot_general3A_719, %add3A_723 : vector<128x128xf32>
    %lt3A_725 = arith.cmpf olt, %add3A_724, %min3A_711 : vector<128x128xf32>
    %min3A_726 = arith.minimumf %min3A_711, %add3A_724 : vector<128x128xf32>
    %jit3A_727 = arith.constant 44 : i32
    %broadcast_in_dim3A_728 = vector.broadcast %jit3A_727 : i32 to vector<128x128xi32>
    %select_n3A_729 = arith.select %lt3A_725, %broadcast_in_dim3A_728, %select_n3A_714 : vector<128x128xi1>, vector<128x128xi32>
    %get3A_730 = arith.constant 0 : index
    %get3A_731 = arith.constant 5760 : index
    %get3A_732 = vector.load %arg8[%get3A_730, %get3A_731] : memref<32x8192xf32, #tpu.memory_space<vmem>>, vector<32x128xf32>
    %dot_general3A_733 = arith.constant dense<0.000000e+00> : vector<128x128xf32>
    %dot_general3A_734 = tpu.matmul %mul3A_54, %get3A_732, %dot_general3A_733 {dimension_numbers = #tpu.dot_dimension_numbers<[1], [0], [0], [1], [0, 0, 1, 1], [], []>, transpose_lhs_hint = false} : vector<128x32xf32>, vector<32x128xf32>, vector<128x128xf32> -> vector<128x128xf32>
    %get3A_735 = arith.constant 0 : index
    %get3A_736 = arith.constant 5760 : index
    %get3A_737 = vector.load %arg9[%get3A_735, %get3A_736] : memref<1x8192xf32, #tpu.memory_space<vmem>>, vector<1x128xf32>
    %add3A_738 = vector.broadcast %get3A_737 : vector<1x128xf32> to vector<128x128xf32>
    %add3A_739 = arith.addf %dot_general3A_734, %add3A_738 : vector<128x128xf32>
    %lt3A_740 = arith.cmpf olt, %add3A_739, %min3A_726 : vector<128x128xf32>
    %min3A_741 = arith.minimumf %min3A_726, %add3A_739 : vector<128x128xf32>
    %jit3A_742 = arith.constant 45 : i32
    %broadcast_in_dim3A_743 = vector.broadcast %jit3A_742 : i32 to vector<128x128xi32>
    %select_n3A_744 = arith.select %lt3A_740, %broadcast_in_dim3A_743, %select_n3A_729 : vector<128x128xi1>, vector<128x128xi32>
    %get3A_745 = arith.constant 0 : index
    %get3A_746 = arith.constant 5888 : index
    %get3A_747 = vector.load %arg8[%get3A_745, %get3A_746] : memref<32x8192xf32, #tpu.memory_space<vmem>>, vector<32x128xf32>
    %dot_general3A_748 = arith.constant dense<0.000000e+00> : vector<128x128xf32>
    %dot_general3A_749 = tpu.matmul %mul3A_54, %get3A_747, %dot_general3A_748 {dimension_numbers = #tpu.dot_dimension_numbers<[1], [0], [0], [1], [0, 0, 1, 1], [], []>, transpose_lhs_hint = false} : vector<128x32xf32>, vector<32x128xf32>, vector<128x128xf32> -> vector<128x128xf32>
    %get3A_750 = arith.constant 0 : index
    %get3A_751 = arith.constant 5888 : index
    %get3A_752 = vector.load %arg9[%get3A_750, %get3A_751] : memref<1x8192xf32, #tpu.memory_space<vmem>>, vector<1x128xf32>
    %add3A_753 = vector.broadcast %get3A_752 : vector<1x128xf32> to vector<128x128xf32>
    %add3A_754 = arith.addf %dot_general3A_749, %add3A_753 : vector<128x128xf32>
    %lt3A_755 = arith.cmpf olt, %add3A_754, %min3A_741 : vector<128x128xf32>
    %min3A_756 = arith.minimumf %min3A_741, %add3A_754 : vector<128x128xf32>
    %jit3A_757 = arith.constant 46 : i32
    %broadcast_in_dim3A_758 = vector.broadcast %jit3A_757 : i32 to vector<128x128xi32>
    %select_n3A_759 = arith.select %lt3A_755, %broadcast_in_dim3A_758, %select_n3A_744 : vector<128x128xi1>, vector<128x128xi32>
    %get3A_760 = arith.constant 0 : index
    %get3A_761 = arith.constant 6016 : index
    %get3A_762 = vector.load %arg8[%get3A_760, %get3A_761] : memref<32x8192xf32, #tpu.memory_space<vmem>>, vector<32x128xf32>
    %dot_general3A_763 = arith.constant dense<0.000000e+00> : vector<128x128xf32>
    %dot_general3A_764 = tpu.matmul %mul3A_54, %get3A_762, %dot_general3A_763 {dimension_numbers = #tpu.dot_dimension_numbers<[1], [0], [0], [1], [0, 0, 1, 1], [], []>, transpose_lhs_hint = false} : vector<128x32xf32>, vector<32x128xf32>, vector<128x128xf32> -> vector<128x128xf32>
    %get3A_765 = arith.constant 0 : index
    %get3A_766 = arith.constant 6016 : index
    %get3A_767 = vector.load %arg9[%get3A_765, %get3A_766] : memref<1x8192xf32, #tpu.memory_space<vmem>>, vector<1x128xf32>
    %add3A_768 = vector.broadcast %get3A_767 : vector<1x128xf32> to vector<128x128xf32>
    %add3A_769 = arith.addf %dot_general3A_764, %add3A_768 : vector<128x128xf32>
    %lt3A_770 = arith.cmpf olt, %add3A_769, %min3A_756 : vector<128x128xf32>
    %min3A_771 = arith.minimumf %min3A_756, %add3A_769 : vector<128x128xf32>
    %jit3A_772 = arith.constant 47 : i32
    %broadcast_in_dim3A_773 = vector.broadcast %jit3A_772 : i32 to vector<128x128xi32>
    %select_n3A_774 = arith.select %lt3A_770, %broadcast_in_dim3A_773, %select_n3A_759 : vector<128x128xi1>, vector<128x128xi32>
    %get3A_775 = arith.constant 0 : index
    %get3A_776 = arith.constant 6144 : index
    %get3A_777 = vector.load %arg8[%get3A_775, %get3A_776] : memref<32x8192xf32, #tpu.memory_space<vmem>>, vector<32x128xf32>
    %dot_general3A_778 = arith.constant dense<0.000000e+00> : vector<128x128xf32>
    %dot_general3A_779 = tpu.matmul %mul3A_54, %get3A_777, %dot_general3A_778 {dimension_numbers = #tpu.dot_dimension_numbers<[1], [0], [0], [1], [0, 0, 1, 1], [], []>, transpose_lhs_hint = false} : vector<128x32xf32>, vector<32x128xf32>, vector<128x128xf32> -> vector<128x128xf32>
    %get3A_780 = arith.constant 0 : index
    %get3A_781 = arith.constant 6144 : index
    %get3A_782 = vector.load %arg9[%get3A_780, %get3A_781] : memref<1x8192xf32, #tpu.memory_space<vmem>>, vector<1x128xf32>
    %add3A_783 = vector.broadcast %get3A_782 : vector<1x128xf32> to vector<128x128xf32>
    %add3A_784 = arith.addf %dot_general3A_779, %add3A_783 : vector<128x128xf32>
    %lt3A_785 = arith.cmpf olt, %add3A_784, %min3A_771 : vector<128x128xf32>
    %min3A_786 = arith.minimumf %min3A_771, %add3A_784 : vector<128x128xf32>
    %jit3A_787 = arith.constant 48 : i32
    %broadcast_in_dim3A_788 = vector.broadcast %jit3A_787 : i32 to vector<128x128xi32>
    %select_n3A_789 = arith.select %lt3A_785, %broadcast_in_dim3A_788, %select_n3A_774 : vector<128x128xi1>, vector<128x128xi32>
    %get3A_790 = arith.constant 0 : index
    %get3A_791 = arith.constant 6272 : index
    %get3A_792 = vector.load %arg8[%get3A_790, %get3A_791] : memref<32x8192xf32, #tpu.memory_space<vmem>>, vector<32x128xf32>
    %dot_general3A_793 = arith.constant dense<0.000000e+00> : vector<128x128xf32>
    %dot_general3A_794 = tpu.matmul %mul3A_54, %get3A_792, %dot_general3A_793 {dimension_numbers = #tpu.dot_dimension_numbers<[1], [0], [0], [1], [0, 0, 1, 1], [], []>, transpose_lhs_hint = false} : vector<128x32xf32>, vector<32x128xf32>, vector<128x128xf32> -> vector<128x128xf32>
    %get3A_795 = arith.constant 0 : index
    %get3A_796 = arith.constant 6272 : index
    %get3A_797 = vector.load %arg9[%get3A_795, %get3A_796] : memref<1x8192xf32, #tpu.memory_space<vmem>>, vector<1x128xf32>
    %add3A_798 = vector.broadcast %get3A_797 : vector<1x128xf32> to vector<128x128xf32>
    %add3A_799 = arith.addf %dot_general3A_794, %add3A_798 : vector<128x128xf32>
    %lt3A_800 = arith.cmpf olt, %add3A_799, %min3A_786 : vector<128x128xf32>
    %min3A_801 = arith.minimumf %min3A_786, %add3A_799 : vector<128x128xf32>
    %jit3A_802 = arith.constant 49 : i32
    %broadcast_in_dim3A_803 = vector.broadcast %jit3A_802 : i32 to vector<128x128xi32>
    %select_n3A_804 = arith.select %lt3A_800, %broadcast_in_dim3A_803, %select_n3A_789 : vector<128x128xi1>, vector<128x128xi32>
    %get3A_805 = arith.constant 0 : index
    %get3A_806 = arith.constant 6400 : index
    %get3A_807 = vector.load %arg8[%get3A_805, %get3A_806] : memref<32x8192xf32, #tpu.memory_space<vmem>>, vector<32x128xf32>
    %dot_general3A_808 = arith.constant dense<0.000000e+00> : vector<128x128xf32>
    %dot_general3A_809 = tpu.matmul %mul3A_54, %get3A_807, %dot_general3A_808 {dimension_numbers = #tpu.dot_dimension_numbers<[1], [0], [0], [1], [0, 0, 1, 1], [], []>, transpose_lhs_hint = false} : vector<128x32xf32>, vector<32x128xf32>, vector<128x128xf32> -> vector<128x128xf32>
    %get3A_810 = arith.constant 0 : index
    %get3A_811 = arith.constant 6400 : index
    %get3A_812 = vector.load %arg9[%get3A_810, %get3A_811] : memref<1x8192xf32, #tpu.memory_space<vmem>>, vector<1x128xf32>
    %add3A_813 = vector.broadcast %get3A_812 : vector<1x128xf32> to vector<128x128xf32>
    %add3A_814 = arith.addf %dot_general3A_809, %add3A_813 : vector<128x128xf32>
    %lt3A_815 = arith.cmpf olt, %add3A_814, %min3A_801 : vector<128x128xf32>
    %min3A_816 = arith.minimumf %min3A_801, %add3A_814 : vector<128x128xf32>
    %jit3A_817 = arith.constant 50 : i32
    %broadcast_in_dim3A_818 = vector.broadcast %jit3A_817 : i32 to vector<128x128xi32>
    %select_n3A_819 = arith.select %lt3A_815, %broadcast_in_dim3A_818, %select_n3A_804 : vector<128x128xi1>, vector<128x128xi32>
    %get3A_820 = arith.constant 0 : index
    %get3A_821 = arith.constant 6528 : index
    %get3A_822 = vector.load %arg8[%get3A_820, %get3A_821] : memref<32x8192xf32, #tpu.memory_space<vmem>>, vector<32x128xf32>
    %dot_general3A_823 = arith.constant dense<0.000000e+00> : vector<128x128xf32>
    %dot_general3A_824 = tpu.matmul %mul3A_54, %get3A_822, %dot_general3A_823 {dimension_numbers = #tpu.dot_dimension_numbers<[1], [0], [0], [1], [0, 0, 1, 1], [], []>, transpose_lhs_hint = false} : vector<128x32xf32>, vector<32x128xf32>, vector<128x128xf32> -> vector<128x128xf32>
    %get3A_825 = arith.constant 0 : index
    %get3A_826 = arith.constant 6528 : index
    %get3A_827 = vector.load %arg9[%get3A_825, %get3A_826] : memref<1x8192xf32, #tpu.memory_space<vmem>>, vector<1x128xf32>
    %add3A_828 = vector.broadcast %get3A_827 : vector<1x128xf32> to vector<128x128xf32>
    %add3A_829 = arith.addf %dot_general3A_824, %add3A_828 : vector<128x128xf32>
    %lt3A_830 = arith.cmpf olt, %add3A_829, %min3A_816 : vector<128x128xf32>
    %min3A_831 = arith.minimumf %min3A_816, %add3A_829 : vector<128x128xf32>
    %jit3A_832 = arith.constant 51 : i32
    %broadcast_in_dim3A_833 = vector.broadcast %jit3A_832 : i32 to vector<128x128xi32>
    %select_n3A_834 = arith.select %lt3A_830, %broadcast_in_dim3A_833, %select_n3A_819 : vector<128x128xi1>, vector<128x128xi32>
    %get3A_835 = arith.constant 0 : index
    %get3A_836 = arith.constant 6656 : index
    %get3A_837 = vector.load %arg8[%get3A_835, %get3A_836] : memref<32x8192xf32, #tpu.memory_space<vmem>>, vector<32x128xf32>
    %dot_general3A_838 = arith.constant dense<0.000000e+00> : vector<128x128xf32>
    %dot_general3A_839 = tpu.matmul %mul3A_54, %get3A_837, %dot_general3A_838 {dimension_numbers = #tpu.dot_dimension_numbers<[1], [0], [0], [1], [0, 0, 1, 1], [], []>, transpose_lhs_hint = false} : vector<128x32xf32>, vector<32x128xf32>, vector<128x128xf32> -> vector<128x128xf32>
    %get3A_840 = arith.constant 0 : index
    %get3A_841 = arith.constant 6656 : index
    %get3A_842 = vector.load %arg9[%get3A_840, %get3A_841] : memref<1x8192xf32, #tpu.memory_space<vmem>>, vector<1x128xf32>
    %add3A_843 = vector.broadcast %get3A_842 : vector<1x128xf32> to vector<128x128xf32>
    %add3A_844 = arith.addf %dot_general3A_839, %add3A_843 : vector<128x128xf32>
    %lt3A_845 = arith.cmpf olt, %add3A_844, %min3A_831 : vector<128x128xf32>
    %min3A_846 = arith.minimumf %min3A_831, %add3A_844 : vector<128x128xf32>
    %jit3A_847 = arith.constant 52 : i32
    %broadcast_in_dim3A_848 = vector.broadcast %jit3A_847 : i32 to vector<128x128xi32>
    %select_n3A_849 = arith.select %lt3A_845, %broadcast_in_dim3A_848, %select_n3A_834 : vector<128x128xi1>, vector<128x128xi32>
    %get3A_850 = arith.constant 0 : index
    %get3A_851 = arith.constant 6784 : index
    %get3A_852 = vector.load %arg8[%get3A_850, %get3A_851] : memref<32x8192xf32, #tpu.memory_space<vmem>>, vector<32x128xf32>
    %dot_general3A_853 = arith.constant dense<0.000000e+00> : vector<128x128xf32>
    %dot_general3A_854 = tpu.matmul %mul3A_54, %get3A_852, %dot_general3A_853 {dimension_numbers = #tpu.dot_dimension_numbers<[1], [0], [0], [1], [0, 0, 1, 1], [], []>, transpose_lhs_hint = false} : vector<128x32xf32>, vector<32x128xf32>, vector<128x128xf32> -> vector<128x128xf32>
    %get3A_855 = arith.constant 0 : index
    %get3A_856 = arith.constant 6784 : index
    %get3A_857 = vector.load %arg9[%get3A_855, %get3A_856] : memref<1x8192xf32, #tpu.memory_space<vmem>>, vector<1x128xf32>
    %add3A_858 = vector.broadcast %get3A_857 : vector<1x128xf32> to vector<128x128xf32>
    %add3A_859 = arith.addf %dot_general3A_854, %add3A_858 : vector<128x128xf32>
    %lt3A_860 = arith.cmpf olt, %add3A_859, %min3A_846 : vector<128x128xf32>
    %min3A_861 = arith.minimumf %min3A_846, %add3A_859 : vector<128x128xf32>
    %jit3A_862 = arith.constant 53 : i32
    %broadcast_in_dim3A_863 = vector.broadcast %jit3A_862 : i32 to vector<128x128xi32>
    %select_n3A_864 = arith.select %lt3A_860, %broadcast_in_dim3A_863, %select_n3A_849 : vector<128x128xi1>, vector<128x128xi32>
    %get3A_865 = arith.constant 0 : index
    %get3A_866 = arith.constant 6912 : index
    %get3A_867 = vector.load %arg8[%get3A_865, %get3A_866] : memref<32x8192xf32, #tpu.memory_space<vmem>>, vector<32x128xf32>
    %dot_general3A_868 = arith.constant dense<0.000000e+00> : vector<128x128xf32>
    %dot_general3A_869 = tpu.matmul %mul3A_54, %get3A_867, %dot_general3A_868 {dimension_numbers = #tpu.dot_dimension_numbers<[1], [0], [0], [1], [0, 0, 1, 1], [], []>, transpose_lhs_hint = false} : vector<128x32xf32>, vector<32x128xf32>, vector<128x128xf32> -> vector<128x128xf32>
    %get3A_870 = arith.constant 0 : index
    %get3A_871 = arith.constant 6912 : index
    %get3A_872 = vector.load %arg9[%get3A_870, %get3A_871] : memref<1x8192xf32, #tpu.memory_space<vmem>>, vector<1x128xf32>
    %add3A_873 = vector.broadcast %get3A_872 : vector<1x128xf32> to vector<128x128xf32>
    %add3A_874 = arith.addf %dot_general3A_869, %add3A_873 : vector<128x128xf32>
    %lt3A_875 = arith.cmpf olt, %add3A_874, %min3A_861 : vector<128x128xf32>
    %min3A_876 = arith.minimumf %min3A_861, %add3A_874 : vector<128x128xf32>
    %jit3A_877 = arith.constant 54 : i32
    %broadcast_in_dim3A_878 = vector.broadcast %jit3A_877 : i32 to vector<128x128xi32>
    %select_n3A_879 = arith.select %lt3A_875, %broadcast_in_dim3A_878, %select_n3A_864 : vector<128x128xi1>, vector<128x128xi32>
    %get3A_880 = arith.constant 0 : index
    %get3A_881 = arith.constant 7040 : index
    %get3A_882 = vector.load %arg8[%get3A_880, %get3A_881] : memref<32x8192xf32, #tpu.memory_space<vmem>>, vector<32x128xf32>
    %dot_general3A_883 = arith.constant dense<0.000000e+00> : vector<128x128xf32>
    %dot_general3A_884 = tpu.matmul %mul3A_54, %get3A_882, %dot_general3A_883 {dimension_numbers = #tpu.dot_dimension_numbers<[1], [0], [0], [1], [0, 0, 1, 1], [], []>, transpose_lhs_hint = false} : vector<128x32xf32>, vector<32x128xf32>, vector<128x128xf32> -> vector<128x128xf32>
    %get3A_885 = arith.constant 0 : index
    %get3A_886 = arith.constant 7040 : index
    %get3A_887 = vector.load %arg9[%get3A_885, %get3A_886] : memref<1x8192xf32, #tpu.memory_space<vmem>>, vector<1x128xf32>
    %add3A_888 = vector.broadcast %get3A_887 : vector<1x128xf32> to vector<128x128xf32>
    %add3A_889 = arith.addf %dot_general3A_884, %add3A_888 : vector<128x128xf32>
    %lt3A_890 = arith.cmpf olt, %add3A_889, %min3A_876 : vector<128x128xf32>
    %min3A_891 = arith.minimumf %min3A_876, %add3A_889 : vector<128x128xf32>
    %jit3A_892 = arith.constant 55 : i32
    %broadcast_in_dim3A_893 = vector.broadcast %jit3A_892 : i32 to vector<128x128xi32>
    %select_n3A_894 = arith.select %lt3A_890, %broadcast_in_dim3A_893, %select_n3A_879 : vector<128x128xi1>, vector<128x128xi32>
    %get3A_895 = arith.constant 0 : index
    %get3A_896 = arith.constant 7168 : index
    %get3A_897 = vector.load %arg8[%get3A_895, %get3A_896] : memref<32x8192xf32, #tpu.memory_space<vmem>>, vector<32x128xf32>
    %dot_general3A_898 = arith.constant dense<0.000000e+00> : vector<128x128xf32>
    %dot_general3A_899 = tpu.matmul %mul3A_54, %get3A_897, %dot_general3A_898 {dimension_numbers = #tpu.dot_dimension_numbers<[1], [0], [0], [1], [0, 0, 1, 1], [], []>, transpose_lhs_hint = false} : vector<128x32xf32>, vector<32x128xf32>, vector<128x128xf32> -> vector<128x128xf32>
    %get3A_900 = arith.constant 0 : index
    %get3A_901 = arith.constant 7168 : index
    %get3A_902 = vector.load %arg9[%get3A_900, %get3A_901] : memref<1x8192xf32, #tpu.memory_space<vmem>>, vector<1x128xf32>
    %add3A_903 = vector.broadcast %get3A_902 : vector<1x128xf32> to vector<128x128xf32>
    %add3A_904 = arith.addf %dot_general3A_899, %add3A_903 : vector<128x128xf32>
    %lt3A_905 = arith.cmpf olt, %add3A_904, %min3A_891 : vector<128x128xf32>
    %min3A_906 = arith.minimumf %min3A_891, %add3A_904 : vector<128x128xf32>
    %jit3A_907 = arith.constant 56 : i32
    %broadcast_in_dim3A_908 = vector.broadcast %jit3A_907 : i32 to vector<128x128xi32>
    %select_n3A_909 = arith.select %lt3A_905, %broadcast_in_dim3A_908, %select_n3A_894 : vector<128x128xi1>, vector<128x128xi32>
    %get3A_910 = arith.constant 0 : index
    %get3A_911 = arith.constant 7296 : index
    %get3A_912 = vector.load %arg8[%get3A_910, %get3A_911] : memref<32x8192xf32, #tpu.memory_space<vmem>>, vector<32x128xf32>
    %dot_general3A_913 = arith.constant dense<0.000000e+00> : vector<128x128xf32>
    %dot_general3A_914 = tpu.matmul %mul3A_54, %get3A_912, %dot_general3A_913 {dimension_numbers = #tpu.dot_dimension_numbers<[1], [0], [0], [1], [0, 0, 1, 1], [], []>, transpose_lhs_hint = false} : vector<128x32xf32>, vector<32x128xf32>, vector<128x128xf32> -> vector<128x128xf32>
    %get3A_915 = arith.constant 0 : index
    %get3A_916 = arith.constant 7296 : index
    %get3A_917 = vector.load %arg9[%get3A_915, %get3A_916] : memref<1x8192xf32, #tpu.memory_space<vmem>>, vector<1x128xf32>
    %add3A_918 = vector.broadcast %get3A_917 : vector<1x128xf32> to vector<128x128xf32>
    %add3A_919 = arith.addf %dot_general3A_914, %add3A_918 : vector<128x128xf32>
    %lt3A_920 = arith.cmpf olt, %add3A_919, %min3A_906 : vector<128x128xf32>
    %min3A_921 = arith.minimumf %min3A_906, %add3A_919 : vector<128x128xf32>
    %jit3A_922 = arith.constant 57 : i32
    %broadcast_in_dim3A_923 = vector.broadcast %jit3A_922 : i32 to vector<128x128xi32>
    %select_n3A_924 = arith.select %lt3A_920, %broadcast_in_dim3A_923, %select_n3A_909 : vector<128x128xi1>, vector<128x128xi32>
    %get3A_925 = arith.constant 0 : index
    %get3A_926 = arith.constant 7424 : index
    %get3A_927 = vector.load %arg8[%get3A_925, %get3A_926] : memref<32x8192xf32, #tpu.memory_space<vmem>>, vector<32x128xf32>
    %dot_general3A_928 = arith.constant dense<0.000000e+00> : vector<128x128xf32>
    %dot_general3A_929 = tpu.matmul %mul3A_54, %get3A_927, %dot_general3A_928 {dimension_numbers = #tpu.dot_dimension_numbers<[1], [0], [0], [1], [0, 0, 1, 1], [], []>, transpose_lhs_hint = false} : vector<128x32xf32>, vector<32x128xf32>, vector<128x128xf32> -> vector<128x128xf32>
    %get3A_930 = arith.constant 0 : index
    %get3A_931 = arith.constant 7424 : index
    %get3A_932 = vector.load %arg9[%get3A_930, %get3A_931] : memref<1x8192xf32, #tpu.memory_space<vmem>>, vector<1x128xf32>
    %add3A_933 = vector.broadcast %get3A_932 : vector<1x128xf32> to vector<128x128xf32>
    %add3A_934 = arith.addf %dot_general3A_929, %add3A_933 : vector<128x128xf32>
    %lt3A_935 = arith.cmpf olt, %add3A_934, %min3A_921 : vector<128x128xf32>
    %min3A_936 = arith.minimumf %min3A_921, %add3A_934 : vector<128x128xf32>
    %jit3A_937 = arith.constant 58 : i32
    %broadcast_in_dim3A_938 = vector.broadcast %jit3A_937 : i32 to vector<128x128xi32>
    %select_n3A_939 = arith.select %lt3A_935, %broadcast_in_dim3A_938, %select_n3A_924 : vector<128x128xi1>, vector<128x128xi32>
    %get3A_940 = arith.constant 0 : index
    %get3A_941 = arith.constant 7552 : index
    %get3A_942 = vector.load %arg8[%get3A_940, %get3A_941] : memref<32x8192xf32, #tpu.memory_space<vmem>>, vector<32x128xf32>
    %dot_general3A_943 = arith.constant dense<0.000000e+00> : vector<128x128xf32>
    %dot_general3A_944 = tpu.matmul %mul3A_54, %get3A_942, %dot_general3A_943 {dimension_numbers = #tpu.dot_dimension_numbers<[1], [0], [0], [1], [0, 0, 1, 1], [], []>, transpose_lhs_hint = false} : vector<128x32xf32>, vector<32x128xf32>, vector<128x128xf32> -> vector<128x128xf32>
    %get3A_945 = arith.constant 0 : index
    %get3A_946 = arith.constant 7552 : index
    %get3A_947 = vector.load %arg9[%get3A_945, %get3A_946] : memref<1x8192xf32, #tpu.memory_space<vmem>>, vector<1x128xf32>
    %add3A_948 = vector.broadcast %get3A_947 : vector<1x128xf32> to vector<128x128xf32>
    %add3A_949 = arith.addf %dot_general3A_944, %add3A_948 : vector<128x128xf32>
    %lt3A_950 = arith.cmpf olt, %add3A_949, %min3A_936 : vector<128x128xf32>
    %min3A_951 = arith.minimumf %min3A_936, %add3A_949 : vector<128x128xf32>
    %jit3A_952 = arith.constant 59 : i32
    %broadcast_in_dim3A_953 = vector.broadcast %jit3A_952 : i32 to vector<128x128xi32>
    %select_n3A_954 = arith.select %lt3A_950, %broadcast_in_dim3A_953, %select_n3A_939 : vector<128x128xi1>, vector<128x128xi32>
    %get3A_955 = arith.constant 0 : index
    %get3A_956 = arith.constant 7680 : index
    %get3A_957 = vector.load %arg8[%get3A_955, %get3A_956] : memref<32x8192xf32, #tpu.memory_space<vmem>>, vector<32x128xf32>
    %dot_general3A_958 = arith.constant dense<0.000000e+00> : vector<128x128xf32>
    %dot_general3A_959 = tpu.matmul %mul3A_54, %get3A_957, %dot_general3A_958 {dimension_numbers = #tpu.dot_dimension_numbers<[1], [0], [0], [1], [0, 0, 1, 1], [], []>, transpose_lhs_hint = false} : vector<128x32xf32>, vector<32x128xf32>, vector<128x128xf32> -> vector<128x128xf32>
    %get3A_960 = arith.constant 0 : index
    %get3A_961 = arith.constant 7680 : index
    %get3A_962 = vector.load %arg9[%get3A_960, %get3A_961] : memref<1x8192xf32, #tpu.memory_space<vmem>>, vector<1x128xf32>
    %add3A_963 = vector.broadcast %get3A_962 : vector<1x128xf32> to vector<128x128xf32>
    %add3A_964 = arith.addf %dot_general3A_959, %add3A_963 : vector<128x128xf32>
    %lt3A_965 = arith.cmpf olt, %add3A_964, %min3A_951 : vector<128x128xf32>
    %min3A_966 = arith.minimumf %min3A_951, %add3A_964 : vector<128x128xf32>
    %jit3A_967 = arith.constant 60 : i32
    %broadcast_in_dim3A_968 = vector.broadcast %jit3A_967 : i32 to vector<128x128xi32>
    %select_n3A_969 = arith.select %lt3A_965, %broadcast_in_dim3A_968, %select_n3A_954 : vector<128x128xi1>, vector<128x128xi32>
    %get3A_970 = arith.constant 0 : index
    %get3A_971 = arith.constant 7808 : index
    %get3A_972 = vector.load %arg8[%get3A_970, %get3A_971] : memref<32x8192xf32, #tpu.memory_space<vmem>>, vector<32x128xf32>
    %dot_general3A_973 = arith.constant dense<0.000000e+00> : vector<128x128xf32>
    %dot_general3A_974 = tpu.matmul %mul3A_54, %get3A_972, %dot_general3A_973 {dimension_numbers = #tpu.dot_dimension_numbers<[1], [0], [0], [1], [0, 0, 1, 1], [], []>, transpose_lhs_hint = false} : vector<128x32xf32>, vector<32x128xf32>, vector<128x128xf32> -> vector<128x128xf32>
    %get3A_975 = arith.constant 0 : index
    %get3A_976 = arith.constant 7808 : index
    %get3A_977 = vector.load %arg9[%get3A_975, %get3A_976] : memref<1x8192xf32, #tpu.memory_space<vmem>>, vector<1x128xf32>
    %add3A_978 = vector.broadcast %get3A_977 : vector<1x128xf32> to vector<128x128xf32>
    %add3A_979 = arith.addf %dot_general3A_974, %add3A_978 : vector<128x128xf32>
    %lt3A_980 = arith.cmpf olt, %add3A_979, %min3A_966 : vector<128x128xf32>
    %min3A_981 = arith.minimumf %min3A_966, %add3A_979 : vector<128x128xf32>
    %jit3A_982 = arith.constant 61 : i32
    %broadcast_in_dim3A_983 = vector.broadcast %jit3A_982 : i32 to vector<128x128xi32>
    %select_n3A_984 = arith.select %lt3A_980, %broadcast_in_dim3A_983, %select_n3A_969 : vector<128x128xi1>, vector<128x128xi32>
    %get3A_985 = arith.constant 0 : index
    %get3A_986 = arith.constant 7936 : index
    %get3A_987 = vector.load %arg8[%get3A_985, %get3A_986] : memref<32x8192xf32, #tpu.memory_space<vmem>>, vector<32x128xf32>
    %dot_general3A_988 = arith.constant dense<0.000000e+00> : vector<128x128xf32>
    %dot_general3A_989 = tpu.matmul %mul3A_54, %get3A_987, %dot_general3A_988 {dimension_numbers = #tpu.dot_dimension_numbers<[1], [0], [0], [1], [0, 0, 1, 1], [], []>, transpose_lhs_hint = false} : vector<128x32xf32>, vector<32x128xf32>, vector<128x128xf32> -> vector<128x128xf32>
    %get3A_990 = arith.constant 0 : index
    %get3A_991 = arith.constant 7936 : index
    %get3A_992 = vector.load %arg9[%get3A_990, %get3A_991] : memref<1x8192xf32, #tpu.memory_space<vmem>>, vector<1x128xf32>
    %add3A_993 = vector.broadcast %get3A_992 : vector<1x128xf32> to vector<128x128xf32>
    %add3A_994 = arith.addf %dot_general3A_989, %add3A_993 : vector<128x128xf32>
    %lt3A_995 = arith.cmpf olt, %add3A_994, %min3A_981 : vector<128x128xf32>
    %min3A_996 = arith.minimumf %min3A_981, %add3A_994 : vector<128x128xf32>
    %jit3A_997 = arith.constant 62 : i32
    %broadcast_in_dim3A_998 = vector.broadcast %jit3A_997 : i32 to vector<128x128xi32>
    %select_n3A_999 = arith.select %lt3A_995, %broadcast_in_dim3A_998, %select_n3A_984 : vector<128x128xi1>, vector<128x128xi32>
    %get3A_1000 = arith.constant 0 : index
    %get3A_1001 = arith.constant 8064 : index
    %get3A_1002 = vector.load %arg8[%get3A_1000, %get3A_1001] : memref<32x8192xf32, #tpu.memory_space<vmem>>, vector<32x128xf32>
    %dot_general3A_1003 = arith.constant dense<0.000000e+00> : vector<128x128xf32>
    %dot_general3A_1004 = tpu.matmul %mul3A_54, %get3A_1002, %dot_general3A_1003 {dimension_numbers = #tpu.dot_dimension_numbers<[1], [0], [0], [1], [0, 0, 1, 1], [], []>, transpose_lhs_hint = false} : vector<128x32xf32>, vector<32x128xf32>, vector<128x128xf32> -> vector<128x128xf32>
    %get3A_1005 = arith.constant 0 : index
    %get3A_1006 = arith.constant 8064 : index
    %get3A_1007 = vector.load %arg9[%get3A_1005, %get3A_1006] : memref<1x8192xf32, #tpu.memory_space<vmem>>, vector<1x128xf32>
    %add3A_1008 = vector.broadcast %get3A_1007 : vector<1x128xf32> to vector<128x128xf32>
    %add3A_1009 = arith.addf %dot_general3A_1004, %add3A_1008 : vector<128x128xf32>
    %lt3A_1010 = arith.cmpf olt, %add3A_1009, %min3A_996 : vector<128x128xf32>
    %min3A_1011 = arith.minimumf %min3A_996, %add3A_1009 : vector<128x128xf32>
    %jit3A_1012 = arith.constant 63 : i32
    %broadcast_in_dim3A_1013 = vector.broadcast %jit3A_1012 : i32 to vector<128x128xi32>
    %select_n3A_1014 = arith.select %lt3A_1010, %broadcast_in_dim3A_1013, %select_n3A_999 : vector<128x128xi1>, vector<128x128xi32>
    %reduce_min3A = arith.constant dense<0x7F800000> : vector<128xf32>
    %reduce_min3A_1015 = vector.multi_reduction <minimumf>, %min3A_1011, %reduce_min3A [1] : vector<128x128xf32> to vector<128xf32>
    %broadcast_in_dim3A_1016 = vector.shape_cast %reduce_min3A_1015 : vector<128xf32> to vector<128x1xf32>
    %mul3A_1017 = arith.constant 128 : i32
    %mul3A_1018 = vector.broadcast %mul3A_1017 : i32 to vector<128x128xi32>
    %mul3A_1019 = arith.muli %select_n3A_1014, %mul3A_1018 : vector<128x128xi32>
    %add3A_1020 = arith.addi %mul3A_1019, %iota3A : vector<128x128xi32>
    %le3A = vector.broadcast %broadcast_in_dim3A_1016 : vector<128x1xf32> to vector<128x128xf32>
    %le3A_1021 = arith.cmpf ole, %min3A_1011, %le3A : vector<128x128xf32>
    %jit3A_1022 = arith.constant 8192 : i32
    %broadcast_in_dim3A_1023 = vector.broadcast %jit3A_1022 : i32 to vector<128x128xi32>
    %select_n3A_1024 = arith.select %le3A_1021, %add3A_1020, %broadcast_in_dim3A_1023 : vector<128x128xi1>, vector<128x128xi32>
    %reduce_min3A_1025 = arith.constant dense<2147483647> : vector<128xi32>
    %reduce_min3A_1026 = vector.multi_reduction <minsi>, %select_n3A_1024, %reduce_min3A_1025 [1] : vector<128x128xi32> to vector<128xi32>
    %swap3A_1027 = arith.constant 0 : index
    %swap3A_1028 = arith.constant 0 : index
    %swap3A_1029 = vector.load %arg11[%swap3A_1027, %swap3A_1028] : memref<2x256xi32, #tpu.memory_space<vmem>>, vector<1x128xi32>
    %swap3A_1030 = vector.shape_cast %swap3A_1029 : vector<1x128xi32> to vector<128xi32>
    %swap3A_1031 = vector.shape_cast %reduce_min3A_1026 : vector<128xi32> to vector<1x128xi32>
    tpu.vector_store %arg11[%swap3A_1027, %swap3A_1028], %swap3A_1031 {strides = array<i32>} : memref<2x256xi32, #tpu.memory_space<vmem>>, vector<1x128xi32>,
    %slice3A_1032 = vector.extract_strided_slice %slice3A {offsets = [128, 0], sizes = [128, 32], strides = [1, 1]} : vector<256x32xf32> to vector<128x32xf32>
    %iota3A_1033 = tpu.iota {dimensions = array<i32: 1>} : vector<128x128xi32>
    %mul3A_1034 = arith.constant -2.000000e+00 : f32
    %mul3A_1035 = vector.broadcast %mul3A_1034 : f32 to vector<128x32xf32>
    %mul3A_1036 = arith.mulf %mul3A_1035, %slice3A_1032 : vector<128x32xf32>
    %broadcast_in_dim3A_1037 = arith.constant 0x7F800000 : f32
    %broadcast_in_dim3A_1038 = vector.broadcast %broadcast_in_dim3A_1037 : f32 to vector<128x128xf32>
    %broadcast_in_dim3A_1039 = arith.constant 0 : i32
    %broadcast_in_dim3A_1040 = vector.broadcast %broadcast_in_dim3A_1039 : i32 to vector<128x128xi32>
    %get3A_1041 = arith.constant 0 : index
    %get3A_1042 = arith.constant 0 : index
    %get3A_1043 = vector.load %arg8[%get3A_1041, %get3A_1042] : memref<32x8192xf32, #tpu.memory_space<vmem>>, vector<32x128xf32>
    %dot_general3A_1044 = arith.constant dense<0.000000e+00> : vector<128x128xf32>
    %dot_general3A_1045 = tpu.matmul %mul3A_1036, %get3A_1043, %dot_general3A_1044 {dimension_numbers = #tpu.dot_dimension_numbers<[1], [0], [0], [1], [0, 0, 1, 1], [], []>, transpose_lhs_hint = false} : vector<128x32xf32>, vector<32x128xf32>, vector<128x128xf32> -> vector<128x128xf32>
    %get3A_1046 = arith.constant 0 : index
    %get3A_1047 = arith.constant 0 : index
    %get3A_1048 = vector.load %arg9[%get3A_1046, %get3A_1047] : memref<1x8192xf32, #tpu.memory_space<vmem>>, vector<1x128xf32>
    %add3A_1049 = vector.broadcast %get3A_1048 : vector<1x128xf32> to vector<128x128xf32>
    %add3A_1050 = arith.addf %dot_general3A_1045, %add3A_1049 : vector<128x128xf32>
    %lt3A_1051 = arith.cmpf olt, %add3A_1050, %broadcast_in_dim3A_1038 : vector<128x128xf32>
    %min3A_1052 = arith.minimumf %broadcast_in_dim3A_1038, %add3A_1050 : vector<128x128xf32>
    %jit3A_1053 = arith.constant 0 : i32
    %broadcast_in_dim3A_1054 = vector.broadcast %jit3A_1053 : i32 to vector<128x128xi32>
    %select_n3A_1055 = arith.select %lt3A_1051, %broadcast_in_dim3A_1054, %broadcast_in_dim3A_1040 : vector<128x128xi1>, vector<128x128xi32>
    %get3A_1056 = arith.constant 0 : index
    %get3A_1057 = arith.constant 128 : index
    %get3A_1058 = vector.load %arg8[%get3A_1056, %get3A_1057] : memref<32x8192xf32, #tpu.memory_space<vmem>>, vector<32x128xf32>
    %dot_general3A_1059 = arith.constant dense<0.000000e+00> : vector<128x128xf32>
    %dot_general3A_1060 = tpu.matmul %mul3A_1036, %get3A_1058, %dot_general3A_1059 {dimension_numbers = #tpu.dot_dimension_numbers<[1], [0], [0], [1], [0, 0, 1, 1], [], []>, transpose_lhs_hint = false} : vector<128x32xf32>, vector<32x128xf32>, vector<128x128xf32> -> vector<128x128xf32>
    %get3A_1061 = arith.constant 0 : index
    %get3A_1062 = arith.constant 128 : index
    %get3A_1063 = vector.load %arg9[%get3A_1061, %get3A_1062] : memref<1x8192xf32, #tpu.memory_space<vmem>>, vector<1x128xf32>
    %add3A_1064 = vector.broadcast %get3A_1063 : vector<1x128xf32> to vector<128x128xf32>
    %add3A_1065 = arith.addf %dot_general3A_1060, %add3A_1064 : vector<128x128xf32>
    %lt3A_1066 = arith.cmpf olt, %add3A_1065, %min3A_1052 : vector<128x128xf32>
    %min3A_1067 = arith.minimumf %min3A_1052, %add3A_1065 : vector<128x128xf32>
    %jit3A_1068 = arith.constant 1 : i32
    %broadcast_in_dim3A_1069 = vector.broadcast %jit3A_1068 : i32 to vector<128x128xi32>
    %select_n3A_1070 = arith.select %lt3A_1066, %broadcast_in_dim3A_1069, %select_n3A_1055 : vector<128x128xi1>, vector<128x128xi32>
    %get3A_1071 = arith.constant 0 : index
    %get3A_1072 = arith.constant 256 : index
    %get3A_1073 = vector.load %arg8[%get3A_1071, %get3A_1072] : memref<32x8192xf32, #tpu.memory_space<vmem>>, vector<32x128xf32>
    %dot_general3A_1074 = arith.constant dense<0.000000e+00> : vector<128x128xf32>
    %dot_general3A_1075 = tpu.matmul %mul3A_1036, %get3A_1073, %dot_general3A_1074 {dimension_numbers = #tpu.dot_dimension_numbers<[1], [0], [0], [1], [0, 0, 1, 1], [], []>, transpose_lhs_hint = false} : vector<128x32xf32>, vector<32x128xf32>, vector<128x128xf32> -> vector<128x128xf32>
    %get3A_1076 = arith.constant 0 : index
    %get3A_1077 = arith.constant 256 : index
    %get3A_1078 = vector.load %arg9[%get3A_1076, %get3A_1077] : memref<1x8192xf32, #tpu.memory_space<vmem>>, vector<1x128xf32>
    %add3A_1079 = vector.broadcast %get3A_1078 : vector<1x128xf32> to vector<128x128xf32>
    %add3A_1080 = arith.addf %dot_general3A_1075, %add3A_1079 : vector<128x128xf32>
    %lt3A_1081 = arith.cmpf olt, %add3A_1080, %min3A_1067 : vector<128x128xf32>
    %min3A_1082 = arith.minimumf %min3A_1067, %add3A_1080 : vector<128x128xf32>
    %jit3A_1083 = arith.constant 2 : i32
    %broadcast_in_dim3A_1084 = vector.broadcast %jit3A_1083 : i32 to vector<128x128xi32>
    %select_n3A_1085 = arith.select %lt3A_1081, %broadcast_in_dim3A_1084, %select_n3A_1070 : vector<128x128xi1>, vector<128x128xi32>
    %get3A_1086 = arith.constant 0 : index
    %get3A_1087 = arith.constant 384 : index
    %get3A_1088 = vector.load %arg8[%get3A_1086, %get3A_1087] : memref<32x8192xf32, #tpu.memory_space<vmem>>, vector<32x128xf32>
    %dot_general3A_1089 = arith.constant dense<0.000000e+00> : vector<128x128xf32>
    %dot_general3A_1090 = tpu.matmul %mul3A_1036, %get3A_1088, %dot_general3A_1089 {dimension_numbers = #tpu.dot_dimension_numbers<[1], [0], [0], [1], [0, 0, 1, 1], [], []>, transpose_lhs_hint = false} : vector<128x32xf32>, vector<32x128xf32>, vector<128x128xf32> -> vector<128x128xf32>
    %get3A_1091 = arith.constant 0 : index
    %get3A_1092 = arith.constant 384 : index
    %get3A_1093 = vector.load %arg9[%get3A_1091, %get3A_1092] : memref<1x8192xf32, #tpu.memory_space<vmem>>, vector<1x128xf32>
    %add3A_1094 = vector.broadcast %get3A_1093 : vector<1x128xf32> to vector<128x128xf32>
    %add3A_1095 = arith.addf %dot_general3A_1090, %add3A_1094 : vector<128x128xf32>
    %lt3A_1096 = arith.cmpf olt, %add3A_1095, %min3A_1082 : vector<128x128xf32>
    %min3A_1097 = arith.minimumf %min3A_1082, %add3A_1095 : vector<128x128xf32>
    %jit3A_1098 = arith.constant 3 : i32
    %broadcast_in_dim3A_1099 = vector.broadcast %jit3A_1098 : i32 to vector<128x128xi32>
    %select_n3A_1100 = arith.select %lt3A_1096, %broadcast_in_dim3A_1099, %select_n3A_1085 : vector<128x128xi1>, vector<128x128xi32>
    %get3A_1101 = arith.constant 0 : index
    %get3A_1102 = arith.constant 512 : index
    %get3A_1103 = vector.load %arg8[%get3A_1101, %get3A_1102] : memref<32x8192xf32, #tpu.memory_space<vmem>>, vector<32x128xf32>
    %dot_general3A_1104 = arith.constant dense<0.000000e+00> : vector<128x128xf32>
    %dot_general3A_1105 = tpu.matmul %mul3A_1036, %get3A_1103, %dot_general3A_1104 {dimension_numbers = #tpu.dot_dimension_numbers<[1], [0], [0], [1], [0, 0, 1, 1], [], []>, transpose_lhs_hint = false} : vector<128x32xf32>, vector<32x128xf32>, vector<128x128xf32> -> vector<128x128xf32>
    %get3A_1106 = arith.constant 0 : index
    %get3A_1107 = arith.constant 512 : index
    %get3A_1108 = vector.load %arg9[%get3A_1106, %get3A_1107] : memref<1x8192xf32, #tpu.memory_space<vmem>>, vector<1x128xf32>
    %add3A_1109 = vector.broadcast %get3A_1108 : vector<1x128xf32> to vector<128x128xf32>
    %add3A_1110 = arith.addf %dot_general3A_1105, %add3A_1109 : vector<128x128xf32>
    %lt3A_1111 = arith.cmpf olt, %add3A_1110, %min3A_1097 : vector<128x128xf32>
    %min3A_1112 = arith.minimumf %min3A_1097, %add3A_1110 : vector<128x128xf32>
    %jit3A_1113 = arith.constant 4 : i32
    %broadcast_in_dim3A_1114 = vector.broadcast %jit3A_1113 : i32 to vector<128x128xi32>
    %select_n3A_1115 = arith.select %lt3A_1111, %broadcast_in_dim3A_1114, %select_n3A_1100 : vector<128x128xi1>, vector<128x128xi32>
    %get3A_1116 = arith.constant 0 : index
    %get3A_1117 = arith.constant 640 : index
    %get3A_1118 = vector.load %arg8[%get3A_1116, %get3A_1117] : memref<32x8192xf32, #tpu.memory_space<vmem>>, vector<32x128xf32>
    %dot_general3A_1119 = arith.constant dense<0.000000e+00> : vector<128x128xf32>
    %dot_general3A_1120 = tpu.matmul %mul3A_1036, %get3A_1118, %dot_general3A_1119 {dimension_numbers = #tpu.dot_dimension_numbers<[1], [0], [0], [1], [0, 0, 1, 1], [], []>, transpose_lhs_hint = false} : vector<128x32xf32>, vector<32x128xf32>, vector<128x128xf32> -> vector<128x128xf32>
    %get3A_1121 = arith.constant 0 : index
    %get3A_1122 = arith.constant 640 : index
    %get3A_1123 = vector.load %arg9[%get3A_1121, %get3A_1122] : memref<1x8192xf32, #tpu.memory_space<vmem>>, vector<1x128xf32>
    %add3A_1124 = vector.broadcast %get3A_1123 : vector<1x128xf32> to vector<128x128xf32>
    %add3A_1125 = arith.addf %dot_general3A_1120, %add3A_1124 : vector<128x128xf32>
    %lt3A_1126 = arith.cmpf olt, %add3A_1125, %min3A_1112 : vector<128x128xf32>
    %min3A_1127 = arith.minimumf %min3A_1112, %add3A_1125 : vector<128x128xf32>
    %jit3A_1128 = arith.constant 5 : i32
    %broadcast_in_dim3A_1129 = vector.broadcast %jit3A_1128 : i32 to vector<128x128xi32>
    %select_n3A_1130 = arith.select %lt3A_1126, %broadcast_in_dim3A_1129, %select_n3A_1115 : vector<128x128xi1>, vector<128x128xi32>
    %get3A_1131 = arith.constant 0 : index
    %get3A_1132 = arith.constant 768 : index
    %get3A_1133 = vector.load %arg8[%get3A_1131, %get3A_1132] : memref<32x8192xf32, #tpu.memory_space<vmem>>, vector<32x128xf32>
    %dot_general3A_1134 = arith.constant dense<0.000000e+00> : vector<128x128xf32>
    %dot_general3A_1135 = tpu.matmul %mul3A_1036, %get3A_1133, %dot_general3A_1134 {dimension_numbers = #tpu.dot_dimension_numbers<[1], [0], [0], [1], [0, 0, 1, 1], [], []>, transpose_lhs_hint = false} : vector<128x32xf32>, vector<32x128xf32>, vector<128x128xf32> -> vector<128x128xf32>
    %get3A_1136 = arith.constant 0 : index
    %get3A_1137 = arith.constant 768 : index
    %get3A_1138 = vector.load %arg9[%get3A_1136, %get3A_1137] : memref<1x8192xf32, #tpu.memory_space<vmem>>, vector<1x128xf32>
    %add3A_1139 = vector.broadcast %get3A_1138 : vector<1x128xf32> to vector<128x128xf32>
    %add3A_1140 = arith.addf %dot_general3A_1135, %add3A_1139 : vector<128x128xf32>
    %lt3A_1141 = arith.cmpf olt, %add3A_1140, %min3A_1127 : vector<128x128xf32>
    %min3A_1142 = arith.minimumf %min3A_1127, %add3A_1140 : vector<128x128xf32>
    %jit3A_1143 = arith.constant 6 : i32
    %broadcast_in_dim3A_1144 = vector.broadcast %jit3A_1143 : i32 to vector<128x128xi32>
    %select_n3A_1145 = arith.select %lt3A_1141, %broadcast_in_dim3A_1144, %select_n3A_1130 : vector<128x128xi1>, vector<128x128xi32>
    %get3A_1146 = arith.constant 0 : index
    %get3A_1147 = arith.constant 896 : index
    %get3A_1148 = vector.load %arg8[%get3A_1146, %get3A_1147] : memref<32x8192xf32, #tpu.memory_space<vmem>>, vector<32x128xf32>
    %dot_general3A_1149 = arith.constant dense<0.000000e+00> : vector<128x128xf32>
    %dot_general3A_1150 = tpu.matmul %mul3A_1036, %get3A_1148, %dot_general3A_1149 {dimension_numbers = #tpu.dot_dimension_numbers<[1], [0], [0], [1], [0, 0, 1, 1], [], []>, transpose_lhs_hint = false} : vector<128x32xf32>, vector<32x128xf32>, vector<128x128xf32> -> vector<128x128xf32>
    %get3A_1151 = arith.constant 0 : index
    %get3A_1152 = arith.constant 896 : index
    %get3A_1153 = vector.load %arg9[%get3A_1151, %get3A_1152] : memref<1x8192xf32, #tpu.memory_space<vmem>>, vector<1x128xf32>
    %add3A_1154 = vector.broadcast %get3A_1153 : vector<1x128xf32> to vector<128x128xf32>
    %add3A_1155 = arith.addf %dot_general3A_1150, %add3A_1154 : vector<128x128xf32>
    %lt3A_1156 = arith.cmpf olt, %add3A_1155, %min3A_1142 : vector<128x128xf32>
    %min3A_1157 = arith.minimumf %min3A_1142, %add3A_1155 : vector<128x128xf32>
    %jit3A_1158 = arith.constant 7 : i32
    %broadcast_in_dim3A_1159 = vector.broadcast %jit3A_1158 : i32 to vector<128x128xi32>
    %select_n3A_1160 = arith.select %lt3A_1156, %broadcast_in_dim3A_1159, %select_n3A_1145 : vector<128x128xi1>, vector<128x128xi32>
    %get3A_1161 = arith.constant 0 : index
    %get3A_1162 = arith.constant 1024 : index
    %get3A_1163 = vector.load %arg8[%get3A_1161, %get3A_1162] : memref<32x8192xf32, #tpu.memory_space<vmem>>, vector<32x128xf32>
    %dot_general3A_1164 = arith.constant dense<0.000000e+00> : vector<128x128xf32>
    %dot_general3A_1165 = tpu.matmul %mul3A_1036, %get3A_1163, %dot_general3A_1164 {dimension_numbers = #tpu.dot_dimension_numbers<[1], [0], [0], [1], [0, 0, 1, 1], [], []>, transpose_lhs_hint = false} : vector<128x32xf32>, vector<32x128xf32>, vector<128x128xf32> -> vector<128x128xf32>
    %get3A_1166 = arith.constant 0 : index
    %get3A_1167 = arith.constant 1024 : index
    %get3A_1168 = vector.load %arg9[%get3A_1166, %get3A_1167] : memref<1x8192xf32, #tpu.memory_space<vmem>>, vector<1x128xf32>
    %add3A_1169 = vector.broadcast %get3A_1168 : vector<1x128xf32> to vector<128x128xf32>
    %add3A_1170 = arith.addf %dot_general3A_1165, %add3A_1169 : vector<128x128xf32>
    %lt3A_1171 = arith.cmpf olt, %add3A_1170, %min3A_1157 : vector<128x128xf32>
    %min3A_1172 = arith.minimumf %min3A_1157, %add3A_1170 : vector<128x128xf32>
    %jit3A_1173 = arith.constant 8 : i32
    %broadcast_in_dim3A_1174 = vector.broadcast %jit3A_1173 : i32 to vector<128x128xi32>
    %select_n3A_1175 = arith.select %lt3A_1171, %broadcast_in_dim3A_1174, %select_n3A_1160 : vector<128x128xi1>, vector<128x128xi32>
    %get3A_1176 = arith.constant 0 : index
    %get3A_1177 = arith.constant 1152 : index
    %get3A_1178 = vector.load %arg8[%get3A_1176, %get3A_1177] : memref<32x8192xf32, #tpu.memory_space<vmem>>, vector<32x128xf32>
    %dot_general3A_1179 = arith.constant dense<0.000000e+00> : vector<128x128xf32>
    %dot_general3A_1180 = tpu.matmul %mul3A_1036, %get3A_1178, %dot_general3A_1179 {dimension_numbers = #tpu.dot_dimension_numbers<[1], [0], [0], [1], [0, 0, 1, 1], [], []>, transpose_lhs_hint = false} : vector<128x32xf32>, vector<32x128xf32>, vector<128x128xf32> -> vector<128x128xf32>
    %get3A_1181 = arith.constant 0 : index
    %get3A_1182 = arith.constant 1152 : index
    %get3A_1183 = vector.load %arg9[%get3A_1181, %get3A_1182] : memref<1x8192xf32, #tpu.memory_space<vmem>>, vector<1x128xf32>
    %add3A_1184 = vector.broadcast %get3A_1183 : vector<1x128xf32> to vector<128x128xf32>
    %add3A_1185 = arith.addf %dot_general3A_1180, %add3A_1184 : vector<128x128xf32>
    %lt3A_1186 = arith.cmpf olt, %add3A_1185, %min3A_1172 : vector<128x128xf32>
    %min3A_1187 = arith.minimumf %min3A_1172, %add3A_1185 : vector<128x128xf32>
    %jit3A_1188 = arith.constant 9 : i32
    %broadcast_in_dim3A_1189 = vector.broadcast %jit3A_1188 : i32 to vector<128x128xi32>
    %select_n3A_1190 = arith.select %lt3A_1186, %broadcast_in_dim3A_1189, %select_n3A_1175 : vector<128x128xi1>, vector<128x128xi32>
    %get3A_1191 = arith.constant 0 : index
    %get3A_1192 = arith.constant 1280 : index
    %get3A_1193 = vector.load %arg8[%get3A_1191, %get3A_1192] : memref<32x8192xf32, #tpu.memory_space<vmem>>, vector<32x128xf32>
    %dot_general3A_1194 = arith.constant dense<0.000000e+00> : vector<128x128xf32>
    %dot_general3A_1195 = tpu.matmul %mul3A_1036, %get3A_1193, %dot_general3A_1194 {dimension_numbers = #tpu.dot_dimension_numbers<[1], [0], [0], [1], [0, 0, 1, 1], [], []>, transpose_lhs_hint = false} : vector<128x32xf32>, vector<32x128xf32>, vector<128x128xf32> -> vector<128x128xf32>
    %get3A_1196 = arith.constant 0 : index
    %get3A_1197 = arith.constant 1280 : index
    %get3A_1198 = vector.load %arg9[%get3A_1196, %get3A_1197] : memref<1x8192xf32, #tpu.memory_space<vmem>>, vector<1x128xf32>
    %add3A_1199 = vector.broadcast %get3A_1198 : vector<1x128xf32> to vector<128x128xf32>
    %add3A_1200 = arith.addf %dot_general3A_1195, %add3A_1199 : vector<128x128xf32>
    %lt3A_1201 = arith.cmpf olt, %add3A_1200, %min3A_1187 : vector<128x128xf32>
    %min3A_1202 = arith.minimumf %min3A_1187, %add3A_1200 : vector<128x128xf32>
    %jit3A_1203 = arith.constant 10 : i32
    %broadcast_in_dim3A_1204 = vector.broadcast %jit3A_1203 : i32 to vector<128x128xi32>
    %select_n3A_1205 = arith.select %lt3A_1201, %broadcast_in_dim3A_1204, %select_n3A_1190 : vector<128x128xi1>, vector<128x128xi32>
    %get3A_1206 = arith.constant 0 : index
    %get3A_1207 = arith.constant 1408 : index
    %get3A_1208 = vector.load %arg8[%get3A_1206, %get3A_1207] : memref<32x8192xf32, #tpu.memory_space<vmem>>, vector<32x128xf32>
    %dot_general3A_1209 = arith.constant dense<0.000000e+00> : vector<128x128xf32>
    %dot_general3A_1210 = tpu.matmul %mul3A_1036, %get3A_1208, %dot_general3A_1209 {dimension_numbers = #tpu.dot_dimension_numbers<[1], [0], [0], [1], [0, 0, 1, 1], [], []>, transpose_lhs_hint = false} : vector<128x32xf32>, vector<32x128xf32>, vector<128x128xf32> -> vector<128x128xf32>
    %get3A_1211 = arith.constant 0 : index
    %get3A_1212 = arith.constant 1408 : index
    %get3A_1213 = vector.load %arg9[%get3A_1211, %get3A_1212] : memref<1x8192xf32, #tpu.memory_space<vmem>>, vector<1x128xf32>
    %add3A_1214 = vector.broadcast %get3A_1213 : vector<1x128xf32> to vector<128x128xf32>
    %add3A_1215 = arith.addf %dot_general3A_1210, %add3A_1214 : vector<128x128xf32>
    %lt3A_1216 = arith.cmpf olt, %add3A_1215, %min3A_1202 : vector<128x128xf32>
    %min3A_1217 = arith.minimumf %min3A_1202, %add3A_1215 : vector<128x128xf32>
    %jit3A_1218 = arith.constant 11 : i32
    %broadcast_in_dim3A_1219 = vector.broadcast %jit3A_1218 : i32 to vector<128x128xi32>
    %select_n3A_1220 = arith.select %lt3A_1216, %broadcast_in_dim3A_1219, %select_n3A_1205 : vector<128x128xi1>, vector<128x128xi32>
    %get3A_1221 = arith.constant 0 : index
    %get3A_1222 = arith.constant 1536 : index
    %get3A_1223 = vector.load %arg8[%get3A_1221, %get3A_1222] : memref<32x8192xf32, #tpu.memory_space<vmem>>, vector<32x128xf32>
    %dot_general3A_1224 = arith.constant dense<0.000000e+00> : vector<128x128xf32>
    %dot_general3A_1225 = tpu.matmul %mul3A_1036, %get3A_1223, %dot_general3A_1224 {dimension_numbers = #tpu.dot_dimension_numbers<[1], [0], [0], [1], [0, 0, 1, 1], [], []>, transpose_lhs_hint = false} : vector<128x32xf32>, vector<32x128xf32>, vector<128x128xf32> -> vector<128x128xf32>
    %get3A_1226 = arith.constant 0 : index
    %get3A_1227 = arith.constant 1536 : index
    %get3A_1228 = vector.load %arg9[%get3A_1226, %get3A_1227] : memref<1x8192xf32, #tpu.memory_space<vmem>>, vector<1x128xf32>
    %add3A_1229 = vector.broadcast %get3A_1228 : vector<1x128xf32> to vector<128x128xf32>
    %add3A_1230 = arith.addf %dot_general3A_1225, %add3A_1229 : vector<128x128xf32>
    %lt3A_1231 = arith.cmpf olt, %add3A_1230, %min3A_1217 : vector<128x128xf32>
    %min3A_1232 = arith.minimumf %min3A_1217, %add3A_1230 : vector<128x128xf32>
    %jit3A_1233 = arith.constant 12 : i32
    %broadcast_in_dim3A_1234 = vector.broadcast %jit3A_1233 : i32 to vector<128x128xi32>
    %select_n3A_1235 = arith.select %lt3A_1231, %broadcast_in_dim3A_1234, %select_n3A_1220 : vector<128x128xi1>, vector<128x128xi32>
    %get3A_1236 = arith.constant 0 : index
    %get3A_1237 = arith.constant 1664 : index
    %get3A_1238 = vector.load %arg8[%get3A_1236, %get3A_1237] : memref<32x8192xf32, #tpu.memory_space<vmem>>, vector<32x128xf32>
    %dot_general3A_1239 = arith.constant dense<0.000000e+00> : vector<128x128xf32>
    %dot_general3A_1240 = tpu.matmul %mul3A_1036, %get3A_1238, %dot_general3A_1239 {dimension_numbers = #tpu.dot_dimension_numbers<[1], [0], [0], [1], [0, 0, 1, 1], [], []>, transpose_lhs_hint = false} : vector<128x32xf32>, vector<32x128xf32>, vector<128x128xf32> -> vector<128x128xf32>
    %get3A_1241 = arith.constant 0 : index
    %get3A_1242 = arith.constant 1664 : index
    %get3A_1243 = vector.load %arg9[%get3A_1241, %get3A_1242] : memref<1x8192xf32, #tpu.memory_space<vmem>>, vector<1x128xf32>
    %add3A_1244 = vector.broadcast %get3A_1243 : vector<1x128xf32> to vector<128x128xf32>
    %add3A_1245 = arith.addf %dot_general3A_1240, %add3A_1244 : vector<128x128xf32>
    %lt3A_1246 = arith.cmpf olt, %add3A_1245, %min3A_1232 : vector<128x128xf32>
    %min3A_1247 = arith.minimumf %min3A_1232, %add3A_1245 : vector<128x128xf32>
    %jit3A_1248 = arith.constant 13 : i32
    %broadcast_in_dim3A_1249 = vector.broadcast %jit3A_1248 : i32 to vector<128x128xi32>
    %select_n3A_1250 = arith.select %lt3A_1246, %broadcast_in_dim3A_1249, %select_n3A_1235 : vector<128x128xi1>, vector<128x128xi32>
    %get3A_1251 = arith.constant 0 : index
    %get3A_1252 = arith.constant 1792 : index
    %get3A_1253 = vector.load %arg8[%get3A_1251, %get3A_1252] : memref<32x8192xf32, #tpu.memory_space<vmem>>, vector<32x128xf32>
    %dot_general3A_1254 = arith.constant dense<0.000000e+00> : vector<128x128xf32>
    %dot_general3A_1255 = tpu.matmul %mul3A_1036, %get3A_1253, %dot_general3A_1254 {dimension_numbers = #tpu.dot_dimension_numbers<[1], [0], [0], [1], [0, 0, 1, 1], [], []>, transpose_lhs_hint = false} : vector<128x32xf32>, vector<32x128xf32>, vector<128x128xf32> -> vector<128x128xf32>
    %get3A_1256 = arith.constant 0 : index
    %get3A_1257 = arith.constant 1792 : index
    %get3A_1258 = vector.load %arg9[%get3A_1256, %get3A_1257] : memref<1x8192xf32, #tpu.memory_space<vmem>>, vector<1x128xf32>
    %add3A_1259 = vector.broadcast %get3A_1258 : vector<1x128xf32> to vector<128x128xf32>
    %add3A_1260 = arith.addf %dot_general3A_1255, %add3A_1259 : vector<128x128xf32>
    %lt3A_1261 = arith.cmpf olt, %add3A_1260, %min3A_1247 : vector<128x128xf32>
    %min3A_1262 = arith.minimumf %min3A_1247, %add3A_1260 : vector<128x128xf32>
    %jit3A_1263 = arith.constant 14 : i32
    %broadcast_in_dim3A_1264 = vector.broadcast %jit3A_1263 : i32 to vector<128x128xi32>
    %select_n3A_1265 = arith.select %lt3A_1261, %broadcast_in_dim3A_1264, %select_n3A_1250 : vector<128x128xi1>, vector<128x128xi32>
    %get3A_1266 = arith.constant 0 : index
    %get3A_1267 = arith.constant 1920 : index
    %get3A_1268 = vector.load %arg8[%get3A_1266, %get3A_1267] : memref<32x8192xf32, #tpu.memory_space<vmem>>, vector<32x128xf32>
    %dot_general3A_1269 = arith.constant dense<0.000000e+00> : vector<128x128xf32>
    %dot_general3A_1270 = tpu.matmul %mul3A_1036, %get3A_1268, %dot_general3A_1269 {dimension_numbers = #tpu.dot_dimension_numbers<[1], [0], [0], [1], [0, 0, 1, 1], [], []>, transpose_lhs_hint = false} : vector<128x32xf32>, vector<32x128xf32>, vector<128x128xf32> -> vector<128x128xf32>
    %get3A_1271 = arith.constant 0 : index
    %get3A_1272 = arith.constant 1920 : index
    %get3A_1273 = vector.load %arg9[%get3A_1271, %get3A_1272] : memref<1x8192xf32, #tpu.memory_space<vmem>>, vector<1x128xf32>
    %add3A_1274 = vector.broadcast %get3A_1273 : vector<1x128xf32> to vector<128x128xf32>
    %add3A_1275 = arith.addf %dot_general3A_1270, %add3A_1274 : vector<128x128xf32>
    %lt3A_1276 = arith.cmpf olt, %add3A_1275, %min3A_1262 : vector<128x128xf32>
    %min3A_1277 = arith.minimumf %min3A_1262, %add3A_1275 : vector<128x128xf32>
    %jit3A_1278 = arith.constant 15 : i32
    %broadcast_in_dim3A_1279 = vector.broadcast %jit3A_1278 : i32 to vector<128x128xi32>
    %select_n3A_1280 = arith.select %lt3A_1276, %broadcast_in_dim3A_1279, %select_n3A_1265 : vector<128x128xi1>, vector<128x128xi32>
    %get3A_1281 = arith.constant 0 : index
    %get3A_1282 = arith.constant 2048 : index
    %get3A_1283 = vector.load %arg8[%get3A_1281, %get3A_1282] : memref<32x8192xf32, #tpu.memory_space<vmem>>, vector<32x128xf32>
    %dot_general3A_1284 = arith.constant dense<0.000000e+00> : vector<128x128xf32>
    %dot_general3A_1285 = tpu.matmul %mul3A_1036, %get3A_1283, %dot_general3A_1284 {dimension_numbers = #tpu.dot_dimension_numbers<[1], [0], [0], [1], [0, 0, 1, 1], [], []>, transpose_lhs_hint = false} : vector<128x32xf32>, vector<32x128xf32>, vector<128x128xf32> -> vector<128x128xf32>
    %get3A_1286 = arith.constant 0 : index
    %get3A_1287 = arith.constant 2048 : index
    %get3A_1288 = vector.load %arg9[%get3A_1286, %get3A_1287] : memref<1x8192xf32, #tpu.memory_space<vmem>>, vector<1x128xf32>
    %add3A_1289 = vector.broadcast %get3A_1288 : vector<1x128xf32> to vector<128x128xf32>
    %add3A_1290 = arith.addf %dot_general3A_1285, %add3A_1289 : vector<128x128xf32>
    %lt3A_1291 = arith.cmpf olt, %add3A_1290, %min3A_1277 : vector<128x128xf32>
    %min3A_1292 = arith.minimumf %min3A_1277, %add3A_1290 : vector<128x128xf32>
    %jit3A_1293 = arith.constant 16 : i32
    %broadcast_in_dim3A_1294 = vector.broadcast %jit3A_1293 : i32 to vector<128x128xi32>
    %select_n3A_1295 = arith.select %lt3A_1291, %broadcast_in_dim3A_1294, %select_n3A_1280 : vector<128x128xi1>, vector<128x128xi32>
    %get3A_1296 = arith.constant 0 : index
    %get3A_1297 = arith.constant 2176 : index
    %get3A_1298 = vector.load %arg8[%get3A_1296, %get3A_1297] : memref<32x8192xf32, #tpu.memory_space<vmem>>, vector<32x128xf32>
    %dot_general3A_1299 = arith.constant dense<0.000000e+00> : vector<128x128xf32>
    %dot_general3A_1300 = tpu.matmul %mul3A_1036, %get3A_1298, %dot_general3A_1299 {dimension_numbers = #tpu.dot_dimension_numbers<[1], [0], [0], [1], [0, 0, 1, 1], [], []>, transpose_lhs_hint = false} : vector<128x32xf32>, vector<32x128xf32>, vector<128x128xf32> -> vector<128x128xf32>
    %get3A_1301 = arith.constant 0 : index
    %get3A_1302 = arith.constant 2176 : index
    %get3A_1303 = vector.load %arg9[%get3A_1301, %get3A_1302] : memref<1x8192xf32, #tpu.memory_space<vmem>>, vector<1x128xf32>
    %add3A_1304 = vector.broadcast %get3A_1303 : vector<1x128xf32> to vector<128x128xf32>
    %add3A_1305 = arith.addf %dot_general3A_1300, %add3A_1304 : vector<128x128xf32>
    %lt3A_1306 = arith.cmpf olt, %add3A_1305, %min3A_1292 : vector<128x128xf32>
    %min3A_1307 = arith.minimumf %min3A_1292, %add3A_1305 : vector<128x128xf32>
    %jit3A_1308 = arith.constant 17 : i32
    %broadcast_in_dim3A_1309 = vector.broadcast %jit3A_1308 : i32 to vector<128x128xi32>
    %select_n3A_1310 = arith.select %lt3A_1306, %broadcast_in_dim3A_1309, %select_n3A_1295 : vector<128x128xi1>, vector<128x128xi32>
    %get3A_1311 = arith.constant 0 : index
    %get3A_1312 = arith.constant 2304 : index
    %get3A_1313 = vector.load %arg8[%get3A_1311, %get3A_1312] : memref<32x8192xf32, #tpu.memory_space<vmem>>, vector<32x128xf32>
    %dot_general3A_1314 = arith.constant dense<0.000000e+00> : vector<128x128xf32>
    %dot_general3A_1315 = tpu.matmul %mul3A_1036, %get3A_1313, %dot_general3A_1314 {dimension_numbers = #tpu.dot_dimension_numbers<[1], [0], [0], [1], [0, 0, 1, 1], [], []>, transpose_lhs_hint = false} : vector<128x32xf32>, vector<32x128xf32>, vector<128x128xf32> -> vector<128x128xf32>
    %get3A_1316 = arith.constant 0 : index
    %get3A_1317 = arith.constant 2304 : index
    %get3A_1318 = vector.load %arg9[%get3A_1316, %get3A_1317] : memref<1x8192xf32, #tpu.memory_space<vmem>>, vector<1x128xf32>
    %add3A_1319 = vector.broadcast %get3A_1318 : vector<1x128xf32> to vector<128x128xf32>
    %add3A_1320 = arith.addf %dot_general3A_1315, %add3A_1319 : vector<128x128xf32>
    %lt3A_1321 = arith.cmpf olt, %add3A_1320, %min3A_1307 : vector<128x128xf32>
    %min3A_1322 = arith.minimumf %min3A_1307, %add3A_1320 : vector<128x128xf32>
    %jit3A_1323 = arith.constant 18 : i32
    %broadcast_in_dim3A_1324 = vector.broadcast %jit3A_1323 : i32 to vector<128x128xi32>
    %select_n3A_1325 = arith.select %lt3A_1321, %broadcast_in_dim3A_1324, %select_n3A_1310 : vector<128x128xi1>, vector<128x128xi32>
    %get3A_1326 = arith.constant 0 : index
    %get3A_1327 = arith.constant 2432 : index
    %get3A_1328 = vector.load %arg8[%get3A_1326, %get3A_1327] : memref<32x8192xf32, #tpu.memory_space<vmem>>, vector<32x128xf32>
    %dot_general3A_1329 = arith.constant dense<0.000000e+00> : vector<128x128xf32>
    %dot_general3A_1330 = tpu.matmul %mul3A_1036, %get3A_1328, %dot_general3A_1329 {dimension_numbers = #tpu.dot_dimension_numbers<[1], [0], [0], [1], [0, 0, 1, 1], [], []>, transpose_lhs_hint = false} : vector<128x32xf32>, vector<32x128xf32>, vector<128x128xf32> -> vector<128x128xf32>
    %get3A_1331 = arith.constant 0 : index
    %get3A_1332 = arith.constant 2432 : index
    %get3A_1333 = vector.load %arg9[%get3A_1331, %get3A_1332] : memref<1x8192xf32, #tpu.memory_space<vmem>>, vector<1x128xf32>
    %add3A_1334 = vector.broadcast %get3A_1333 : vector<1x128xf32> to vector<128x128xf32>
    %add3A_1335 = arith.addf %dot_general3A_1330, %add3A_1334 : vector<128x128xf32>
    %lt3A_1336 = arith.cmpf olt, %add3A_1335, %min3A_1322 : vector<128x128xf32>
    %min3A_1337 = arith.minimumf %min3A_1322, %add3A_1335 : vector<128x128xf32>
    %jit3A_1338 = arith.constant 19 : i32
    %broadcast_in_dim3A_1339 = vector.broadcast %jit3A_1338 : i32 to vector<128x128xi32>
    %select_n3A_1340 = arith.select %lt3A_1336, %broadcast_in_dim3A_1339, %select_n3A_1325 : vector<128x128xi1>, vector<128x128xi32>
    %get3A_1341 = arith.constant 0 : index
    %get3A_1342 = arith.constant 2560 : index
    %get3A_1343 = vector.load %arg8[%get3A_1341, %get3A_1342] : memref<32x8192xf32, #tpu.memory_space<vmem>>, vector<32x128xf32>
    %dot_general3A_1344 = arith.constant dense<0.000000e+00> : vector<128x128xf32>
    %dot_general3A_1345 = tpu.matmul %mul3A_1036, %get3A_1343, %dot_general3A_1344 {dimension_numbers = #tpu.dot_dimension_numbers<[1], [0], [0], [1], [0, 0, 1, 1], [], []>, transpose_lhs_hint = false} : vector<128x32xf32>, vector<32x128xf32>, vector<128x128xf32> -> vector<128x128xf32>
    %get3A_1346 = arith.constant 0 : index
    %get3A_1347 = arith.constant 2560 : index
    %get3A_1348 = vector.load %arg9[%get3A_1346, %get3A_1347] : memref<1x8192xf32, #tpu.memory_space<vmem>>, vector<1x128xf32>
    %add3A_1349 = vector.broadcast %get3A_1348 : vector<1x128xf32> to vector<128x128xf32>
    %add3A_1350 = arith.addf %dot_general3A_1345, %add3A_1349 : vector<128x128xf32>
    %lt3A_1351 = arith.cmpf olt, %add3A_1350, %min3A_1337 : vector<128x128xf32>
    %min3A_1352 = arith.minimumf %min3A_1337, %add3A_1350 : vector<128x128xf32>
    %jit3A_1353 = arith.constant 20 : i32
    %broadcast_in_dim3A_1354 = vector.broadcast %jit3A_1353 : i32 to vector<128x128xi32>
    %select_n3A_1355 = arith.select %lt3A_1351, %broadcast_in_dim3A_1354, %select_n3A_1340 : vector<128x128xi1>, vector<128x128xi32>
    %get3A_1356 = arith.constant 0 : index
    %get3A_1357 = arith.constant 2688 : index
    %get3A_1358 = vector.load %arg8[%get3A_1356, %get3A_1357] : memref<32x8192xf32, #tpu.memory_space<vmem>>, vector<32x128xf32>
    %dot_general3A_1359 = arith.constant dense<0.000000e+00> : vector<128x128xf32>
    %dot_general3A_1360 = tpu.matmul %mul3A_1036, %get3A_1358, %dot_general3A_1359 {dimension_numbers = #tpu.dot_dimension_numbers<[1], [0], [0], [1], [0, 0, 1, 1], [], []>, transpose_lhs_hint = false} : vector<128x32xf32>, vector<32x128xf32>, vector<128x128xf32> -> vector<128x128xf32>
    %get3A_1361 = arith.constant 0 : index
    %get3A_1362 = arith.constant 2688 : index
    %get3A_1363 = vector.load %arg9[%get3A_1361, %get3A_1362] : memref<1x8192xf32, #tpu.memory_space<vmem>>, vector<1x128xf32>
    %add3A_1364 = vector.broadcast %get3A_1363 : vector<1x128xf32> to vector<128x128xf32>
    %add3A_1365 = arith.addf %dot_general3A_1360, %add3A_1364 : vector<128x128xf32>
    %lt3A_1366 = arith.cmpf olt, %add3A_1365, %min3A_1352 : vector<128x128xf32>
    %min3A_1367 = arith.minimumf %min3A_1352, %add3A_1365 : vector<128x128xf32>
    %jit3A_1368 = arith.constant 21 : i32
    %broadcast_in_dim3A_1369 = vector.broadcast %jit3A_1368 : i32 to vector<128x128xi32>
    %select_n3A_1370 = arith.select %lt3A_1366, %broadcast_in_dim3A_1369, %select_n3A_1355 : vector<128x128xi1>, vector<128x128xi32>
    %get3A_1371 = arith.constant 0 : index
    %get3A_1372 = arith.constant 2816 : index
    %get3A_1373 = vector.load %arg8[%get3A_1371, %get3A_1372] : memref<32x8192xf32, #tpu.memory_space<vmem>>, vector<32x128xf32>
    %dot_general3A_1374 = arith.constant dense<0.000000e+00> : vector<128x128xf32>
    %dot_general3A_1375 = tpu.matmul %mul3A_1036, %get3A_1373, %dot_general3A_1374 {dimension_numbers = #tpu.dot_dimension_numbers<[1], [0], [0], [1], [0, 0, 1, 1], [], []>, transpose_lhs_hint = false} : vector<128x32xf32>, vector<32x128xf32>, vector<128x128xf32> -> vector<128x128xf32>
    %get3A_1376 = arith.constant 0 : index
    %get3A_1377 = arith.constant 2816 : index
    %get3A_1378 = vector.load %arg9[%get3A_1376, %get3A_1377] : memref<1x8192xf32, #tpu.memory_space<vmem>>, vector<1x128xf32>
    %add3A_1379 = vector.broadcast %get3A_1378 : vector<1x128xf32> to vector<128x128xf32>
    %add3A_1380 = arith.addf %dot_general3A_1375, %add3A_1379 : vector<128x128xf32>
    %lt3A_1381 = arith.cmpf olt, %add3A_1380, %min3A_1367 : vector<128x128xf32>
    %min3A_1382 = arith.minimumf %min3A_1367, %add3A_1380 : vector<128x128xf32>
    %jit3A_1383 = arith.constant 22 : i32
    %broadcast_in_dim3A_1384 = vector.broadcast %jit3A_1383 : i32 to vector<128x128xi32>
    %select_n3A_1385 = arith.select %lt3A_1381, %broadcast_in_dim3A_1384, %select_n3A_1370 : vector<128x128xi1>, vector<128x128xi32>
    %get3A_1386 = arith.constant 0 : index
    %get3A_1387 = arith.constant 2944 : index
    %get3A_1388 = vector.load %arg8[%get3A_1386, %get3A_1387] : memref<32x8192xf32, #tpu.memory_space<vmem>>, vector<32x128xf32>
    %dot_general3A_1389 = arith.constant dense<0.000000e+00> : vector<128x128xf32>
    %dot_general3A_1390 = tpu.matmul %mul3A_1036, %get3A_1388, %dot_general3A_1389 {dimension_numbers = #tpu.dot_dimension_numbers<[1], [0], [0], [1], [0, 0, 1, 1], [], []>, transpose_lhs_hint = false} : vector<128x32xf32>, vector<32x128xf32>, vector<128x128xf32> -> vector<128x128xf32>
    %get3A_1391 = arith.constant 0 : index
    %get3A_1392 = arith.constant 2944 : index
    %get3A_1393 = vector.load %arg9[%get3A_1391, %get3A_1392] : memref<1x8192xf32, #tpu.memory_space<vmem>>, vector<1x128xf32>
    %add3A_1394 = vector.broadcast %get3A_1393 : vector<1x128xf32> to vector<128x128xf32>
    %add3A_1395 = arith.addf %dot_general3A_1390, %add3A_1394 : vector<128x128xf32>
    %lt3A_1396 = arith.cmpf olt, %add3A_1395, %min3A_1382 : vector<128x128xf32>
    %min3A_1397 = arith.minimumf %min3A_1382, %add3A_1395 : vector<128x128xf32>
    %jit3A_1398 = arith.constant 23 : i32
    %broadcast_in_dim3A_1399 = vector.broadcast %jit3A_1398 : i32 to vector<128x128xi32>
    %select_n3A_1400 = arith.select %lt3A_1396, %broadcast_in_dim3A_1399, %select_n3A_1385 : vector<128x128xi1>, vector<128x128xi32>
    %get3A_1401 = arith.constant 0 : index
    %get3A_1402 = arith.constant 3072 : index
    %get3A_1403 = vector.load %arg8[%get3A_1401, %get3A_1402] : memref<32x8192xf32, #tpu.memory_space<vmem>>, vector<32x128xf32>
    %dot_general3A_1404 = arith.constant dense<0.000000e+00> : vector<128x128xf32>
    %dot_general3A_1405 = tpu.matmul %mul3A_1036, %get3A_1403, %dot_general3A_1404 {dimension_numbers = #tpu.dot_dimension_numbers<[1], [0], [0], [1], [0, 0, 1, 1], [], []>, transpose_lhs_hint = false} : vector<128x32xf32>, vector<32x128xf32>, vector<128x128xf32> -> vector<128x128xf32>
    %get3A_1406 = arith.constant 0 : index
    %get3A_1407 = arith.constant 3072 : index
    %get3A_1408 = vector.load %arg9[%get3A_1406, %get3A_1407] : memref<1x8192xf32, #tpu.memory_space<vmem>>, vector<1x128xf32>
    %add3A_1409 = vector.broadcast %get3A_1408 : vector<1x128xf32> to vector<128x128xf32>
    %add3A_1410 = arith.addf %dot_general3A_1405, %add3A_1409 : vector<128x128xf32>
    %lt3A_1411 = arith.cmpf olt, %add3A_1410, %min3A_1397 : vector<128x128xf32>
    %min3A_1412 = arith.minimumf %min3A_1397, %add3A_1410 : vector<128x128xf32>
    %jit3A_1413 = arith.constant 24 : i32
    %broadcast_in_dim3A_1414 = vector.broadcast %jit3A_1413 : i32 to vector<128x128xi32>
    %select_n3A_1415 = arith.select %lt3A_1411, %broadcast_in_dim3A_1414, %select_n3A_1400 : vector<128x128xi1>, vector<128x128xi32>
    %get3A_1416 = arith.constant 0 : index
    %get3A_1417 = arith.constant 3200 : index
    %get3A_1418 = vector.load %arg8[%get3A_1416, %get3A_1417] : memref<32x8192xf32, #tpu.memory_space<vmem>>, vector<32x128xf32>
    %dot_general3A_1419 = arith.constant dense<0.000000e+00> : vector<128x128xf32>
    %dot_general3A_1420 = tpu.matmul %mul3A_1036, %get3A_1418, %dot_general3A_1419 {dimension_numbers = #tpu.dot_dimension_numbers<[1], [0], [0], [1], [0, 0, 1, 1], [], []>, transpose_lhs_hint = false} : vector<128x32xf32>, vector<32x128xf32>, vector<128x128xf32> -> vector<128x128xf32>
    %get3A_1421 = arith.constant 0 : index
    %get3A_1422 = arith.constant 3200 : index
    %get3A_1423 = vector.load %arg9[%get3A_1421, %get3A_1422] : memref<1x8192xf32, #tpu.memory_space<vmem>>, vector<1x128xf32>
    %add3A_1424 = vector.broadcast %get3A_1423 : vector<1x128xf32> to vector<128x128xf32>
    %add3A_1425 = arith.addf %dot_general3A_1420, %add3A_1424 : vector<128x128xf32>
    %lt3A_1426 = arith.cmpf olt, %add3A_1425, %min3A_1412 : vector<128x128xf32>
    %min3A_1427 = arith.minimumf %min3A_1412, %add3A_1425 : vector<128x128xf32>
    %jit3A_1428 = arith.constant 25 : i32
    %broadcast_in_dim3A_1429 = vector.broadcast %jit3A_1428 : i32 to vector<128x128xi32>
    %select_n3A_1430 = arith.select %lt3A_1426, %broadcast_in_dim3A_1429, %select_n3A_1415 : vector<128x128xi1>, vector<128x128xi32>
    %get3A_1431 = arith.constant 0 : index
    %get3A_1432 = arith.constant 3328 : index
    %get3A_1433 = vector.load %arg8[%get3A_1431, %get3A_1432] : memref<32x8192xf32, #tpu.memory_space<vmem>>, vector<32x128xf32>
    %dot_general3A_1434 = arith.constant dense<0.000000e+00> : vector<128x128xf32>
    %dot_general3A_1435 = tpu.matmul %mul3A_1036, %get3A_1433, %dot_general3A_1434 {dimension_numbers = #tpu.dot_dimension_numbers<[1], [0], [0], [1], [0, 0, 1, 1], [], []>, transpose_lhs_hint = false} : vector<128x32xf32>, vector<32x128xf32>, vector<128x128xf32> -> vector<128x128xf32>
    %get3A_1436 = arith.constant 0 : index
    %get3A_1437 = arith.constant 3328 : index
    %get3A_1438 = vector.load %arg9[%get3A_1436, %get3A_1437] : memref<1x8192xf32, #tpu.memory_space<vmem>>, vector<1x128xf32>
    %add3A_1439 = vector.broadcast %get3A_1438 : vector<1x128xf32> to vector<128x128xf32>
    %add3A_1440 = arith.addf %dot_general3A_1435, %add3A_1439 : vector<128x128xf32>
    %lt3A_1441 = arith.cmpf olt, %add3A_1440, %min3A_1427 : vector<128x128xf32>
    %min3A_1442 = arith.minimumf %min3A_1427, %add3A_1440 : vector<128x128xf32>
    %jit3A_1443 = arith.constant 26 : i32
    %broadcast_in_dim3A_1444 = vector.broadcast %jit3A_1443 : i32 to vector<128x128xi32>
    %select_n3A_1445 = arith.select %lt3A_1441, %broadcast_in_dim3A_1444, %select_n3A_1430 : vector<128x128xi1>, vector<128x128xi32>
    %get3A_1446 = arith.constant 0 : index
    %get3A_1447 = arith.constant 3456 : index
    %get3A_1448 = vector.load %arg8[%get3A_1446, %get3A_1447] : memref<32x8192xf32, #tpu.memory_space<vmem>>, vector<32x128xf32>
    %dot_general3A_1449 = arith.constant dense<0.000000e+00> : vector<128x128xf32>
    %dot_general3A_1450 = tpu.matmul %mul3A_1036, %get3A_1448, %dot_general3A_1449 {dimension_numbers = #tpu.dot_dimension_numbers<[1], [0], [0], [1], [0, 0, 1, 1], [], []>, transpose_lhs_hint = false} : vector<128x32xf32>, vector<32x128xf32>, vector<128x128xf32> -> vector<128x128xf32>
    %get3A_1451 = arith.constant 0 : index
    %get3A_1452 = arith.constant 3456 : index
    %get3A_1453 = vector.load %arg9[%get3A_1451, %get3A_1452] : memref<1x8192xf32, #tpu.memory_space<vmem>>, vector<1x128xf32>
    %add3A_1454 = vector.broadcast %get3A_1453 : vector<1x128xf32> to vector<128x128xf32>
    %add3A_1455 = arith.addf %dot_general3A_1450, %add3A_1454 : vector<128x128xf32>
    %lt3A_1456 = arith.cmpf olt, %add3A_1455, %min3A_1442 : vector<128x128xf32>
    %min3A_1457 = arith.minimumf %min3A_1442, %add3A_1455 : vector<128x128xf32>
    %jit3A_1458 = arith.constant 27 : i32
    %broadcast_in_dim3A_1459 = vector.broadcast %jit3A_1458 : i32 to vector<128x128xi32>
    %select_n3A_1460 = arith.select %lt3A_1456, %broadcast_in_dim3A_1459, %select_n3A_1445 : vector<128x128xi1>, vector<128x128xi32>
    %get3A_1461 = arith.constant 0 : index
    %get3A_1462 = arith.constant 3584 : index
    %get3A_1463 = vector.load %arg8[%get3A_1461, %get3A_1462] : memref<32x8192xf32, #tpu.memory_space<vmem>>, vector<32x128xf32>
    %dot_general3A_1464 = arith.constant dense<0.000000e+00> : vector<128x128xf32>
    %dot_general3A_1465 = tpu.matmul %mul3A_1036, %get3A_1463, %dot_general3A_1464 {dimension_numbers = #tpu.dot_dimension_numbers<[1], [0], [0], [1], [0, 0, 1, 1], [], []>, transpose_lhs_hint = false} : vector<128x32xf32>, vector<32x128xf32>, vector<128x128xf32> -> vector<128x128xf32>
    %get3A_1466 = arith.constant 0 : index
    %get3A_1467 = arith.constant 3584 : index
    %get3A_1468 = vector.load %arg9[%get3A_1466, %get3A_1467] : memref<1x8192xf32, #tpu.memory_space<vmem>>, vector<1x128xf32>
    %add3A_1469 = vector.broadcast %get3A_1468 : vector<1x128xf32> to vector<128x128xf32>
    %add3A_1470 = arith.addf %dot_general3A_1465, %add3A_1469 : vector<128x128xf32>
    %lt3A_1471 = arith.cmpf olt, %add3A_1470, %min3A_1457 : vector<128x128xf32>
    %min3A_1472 = arith.minimumf %min3A_1457, %add3A_1470 : vector<128x128xf32>
    %jit3A_1473 = arith.constant 28 : i32
    %broadcast_in_dim3A_1474 = vector.broadcast %jit3A_1473 : i32 to vector<128x128xi32>
    %select_n3A_1475 = arith.select %lt3A_1471, %broadcast_in_dim3A_1474, %select_n3A_1460 : vector<128x128xi1>, vector<128x128xi32>
    %get3A_1476 = arith.constant 0 : index
    %get3A_1477 = arith.constant 3712 : index
    %get3A_1478 = vector.load %arg8[%get3A_1476, %get3A_1477] : memref<32x8192xf32, #tpu.memory_space<vmem>>, vector<32x128xf32>
    %dot_general3A_1479 = arith.constant dense<0.000000e+00> : vector<128x128xf32>
    %dot_general3A_1480 = tpu.matmul %mul3A_1036, %get3A_1478, %dot_general3A_1479 {dimension_numbers = #tpu.dot_dimension_numbers<[1], [0], [0], [1], [0, 0, 1, 1], [], []>, transpose_lhs_hint = false} : vector<128x32xf32>, vector<32x128xf32>, vector<128x128xf32> -> vector<128x128xf32>
    %get3A_1481 = arith.constant 0 : index
    %get3A_1482 = arith.constant 3712 : index
    %get3A_1483 = vector.load %arg9[%get3A_1481, %get3A_1482] : memref<1x8192xf32, #tpu.memory_space<vmem>>, vector<1x128xf32>
    %add3A_1484 = vector.broadcast %get3A_1483 : vector<1x128xf32> to vector<128x128xf32>
    %add3A_1485 = arith.addf %dot_general3A_1480, %add3A_1484 : vector<128x128xf32>
    %lt3A_1486 = arith.cmpf olt, %add3A_1485, %min3A_1472 : vector<128x128xf32>
    %min3A_1487 = arith.minimumf %min3A_1472, %add3A_1485 : vector<128x128xf32>
    %jit3A_1488 = arith.constant 29 : i32
    %broadcast_in_dim3A_1489 = vector.broadcast %jit3A_1488 : i32 to vector<128x128xi32>
    %select_n3A_1490 = arith.select %lt3A_1486, %broadcast_in_dim3A_1489, %select_n3A_1475 : vector<128x128xi1>, vector<128x128xi32>
    %get3A_1491 = arith.constant 0 : index
    %get3A_1492 = arith.constant 3840 : index
    %get3A_1493 = vector.load %arg8[%get3A_1491, %get3A_1492] : memref<32x8192xf32, #tpu.memory_space<vmem>>, vector<32x128xf32>
    %dot_general3A_1494 = arith.constant dense<0.000000e+00> : vector<128x128xf32>
    %dot_general3A_1495 = tpu.matmul %mul3A_1036, %get3A_1493, %dot_general3A_1494 {dimension_numbers = #tpu.dot_dimension_numbers<[1], [0], [0], [1], [0, 0, 1, 1], [], []>, transpose_lhs_hint = false} : vector<128x32xf32>, vector<32x128xf32>, vector<128x128xf32> -> vector<128x128xf32>
    %get3A_1496 = arith.constant 0 : index
    %get3A_1497 = arith.constant 3840 : index
    %get3A_1498 = vector.load %arg9[%get3A_1496, %get3A_1497] : memref<1x8192xf32, #tpu.memory_space<vmem>>, vector<1x128xf32>
    %add3A_1499 = vector.broadcast %get3A_1498 : vector<1x128xf32> to vector<128x128xf32>
    %add3A_1500 = arith.addf %dot_general3A_1495, %add3A_1499 : vector<128x128xf32>
    %lt3A_1501 = arith.cmpf olt, %add3A_1500, %min3A_1487 : vector<128x128xf32>
    %min3A_1502 = arith.minimumf %min3A_1487, %add3A_1500 : vector<128x128xf32>
    %jit3A_1503 = arith.constant 30 : i32
    %broadcast_in_dim3A_1504 = vector.broadcast %jit3A_1503 : i32 to vector<128x128xi32>
    %select_n3A_1505 = arith.select %lt3A_1501, %broadcast_in_dim3A_1504, %select_n3A_1490 : vector<128x128xi1>, vector<128x128xi32>
    %get3A_1506 = arith.constant 0 : index
    %get3A_1507 = arith.constant 3968 : index
    %get3A_1508 = vector.load %arg8[%get3A_1506, %get3A_1507] : memref<32x8192xf32, #tpu.memory_space<vmem>>, vector<32x128xf32>
    %dot_general3A_1509 = arith.constant dense<0.000000e+00> : vector<128x128xf32>
    %dot_general3A_1510 = tpu.matmul %mul3A_1036, %get3A_1508, %dot_general3A_1509 {dimension_numbers = #tpu.dot_dimension_numbers<[1], [0], [0], [1], [0, 0, 1, 1], [], []>, transpose_lhs_hint = false} : vector<128x32xf32>, vector<32x128xf32>, vector<128x128xf32> -> vector<128x128xf32>
    %get3A_1511 = arith.constant 0 : index
    %get3A_1512 = arith.constant 3968 : index
    %get3A_1513 = vector.load %arg9[%get3A_1511, %get3A_1512] : memref<1x8192xf32, #tpu.memory_space<vmem>>, vector<1x128xf32>
    %add3A_1514 = vector.broadcast %get3A_1513 : vector<1x128xf32> to vector<128x128xf32>
    %add3A_1515 = arith.addf %dot_general3A_1510, %add3A_1514 : vector<128x128xf32>
    %lt3A_1516 = arith.cmpf olt, %add3A_1515, %min3A_1502 : vector<128x128xf32>
    %min3A_1517 = arith.minimumf %min3A_1502, %add3A_1515 : vector<128x128xf32>
    %jit3A_1518 = arith.constant 31 : i32
    %broadcast_in_dim3A_1519 = vector.broadcast %jit3A_1518 : i32 to vector<128x128xi32>
    %select_n3A_1520 = arith.select %lt3A_1516, %broadcast_in_dim3A_1519, %select_n3A_1505 : vector<128x128xi1>, vector<128x128xi32>
    %get3A_1521 = arith.constant 0 : index
    %get3A_1522 = arith.constant 4096 : index
    %get3A_1523 = vector.load %arg8[%get3A_1521, %get3A_1522] : memref<32x8192xf32, #tpu.memory_space<vmem>>, vector<32x128xf32>
    %dot_general3A_1524 = arith.constant dense<0.000000e+00> : vector<128x128xf32>
    %dot_general3A_1525 = tpu.matmul %mul3A_1036, %get3A_1523, %dot_general3A_1524 {dimension_numbers = #tpu.dot_dimension_numbers<[1], [0], [0], [1], [0, 0, 1, 1], [], []>, transpose_lhs_hint = false} : vector<128x32xf32>, vector<32x128xf32>, vector<128x128xf32> -> vector<128x128xf32>
    %get3A_1526 = arith.constant 0 : index
    %get3A_1527 = arith.constant 4096 : index
    %get3A_1528 = vector.load %arg9[%get3A_1526, %get3A_1527] : memref<1x8192xf32, #tpu.memory_space<vmem>>, vector<1x128xf32>
    %add3A_1529 = vector.broadcast %get3A_1528 : vector<1x128xf32> to vector<128x128xf32>
    %add3A_1530 = arith.addf %dot_general3A_1525, %add3A_1529 : vector<128x128xf32>
    %lt3A_1531 = arith.cmpf olt, %add3A_1530, %min3A_1517 : vector<128x128xf32>
    %min3A_1532 = arith.minimumf %min3A_1517, %add3A_1530 : vector<128x128xf32>
    %jit3A_1533 = arith.constant 32 : i32
    %broadcast_in_dim3A_1534 = vector.broadcast %jit3A_1533 : i32 to vector<128x128xi32>
    %select_n3A_1535 = arith.select %lt3A_1531, %broadcast_in_dim3A_1534, %select_n3A_1520 : vector<128x128xi1>, vector<128x128xi32>
    %get3A_1536 = arith.constant 0 : index
    %get3A_1537 = arith.constant 4224 : index
    %get3A_1538 = vector.load %arg8[%get3A_1536, %get3A_1537] : memref<32x8192xf32, #tpu.memory_space<vmem>>, vector<32x128xf32>
    %dot_general3A_1539 = arith.constant dense<0.000000e+00> : vector<128x128xf32>
    %dot_general3A_1540 = tpu.matmul %mul3A_1036, %get3A_1538, %dot_general3A_1539 {dimension_numbers = #tpu.dot_dimension_numbers<[1], [0], [0], [1], [0, 0, 1, 1], [], []>, transpose_lhs_hint = false} : vector<128x32xf32>, vector<32x128xf32>, vector<128x128xf32> -> vector<128x128xf32>
    %get3A_1541 = arith.constant 0 : index
    %get3A_1542 = arith.constant 4224 : index
    %get3A_1543 = vector.load %arg9[%get3A_1541, %get3A_1542] : memref<1x8192xf32, #tpu.memory_space<vmem>>, vector<1x128xf32>
    %add3A_1544 = vector.broadcast %get3A_1543 : vector<1x128xf32> to vector<128x128xf32>
    %add3A_1545 = arith.addf %dot_general3A_1540, %add3A_1544 : vector<128x128xf32>
    %lt3A_1546 = arith.cmpf olt, %add3A_1545, %min3A_1532 : vector<128x128xf32>
    %min3A_1547 = arith.minimumf %min3A_1532, %add3A_1545 : vector<128x128xf32>
    %jit3A_1548 = arith.constant 33 : i32
    %broadcast_in_dim3A_1549 = vector.broadcast %jit3A_1548 : i32 to vector<128x128xi32>
    %select_n3A_1550 = arith.select %lt3A_1546, %broadcast_in_dim3A_1549, %select_n3A_1535 : vector<128x128xi1>, vector<128x128xi32>
    %get3A_1551 = arith.constant 0 : index
    %get3A_1552 = arith.constant 4352 : index
    %get3A_1553 = vector.load %arg8[%get3A_1551, %get3A_1552] : memref<32x8192xf32, #tpu.memory_space<vmem>>, vector<32x128xf32>
    %dot_general3A_1554 = arith.constant dense<0.000000e+00> : vector<128x128xf32>
    %dot_general3A_1555 = tpu.matmul %mul3A_1036, %get3A_1553, %dot_general3A_1554 {dimension_numbers = #tpu.dot_dimension_numbers<[1], [0], [0], [1], [0, 0, 1, 1], [], []>, transpose_lhs_hint = false} : vector<128x32xf32>, vector<32x128xf32>, vector<128x128xf32> -> vector<128x128xf32>
    %get3A_1556 = arith.constant 0 : index
    %get3A_1557 = arith.constant 4352 : index
    %get3A_1558 = vector.load %arg9[%get3A_1556, %get3A_1557] : memref<1x8192xf32, #tpu.memory_space<vmem>>, vector<1x128xf32>
    %add3A_1559 = vector.broadcast %get3A_1558 : vector<1x128xf32> to vector<128x128xf32>
    %add3A_1560 = arith.addf %dot_general3A_1555, %add3A_1559 : vector<128x128xf32>
    %lt3A_1561 = arith.cmpf olt, %add3A_1560, %min3A_1547 : vector<128x128xf32>
    %min3A_1562 = arith.minimumf %min3A_1547, %add3A_1560 : vector<128x128xf32>
    %jit3A_1563 = arith.constant 34 : i32
    %broadcast_in_dim3A_1564 = vector.broadcast %jit3A_1563 : i32 to vector<128x128xi32>
    %select_n3A_1565 = arith.select %lt3A_1561, %broadcast_in_dim3A_1564, %select_n3A_1550 : vector<128x128xi1>, vector<128x128xi32>
    %get3A_1566 = arith.constant 0 : index
    %get3A_1567 = arith.constant 4480 : index
    %get3A_1568 = vector.load %arg8[%get3A_1566, %get3A_1567] : memref<32x8192xf32, #tpu.memory_space<vmem>>, vector<32x128xf32>
    %dot_general3A_1569 = arith.constant dense<0.000000e+00> : vector<128x128xf32>
    %dot_general3A_1570 = tpu.matmul %mul3A_1036, %get3A_1568, %dot_general3A_1569 {dimension_numbers = #tpu.dot_dimension_numbers<[1], [0], [0], [1], [0, 0, 1, 1], [], []>, transpose_lhs_hint = false} : vector<128x32xf32>, vector<32x128xf32>, vector<128x128xf32> -> vector<128x128xf32>
    %get3A_1571 = arith.constant 0 : index
    %get3A_1572 = arith.constant 4480 : index
    %get3A_1573 = vector.load %arg9[%get3A_1571, %get3A_1572] : memref<1x8192xf32, #tpu.memory_space<vmem>>, vector<1x128xf32>
    %add3A_1574 = vector.broadcast %get3A_1573 : vector<1x128xf32> to vector<128x128xf32>
    %add3A_1575 = arith.addf %dot_general3A_1570, %add3A_1574 : vector<128x128xf32>
    %lt3A_1576 = arith.cmpf olt, %add3A_1575, %min3A_1562 : vector<128x128xf32>
    %min3A_1577 = arith.minimumf %min3A_1562, %add3A_1575 : vector<128x128xf32>
    %jit3A_1578 = arith.constant 35 : i32
    %broadcast_in_dim3A_1579 = vector.broadcast %jit3A_1578 : i32 to vector<128x128xi32>
    %select_n3A_1580 = arith.select %lt3A_1576, %broadcast_in_dim3A_1579, %select_n3A_1565 : vector<128x128xi1>, vector<128x128xi32>
    %get3A_1581 = arith.constant 0 : index
    %get3A_1582 = arith.constant 4608 : index
    %get3A_1583 = vector.load %arg8[%get3A_1581, %get3A_1582] : memref<32x8192xf32, #tpu.memory_space<vmem>>, vector<32x128xf32>
    %dot_general3A_1584 = arith.constant dense<0.000000e+00> : vector<128x128xf32>
    %dot_general3A_1585 = tpu.matmul %mul3A_1036, %get3A_1583, %dot_general3A_1584 {dimension_numbers = #tpu.dot_dimension_numbers<[1], [0], [0], [1], [0, 0, 1, 1], [], []>, transpose_lhs_hint = false} : vector<128x32xf32>, vector<32x128xf32>, vector<128x128xf32> -> vector<128x128xf32>
    %get3A_1586 = arith.constant 0 : index
    %get3A_1587 = arith.constant 4608 : index
    %get3A_1588 = vector.load %arg9[%get3A_1586, %get3A_1587] : memref<1x8192xf32, #tpu.memory_space<vmem>>, vector<1x128xf32>
    %add3A_1589 = vector.broadcast %get3A_1588 : vector<1x128xf32> to vector<128x128xf32>
    %add3A_1590 = arith.addf %dot_general3A_1585, %add3A_1589 : vector<128x128xf32>
    %lt3A_1591 = arith.cmpf olt, %add3A_1590, %min3A_1577 : vector<128x128xf32>
    %min3A_1592 = arith.minimumf %min3A_1577, %add3A_1590 : vector<128x128xf32>
    %jit3A_1593 = arith.constant 36 : i32
    %broadcast_in_dim3A_1594 = vector.broadcast %jit3A_1593 : i32 to vector<128x128xi32>
    %select_n3A_1595 = arith.select %lt3A_1591, %broadcast_in_dim3A_1594, %select_n3A_1580 : vector<128x128xi1>, vector<128x128xi32>
    %get3A_1596 = arith.constant 0 : index
    %get3A_1597 = arith.constant 4736 : index
    %get3A_1598 = vector.load %arg8[%get3A_1596, %get3A_1597] : memref<32x8192xf32, #tpu.memory_space<vmem>>, vector<32x128xf32>
    %dot_general3A_1599 = arith.constant dense<0.000000e+00> : vector<128x128xf32>
    %dot_general3A_1600 = tpu.matmul %mul3A_1036, %get3A_1598, %dot_general3A_1599 {dimension_numbers = #tpu.dot_dimension_numbers<[1], [0], [0], [1], [0, 0, 1, 1], [], []>, transpose_lhs_hint = false} : vector<128x32xf32>, vector<32x128xf32>, vector<128x128xf32> -> vector<128x128xf32>
    %get3A_1601 = arith.constant 0 : index
    %get3A_1602 = arith.constant 4736 : index
    %get3A_1603 = vector.load %arg9[%get3A_1601, %get3A_1602] : memref<1x8192xf32, #tpu.memory_space<vmem>>, vector<1x128xf32>
    %add3A_1604 = vector.broadcast %get3A_1603 : vector<1x128xf32> to vector<128x128xf32>
    %add3A_1605 = arith.addf %dot_general3A_1600, %add3A_1604 : vector<128x128xf32>
    %lt3A_1606 = arith.cmpf olt, %add3A_1605, %min3A_1592 : vector<128x128xf32>
    %min3A_1607 = arith.minimumf %min3A_1592, %add3A_1605 : vector<128x128xf32>
    %jit3A_1608 = arith.constant 37 : i32
    %broadcast_in_dim3A_1609 = vector.broadcast %jit3A_1608 : i32 to vector<128x128xi32>
    %select_n3A_1610 = arith.select %lt3A_1606, %broadcast_in_dim3A_1609, %select_n3A_1595 : vector<128x128xi1>, vector<128x128xi32>
    %get3A_1611 = arith.constant 0 : index
    %get3A_1612 = arith.constant 4864 : index
    %get3A_1613 = vector.load %arg8[%get3A_1611, %get3A_1612] : memref<32x8192xf32, #tpu.memory_space<vmem>>, vector<32x128xf32>
    %dot_general3A_1614 = arith.constant dense<0.000000e+00> : vector<128x128xf32>
    %dot_general3A_1615 = tpu.matmul %mul3A_1036, %get3A_1613, %dot_general3A_1614 {dimension_numbers = #tpu.dot_dimension_numbers<[1], [0], [0], [1], [0, 0, 1, 1], [], []>, transpose_lhs_hint = false} : vector<128x32xf32>, vector<32x128xf32>, vector<128x128xf32> -> vector<128x128xf32>
    %get3A_1616 = arith.constant 0 : index
    %get3A_1617 = arith.constant 4864 : index
    %get3A_1618 = vector.load %arg9[%get3A_1616, %get3A_1617] : memref<1x8192xf32, #tpu.memory_space<vmem>>, vector<1x128xf32>
    %add3A_1619 = vector.broadcast %get3A_1618 : vector<1x128xf32> to vector<128x128xf32>
    %add3A_1620 = arith.addf %dot_general3A_1615, %add3A_1619 : vector<128x128xf32>
    %lt3A_1621 = arith.cmpf olt, %add3A_1620, %min3A_1607 : vector<128x128xf32>
    %min3A_1622 = arith.minimumf %min3A_1607, %add3A_1620 : vector<128x128xf32>
    %jit3A_1623 = arith.constant 38 : i32
    %broadcast_in_dim3A_1624 = vector.broadcast %jit3A_1623 : i32 to vector<128x128xi32>
    %select_n3A_1625 = arith.select %lt3A_1621, %broadcast_in_dim3A_1624, %select_n3A_1610 : vector<128x128xi1>, vector<128x128xi32>
    %get3A_1626 = arith.constant 0 : index
    %get3A_1627 = arith.constant 4992 : index
    %get3A_1628 = vector.load %arg8[%get3A_1626, %get3A_1627] : memref<32x8192xf32, #tpu.memory_space<vmem>>, vector<32x128xf32>
    %dot_general3A_1629 = arith.constant dense<0.000000e+00> : vector<128x128xf32>
    %dot_general3A_1630 = tpu.matmul %mul3A_1036, %get3A_1628, %dot_general3A_1629 {dimension_numbers = #tpu.dot_dimension_numbers<[1], [0], [0], [1], [0, 0, 1, 1], [], []>, transpose_lhs_hint = false} : vector<128x32xf32>, vector<32x128xf32>, vector<128x128xf32> -> vector<128x128xf32>
    %get3A_1631 = arith.constant 0 : index
    %get3A_1632 = arith.constant 4992 : index
    %get3A_1633 = vector.load %arg9[%get3A_1631, %get3A_1632] : memref<1x8192xf32, #tpu.memory_space<vmem>>, vector<1x128xf32>
    %add3A_1634 = vector.broadcast %get3A_1633 : vector<1x128xf32> to vector<128x128xf32>
    %add3A_1635 = arith.addf %dot_general3A_1630, %add3A_1634 : vector<128x128xf32>
    %lt3A_1636 = arith.cmpf olt, %add3A_1635, %min3A_1622 : vector<128x128xf32>
    %min3A_1637 = arith.minimumf %min3A_1622, %add3A_1635 : vector<128x128xf32>
    %jit3A_1638 = arith.constant 39 : i32
    %broadcast_in_dim3A_1639 = vector.broadcast %jit3A_1638 : i32 to vector<128x128xi32>
    %select_n3A_1640 = arith.select %lt3A_1636, %broadcast_in_dim3A_1639, %select_n3A_1625 : vector<128x128xi1>, vector<128x128xi32>
    %get3A_1641 = arith.constant 0 : index
    %get3A_1642 = arith.constant 5120 : index
    %get3A_1643 = vector.load %arg8[%get3A_1641, %get3A_1642] : memref<32x8192xf32, #tpu.memory_space<vmem>>, vector<32x128xf32>
    %dot_general3A_1644 = arith.constant dense<0.000000e+00> : vector<128x128xf32>
    %dot_general3A_1645 = tpu.matmul %mul3A_1036, %get3A_1643, %dot_general3A_1644 {dimension_numbers = #tpu.dot_dimension_numbers<[1], [0], [0], [1], [0, 0, 1, 1], [], []>, transpose_lhs_hint = false} : vector<128x32xf32>, vector<32x128xf32>, vector<128x128xf32> -> vector<128x128xf32>
    %get3A_1646 = arith.constant 0 : index
    %get3A_1647 = arith.constant 5120 : index
    %get3A_1648 = vector.load %arg9[%get3A_1646, %get3A_1647] : memref<1x8192xf32, #tpu.memory_space<vmem>>, vector<1x128xf32>
    %add3A_1649 = vector.broadcast %get3A_1648 : vector<1x128xf32> to vector<128x128xf32>
    %add3A_1650 = arith.addf %dot_general3A_1645, %add3A_1649 : vector<128x128xf32>
    %lt3A_1651 = arith.cmpf olt, %add3A_1650, %min3A_1637 : vector<128x128xf32>
    %min3A_1652 = arith.minimumf %min3A_1637, %add3A_1650 : vector<128x128xf32>
    %jit3A_1653 = arith.constant 40 : i32
    %broadcast_in_dim3A_1654 = vector.broadcast %jit3A_1653 : i32 to vector<128x128xi32>
    %select_n3A_1655 = arith.select %lt3A_1651, %broadcast_in_dim3A_1654, %select_n3A_1640 : vector<128x128xi1>, vector<128x128xi32>
    %get3A_1656 = arith.constant 0 : index
    %get3A_1657 = arith.constant 5248 : index
    %get3A_1658 = vector.load %arg8[%get3A_1656, %get3A_1657] : memref<32x8192xf32, #tpu.memory_space<vmem>>, vector<32x128xf32>
    %dot_general3A_1659 = arith.constant dense<0.000000e+00> : vector<128x128xf32>
    %dot_general3A_1660 = tpu.matmul %mul3A_1036, %get3A_1658, %dot_general3A_1659 {dimension_numbers = #tpu.dot_dimension_numbers<[1], [0], [0], [1], [0, 0, 1, 1], [], []>, transpose_lhs_hint = false} : vector<128x32xf32>, vector<32x128xf32>, vector<128x128xf32> -> vector<128x128xf32>
    %get3A_1661 = arith.constant 0 : index
    %get3A_1662 = arith.constant 5248 : index
    %get3A_1663 = vector.load %arg9[%get3A_1661, %get3A_1662] : memref<1x8192xf32, #tpu.memory_space<vmem>>, vector<1x128xf32>
    %add3A_1664 = vector.broadcast %get3A_1663 : vector<1x128xf32> to vector<128x128xf32>
    %add3A_1665 = arith.addf %dot_general3A_1660, %add3A_1664 : vector<128x128xf32>
    %lt3A_1666 = arith.cmpf olt, %add3A_1665, %min3A_1652 : vector<128x128xf32>
    %min3A_1667 = arith.minimumf %min3A_1652, %add3A_1665 : vector<128x128xf32>
    %jit3A_1668 = arith.constant 41 : i32
    %broadcast_in_dim3A_1669 = vector.broadcast %jit3A_1668 : i32 to vector<128x128xi32>
    %select_n3A_1670 = arith.select %lt3A_1666, %broadcast_in_dim3A_1669, %select_n3A_1655 : vector<128x128xi1>, vector<128x128xi32>
    %get3A_1671 = arith.constant 0 : index
    %get3A_1672 = arith.constant 5376 : index
    %get3A_1673 = vector.load %arg8[%get3A_1671, %get3A_1672] : memref<32x8192xf32, #tpu.memory_space<vmem>>, vector<32x128xf32>
    %dot_general3A_1674 = arith.constant dense<0.000000e+00> : vector<128x128xf32>
    %dot_general3A_1675 = tpu.matmul %mul3A_1036, %get3A_1673, %dot_general3A_1674 {dimension_numbers = #tpu.dot_dimension_numbers<[1], [0], [0], [1], [0, 0, 1, 1], [], []>, transpose_lhs_hint = false} : vector<128x32xf32>, vector<32x128xf32>, vector<128x128xf32> -> vector<128x128xf32>
    %get3A_1676 = arith.constant 0 : index
    %get3A_1677 = arith.constant 5376 : index
    %get3A_1678 = vector.load %arg9[%get3A_1676, %get3A_1677] : memref<1x8192xf32, #tpu.memory_space<vmem>>, vector<1x128xf32>
    %add3A_1679 = vector.broadcast %get3A_1678 : vector<1x128xf32> to vector<128x128xf32>
    %add3A_1680 = arith.addf %dot_general3A_1675, %add3A_1679 : vector<128x128xf32>
    %lt3A_1681 = arith.cmpf olt, %add3A_1680, %min3A_1667 : vector<128x128xf32>
    %min3A_1682 = arith.minimumf %min3A_1667, %add3A_1680 : vector<128x128xf32>
    %jit3A_1683 = arith.constant 42 : i32
    %broadcast_in_dim3A_1684 = vector.broadcast %jit3A_1683 : i32 to vector<128x128xi32>
    %select_n3A_1685 = arith.select %lt3A_1681, %broadcast_in_dim3A_1684, %select_n3A_1670 : vector<128x128xi1>, vector<128x128xi32>
    %get3A_1686 = arith.constant 0 : index
    %get3A_1687 = arith.constant 5504 : index
    %get3A_1688 = vector.load %arg8[%get3A_1686, %get3A_1687] : memref<32x8192xf32, #tpu.memory_space<vmem>>, vector<32x128xf32>
    %dot_general3A_1689 = arith.constant dense<0.000000e+00> : vector<128x128xf32>
    %dot_general3A_1690 = tpu.matmul %mul3A_1036, %get3A_1688, %dot_general3A_1689 {dimension_numbers = #tpu.dot_dimension_numbers<[1], [0], [0], [1], [0, 0, 1, 1], [], []>, transpose_lhs_hint = false} : vector<128x32xf32>, vector<32x128xf32>, vector<128x128xf32> -> vector<128x128xf32>
    %get3A_1691 = arith.constant 0 : index
    %get3A_1692 = arith.constant 5504 : index
    %get3A_1693 = vector.load %arg9[%get3A_1691, %get3A_1692] : memref<1x8192xf32, #tpu.memory_space<vmem>>, vector<1x128xf32>
    %add3A_1694 = vector.broadcast %get3A_1693 : vector<1x128xf32> to vector<128x128xf32>
    %add3A_1695 = arith.addf %dot_general3A_1690, %add3A_1694 : vector<128x128xf32>
    %lt3A_1696 = arith.cmpf olt, %add3A_1695, %min3A_1682 : vector<128x128xf32>
    %min3A_1697 = arith.minimumf %min3A_1682, %add3A_1695 : vector<128x128xf32>
    %jit3A_1698 = arith.constant 43 : i32
    %broadcast_in_dim3A_1699 = vector.broadcast %jit3A_1698 : i32 to vector<128x128xi32>
    %select_n3A_1700 = arith.select %lt3A_1696, %broadcast_in_dim3A_1699, %select_n3A_1685 : vector<128x128xi1>, vector<128x128xi32>
    %get3A_1701 = arith.constant 0 : index
    %get3A_1702 = arith.constant 5632 : index
    %get3A_1703 = vector.load %arg8[%get3A_1701, %get3A_1702] : memref<32x8192xf32, #tpu.memory_space<vmem>>, vector<32x128xf32>
    %dot_general3A_1704 = arith.constant dense<0.000000e+00> : vector<128x128xf32>
    %dot_general3A_1705 = tpu.matmul %mul3A_1036, %get3A_1703, %dot_general3A_1704 {dimension_numbers = #tpu.dot_dimension_numbers<[1], [0], [0], [1], [0, 0, 1, 1], [], []>, transpose_lhs_hint = false} : vector<128x32xf32>, vector<32x128xf32>, vector<128x128xf32> -> vector<128x128xf32>
    %get3A_1706 = arith.constant 0 : index
    %get3A_1707 = arith.constant 5632 : index
    %get3A_1708 = vector.load %arg9[%get3A_1706, %get3A_1707] : memref<1x8192xf32, #tpu.memory_space<vmem>>, vector<1x128xf32>
    %add3A_1709 = vector.broadcast %get3A_1708 : vector<1x128xf32> to vector<128x128xf32>
    %add3A_1710 = arith.addf %dot_general3A_1705, %add3A_1709 : vector<128x128xf32>
    %lt3A_1711 = arith.cmpf olt, %add3A_1710, %min3A_1697 : vector<128x128xf32>
    %min3A_1712 = arith.minimumf %min3A_1697, %add3A_1710 : vector<128x128xf32>
    %jit3A_1713 = arith.constant 44 : i32
    %broadcast_in_dim3A_1714 = vector.broadcast %jit3A_1713 : i32 to vector<128x128xi32>
    %select_n3A_1715 = arith.select %lt3A_1711, %broadcast_in_dim3A_1714, %select_n3A_1700 : vector<128x128xi1>, vector<128x128xi32>
    %get3A_1716 = arith.constant 0 : index
    %get3A_1717 = arith.constant 5760 : index
    %get3A_1718 = vector.load %arg8[%get3A_1716, %get3A_1717] : memref<32x8192xf32, #tpu.memory_space<vmem>>, vector<32x128xf32>
    %dot_general3A_1719 = arith.constant dense<0.000000e+00> : vector<128x128xf32>
    %dot_general3A_1720 = tpu.matmul %mul3A_1036, %get3A_1718, %dot_general3A_1719 {dimension_numbers = #tpu.dot_dimension_numbers<[1], [0], [0], [1], [0, 0, 1, 1], [], []>, transpose_lhs_hint = false} : vector<128x32xf32>, vector<32x128xf32>, vector<128x128xf32> -> vector<128x128xf32>
    %get3A_1721 = arith.constant 0 : index
    %get3A_1722 = arith.constant 5760 : index
    %get3A_1723 = vector.load %arg9[%get3A_1721, %get3A_1722] : memref<1x8192xf32, #tpu.memory_space<vmem>>, vector<1x128xf32>
    %add3A_1724 = vector.broadcast %get3A_1723 : vector<1x128xf32> to vector<128x128xf32>
    %add3A_1725 = arith.addf %dot_general3A_1720, %add3A_1724 : vector<128x128xf32>
    %lt3A_1726 = arith.cmpf olt, %add3A_1725, %min3A_1712 : vector<128x128xf32>
    %min3A_1727 = arith.minimumf %min3A_1712, %add3A_1725 : vector<128x128xf32>
    %jit3A_1728 = arith.constant 45 : i32
    %broadcast_in_dim3A_1729 = vector.broadcast %jit3A_1728 : i32 to vector<128x128xi32>
    %select_n3A_1730 = arith.select %lt3A_1726, %broadcast_in_dim3A_1729, %select_n3A_1715 : vector<128x128xi1>, vector<128x128xi32>
    %get3A_1731 = arith.constant 0 : index
    %get3A_1732 = arith.constant 5888 : index
    %get3A_1733 = vector.load %arg8[%get3A_1731, %get3A_1732] : memref<32x8192xf32, #tpu.memory_space<vmem>>, vector<32x128xf32>
    %dot_general3A_1734 = arith.constant dense<0.000000e+00> : vector<128x128xf32>
    %dot_general3A_1735 = tpu.matmul %mul3A_1036, %get3A_1733, %dot_general3A_1734 {dimension_numbers = #tpu.dot_dimension_numbers<[1], [0], [0], [1], [0, 0, 1, 1], [], []>, transpose_lhs_hint = false} : vector<128x32xf32>, vector<32x128xf32>, vector<128x128xf32> -> vector<128x128xf32>
    %get3A_1736 = arith.constant 0 : index
    %get3A_1737 = arith.constant 5888 : index
    %get3A_1738 = vector.load %arg9[%get3A_1736, %get3A_1737] : memref<1x8192xf32, #tpu.memory_space<vmem>>, vector<1x128xf32>
    %add3A_1739 = vector.broadcast %get3A_1738 : vector<1x128xf32> to vector<128x128xf32>
    %add3A_1740 = arith.addf %dot_general3A_1735, %add3A_1739 : vector<128x128xf32>
    %lt3A_1741 = arith.cmpf olt, %add3A_1740, %min3A_1727 : vector<128x128xf32>
    %min3A_1742 = arith.minimumf %min3A_1727, %add3A_1740 : vector<128x128xf32>
    %jit3A_1743 = arith.constant 46 : i32
    %broadcast_in_dim3A_1744 = vector.broadcast %jit3A_1743 : i32 to vector<128x128xi32>
    %select_n3A_1745 = arith.select %lt3A_1741, %broadcast_in_dim3A_1744, %select_n3A_1730 : vector<128x128xi1>, vector<128x128xi32>
    %get3A_1746 = arith.constant 0 : index
    %get3A_1747 = arith.constant 6016 : index
    %get3A_1748 = vector.load %arg8[%get3A_1746, %get3A_1747] : memref<32x8192xf32, #tpu.memory_space<vmem>>, vector<32x128xf32>
    %dot_general3A_1749 = arith.constant dense<0.000000e+00> : vector<128x128xf32>
    %dot_general3A_1750 = tpu.matmul %mul3A_1036, %get3A_1748, %dot_general3A_1749 {dimension_numbers = #tpu.dot_dimension_numbers<[1], [0], [0], [1], [0, 0, 1, 1], [], []>, transpose_lhs_hint = false} : vector<128x32xf32>, vector<32x128xf32>, vector<128x128xf32> -> vector<128x128xf32>
    %get3A_1751 = arith.constant 0 : index
    %get3A_1752 = arith.constant 6016 : index
    %get3A_1753 = vector.load %arg9[%get3A_1751, %get3A_1752] : memref<1x8192xf32, #tpu.memory_space<vmem>>, vector<1x128xf32>
    %add3A_1754 = vector.broadcast %get3A_1753 : vector<1x128xf32> to vector<128x128xf32>
    %add3A_1755 = arith.addf %dot_general3A_1750, %add3A_1754 : vector<128x128xf32>
    %lt3A_1756 = arith.cmpf olt, %add3A_1755, %min3A_1742 : vector<128x128xf32>
    %min3A_1757 = arith.minimumf %min3A_1742, %add3A_1755 : vector<128x128xf32>
    %jit3A_1758 = arith.constant 47 : i32
    %broadcast_in_dim3A_1759 = vector.broadcast %jit3A_1758 : i32 to vector<128x128xi32>
    %select_n3A_1760 = arith.select %lt3A_1756, %broadcast_in_dim3A_1759, %select_n3A_1745 : vector<128x128xi1>, vector<128x128xi32>
    %get3A_1761 = arith.constant 0 : index
    %get3A_1762 = arith.constant 6144 : index
    %get3A_1763 = vector.load %arg8[%get3A_1761, %get3A_1762] : memref<32x8192xf32, #tpu.memory_space<vmem>>, vector<32x128xf32>
    %dot_general3A_1764 = arith.constant dense<0.000000e+00> : vector<128x128xf32>
    %dot_general3A_1765 = tpu.matmul %mul3A_1036, %get3A_1763, %dot_general3A_1764 {dimension_numbers = #tpu.dot_dimension_numbers<[1], [0], [0], [1], [0, 0, 1, 1], [], []>, transpose_lhs_hint = false} : vector<128x32xf32>, vector<32x128xf32>, vector<128x128xf32> -> vector<128x128xf32>
    %get3A_1766 = arith.constant 0 : index
    %get3A_1767 = arith.constant 6144 : index
    %get3A_1768 = vector.load %arg9[%get3A_1766, %get3A_1767] : memref<1x8192xf32, #tpu.memory_space<vmem>>, vector<1x128xf32>
    %add3A_1769 = vector.broadcast %get3A_1768 : vector<1x128xf32> to vector<128x128xf32>
    %add3A_1770 = arith.addf %dot_general3A_1765, %add3A_1769 : vector<128x128xf32>
    %lt3A_1771 = arith.cmpf olt, %add3A_1770, %min3A_1757 : vector<128x128xf32>
    %min3A_1772 = arith.minimumf %min3A_1757, %add3A_1770 : vector<128x128xf32>
    %jit3A_1773 = arith.constant 48 : i32
    %broadcast_in_dim3A_1774 = vector.broadcast %jit3A_1773 : i32 to vector<128x128xi32>
    %select_n3A_1775 = arith.select %lt3A_1771, %broadcast_in_dim3A_1774, %select_n3A_1760 : vector<128x128xi1>, vector<128x128xi32>
    %get3A_1776 = arith.constant 0 : index
    %get3A_1777 = arith.constant 6272 : index
    %get3A_1778 = vector.load %arg8[%get3A_1776, %get3A_1777] : memref<32x8192xf32, #tpu.memory_space<vmem>>, vector<32x128xf32>
    %dot_general3A_1779 = arith.constant dense<0.000000e+00> : vector<128x128xf32>
    %dot_general3A_1780 = tpu.matmul %mul3A_1036, %get3A_1778, %dot_general3A_1779 {dimension_numbers = #tpu.dot_dimension_numbers<[1], [0], [0], [1], [0, 0, 1, 1], [], []>, transpose_lhs_hint = false} : vector<128x32xf32>, vector<32x128xf32>, vector<128x128xf32> -> vector<128x128xf32>
    %get3A_1781 = arith.constant 0 : index
    %get3A_1782 = arith.constant 6272 : index
    %get3A_1783 = vector.load %arg9[%get3A_1781, %get3A_1782] : memref<1x8192xf32, #tpu.memory_space<vmem>>, vector<1x128xf32>
    %add3A_1784 = vector.broadcast %get3A_1783 : vector<1x128xf32> to vector<128x128xf32>
    %add3A_1785 = arith.addf %dot_general3A_1780, %add3A_1784 : vector<128x128xf32>
    %lt3A_1786 = arith.cmpf olt, %add3A_1785, %min3A_1772 : vector<128x128xf32>
    %min3A_1787 = arith.minimumf %min3A_1772, %add3A_1785 : vector<128x128xf32>
    %jit3A_1788 = arith.constant 49 : i32
    %broadcast_in_dim3A_1789 = vector.broadcast %jit3A_1788 : i32 to vector<128x128xi32>
    %select_n3A_1790 = arith.select %lt3A_1786, %broadcast_in_dim3A_1789, %select_n3A_1775 : vector<128x128xi1>, vector<128x128xi32>
    %get3A_1791 = arith.constant 0 : index
    %get3A_1792 = arith.constant 6400 : index
    %get3A_1793 = vector.load %arg8[%get3A_1791, %get3A_1792] : memref<32x8192xf32, #tpu.memory_space<vmem>>, vector<32x128xf32>
    %dot_general3A_1794 = arith.constant dense<0.000000e+00> : vector<128x128xf32>
    %dot_general3A_1795 = tpu.matmul %mul3A_1036, %get3A_1793, %dot_general3A_1794 {dimension_numbers = #tpu.dot_dimension_numbers<[1], [0], [0], [1], [0, 0, 1, 1], [], []>, transpose_lhs_hint = false} : vector<128x32xf32>, vector<32x128xf32>, vector<128x128xf32> -> vector<128x128xf32>
    %get3A_1796 = arith.constant 0 : index
    %get3A_1797 = arith.constant 6400 : index
    %get3A_1798 = vector.load %arg9[%get3A_1796, %get3A_1797] : memref<1x8192xf32, #tpu.memory_space<vmem>>, vector<1x128xf32>
    %add3A_1799 = vector.broadcast %get3A_1798 : vector<1x128xf32> to vector<128x128xf32>
    %add3A_1800 = arith.addf %dot_general3A_1795, %add3A_1799 : vector<128x128xf32>
    %lt3A_1801 = arith.cmpf olt, %add3A_1800, %min3A_1787 : vector<128x128xf32>
    %min3A_1802 = arith.minimumf %min3A_1787, %add3A_1800 : vector<128x128xf32>
    %jit3A_1803 = arith.constant 50 : i32
    %broadcast_in_dim3A_1804 = vector.broadcast %jit3A_1803 : i32 to vector<128x128xi32>
    %select_n3A_1805 = arith.select %lt3A_1801, %broadcast_in_dim3A_1804, %select_n3A_1790 : vector<128x128xi1>, vector<128x128xi32>
    %get3A_1806 = arith.constant 0 : index
    %get3A_1807 = arith.constant 6528 : index
    %get3A_1808 = vector.load %arg8[%get3A_1806, %get3A_1807] : memref<32x8192xf32, #tpu.memory_space<vmem>>, vector<32x128xf32>
    %dot_general3A_1809 = arith.constant dense<0.000000e+00> : vector<128x128xf32>
    %dot_general3A_1810 = tpu.matmul %mul3A_1036, %get3A_1808, %dot_general3A_1809 {dimension_numbers = #tpu.dot_dimension_numbers<[1], [0], [0], [1], [0, 0, 1, 1], [], []>, transpose_lhs_hint = false} : vector<128x32xf32>, vector<32x128xf32>, vector<128x128xf32> -> vector<128x128xf32>
    %get3A_1811 = arith.constant 0 : index
    %get3A_1812 = arith.constant 6528 : index
    %get3A_1813 = vector.load %arg9[%get3A_1811, %get3A_1812] : memref<1x8192xf32, #tpu.memory_space<vmem>>, vector<1x128xf32>
    %add3A_1814 = vector.broadcast %get3A_1813 : vector<1x128xf32> to vector<128x128xf32>
    %add3A_1815 = arith.addf %dot_general3A_1810, %add3A_1814 : vector<128x128xf32>
    %lt3A_1816 = arith.cmpf olt, %add3A_1815, %min3A_1802 : vector<128x128xf32>
    %min3A_1817 = arith.minimumf %min3A_1802, %add3A_1815 : vector<128x128xf32>
    %jit3A_1818 = arith.constant 51 : i32
    %broadcast_in_dim3A_1819 = vector.broadcast %jit3A_1818 : i32 to vector<128x128xi32>
    %select_n3A_1820 = arith.select %lt3A_1816, %broadcast_in_dim3A_1819, %select_n3A_1805 : vector<128x128xi1>, vector<128x128xi32>
    %get3A_1821 = arith.constant 0 : index
    %get3A_1822 = arith.constant 6656 : index
    %get3A_1823 = vector.load %arg8[%get3A_1821, %get3A_1822] : memref<32x8192xf32, #tpu.memory_space<vmem>>, vector<32x128xf32>
    %dot_general3A_1824 = arith.constant dense<0.000000e+00> : vector<128x128xf32>
    %dot_general3A_1825 = tpu.matmul %mul3A_1036, %get3A_1823, %dot_general3A_1824 {dimension_numbers = #tpu.dot_dimension_numbers<[1], [0], [0], [1], [0, 0, 1, 1], [], []>, transpose_lhs_hint = false} : vector<128x32xf32>, vector<32x128xf32>, vector<128x128xf32> -> vector<128x128xf32>
    %get3A_1826 = arith.constant 0 : index
    %get3A_1827 = arith.constant 6656 : index
    %get3A_1828 = vector.load %arg9[%get3A_1826, %get3A_1827] : memref<1x8192xf32, #tpu.memory_space<vmem>>, vector<1x128xf32>
    %add3A_1829 = vector.broadcast %get3A_1828 : vector<1x128xf32> to vector<128x128xf32>
    %add3A_1830 = arith.addf %dot_general3A_1825, %add3A_1829 : vector<128x128xf32>
    %lt3A_1831 = arith.cmpf olt, %add3A_1830, %min3A_1817 : vector<128x128xf32>
    %min3A_1832 = arith.minimumf %min3A_1817, %add3A_1830 : vector<128x128xf32>
    %jit3A_1833 = arith.constant 52 : i32
    %broadcast_in_dim3A_1834 = vector.broadcast %jit3A_1833 : i32 to vector<128x128xi32>
    %select_n3A_1835 = arith.select %lt3A_1831, %broadcast_in_dim3A_1834, %select_n3A_1820 : vector<128x128xi1>, vector<128x128xi32>
    %get3A_1836 = arith.constant 0 : index
    %get3A_1837 = arith.constant 6784 : index
    %get3A_1838 = vector.load %arg8[%get3A_1836, %get3A_1837] : memref<32x8192xf32, #tpu.memory_space<vmem>>, vector<32x128xf32>
    %dot_general3A_1839 = arith.constant dense<0.000000e+00> : vector<128x128xf32>
    %dot_general3A_1840 = tpu.matmul %mul3A_1036, %get3A_1838, %dot_general3A_1839 {dimension_numbers = #tpu.dot_dimension_numbers<[1], [0], [0], [1], [0, 0, 1, 1], [], []>, transpose_lhs_hint = false} : vector<128x32xf32>, vector<32x128xf32>, vector<128x128xf32> -> vector<128x128xf32>
    %get3A_1841 = arith.constant 0 : index
    %get3A_1842 = arith.constant 6784 : index
    %get3A_1843 = vector.load %arg9[%get3A_1841, %get3A_1842] : memref<1x8192xf32, #tpu.memory_space<vmem>>, vector<1x128xf32>
    %add3A_1844 = vector.broadcast %get3A_1843 : vector<1x128xf32> to vector<128x128xf32>
    %add3A_1845 = arith.addf %dot_general3A_1840, %add3A_1844 : vector<128x128xf32>
    %lt3A_1846 = arith.cmpf olt, %add3A_1845, %min3A_1832 : vector<128x128xf32>
    %min3A_1847 = arith.minimumf %min3A_1832, %add3A_1845 : vector<128x128xf32>
    %jit3A_1848 = arith.constant 53 : i32
    %broadcast_in_dim3A_1849 = vector.broadcast %jit3A_1848 : i32 to vector<128x128xi32>
    %select_n3A_1850 = arith.select %lt3A_1846, %broadcast_in_dim3A_1849, %select_n3A_1835 : vector<128x128xi1>, vector<128x128xi32>
    %get3A_1851 = arith.constant 0 : index
    %get3A_1852 = arith.constant 6912 : index
    %get3A_1853 = vector.load %arg8[%get3A_1851, %get3A_1852] : memref<32x8192xf32, #tpu.memory_space<vmem>>, vector<32x128xf32>
    %dot_general3A_1854 = arith.constant dense<0.000000e+00> : vector<128x128xf32>
    %dot_general3A_1855 = tpu.matmul %mul3A_1036, %get3A_1853, %dot_general3A_1854 {dimension_numbers = #tpu.dot_dimension_numbers<[1], [0], [0], [1], [0, 0, 1, 1], [], []>, transpose_lhs_hint = false} : vector<128x32xf32>, vector<32x128xf32>, vector<128x128xf32> -> vector<128x128xf32>
    %get3A_1856 = arith.constant 0 : index
    %get3A_1857 = arith.constant 6912 : index
    %get3A_1858 = vector.load %arg9[%get3A_1856, %get3A_1857] : memref<1x8192xf32, #tpu.memory_space<vmem>>, vector<1x128xf32>
    %add3A_1859 = vector.broadcast %get3A_1858 : vector<1x128xf32> to vector<128x128xf32>
    %add3A_1860 = arith.addf %dot_general3A_1855, %add3A_1859 : vector<128x128xf32>
    %lt3A_1861 = arith.cmpf olt, %add3A_1860, %min3A_1847 : vector<128x128xf32>
    %min3A_1862 = arith.minimumf %min3A_1847, %add3A_1860 : vector<128x128xf32>
    %jit3A_1863 = arith.constant 54 : i32
    %broadcast_in_dim3A_1864 = vector.broadcast %jit3A_1863 : i32 to vector<128x128xi32>
    %select_n3A_1865 = arith.select %lt3A_1861, %broadcast_in_dim3A_1864, %select_n3A_1850 : vector<128x128xi1>, vector<128x128xi32>
    %get3A_1866 = arith.constant 0 : index
    %get3A_1867 = arith.constant 7040 : index
    %get3A_1868 = vector.load %arg8[%get3A_1866, %get3A_1867] : memref<32x8192xf32, #tpu.memory_space<vmem>>, vector<32x128xf32>
    %dot_general3A_1869 = arith.constant dense<0.000000e+00> : vector<128x128xf32>
    %dot_general3A_1870 = tpu.matmul %mul3A_1036, %get3A_1868, %dot_general3A_1869 {dimension_numbers = #tpu.dot_dimension_numbers<[1], [0], [0], [1], [0, 0, 1, 1], [], []>, transpose_lhs_hint = false} : vector<128x32xf32>, vector<32x128xf32>, vector<128x128xf32> -> vector<128x128xf32>
    %get3A_1871 = arith.constant 0 : index
    %get3A_1872 = arith.constant 7040 : index
    %get3A_1873 = vector.load %arg9[%get3A_1871, %get3A_1872] : memref<1x8192xf32, #tpu.memory_space<vmem>>, vector<1x128xf32>
    %add3A_1874 = vector.broadcast %get3A_1873 : vector<1x128xf32> to vector<128x128xf32>
    %add3A_1875 = arith.addf %dot_general3A_1870, %add3A_1874 : vector<128x128xf32>
    %lt3A_1876 = arith.cmpf olt, %add3A_1875, %min3A_1862 : vector<128x128xf32>
    %min3A_1877 = arith.minimumf %min3A_1862, %add3A_1875 : vector<128x128xf32>
    %jit3A_1878 = arith.constant 55 : i32
    %broadcast_in_dim3A_1879 = vector.broadcast %jit3A_1878 : i32 to vector<128x128xi32>
    %select_n3A_1880 = arith.select %lt3A_1876, %broadcast_in_dim3A_1879, %select_n3A_1865 : vector<128x128xi1>, vector<128x128xi32>
    %get3A_1881 = arith.constant 0 : index
    %get3A_1882 = arith.constant 7168 : index
    %get3A_1883 = vector.load %arg8[%get3A_1881, %get3A_1882] : memref<32x8192xf32, #tpu.memory_space<vmem>>, vector<32x128xf32>
    %dot_general3A_1884 = arith.constant dense<0.000000e+00> : vector<128x128xf32>
    %dot_general3A_1885 = tpu.matmul %mul3A_1036, %get3A_1883, %dot_general3A_1884 {dimension_numbers = #tpu.dot_dimension_numbers<[1], [0], [0], [1], [0, 0, 1, 1], [], []>, transpose_lhs_hint = false} : vector<128x32xf32>, vector<32x128xf32>, vector<128x128xf32> -> vector<128x128xf32>
    %get3A_1886 = arith.constant 0 : index
    %get3A_1887 = arith.constant 7168 : index
    %get3A_1888 = vector.load %arg9[%get3A_1886, %get3A_1887] : memref<1x8192xf32, #tpu.memory_space<vmem>>, vector<1x128xf32>
    %add3A_1889 = vector.broadcast %get3A_1888 : vector<1x128xf32> to vector<128x128xf32>
    %add3A_1890 = arith.addf %dot_general3A_1885, %add3A_1889 : vector<128x128xf32>
    %lt3A_1891 = arith.cmpf olt, %add3A_1890, %min3A_1877 : vector<128x128xf32>
    %min3A_1892 = arith.minimumf %min3A_1877, %add3A_1890 : vector<128x128xf32>
    %jit3A_1893 = arith.constant 56 : i32
    %broadcast_in_dim3A_1894 = vector.broadcast %jit3A_1893 : i32 to vector<128x128xi32>
    %select_n3A_1895 = arith.select %lt3A_1891, %broadcast_in_dim3A_1894, %select_n3A_1880 : vector<128x128xi1>, vector<128x128xi32>
    %get3A_1896 = arith.constant 0 : index
    %get3A_1897 = arith.constant 7296 : index
    %get3A_1898 = vector.load %arg8[%get3A_1896, %get3A_1897] : memref<32x8192xf32, #tpu.memory_space<vmem>>, vector<32x128xf32>
    %dot_general3A_1899 = arith.constant dense<0.000000e+00> : vector<128x128xf32>
    %dot_general3A_1900 = tpu.matmul %mul3A_1036, %get3A_1898, %dot_general3A_1899 {dimension_numbers = #tpu.dot_dimension_numbers<[1], [0], [0], [1], [0, 0, 1, 1], [], []>, transpose_lhs_hint = false} : vector<128x32xf32>, vector<32x128xf32>, vector<128x128xf32> -> vector<128x128xf32>
    %get3A_1901 = arith.constant 0 : index
    %get3A_1902 = arith.constant 7296 : index
    %get3A_1903 = vector.load %arg9[%get3A_1901, %get3A_1902] : memref<1x8192xf32, #tpu.memory_space<vmem>>, vector<1x128xf32>
    %add3A_1904 = vector.broadcast %get3A_1903 : vector<1x128xf32> to vector<128x128xf32>
    %add3A_1905 = arith.addf %dot_general3A_1900, %add3A_1904 : vector<128x128xf32>
    %lt3A_1906 = arith.cmpf olt, %add3A_1905, %min3A_1892 : vector<128x128xf32>
    %min3A_1907 = arith.minimumf %min3A_1892, %add3A_1905 : vector<128x128xf32>
    %jit3A_1908 = arith.constant 57 : i32
    %broadcast_in_dim3A_1909 = vector.broadcast %jit3A_1908 : i32 to vector<128x128xi32>
    %select_n3A_1910 = arith.select %lt3A_1906, %broadcast_in_dim3A_1909, %select_n3A_1895 : vector<128x128xi1>, vector<128x128xi32>
    %get3A_1911 = arith.constant 0 : index
    %get3A_1912 = arith.constant 7424 : index
    %get3A_1913 = vector.load %arg8[%get3A_1911, %get3A_1912] : memref<32x8192xf32, #tpu.memory_space<vmem>>, vector<32x128xf32>
    %dot_general3A_1914 = arith.constant dense<0.000000e+00> : vector<128x128xf32>
    %dot_general3A_1915 = tpu.matmul %mul3A_1036, %get3A_1913, %dot_general3A_1914 {dimension_numbers = #tpu.dot_dimension_numbers<[1], [0], [0], [1], [0, 0, 1, 1], [], []>, transpose_lhs_hint = false} : vector<128x32xf32>, vector<32x128xf32>, vector<128x128xf32> -> vector<128x128xf32>
    %get3A_1916 = arith.constant 0 : index
    %get3A_1917 = arith.constant 7424 : index
    %get3A_1918 = vector.load %arg9[%get3A_1916, %get3A_1917] : memref<1x8192xf32, #tpu.memory_space<vmem>>, vector<1x128xf32>
    %add3A_1919 = vector.broadcast %get3A_1918 : vector<1x128xf32> to vector<128x128xf32>
    %add3A_1920 = arith.addf %dot_general3A_1915, %add3A_1919 : vector<128x128xf32>
    %lt3A_1921 = arith.cmpf olt, %add3A_1920, %min3A_1907 : vector<128x128xf32>
    %min3A_1922 = arith.minimumf %min3A_1907, %add3A_1920 : vector<128x128xf32>
    %jit3A_1923 = arith.constant 58 : i32
    %broadcast_in_dim3A_1924 = vector.broadcast %jit3A_1923 : i32 to vector<128x128xi32>
    %select_n3A_1925 = arith.select %lt3A_1921, %broadcast_in_dim3A_1924, %select_n3A_1910 : vector<128x128xi1>, vector<128x128xi32>
    %get3A_1926 = arith.constant 0 : index
    %get3A_1927 = arith.constant 7552 : index
    %get3A_1928 = vector.load %arg8[%get3A_1926, %get3A_1927] : memref<32x8192xf32, #tpu.memory_space<vmem>>, vector<32x128xf32>
    %dot_general3A_1929 = arith.constant dense<0.000000e+00> : vector<128x128xf32>
    %dot_general3A_1930 = tpu.matmul %mul3A_1036, %get3A_1928, %dot_general3A_1929 {dimension_numbers = #tpu.dot_dimension_numbers<[1], [0], [0], [1], [0, 0, 1, 1], [], []>, transpose_lhs_hint = false} : vector<128x32xf32>, vector<32x128xf32>, vector<128x128xf32> -> vector<128x128xf32>
    %get3A_1931 = arith.constant 0 : index
    %get3A_1932 = arith.constant 7552 : index
    %get3A_1933 = vector.load %arg9[%get3A_1931, %get3A_1932] : memref<1x8192xf32, #tpu.memory_space<vmem>>, vector<1x128xf32>
    %add3A_1934 = vector.broadcast %get3A_1933 : vector<1x128xf32> to vector<128x128xf32>
    %add3A_1935 = arith.addf %dot_general3A_1930, %add3A_1934 : vector<128x128xf32>
    %lt3A_1936 = arith.cmpf olt, %add3A_1935, %min3A_1922 : vector<128x128xf32>
    %min3A_1937 = arith.minimumf %min3A_1922, %add3A_1935 : vector<128x128xf32>
    %jit3A_1938 = arith.constant 59 : i32
    %broadcast_in_dim3A_1939 = vector.broadcast %jit3A_1938 : i32 to vector<128x128xi32>
    %select_n3A_1940 = arith.select %lt3A_1936, %broadcast_in_dim3A_1939, %select_n3A_1925 : vector<128x128xi1>, vector<128x128xi32>
    %get3A_1941 = arith.constant 0 : index
    %get3A_1942 = arith.constant 7680 : index
    %get3A_1943 = vector.load %arg8[%get3A_1941, %get3A_1942] : memref<32x8192xf32, #tpu.memory_space<vmem>>, vector<32x128xf32>
    %dot_general3A_1944 = arith.constant dense<0.000000e+00> : vector<128x128xf32>
    %dot_general3A_1945 = tpu.matmul %mul3A_1036, %get3A_1943, %dot_general3A_1944 {dimension_numbers = #tpu.dot_dimension_numbers<[1], [0], [0], [1], [0, 0, 1, 1], [], []>, transpose_lhs_hint = false} : vector<128x32xf32>, vector<32x128xf32>, vector<128x128xf32> -> vector<128x128xf32>
    %get3A_1946 = arith.constant 0 : index
    %get3A_1947 = arith.constant 7680 : index
    %get3A_1948 = vector.load %arg9[%get3A_1946, %get3A_1947] : memref<1x8192xf32, #tpu.memory_space<vmem>>, vector<1x128xf32>
    %add3A_1949 = vector.broadcast %get3A_1948 : vector<1x128xf32> to vector<128x128xf32>
    %add3A_1950 = arith.addf %dot_general3A_1945, %add3A_1949 : vector<128x128xf32>
    %lt3A_1951 = arith.cmpf olt, %add3A_1950, %min3A_1937 : vector<128x128xf32>
    %min3A_1952 = arith.minimumf %min3A_1937, %add3A_1950 : vector<128x128xf32>
    %jit3A_1953 = arith.constant 60 : i32
    %broadcast_in_dim3A_1954 = vector.broadcast %jit3A_1953 : i32 to vector<128x128xi32>
    %select_n3A_1955 = arith.select %lt3A_1951, %broadcast_in_dim3A_1954, %select_n3A_1940 : vector<128x128xi1>, vector<128x128xi32>
    %get3A_1956 = arith.constant 0 : index
    %get3A_1957 = arith.constant 7808 : index
    %get3A_1958 = vector.load %arg8[%get3A_1956, %get3A_1957] : memref<32x8192xf32, #tpu.memory_space<vmem>>, vector<32x128xf32>
    %dot_general3A_1959 = arith.constant dense<0.000000e+00> : vector<128x128xf32>
    %dot_general3A_1960 = tpu.matmul %mul3A_1036, %get3A_1958, %dot_general3A_1959 {dimension_numbers = #tpu.dot_dimension_numbers<[1], [0], [0], [1], [0, 0, 1, 1], [], []>, transpose_lhs_hint = false} : vector<128x32xf32>, vector<32x128xf32>, vector<128x128xf32> -> vector<128x128xf32>
    %get3A_1961 = arith.constant 0 : index
    %get3A_1962 = arith.constant 7808 : index
    %get3A_1963 = vector.load %arg9[%get3A_1961, %get3A_1962] : memref<1x8192xf32, #tpu.memory_space<vmem>>, vector<1x128xf32>
    %add3A_1964 = vector.broadcast %get3A_1963 : vector<1x128xf32> to vector<128x128xf32>
    %add3A_1965 = arith.addf %dot_general3A_1960, %add3A_1964 : vector<128x128xf32>
    %lt3A_1966 = arith.cmpf olt, %add3A_1965, %min3A_1952 : vector<128x128xf32>
    %min3A_1967 = arith.minimumf %min3A_1952, %add3A_1965 : vector<128x128xf32>
    %jit3A_1968 = arith.constant 61 : i32
    %broadcast_in_dim3A_1969 = vector.broadcast %jit3A_1968 : i32 to vector<128x128xi32>
    %select_n3A_1970 = arith.select %lt3A_1966, %broadcast_in_dim3A_1969, %select_n3A_1955 : vector<128x128xi1>, vector<128x128xi32>
    %get3A_1971 = arith.constant 0 : index
    %get3A_1972 = arith.constant 7936 : index
    %get3A_1973 = vector.load %arg8[%get3A_1971, %get3A_1972] : memref<32x8192xf32, #tpu.memory_space<vmem>>, vector<32x128xf32>
    %dot_general3A_1974 = arith.constant dense<0.000000e+00> : vector<128x128xf32>
    %dot_general3A_1975 = tpu.matmul %mul3A_1036, %get3A_1973, %dot_general3A_1974 {dimension_numbers = #tpu.dot_dimension_numbers<[1], [0], [0], [1], [0, 0, 1, 1], [], []>, transpose_lhs_hint = false} : vector<128x32xf32>, vector<32x128xf32>, vector<128x128xf32> -> vector<128x128xf32>
    %get3A_1976 = arith.constant 0 : index
    %get3A_1977 = arith.constant 7936 : index
    %get3A_1978 = vector.load %arg9[%get3A_1976, %get3A_1977] : memref<1x8192xf32, #tpu.memory_space<vmem>>, vector<1x128xf32>
    %add3A_1979 = vector.broadcast %get3A_1978 : vector<1x128xf32> to vector<128x128xf32>
    %add3A_1980 = arith.addf %dot_general3A_1975, %add3A_1979 : vector<128x128xf32>
    %lt3A_1981 = arith.cmpf olt, %add3A_1980, %min3A_1967 : vector<128x128xf32>
    %min3A_1982 = arith.minimumf %min3A_1967, %add3A_1980 : vector<128x128xf32>
    %jit3A_1983 = arith.constant 62 : i32
    %broadcast_in_dim3A_1984 = vector.broadcast %jit3A_1983 : i32 to vector<128x128xi32>
    %select_n3A_1985 = arith.select %lt3A_1981, %broadcast_in_dim3A_1984, %select_n3A_1970 : vector<128x128xi1>, vector<128x128xi32>
    %get3A_1986 = arith.constant 0 : index
    %get3A_1987 = arith.constant 8064 : index
    %get3A_1988 = vector.load %arg8[%get3A_1986, %get3A_1987] : memref<32x8192xf32, #tpu.memory_space<vmem>>, vector<32x128xf32>
    %dot_general3A_1989 = arith.constant dense<0.000000e+00> : vector<128x128xf32>
    %dot_general3A_1990 = tpu.matmul %mul3A_1036, %get3A_1988, %dot_general3A_1989 {dimension_numbers = #tpu.dot_dimension_numbers<[1], [0], [0], [1], [0, 0, 1, 1], [], []>, transpose_lhs_hint = false} : vector<128x32xf32>, vector<32x128xf32>, vector<128x128xf32> -> vector<128x128xf32>
    %get3A_1991 = arith.constant 0 : index
    %get3A_1992 = arith.constant 8064 : index
    %get3A_1993 = vector.load %arg9[%get3A_1991, %get3A_1992] : memref<1x8192xf32, #tpu.memory_space<vmem>>, vector<1x128xf32>
    %add3A_1994 = vector.broadcast %get3A_1993 : vector<1x128xf32> to vector<128x128xf32>
    %add3A_1995 = arith.addf %dot_general3A_1990, %add3A_1994 : vector<128x128xf32>
    %lt3A_1996 = arith.cmpf olt, %add3A_1995, %min3A_1982 : vector<128x128xf32>
    %min3A_1997 = arith.minimumf %min3A_1982, %add3A_1995 : vector<128x128xf32>
    %jit3A_1998 = arith.constant 63 : i32
    %broadcast_in_dim3A_1999 = vector.broadcast %jit3A_1998 : i32 to vector<128x128xi32>
    %select_n3A_2000 = arith.select %lt3A_1996, %broadcast_in_dim3A_1999, %select_n3A_1985 : vector<128x128xi1>, vector<128x128xi32>
    %reduce_min3A_2001 = arith.constant dense<0x7F800000> : vector<128xf32>
    %reduce_min3A_2002 = vector.multi_reduction <minimumf>, %min3A_1997, %reduce_min3A_2001 [1] : vector<128x128xf32> to vector<128xf32>
    %broadcast_in_dim3A_2003 = vector.shape_cast %reduce_min3A_2002 : vector<128xf32> to vector<128x1xf32>
    %mul3A_2004 = arith.constant 128 : i32
    %mul3A_2005 = vector.broadcast %mul3A_2004 : i32 to vector<128x128xi32>
    %mul3A_2006 = arith.muli %select_n3A_2000, %mul3A_2005 : vector<128x128xi32>
    %add3A_2007 = arith.addi %mul3A_2006, %iota3A_1033 : vector<128x128xi32>
    %le3A_2008 = vector.broadcast %broadcast_in_dim3A_2003 : vector<128x1xf32> to vector<128x128xf32>
    %le3A_2009 = arith.cmpf ole, %min3A_1997, %le3A_2008 : vector<128x128xf32>
    %jit3A_2010 = arith.constant 8192 : i32
    %broadcast_in_dim3A_2011 = vector.broadcast %jit3A_2010 : i32 to vector<128x128xi32>
    %select_n3A_2012 = arith.select %le3A_2009, %add3A_2007, %broadcast_in_dim3A_2011 : vector<128x128xi1>, vector<128x128xi32>
    %reduce_min3A_2013 = arith.constant dense<2147483647> : vector<128xi32>
    %reduce_min3A_2014 = vector.multi_reduction <minsi>, %select_n3A_2012, %reduce_min3A_2013 [1] : vector<128x128xi32> to vector<128xi32>
    %swap3A_2015 = arith.constant 0 : index
    %swap3A_2016 = arith.constant 128 : index
    %swap3A_2017 = vector.load %arg11[%swap3A_2015, %swap3A_2016] : memref<2x256xi32, #tpu.memory_space<vmem>>, vector<1x128xi32>
    %swap3A_2018 = vector.shape_cast %swap3A_2017 : vector<1x128xi32> to vector<128xi32>
    %swap3A_2019 = vector.shape_cast %reduce_min3A_2014 : vector<128xi32> to vector<1x128xi32>
    tpu.vector_store %arg11[%swap3A_2015, %swap3A_2016], %swap3A_2019 {strides = array<i32>} : memref<2x256xi32, #tpu.memory_space<vmem>>, vector<1x128xi32>,
    %slice3A_2020 = vector.extract_strided_slice %slice3A_50 {offsets = [0, 0], sizes = [128, 32], strides = [1, 1]} : vector<256x32xf32> to vector<128x32xf32>
    %iota3A_2021 = tpu.iota {dimensions = array<i32: 1>} : vector<128x128xi32>
    %mul3A_2022 = arith.constant -2.000000e+00 : f32
    %mul3A_2023 = vector.broadcast %mul3A_2022 : f32 to vector<128x32xf32>
    %mul3A_2024 = arith.mulf %mul3A_2023, %slice3A_2020 : vector<128x32xf32>
    %broadcast_in_dim3A_2025 = arith.constant 0x7F800000 : f32
    %broadcast_in_dim3A_2026 = vector.broadcast %broadcast_in_dim3A_2025 : f32 to vector<128x128xf32>
    %broadcast_in_dim3A_2027 = arith.constant 0 : i32
    %broadcast_in_dim3A_2028 = vector.broadcast %broadcast_in_dim3A_2027 : i32 to vector<128x128xi32>
    %get3A_2029 = arith.constant 0 : index
    %get3A_2030 = arith.constant 0 : index
    %get3A_2031 = vector.load %arg8[%get3A_2029, %get3A_2030] : memref<32x8192xf32, #tpu.memory_space<vmem>>, vector<32x128xf32>
    %dot_general3A_2032 = arith.constant dense<0.000000e+00> : vector<128x128xf32>
    %dot_general3A_2033 = tpu.matmul %mul3A_2024, %get3A_2031, %dot_general3A_2032 {dimension_numbers = #tpu.dot_dimension_numbers<[1], [0], [0], [1], [0, 0, 1, 1], [], []>, transpose_lhs_hint = false} : vector<128x32xf32>, vector<32x128xf32>, vector<128x128xf32> -> vector<128x128xf32>
    %get3A_2034 = arith.constant 0 : index
    %get3A_2035 = arith.constant 0 : index
    %get3A_2036 = vector.load %arg9[%get3A_2034, %get3A_2035] : memref<1x8192xf32, #tpu.memory_space<vmem>>, vector<1x128xf32>
    %add3A_2037 = vector.broadcast %get3A_2036 : vector<1x128xf32> to vector<128x128xf32>
    %add3A_2038 = arith.addf %dot_general3A_2033, %add3A_2037 : vector<128x128xf32>
    %lt3A_2039 = arith.cmpf olt, %add3A_2038, %broadcast_in_dim3A_2026 : vector<128x128xf32>
    %min3A_2040 = arith.minimumf %broadcast_in_dim3A_2026, %add3A_2038 : vector<128x128xf32>
    %jit3A_2041 = arith.constant 0 : i32
    %broadcast_in_dim3A_2042 = vector.broadcast %jit3A_2041 : i32 to vector<128x128xi32>
    %select_n3A_2043 = arith.select %lt3A_2039, %broadcast_in_dim3A_2042, %broadcast_in_dim3A_2028 : vector<128x128xi1>, vector<128x128xi32>
    %get3A_2044 = arith.constant 0 : index
    %get3A_2045 = arith.constant 128 : index
    %get3A_2046 = vector.load %arg8[%get3A_2044, %get3A_2045] : memref<32x8192xf32, #tpu.memory_space<vmem>>, vector<32x128xf32>
    %dot_general3A_2047 = arith.constant dense<0.000000e+00> : vector<128x128xf32>
    %dot_general3A_2048 = tpu.matmul %mul3A_2024, %get3A_2046, %dot_general3A_2047 {dimension_numbers = #tpu.dot_dimension_numbers<[1], [0], [0], [1], [0, 0, 1, 1], [], []>, transpose_lhs_hint = false} : vector<128x32xf32>, vector<32x128xf32>, vector<128x128xf32> -> vector<128x128xf32>
    %get3A_2049 = arith.constant 0 : index
    %get3A_2050 = arith.constant 128 : index
    %get3A_2051 = vector.load %arg9[%get3A_2049, %get3A_2050] : memref<1x8192xf32, #tpu.memory_space<vmem>>, vector<1x128xf32>
    %add3A_2052 = vector.broadcast %get3A_2051 : vector<1x128xf32> to vector<128x128xf32>
    %add3A_2053 = arith.addf %dot_general3A_2048, %add3A_2052 : vector<128x128xf32>
    %lt3A_2054 = arith.cmpf olt, %add3A_2053, %min3A_2040 : vector<128x128xf32>
    %min3A_2055 = arith.minimumf %min3A_2040, %add3A_2053 : vector<128x128xf32>
    %jit3A_2056 = arith.constant 1 : i32
    %broadcast_in_dim3A_2057 = vector.broadcast %jit3A_2056 : i32 to vector<128x128xi32>
    %select_n3A_2058 = arith.select %lt3A_2054, %broadcast_in_dim3A_2057, %select_n3A_2043 : vector<128x128xi1>, vector<128x128xi32>
    %get3A_2059 = arith.constant 0 : index
    %get3A_2060 = arith.constant 256 : index
    %get3A_2061 = vector.load %arg8[%get3A_2059, %get3A_2060] : memref<32x8192xf32, #tpu.memory_space<vmem>>, vector<32x128xf32>
    %dot_general3A_2062 = arith.constant dense<0.000000e+00> : vector<128x128xf32>
    %dot_general3A_2063 = tpu.matmul %mul3A_2024, %get3A_2061, %dot_general3A_2062 {dimension_numbers = #tpu.dot_dimension_numbers<[1], [0], [0], [1], [0, 0, 1, 1], [], []>, transpose_lhs_hint = false} : vector<128x32xf32>, vector<32x128xf32>, vector<128x128xf32> -> vector<128x128xf32>
    %get3A_2064 = arith.constant 0 : index
    %get3A_2065 = arith.constant 256 : index
    %get3A_2066 = vector.load %arg9[%get3A_2064, %get3A_2065] : memref<1x8192xf32, #tpu.memory_space<vmem>>, vector<1x128xf32>
    %add3A_2067 = vector.broadcast %get3A_2066 : vector<1x128xf32> to vector<128x128xf32>
    %add3A_2068 = arith.addf %dot_general3A_2063, %add3A_2067 : vector<128x128xf32>
    %lt3A_2069 = arith.cmpf olt, %add3A_2068, %min3A_2055 : vector<128x128xf32>
    %min3A_2070 = arith.minimumf %min3A_2055, %add3A_2068 : vector<128x128xf32>
    %jit3A_2071 = arith.constant 2 : i32
    %broadcast_in_dim3A_2072 = vector.broadcast %jit3A_2071 : i32 to vector<128x128xi32>
    %select_n3A_2073 = arith.select %lt3A_2069, %broadcast_in_dim3A_2072, %select_n3A_2058 : vector<128x128xi1>, vector<128x128xi32>
    %get3A_2074 = arith.constant 0 : index
    %get3A_2075 = arith.constant 384 : index
    %get3A_2076 = vector.load %arg8[%get3A_2074, %get3A_2075] : memref<32x8192xf32, #tpu.memory_space<vmem>>, vector<32x128xf32>
    %dot_general3A_2077 = arith.constant dense<0.000000e+00> : vector<128x128xf32>
    %dot_general3A_2078 = tpu.matmul %mul3A_2024, %get3A_2076, %dot_general3A_2077 {dimension_numbers = #tpu.dot_dimension_numbers<[1], [0], [0], [1], [0, 0, 1, 1], [], []>, transpose_lhs_hint = false} : vector<128x32xf32>, vector<32x128xf32>, vector<128x128xf32> -> vector<128x128xf32>
    %get3A_2079 = arith.constant 0 : index
    %get3A_2080 = arith.constant 384 : index
    %get3A_2081 = vector.load %arg9[%get3A_2079, %get3A_2080] : memref<1x8192xf32, #tpu.memory_space<vmem>>, vector<1x128xf32>
    %add3A_2082 = vector.broadcast %get3A_2081 : vector<1x128xf32> to vector<128x128xf32>
    %add3A_2083 = arith.addf %dot_general3A_2078, %add3A_2082 : vector<128x128xf32>
    %lt3A_2084 = arith.cmpf olt, %add3A_2083, %min3A_2070 : vector<128x128xf32>
    %min3A_2085 = arith.minimumf %min3A_2070, %add3A_2083 : vector<128x128xf32>
    %jit3A_2086 = arith.constant 3 : i32
    %broadcast_in_dim3A_2087 = vector.broadcast %jit3A_2086 : i32 to vector<128x128xi32>
    %select_n3A_2088 = arith.select %lt3A_2084, %broadcast_in_dim3A_2087, %select_n3A_2073 : vector<128x128xi1>, vector<128x128xi32>
    %get3A_2089 = arith.constant 0 : index
    %get3A_2090 = arith.constant 512 : index
    %get3A_2091 = vector.load %arg8[%get3A_2089, %get3A_2090] : memref<32x8192xf32, #tpu.memory_space<vmem>>, vector<32x128xf32>
    %dot_general3A_2092 = arith.constant dense<0.000000e+00> : vector<128x128xf32>
    %dot_general3A_2093 = tpu.matmul %mul3A_2024, %get3A_2091, %dot_general3A_2092 {dimension_numbers = #tpu.dot_dimension_numbers<[1], [0], [0], [1], [0, 0, 1, 1], [], []>, transpose_lhs_hint = false} : vector<128x32xf32>, vector<32x128xf32>, vector<128x128xf32> -> vector<128x128xf32>
    %get3A_2094 = arith.constant 0 : index
    %get3A_2095 = arith.constant 512 : index
    %get3A_2096 = vector.load %arg9[%get3A_2094, %get3A_2095] : memref<1x8192xf32, #tpu.memory_space<vmem>>, vector<1x128xf32>
    %add3A_2097 = vector.broadcast %get3A_2096 : vector<1x128xf32> to vector<128x128xf32>
    %add3A_2098 = arith.addf %dot_general3A_2093, %add3A_2097 : vector<128x128xf32>
    %lt3A_2099 = arith.cmpf olt, %add3A_2098, %min3A_2085 : vector<128x128xf32>
    %min3A_2100 = arith.minimumf %min3A_2085, %add3A_2098 : vector<128x128xf32>
    %jit3A_2101 = arith.constant 4 : i32
    %broadcast_in_dim3A_2102 = vector.broadcast %jit3A_2101 : i32 to vector<128x128xi32>
    %select_n3A_2103 = arith.select %lt3A_2099, %broadcast_in_dim3A_2102, %select_n3A_2088 : vector<128x128xi1>, vector<128x128xi32>
    %get3A_2104 = arith.constant 0 : index
    %get3A_2105 = arith.constant 640 : index
    %get3A_2106 = vector.load %arg8[%get3A_2104, %get3A_2105] : memref<32x8192xf32, #tpu.memory_space<vmem>>, vector<32x128xf32>
    %dot_general3A_2107 = arith.constant dense<0.000000e+00> : vector<128x128xf32>
    %dot_general3A_2108 = tpu.matmul %mul3A_2024, %get3A_2106, %dot_general3A_2107 {dimension_numbers = #tpu.dot_dimension_numbers<[1], [0], [0], [1], [0, 0, 1, 1], [], []>, transpose_lhs_hint = false} : vector<128x32xf32>, vector<32x128xf32>, vector<128x128xf32> -> vector<128x128xf32>
    %get3A_2109 = arith.constant 0 : index
    %get3A_2110 = arith.constant 640 : index
    %get3A_2111 = vector.load %arg9[%get3A_2109, %get3A_2110] : memref<1x8192xf32, #tpu.memory_space<vmem>>, vector<1x128xf32>
    %add3A_2112 = vector.broadcast %get3A_2111 : vector<1x128xf32> to vector<128x128xf32>
    %add3A_2113 = arith.addf %dot_general3A_2108, %add3A_2112 : vector<128x128xf32>
    %lt3A_2114 = arith.cmpf olt, %add3A_2113, %min3A_2100 : vector<128x128xf32>
    %min3A_2115 = arith.minimumf %min3A_2100, %add3A_2113 : vector<128x128xf32>
    %jit3A_2116 = arith.constant 5 : i32
    %broadcast_in_dim3A_2117 = vector.broadcast %jit3A_2116 : i32 to vector<128x128xi32>
    %select_n3A_2118 = arith.select %lt3A_2114, %broadcast_in_dim3A_2117, %select_n3A_2103 : vector<128x128xi1>, vector<128x128xi32>
    %get3A_2119 = arith.constant 0 : index
    %get3A_2120 = arith.constant 768 : index
    %get3A_2121 = vector.load %arg8[%get3A_2119, %get3A_2120] : memref<32x8192xf32, #tpu.memory_space<vmem>>, vector<32x128xf32>
    %dot_general3A_2122 = arith.constant dense<0.000000e+00> : vector<128x128xf32>
    %dot_general3A_2123 = tpu.matmul %mul3A_2024, %get3A_2121, %dot_general3A_2122 {dimension_numbers = #tpu.dot_dimension_numbers<[1], [0], [0], [1], [0, 0, 1, 1], [], []>, transpose_lhs_hint = false} : vector<128x32xf32>, vector<32x128xf32>, vector<128x128xf32> -> vector<128x128xf32>
    %get3A_2124 = arith.constant 0 : index
    %get3A_2125 = arith.constant 768 : index
    %get3A_2126 = vector.load %arg9[%get3A_2124, %get3A_2125] : memref<1x8192xf32, #tpu.memory_space<vmem>>, vector<1x128xf32>
    %add3A_2127 = vector.broadcast %get3A_2126 : vector<1x128xf32> to vector<128x128xf32>
    %add3A_2128 = arith.addf %dot_general3A_2123, %add3A_2127 : vector<128x128xf32>
    %lt3A_2129 = arith.cmpf olt, %add3A_2128, %min3A_2115 : vector<128x128xf32>
    %min3A_2130 = arith.minimumf %min3A_2115, %add3A_2128 : vector<128x128xf32>
    %jit3A_2131 = arith.constant 6 : i32
    %broadcast_in_dim3A_2132 = vector.broadcast %jit3A_2131 : i32 to vector<128x128xi32>
    %select_n3A_2133 = arith.select %lt3A_2129, %broadcast_in_dim3A_2132, %select_n3A_2118 : vector<128x128xi1>, vector<128x128xi32>
    %get3A_2134 = arith.constant 0 : index
    %get3A_2135 = arith.constant 896 : index
    %get3A_2136 = vector.load %arg8[%get3A_2134, %get3A_2135] : memref<32x8192xf32, #tpu.memory_space<vmem>>, vector<32x128xf32>
    %dot_general3A_2137 = arith.constant dense<0.000000e+00> : vector<128x128xf32>
    %dot_general3A_2138 = tpu.matmul %mul3A_2024, %get3A_2136, %dot_general3A_2137 {dimension_numbers = #tpu.dot_dimension_numbers<[1], [0], [0], [1], [0, 0, 1, 1], [], []>, transpose_lhs_hint = false} : vector<128x32xf32>, vector<32x128xf32>, vector<128x128xf32> -> vector<128x128xf32>
    %get3A_2139 = arith.constant 0 : index
    %get3A_2140 = arith.constant 896 : index
    %get3A_2141 = vector.load %arg9[%get3A_2139, %get3A_2140] : memref<1x8192xf32, #tpu.memory_space<vmem>>, vector<1x128xf32>
    %add3A_2142 = vector.broadcast %get3A_2141 : vector<1x128xf32> to vector<128x128xf32>
    %add3A_2143 = arith.addf %dot_general3A_2138, %add3A_2142 : vector<128x128xf32>
    %lt3A_2144 = arith.cmpf olt, %add3A_2143, %min3A_2130 : vector<128x128xf32>
    %min3A_2145 = arith.minimumf %min3A_2130, %add3A_2143 : vector<128x128xf32>
    %jit3A_2146 = arith.constant 7 : i32
    %broadcast_in_dim3A_2147 = vector.broadcast %jit3A_2146 : i32 to vector<128x128xi32>
    %select_n3A_2148 = arith.select %lt3A_2144, %broadcast_in_dim3A_2147, %select_n3A_2133 : vector<128x128xi1>, vector<128x128xi32>
    %get3A_2149 = arith.constant 0 : index
    %get3A_2150 = arith.constant 1024 : index
    %get3A_2151 = vector.load %arg8[%get3A_2149, %get3A_2150] : memref<32x8192xf32, #tpu.memory_space<vmem>>, vector<32x128xf32>
    %dot_general3A_2152 = arith.constant dense<0.000000e+00> : vector<128x128xf32>
    %dot_general3A_2153 = tpu.matmul %mul3A_2024, %get3A_2151, %dot_general3A_2152 {dimension_numbers = #tpu.dot_dimension_numbers<[1], [0], [0], [1], [0, 0, 1, 1], [], []>, transpose_lhs_hint = false} : vector<128x32xf32>, vector<32x128xf32>, vector<128x128xf32> -> vector<128x128xf32>
    %get3A_2154 = arith.constant 0 : index
    %get3A_2155 = arith.constant 1024 : index
    %get3A_2156 = vector.load %arg9[%get3A_2154, %get3A_2155] : memref<1x8192xf32, #tpu.memory_space<vmem>>, vector<1x128xf32>
    %add3A_2157 = vector.broadcast %get3A_2156 : vector<1x128xf32> to vector<128x128xf32>
    %add3A_2158 = arith.addf %dot_general3A_2153, %add3A_2157 : vector<128x128xf32>
    %lt3A_2159 = arith.cmpf olt, %add3A_2158, %min3A_2145 : vector<128x128xf32>
    %min3A_2160 = arith.minimumf %min3A_2145, %add3A_2158 : vector<128x128xf32>
    %jit3A_2161 = arith.constant 8 : i32
    %broadcast_in_dim3A_2162 = vector.broadcast %jit3A_2161 : i32 to vector<128x128xi32>
    %select_n3A_2163 = arith.select %lt3A_2159, %broadcast_in_dim3A_2162, %select_n3A_2148 : vector<128x128xi1>, vector<128x128xi32>
    %get3A_2164 = arith.constant 0 : index
    %get3A_2165 = arith.constant 1152 : index
    %get3A_2166 = vector.load %arg8[%get3A_2164, %get3A_2165] : memref<32x8192xf32, #tpu.memory_space<vmem>>, vector<32x128xf32>
    %dot_general3A_2167 = arith.constant dense<0.000000e+00> : vector<128x128xf32>
    %dot_general3A_2168 = tpu.matmul %mul3A_2024, %get3A_2166, %dot_general3A_2167 {dimension_numbers = #tpu.dot_dimension_numbers<[1], [0], [0], [1], [0, 0, 1, 1], [], []>, transpose_lhs_hint = false} : vector<128x32xf32>, vector<32x128xf32>, vector<128x128xf32> -> vector<128x128xf32>
    %get3A_2169 = arith.constant 0 : index
    %get3A_2170 = arith.constant 1152 : index
    %get3A_2171 = vector.load %arg9[%get3A_2169, %get3A_2170] : memref<1x8192xf32, #tpu.memory_space<vmem>>, vector<1x128xf32>
    %add3A_2172 = vector.broadcast %get3A_2171 : vector<1x128xf32> to vector<128x128xf32>
    %add3A_2173 = arith.addf %dot_general3A_2168, %add3A_2172 : vector<128x128xf32>
    %lt3A_2174 = arith.cmpf olt, %add3A_2173, %min3A_2160 : vector<128x128xf32>
    %min3A_2175 = arith.minimumf %min3A_2160, %add3A_2173 : vector<128x128xf32>
    %jit3A_2176 = arith.constant 9 : i32
    %broadcast_in_dim3A_2177 = vector.broadcast %jit3A_2176 : i32 to vector<128x128xi32>
    %select_n3A_2178 = arith.select %lt3A_2174, %broadcast_in_dim3A_2177, %select_n3A_2163 : vector<128x128xi1>, vector<128x128xi32>
    %get3A_2179 = arith.constant 0 : index
    %get3A_2180 = arith.constant 1280 : index
    %get3A_2181 = vector.load %arg8[%get3A_2179, %get3A_2180] : memref<32x8192xf32, #tpu.memory_space<vmem>>, vector<32x128xf32>
    %dot_general3A_2182 = arith.constant dense<0.000000e+00> : vector<128x128xf32>
    %dot_general3A_2183 = tpu.matmul %mul3A_2024, %get3A_2181, %dot_general3A_2182 {dimension_numbers = #tpu.dot_dimension_numbers<[1], [0], [0], [1], [0, 0, 1, 1], [], []>, transpose_lhs_hint = false} : vector<128x32xf32>, vector<32x128xf32>, vector<128x128xf32> -> vector<128x128xf32>
    %get3A_2184 = arith.constant 0 : index
    %get3A_2185 = arith.constant 1280 : index
    %get3A_2186 = vector.load %arg9[%get3A_2184, %get3A_2185] : memref<1x8192xf32, #tpu.memory_space<vmem>>, vector<1x128xf32>
    %add3A_2187 = vector.broadcast %get3A_2186 : vector<1x128xf32> to vector<128x128xf32>
    %add3A_2188 = arith.addf %dot_general3A_2183, %add3A_2187 : vector<128x128xf32>
    %lt3A_2189 = arith.cmpf olt, %add3A_2188, %min3A_2175 : vector<128x128xf32>
    %min3A_2190 = arith.minimumf %min3A_2175, %add3A_2188 : vector<128x128xf32>
    %jit3A_2191 = arith.constant 10 : i32
    %broadcast_in_dim3A_2192 = vector.broadcast %jit3A_2191 : i32 to vector<128x128xi32>
    %select_n3A_2193 = arith.select %lt3A_2189, %broadcast_in_dim3A_2192, %select_n3A_2178 : vector<128x128xi1>, vector<128x128xi32>
    %get3A_2194 = arith.constant 0 : index
    %get3A_2195 = arith.constant 1408 : index
    %get3A_2196 = vector.load %arg8[%get3A_2194, %get3A_2195] : memref<32x8192xf32, #tpu.memory_space<vmem>>, vector<32x128xf32>
    %dot_general3A_2197 = arith.constant dense<0.000000e+00> : vector<128x128xf32>
    %dot_general3A_2198 = tpu.matmul %mul3A_2024, %get3A_2196, %dot_general3A_2197 {dimension_numbers = #tpu.dot_dimension_numbers<[1], [0], [0], [1], [0, 0, 1, 1], [], []>, transpose_lhs_hint = false} : vector<128x32xf32>, vector<32x128xf32>, vector<128x128xf32> -> vector<128x128xf32>
    %get3A_2199 = arith.constant 0 : index
    %get3A_2200 = arith.constant 1408 : index
    %get3A_2201 = vector.load %arg9[%get3A_2199, %get3A_2200] : memref<1x8192xf32, #tpu.memory_space<vmem>>, vector<1x128xf32>
    %add3A_2202 = vector.broadcast %get3A_2201 : vector<1x128xf32> to vector<128x128xf32>
    %add3A_2203 = arith.addf %dot_general3A_2198, %add3A_2202 : vector<128x128xf32>
    %lt3A_2204 = arith.cmpf olt, %add3A_2203, %min3A_2190 : vector<128x128xf32>
    %min3A_2205 = arith.minimumf %min3A_2190, %add3A_2203 : vector<128x128xf32>
    %jit3A_2206 = arith.constant 11 : i32
    %broadcast_in_dim3A_2207 = vector.broadcast %jit3A_2206 : i32 to vector<128x128xi32>
    %select_n3A_2208 = arith.select %lt3A_2204, %broadcast_in_dim3A_2207, %select_n3A_2193 : vector<128x128xi1>, vector<128x128xi32>
    %get3A_2209 = arith.constant 0 : index
    %get3A_2210 = arith.constant 1536 : index
    %get3A_2211 = vector.load %arg8[%get3A_2209, %get3A_2210] : memref<32x8192xf32, #tpu.memory_space<vmem>>, vector<32x128xf32>
    %dot_general3A_2212 = arith.constant dense<0.000000e+00> : vector<128x128xf32>
    %dot_general3A_2213 = tpu.matmul %mul3A_2024, %get3A_2211, %dot_general3A_2212 {dimension_numbers = #tpu.dot_dimension_numbers<[1], [0], [0], [1], [0, 0, 1, 1], [], []>, transpose_lhs_hint = false} : vector<128x32xf32>, vector<32x128xf32>, vector<128x128xf32> -> vector<128x128xf32>
    %get3A_2214 = arith.constant 0 : index
    %get3A_2215 = arith.constant 1536 : index
    %get3A_2216 = vector.load %arg9[%get3A_2214, %get3A_2215] : memref<1x8192xf32, #tpu.memory_space<vmem>>, vector<1x128xf32>
    %add3A_2217 = vector.broadcast %get3A_2216 : vector<1x128xf32> to vector<128x128xf32>
    %add3A_2218 = arith.addf %dot_general3A_2213, %add3A_2217 : vector<128x128xf32>
    %lt3A_2219 = arith.cmpf olt, %add3A_2218, %min3A_2205 : vector<128x128xf32>
    %min3A_2220 = arith.minimumf %min3A_2205, %add3A_2218 : vector<128x128xf32>
    %jit3A_2221 = arith.constant 12 : i32
    %broadcast_in_dim3A_2222 = vector.broadcast %jit3A_2221 : i32 to vector<128x128xi32>
    %select_n3A_2223 = arith.select %lt3A_2219, %broadcast_in_dim3A_2222, %select_n3A_2208 : vector<128x128xi1>, vector<128x128xi32>
    %get3A_2224 = arith.constant 0 : index
    %get3A_2225 = arith.constant 1664 : index
    %get3A_2226 = vector.load %arg8[%get3A_2224, %get3A_2225] : memref<32x8192xf32, #tpu.memory_space<vmem>>, vector<32x128xf32>
    %dot_general3A_2227 = arith.constant dense<0.000000e+00> : vector<128x128xf32>
    %dot_general3A_2228 = tpu.matmul %mul3A_2024, %get3A_2226, %dot_general3A_2227 {dimension_numbers = #tpu.dot_dimension_numbers<[1], [0], [0], [1], [0, 0, 1, 1], [], []>, transpose_lhs_hint = false} : vector<128x32xf32>, vector<32x128xf32>, vector<128x128xf32> -> vector<128x128xf32>
    %get3A_2229 = arith.constant 0 : index
    %get3A_2230 = arith.constant 1664 : index
    %get3A_2231 = vector.load %arg9[%get3A_2229, %get3A_2230] : memref<1x8192xf32, #tpu.memory_space<vmem>>, vector<1x128xf32>
    %add3A_2232 = vector.broadcast %get3A_2231 : vector<1x128xf32> to vector<128x128xf32>
    %add3A_2233 = arith.addf %dot_general3A_2228, %add3A_2232 : vector<128x128xf32>
    %lt3A_2234 = arith.cmpf olt, %add3A_2233, %min3A_2220 : vector<128x128xf32>
    %min3A_2235 = arith.minimumf %min3A_2220, %add3A_2233 : vector<128x128xf32>
    %jit3A_2236 = arith.constant 13 : i32
    %broadcast_in_dim3A_2237 = vector.broadcast %jit3A_2236 : i32 to vector<128x128xi32>
    %select_n3A_2238 = arith.select %lt3A_2234, %broadcast_in_dim3A_2237, %select_n3A_2223 : vector<128x128xi1>, vector<128x128xi32>
    %get3A_2239 = arith.constant 0 : index
    %get3A_2240 = arith.constant 1792 : index
    %get3A_2241 = vector.load %arg8[%get3A_2239, %get3A_2240] : memref<32x8192xf32, #tpu.memory_space<vmem>>, vector<32x128xf32>
    %dot_general3A_2242 = arith.constant dense<0.000000e+00> : vector<128x128xf32>
    %dot_general3A_2243 = tpu.matmul %mul3A_2024, %get3A_2241, %dot_general3A_2242 {dimension_numbers = #tpu.dot_dimension_numbers<[1], [0], [0], [1], [0, 0, 1, 1], [], []>, transpose_lhs_hint = false} : vector<128x32xf32>, vector<32x128xf32>, vector<128x128xf32> -> vector<128x128xf32>
    %get3A_2244 = arith.constant 0 : index
    %get3A_2245 = arith.constant 1792 : index
    %get3A_2246 = vector.load %arg9[%get3A_2244, %get3A_2245] : memref<1x8192xf32, #tpu.memory_space<vmem>>, vector<1x128xf32>
    %add3A_2247 = vector.broadcast %get3A_2246 : vector<1x128xf32> to vector<128x128xf32>
    %add3A_2248 = arith.addf %dot_general3A_2243, %add3A_2247 : vector<128x128xf32>
    %lt3A_2249 = arith.cmpf olt, %add3A_2248, %min3A_2235 : vector<128x128xf32>
    %min3A_2250 = arith.minimumf %min3A_2235, %add3A_2248 : vector<128x128xf32>
    %jit3A_2251 = arith.constant 14 : i32
    %broadcast_in_dim3A_2252 = vector.broadcast %jit3A_2251 : i32 to vector<128x128xi32>
    %select_n3A_2253 = arith.select %lt3A_2249, %broadcast_in_dim3A_2252, %select_n3A_2238 : vector<128x128xi1>, vector<128x128xi32>
    %get3A_2254 = arith.constant 0 : index
    %get3A_2255 = arith.constant 1920 : index
    %get3A_2256 = vector.load %arg8[%get3A_2254, %get3A_2255] : memref<32x8192xf32, #tpu.memory_space<vmem>>, vector<32x128xf32>
    %dot_general3A_2257 = arith.constant dense<0.000000e+00> : vector<128x128xf32>
    %dot_general3A_2258 = tpu.matmul %mul3A_2024, %get3A_2256, %dot_general3A_2257 {dimension_numbers = #tpu.dot_dimension_numbers<[1], [0], [0], [1], [0, 0, 1, 1], [], []>, transpose_lhs_hint = false} : vector<128x32xf32>, vector<32x128xf32>, vector<128x128xf32> -> vector<128x128xf32>
    %get3A_2259 = arith.constant 0 : index
    %get3A_2260 = arith.constant 1920 : index
    %get3A_2261 = vector.load %arg9[%get3A_2259, %get3A_2260] : memref<1x8192xf32, #tpu.memory_space<vmem>>, vector<1x128xf32>
    %add3A_2262 = vector.broadcast %get3A_2261 : vector<1x128xf32> to vector<128x128xf32>
    %add3A_2263 = arith.addf %dot_general3A_2258, %add3A_2262 : vector<128x128xf32>
    %lt3A_2264 = arith.cmpf olt, %add3A_2263, %min3A_2250 : vector<128x128xf32>
    %min3A_2265 = arith.minimumf %min3A_2250, %add3A_2263 : vector<128x128xf32>
    %jit3A_2266 = arith.constant 15 : i32
    %broadcast_in_dim3A_2267 = vector.broadcast %jit3A_2266 : i32 to vector<128x128xi32>
    %select_n3A_2268 = arith.select %lt3A_2264, %broadcast_in_dim3A_2267, %select_n3A_2253 : vector<128x128xi1>, vector<128x128xi32>
    %get3A_2269 = arith.constant 0 : index
    %get3A_2270 = arith.constant 2048 : index
    %get3A_2271 = vector.load %arg8[%get3A_2269, %get3A_2270] : memref<32x8192xf32, #tpu.memory_space<vmem>>, vector<32x128xf32>
    %dot_general3A_2272 = arith.constant dense<0.000000e+00> : vector<128x128xf32>
    %dot_general3A_2273 = tpu.matmul %mul3A_2024, %get3A_2271, %dot_general3A_2272 {dimension_numbers = #tpu.dot_dimension_numbers<[1], [0], [0], [1], [0, 0, 1, 1], [], []>, transpose_lhs_hint = false} : vector<128x32xf32>, vector<32x128xf32>, vector<128x128xf32> -> vector<128x128xf32>
    %get3A_2274 = arith.constant 0 : index
    %get3A_2275 = arith.constant 2048 : index
    %get3A_2276 = vector.load %arg9[%get3A_2274, %get3A_2275] : memref<1x8192xf32, #tpu.memory_space<vmem>>, vector<1x128xf32>
    %add3A_2277 = vector.broadcast %get3A_2276 : vector<1x128xf32> to vector<128x128xf32>
    %add3A_2278 = arith.addf %dot_general3A_2273, %add3A_2277 : vector<128x128xf32>
    %lt3A_2279 = arith.cmpf olt, %add3A_2278, %min3A_2265 : vector<128x128xf32>
    %min3A_2280 = arith.minimumf %min3A_2265, %add3A_2278 : vector<128x128xf32>
    %jit3A_2281 = arith.constant 16 : i32
    %broadcast_in_dim3A_2282 = vector.broadcast %jit3A_2281 : i32 to vector<128x128xi32>
    %select_n3A_2283 = arith.select %lt3A_2279, %broadcast_in_dim3A_2282, %select_n3A_2268 : vector<128x128xi1>, vector<128x128xi32>
    %get3A_2284 = arith.constant 0 : index
    %get3A_2285 = arith.constant 2176 : index
    %get3A_2286 = vector.load %arg8[%get3A_2284, %get3A_2285] : memref<32x8192xf32, #tpu.memory_space<vmem>>, vector<32x128xf32>
    %dot_general3A_2287 = arith.constant dense<0.000000e+00> : vector<128x128xf32>
    %dot_general3A_2288 = tpu.matmul %mul3A_2024, %get3A_2286, %dot_general3A_2287 {dimension_numbers = #tpu.dot_dimension_numbers<[1], [0], [0], [1], [0, 0, 1, 1], [], []>, transpose_lhs_hint = false} : vector<128x32xf32>, vector<32x128xf32>, vector<128x128xf32> -> vector<128x128xf32>
    %get3A_2289 = arith.constant 0 : index
    %get3A_2290 = arith.constant 2176 : index
    %get3A_2291 = vector.load %arg9[%get3A_2289, %get3A_2290] : memref<1x8192xf32, #tpu.memory_space<vmem>>, vector<1x128xf32>
    %add3A_2292 = vector.broadcast %get3A_2291 : vector<1x128xf32> to vector<128x128xf32>
    %add3A_2293 = arith.addf %dot_general3A_2288, %add3A_2292 : vector<128x128xf32>
    %lt3A_2294 = arith.cmpf olt, %add3A_2293, %min3A_2280 : vector<128x128xf32>
    %min3A_2295 = arith.minimumf %min3A_2280, %add3A_2293 : vector<128x128xf32>
    %jit3A_2296 = arith.constant 17 : i32
    %broadcast_in_dim3A_2297 = vector.broadcast %jit3A_2296 : i32 to vector<128x128xi32>
    %select_n3A_2298 = arith.select %lt3A_2294, %broadcast_in_dim3A_2297, %select_n3A_2283 : vector<128x128xi1>, vector<128x128xi32>
    %get3A_2299 = arith.constant 0 : index
    %get3A_2300 = arith.constant 2304 : index
    %get3A_2301 = vector.load %arg8[%get3A_2299, %get3A_2300] : memref<32x8192xf32, #tpu.memory_space<vmem>>, vector<32x128xf32>
    %dot_general3A_2302 = arith.constant dense<0.000000e+00> : vector<128x128xf32>
    %dot_general3A_2303 = tpu.matmul %mul3A_2024, %get3A_2301, %dot_general3A_2302 {dimension_numbers = #tpu.dot_dimension_numbers<[1], [0], [0], [1], [0, 0, 1, 1], [], []>, transpose_lhs_hint = false} : vector<128x32xf32>, vector<32x128xf32>, vector<128x128xf32> -> vector<128x128xf32>
    %get3A_2304 = arith.constant 0 : index
    %get3A_2305 = arith.constant 2304 : index
    %get3A_2306 = vector.load %arg9[%get3A_2304, %get3A_2305] : memref<1x8192xf32, #tpu.memory_space<vmem>>, vector<1x128xf32>
    %add3A_2307 = vector.broadcast %get3A_2306 : vector<1x128xf32> to vector<128x128xf32>
    %add3A_2308 = arith.addf %dot_general3A_2303, %add3A_2307 : vector<128x128xf32>
    %lt3A_2309 = arith.cmpf olt, %add3A_2308, %min3A_2295 : vector<128x128xf32>
    %min3A_2310 = arith.minimumf %min3A_2295, %add3A_2308 : vector<128x128xf32>
    %jit3A_2311 = arith.constant 18 : i32
    %broadcast_in_dim3A_2312 = vector.broadcast %jit3A_2311 : i32 to vector<128x128xi32>
    %select_n3A_2313 = arith.select %lt3A_2309, %broadcast_in_dim3A_2312, %select_n3A_2298 : vector<128x128xi1>, vector<128x128xi32>
    %get3A_2314 = arith.constant 0 : index
    %get3A_2315 = arith.constant 2432 : index
    %get3A_2316 = vector.load %arg8[%get3A_2314, %get3A_2315] : memref<32x8192xf32, #tpu.memory_space<vmem>>, vector<32x128xf32>
    %dot_general3A_2317 = arith.constant dense<0.000000e+00> : vector<128x128xf32>
    %dot_general3A_2318 = tpu.matmul %mul3A_2024, %get3A_2316, %dot_general3A_2317 {dimension_numbers = #tpu.dot_dimension_numbers<[1], [0], [0], [1], [0, 0, 1, 1], [], []>, transpose_lhs_hint = false} : vector<128x32xf32>, vector<32x128xf32>, vector<128x128xf32> -> vector<128x128xf32>
    %get3A_2319 = arith.constant 0 : index
    %get3A_2320 = arith.constant 2432 : index
    %get3A_2321 = vector.load %arg9[%get3A_2319, %get3A_2320] : memref<1x8192xf32, #tpu.memory_space<vmem>>, vector<1x128xf32>
    %add3A_2322 = vector.broadcast %get3A_2321 : vector<1x128xf32> to vector<128x128xf32>
    %add3A_2323 = arith.addf %dot_general3A_2318, %add3A_2322 : vector<128x128xf32>
    %lt3A_2324 = arith.cmpf olt, %add3A_2323, %min3A_2310 : vector<128x128xf32>
    %min3A_2325 = arith.minimumf %min3A_2310, %add3A_2323 : vector<128x128xf32>
    %jit3A_2326 = arith.constant 19 : i32
    %broadcast_in_dim3A_2327 = vector.broadcast %jit3A_2326 : i32 to vector<128x128xi32>
    %select_n3A_2328 = arith.select %lt3A_2324, %broadcast_in_dim3A_2327, %select_n3A_2313 : vector<128x128xi1>, vector<128x128xi32>
    %get3A_2329 = arith.constant 0 : index
    %get3A_2330 = arith.constant 2560 : index
    %get3A_2331 = vector.load %arg8[%get3A_2329, %get3A_2330] : memref<32x8192xf32, #tpu.memory_space<vmem>>, vector<32x128xf32>
    %dot_general3A_2332 = arith.constant dense<0.000000e+00> : vector<128x128xf32>
    %dot_general3A_2333 = tpu.matmul %mul3A_2024, %get3A_2331, %dot_general3A_2332 {dimension_numbers = #tpu.dot_dimension_numbers<[1], [0], [0], [1], [0, 0, 1, 1], [], []>, transpose_lhs_hint = false} : vector<128x32xf32>, vector<32x128xf32>, vector<128x128xf32> -> vector<128x128xf32>
    %get3A_2334 = arith.constant 0 : index
    %get3A_2335 = arith.constant 2560 : index
    %get3A_2336 = vector.load %arg9[%get3A_2334, %get3A_2335] : memref<1x8192xf32, #tpu.memory_space<vmem>>, vector<1x128xf32>
    %add3A_2337 = vector.broadcast %get3A_2336 : vector<1x128xf32> to vector<128x128xf32>
    %add3A_2338 = arith.addf %dot_general3A_2333, %add3A_2337 : vector<128x128xf32>
    %lt3A_2339 = arith.cmpf olt, %add3A_2338, %min3A_2325 : vector<128x128xf32>
    %min3A_2340 = arith.minimumf %min3A_2325, %add3A_2338 : vector<128x128xf32>
    %jit3A_2341 = arith.constant 20 : i32
    %broadcast_in_dim3A_2342 = vector.broadcast %jit3A_2341 : i32 to vector<128x128xi32>
    %select_n3A_2343 = arith.select %lt3A_2339, %broadcast_in_dim3A_2342, %select_n3A_2328 : vector<128x128xi1>, vector<128x128xi32>
    %get3A_2344 = arith.constant 0 : index
    %get3A_2345 = arith.constant 2688 : index
    %get3A_2346 = vector.load %arg8[%get3A_2344, %get3A_2345] : memref<32x8192xf32, #tpu.memory_space<vmem>>, vector<32x128xf32>
    %dot_general3A_2347 = arith.constant dense<0.000000e+00> : vector<128x128xf32>
    %dot_general3A_2348 = tpu.matmul %mul3A_2024, %get3A_2346, %dot_general3A_2347 {dimension_numbers = #tpu.dot_dimension_numbers<[1], [0], [0], [1], [0, 0, 1, 1], [], []>, transpose_lhs_hint = false} : vector<128x32xf32>, vector<32x128xf32>, vector<128x128xf32> -> vector<128x128xf32>
    %get3A_2349 = arith.constant 0 : index
    %get3A_2350 = arith.constant 2688 : index
    %get3A_2351 = vector.load %arg9[%get3A_2349, %get3A_2350] : memref<1x8192xf32, #tpu.memory_space<vmem>>, vector<1x128xf32>
    %add3A_2352 = vector.broadcast %get3A_2351 : vector<1x128xf32> to vector<128x128xf32>
    %add3A_2353 = arith.addf %dot_general3A_2348, %add3A_2352 : vector<128x128xf32>
    %lt3A_2354 = arith.cmpf olt, %add3A_2353, %min3A_2340 : vector<128x128xf32>
    %min3A_2355 = arith.minimumf %min3A_2340, %add3A_2353 : vector<128x128xf32>
    %jit3A_2356 = arith.constant 21 : i32
    %broadcast_in_dim3A_2357 = vector.broadcast %jit3A_2356 : i32 to vector<128x128xi32>
    %select_n3A_2358 = arith.select %lt3A_2354, %broadcast_in_dim3A_2357, %select_n3A_2343 : vector<128x128xi1>, vector<128x128xi32>
    %get3A_2359 = arith.constant 0 : index
    %get3A_2360 = arith.constant 2816 : index
    %get3A_2361 = vector.load %arg8[%get3A_2359, %get3A_2360] : memref<32x8192xf32, #tpu.memory_space<vmem>>, vector<32x128xf32>
    %dot_general3A_2362 = arith.constant dense<0.000000e+00> : vector<128x128xf32>
    %dot_general3A_2363 = tpu.matmul %mul3A_2024, %get3A_2361, %dot_general3A_2362 {dimension_numbers = #tpu.dot_dimension_numbers<[1], [0], [0], [1], [0, 0, 1, 1], [], []>, transpose_lhs_hint = false} : vector<128x32xf32>, vector<32x128xf32>, vector<128x128xf32> -> vector<128x128xf32>
    %get3A_2364 = arith.constant 0 : index
    %get3A_2365 = arith.constant 2816 : index
    %get3A_2366 = vector.load %arg9[%get3A_2364, %get3A_2365] : memref<1x8192xf32, #tpu.memory_space<vmem>>, vector<1x128xf32>
    %add3A_2367 = vector.broadcast %get3A_2366 : vector<1x128xf32> to vector<128x128xf32>
    %add3A_2368 = arith.addf %dot_general3A_2363, %add3A_2367 : vector<128x128xf32>
    %lt3A_2369 = arith.cmpf olt, %add3A_2368, %min3A_2355 : vector<128x128xf32>
    %min3A_2370 = arith.minimumf %min3A_2355, %add3A_2368 : vector<128x128xf32>
    %jit3A_2371 = arith.constant 22 : i32
    %broadcast_in_dim3A_2372 = vector.broadcast %jit3A_2371 : i32 to vector<128x128xi32>
    %select_n3A_2373 = arith.select %lt3A_2369, %broadcast_in_dim3A_2372, %select_n3A_2358 : vector<128x128xi1>, vector<128x128xi32>
    %get3A_2374 = arith.constant 0 : index
    %get3A_2375 = arith.constant 2944 : index
    %get3A_2376 = vector.load %arg8[%get3A_2374, %get3A_2375] : memref<32x8192xf32, #tpu.memory_space<vmem>>, vector<32x128xf32>
    %dot_general3A_2377 = arith.constant dense<0.000000e+00> : vector<128x128xf32>
    %dot_general3A_2378 = tpu.matmul %mul3A_2024, %get3A_2376, %dot_general3A_2377 {dimension_numbers = #tpu.dot_dimension_numbers<[1], [0], [0], [1], [0, 0, 1, 1], [], []>, transpose_lhs_hint = false} : vector<128x32xf32>, vector<32x128xf32>, vector<128x128xf32> -> vector<128x128xf32>
    %get3A_2379 = arith.constant 0 : index
    %get3A_2380 = arith.constant 2944 : index
    %get3A_2381 = vector.load %arg9[%get3A_2379, %get3A_2380] : memref<1x8192xf32, #tpu.memory_space<vmem>>, vector<1x128xf32>
    %add3A_2382 = vector.broadcast %get3A_2381 : vector<1x128xf32> to vector<128x128xf32>
    %add3A_2383 = arith.addf %dot_general3A_2378, %add3A_2382 : vector<128x128xf32>
    %lt3A_2384 = arith.cmpf olt, %add3A_2383, %min3A_2370 : vector<128x128xf32>
    %min3A_2385 = arith.minimumf %min3A_2370, %add3A_2383 : vector<128x128xf32>
    %jit3A_2386 = arith.constant 23 : i32
    %broadcast_in_dim3A_2387 = vector.broadcast %jit3A_2386 : i32 to vector<128x128xi32>
    %select_n3A_2388 = arith.select %lt3A_2384, %broadcast_in_dim3A_2387, %select_n3A_2373 : vector<128x128xi1>, vector<128x128xi32>
    %get3A_2389 = arith.constant 0 : index
    %get3A_2390 = arith.constant 3072 : index
    %get3A_2391 = vector.load %arg8[%get3A_2389, %get3A_2390] : memref<32x8192xf32, #tpu.memory_space<vmem>>, vector<32x128xf32>
    %dot_general3A_2392 = arith.constant dense<0.000000e+00> : vector<128x128xf32>
    %dot_general3A_2393 = tpu.matmul %mul3A_2024, %get3A_2391, %dot_general3A_2392 {dimension_numbers = #tpu.dot_dimension_numbers<[1], [0], [0], [1], [0, 0, 1, 1], [], []>, transpose_lhs_hint = false} : vector<128x32xf32>, vector<32x128xf32>, vector<128x128xf32> -> vector<128x128xf32>
    %get3A_2394 = arith.constant 0 : index
    %get3A_2395 = arith.constant 3072 : index
    %get3A_2396 = vector.load %arg9[%get3A_2394, %get3A_2395] : memref<1x8192xf32, #tpu.memory_space<vmem>>, vector<1x128xf32>
    %add3A_2397 = vector.broadcast %get3A_2396 : vector<1x128xf32> to vector<128x128xf32>
    %add3A_2398 = arith.addf %dot_general3A_2393, %add3A_2397 : vector<128x128xf32>
    %lt3A_2399 = arith.cmpf olt, %add3A_2398, %min3A_2385 : vector<128x128xf32>
    %min3A_2400 = arith.minimumf %min3A_2385, %add3A_2398 : vector<128x128xf32>
    %jit3A_2401 = arith.constant 24 : i32
    %broadcast_in_dim3A_2402 = vector.broadcast %jit3A_2401 : i32 to vector<128x128xi32>
    %select_n3A_2403 = arith.select %lt3A_2399, %broadcast_in_dim3A_2402, %select_n3A_2388 : vector<128x128xi1>, vector<128x128xi32>
    %get3A_2404 = arith.constant 0 : index
    %get3A_2405 = arith.constant 3200 : index
    %get3A_2406 = vector.load %arg8[%get3A_2404, %get3A_2405] : memref<32x8192xf32, #tpu.memory_space<vmem>>, vector<32x128xf32>
    %dot_general3A_2407 = arith.constant dense<0.000000e+00> : vector<128x128xf32>
    %dot_general3A_2408 = tpu.matmul %mul3A_2024, %get3A_2406, %dot_general3A_2407 {dimension_numbers = #tpu.dot_dimension_numbers<[1], [0], [0], [1], [0, 0, 1, 1], [], []>, transpose_lhs_hint = false} : vector<128x32xf32>, vector<32x128xf32>, vector<128x128xf32> -> vector<128x128xf32>
    %get3A_2409 = arith.constant 0 : index
    %get3A_2410 = arith.constant 3200 : index
    %get3A_2411 = vector.load %arg9[%get3A_2409, %get3A_2410] : memref<1x8192xf32, #tpu.memory_space<vmem>>, vector<1x128xf32>
    %add3A_2412 = vector.broadcast %get3A_2411 : vector<1x128xf32> to vector<128x128xf32>
    %add3A_2413 = arith.addf %dot_general3A_2408, %add3A_2412 : vector<128x128xf32>
    %lt3A_2414 = arith.cmpf olt, %add3A_2413, %min3A_2400 : vector<128x128xf32>
    %min3A_2415 = arith.minimumf %min3A_2400, %add3A_2413 : vector<128x128xf32>
    %jit3A_2416 = arith.constant 25 : i32
    %broadcast_in_dim3A_2417 = vector.broadcast %jit3A_2416 : i32 to vector<128x128xi32>
    %select_n3A_2418 = arith.select %lt3A_2414, %broadcast_in_dim3A_2417, %select_n3A_2403 : vector<128x128xi1>, vector<128x128xi32>
    %get3A_2419 = arith.constant 0 : index
    %get3A_2420 = arith.constant 3328 : index
    %get3A_2421 = vector.load %arg8[%get3A_2419, %get3A_2420] : memref<32x8192xf32, #tpu.memory_space<vmem>>, vector<32x128xf32>
    %dot_general3A_2422 = arith.constant dense<0.000000e+00> : vector<128x128xf32>
    %dot_general3A_2423 = tpu.matmul %mul3A_2024, %get3A_2421, %dot_general3A_2422 {dimension_numbers = #tpu.dot_dimension_numbers<[1], [0], [0], [1], [0, 0, 1, 1], [], []>, transpose_lhs_hint = false} : vector<128x32xf32>, vector<32x128xf32>, vector<128x128xf32> -> vector<128x128xf32>
    %get3A_2424 = arith.constant 0 : index
    %get3A_2425 = arith.constant 3328 : index
    %get3A_2426 = vector.load %arg9[%get3A_2424, %get3A_2425] : memref<1x8192xf32, #tpu.memory_space<vmem>>, vector<1x128xf32>
    %add3A_2427 = vector.broadcast %get3A_2426 : vector<1x128xf32> to vector<128x128xf32>
    %add3A_2428 = arith.addf %dot_general3A_2423, %add3A_2427 : vector<128x128xf32>
    %lt3A_2429 = arith.cmpf olt, %add3A_2428, %min3A_2415 : vector<128x128xf32>
    %min3A_2430 = arith.minimumf %min3A_2415, %add3A_2428 : vector<128x128xf32>
    %jit3A_2431 = arith.constant 26 : i32
    %broadcast_in_dim3A_2432 = vector.broadcast %jit3A_2431 : i32 to vector<128x128xi32>
    %select_n3A_2433 = arith.select %lt3A_2429, %broadcast_in_dim3A_2432, %select_n3A_2418 : vector<128x128xi1>, vector<128x128xi32>
    %get3A_2434 = arith.constant 0 : index
    %get3A_2435 = arith.constant 3456 : index
    %get3A_2436 = vector.load %arg8[%get3A_2434, %get3A_2435] : memref<32x8192xf32, #tpu.memory_space<vmem>>, vector<32x128xf32>
    %dot_general3A_2437 = arith.constant dense<0.000000e+00> : vector<128x128xf32>
    %dot_general3A_2438 = tpu.matmul %mul3A_2024, %get3A_2436, %dot_general3A_2437 {dimension_numbers = #tpu.dot_dimension_numbers<[1], [0], [0], [1], [0, 0, 1, 1], [], []>, transpose_lhs_hint = false} : vector<128x32xf32>, vector<32x128xf32>, vector<128x128xf32> -> vector<128x128xf32>
    %get3A_2439 = arith.constant 0 : index
    %get3A_2440 = arith.constant 3456 : index
    %get3A_2441 = vector.load %arg9[%get3A_2439, %get3A_2440] : memref<1x8192xf32, #tpu.memory_space<vmem>>, vector<1x128xf32>
    %add3A_2442 = vector.broadcast %get3A_2441 : vector<1x128xf32> to vector<128x128xf32>
    %add3A_2443 = arith.addf %dot_general3A_2438, %add3A_2442 : vector<128x128xf32>
    %lt3A_2444 = arith.cmpf olt, %add3A_2443, %min3A_2430 : vector<128x128xf32>
    %min3A_2445 = arith.minimumf %min3A_2430, %add3A_2443 : vector<128x128xf32>
    %jit3A_2446 = arith.constant 27 : i32
    %broadcast_in_dim3A_2447 = vector.broadcast %jit3A_2446 : i32 to vector<128x128xi32>
    %select_n3A_2448 = arith.select %lt3A_2444, %broadcast_in_dim3A_2447, %select_n3A_2433 : vector<128x128xi1>, vector<128x128xi32>
    %get3A_2449 = arith.constant 0 : index
    %get3A_2450 = arith.constant 3584 : index
    %get3A_2451 = vector.load %arg8[%get3A_2449, %get3A_2450] : memref<32x8192xf32, #tpu.memory_space<vmem>>, vector<32x128xf32>
    %dot_general3A_2452 = arith.constant dense<0.000000e+00> : vector<128x128xf32>
    %dot_general3A_2453 = tpu.matmul %mul3A_2024, %get3A_2451, %dot_general3A_2452 {dimension_numbers = #tpu.dot_dimension_numbers<[1], [0], [0], [1], [0, 0, 1, 1], [], []>, transpose_lhs_hint = false} : vector<128x32xf32>, vector<32x128xf32>, vector<128x128xf32> -> vector<128x128xf32>
    %get3A_2454 = arith.constant 0 : index
    %get3A_2455 = arith.constant 3584 : index
    %get3A_2456 = vector.load %arg9[%get3A_2454, %get3A_2455] : memref<1x8192xf32, #tpu.memory_space<vmem>>, vector<1x128xf32>
    %add3A_2457 = vector.broadcast %get3A_2456 : vector<1x128xf32> to vector<128x128xf32>
    %add3A_2458 = arith.addf %dot_general3A_2453, %add3A_2457 : vector<128x128xf32>
    %lt3A_2459 = arith.cmpf olt, %add3A_2458, %min3A_2445 : vector<128x128xf32>
    %min3A_2460 = arith.minimumf %min3A_2445, %add3A_2458 : vector<128x128xf32>
    %jit3A_2461 = arith.constant 28 : i32
    %broadcast_in_dim3A_2462 = vector.broadcast %jit3A_2461 : i32 to vector<128x128xi32>
    %select_n3A_2463 = arith.select %lt3A_2459, %broadcast_in_dim3A_2462, %select_n3A_2448 : vector<128x128xi1>, vector<128x128xi32>
    %get3A_2464 = arith.constant 0 : index
    %get3A_2465 = arith.constant 3712 : index
    %get3A_2466 = vector.load %arg8[%get3A_2464, %get3A_2465] : memref<32x8192xf32, #tpu.memory_space<vmem>>, vector<32x128xf32>
    %dot_general3A_2467 = arith.constant dense<0.000000e+00> : vector<128x128xf32>
    %dot_general3A_2468 = tpu.matmul %mul3A_2024, %get3A_2466, %dot_general3A_2467 {dimension_numbers = #tpu.dot_dimension_numbers<[1], [0], [0], [1], [0, 0, 1, 1], [], []>, transpose_lhs_hint = false} : vector<128x32xf32>, vector<32x128xf32>, vector<128x128xf32> -> vector<128x128xf32>
    %get3A_2469 = arith.constant 0 : index
    %get3A_2470 = arith.constant 3712 : index
    %get3A_2471 = vector.load %arg9[%get3A_2469, %get3A_2470] : memref<1x8192xf32, #tpu.memory_space<vmem>>, vector<1x128xf32>
    %add3A_2472 = vector.broadcast %get3A_2471 : vector<1x128xf32> to vector<128x128xf32>
    %add3A_2473 = arith.addf %dot_general3A_2468, %add3A_2472 : vector<128x128xf32>
    %lt3A_2474 = arith.cmpf olt, %add3A_2473, %min3A_2460 : vector<128x128xf32>
    %min3A_2475 = arith.minimumf %min3A_2460, %add3A_2473 : vector<128x128xf32>
    %jit3A_2476 = arith.constant 29 : i32
    %broadcast_in_dim3A_2477 = vector.broadcast %jit3A_2476 : i32 to vector<128x128xi32>
    %select_n3A_2478 = arith.select %lt3A_2474, %broadcast_in_dim3A_2477, %select_n3A_2463 : vector<128x128xi1>, vector<128x128xi32>
    %get3A_2479 = arith.constant 0 : index
    %get3A_2480 = arith.constant 3840 : index
    %get3A_2481 = vector.load %arg8[%get3A_2479, %get3A_2480] : memref<32x8192xf32, #tpu.memory_space<vmem>>, vector<32x128xf32>
    %dot_general3A_2482 = arith.constant dense<0.000000e+00> : vector<128x128xf32>
    %dot_general3A_2483 = tpu.matmul %mul3A_2024, %get3A_2481, %dot_general3A_2482 {dimension_numbers = #tpu.dot_dimension_numbers<[1], [0], [0], [1], [0, 0, 1, 1], [], []>, transpose_lhs_hint = false} : vector<128x32xf32>, vector<32x128xf32>, vector<128x128xf32> -> vector<128x128xf32>
    %get3A_2484 = arith.constant 0 : index
    %get3A_2485 = arith.constant 3840 : index
    %get3A_2486 = vector.load %arg9[%get3A_2484, %get3A_2485] : memref<1x8192xf32, #tpu.memory_space<vmem>>, vector<1x128xf32>
    %add3A_2487 = vector.broadcast %get3A_2486 : vector<1x128xf32> to vector<128x128xf32>
    %add3A_2488 = arith.addf %dot_general3A_2483, %add3A_2487 : vector<128x128xf32>
    %lt3A_2489 = arith.cmpf olt, %add3A_2488, %min3A_2475 : vector<128x128xf32>
    %min3A_2490 = arith.minimumf %min3A_2475, %add3A_2488 : vector<128x128xf32>
    %jit3A_2491 = arith.constant 30 : i32
    %broadcast_in_dim3A_2492 = vector.broadcast %jit3A_2491 : i32 to vector<128x128xi32>
    %select_n3A_2493 = arith.select %lt3A_2489, %broadcast_in_dim3A_2492, %select_n3A_2478 : vector<128x128xi1>, vector<128x128xi32>
    %get3A_2494 = arith.constant 0 : index
    %get3A_2495 = arith.constant 3968 : index
    %get3A_2496 = vector.load %arg8[%get3A_2494, %get3A_2495] : memref<32x8192xf32, #tpu.memory_space<vmem>>, vector<32x128xf32>
    %dot_general3A_2497 = arith.constant dense<0.000000e+00> : vector<128x128xf32>
    %dot_general3A_2498 = tpu.matmul %mul3A_2024, %get3A_2496, %dot_general3A_2497 {dimension_numbers = #tpu.dot_dimension_numbers<[1], [0], [0], [1], [0, 0, 1, 1], [], []>, transpose_lhs_hint = false} : vector<128x32xf32>, vector<32x128xf32>, vector<128x128xf32> -> vector<128x128xf32>
    %get3A_2499 = arith.constant 0 : index
    %get3A_2500 = arith.constant 3968 : index
    %get3A_2501 = vector.load %arg9[%get3A_2499, %get3A_2500] : memref<1x8192xf32, #tpu.memory_space<vmem>>, vector<1x128xf32>
    %add3A_2502 = vector.broadcast %get3A_2501 : vector<1x128xf32> to vector<128x128xf32>
    %add3A_2503 = arith.addf %dot_general3A_2498, %add3A_2502 : vector<128x128xf32>
    %lt3A_2504 = arith.cmpf olt, %add3A_2503, %min3A_2490 : vector<128x128xf32>
    %min3A_2505 = arith.minimumf %min3A_2490, %add3A_2503 : vector<128x128xf32>
    %jit3A_2506 = arith.constant 31 : i32
    %broadcast_in_dim3A_2507 = vector.broadcast %jit3A_2506 : i32 to vector<128x128xi32>
    %select_n3A_2508 = arith.select %lt3A_2504, %broadcast_in_dim3A_2507, %select_n3A_2493 : vector<128x128xi1>, vector<128x128xi32>
    %get3A_2509 = arith.constant 0 : index
    %get3A_2510 = arith.constant 4096 : index
    %get3A_2511 = vector.load %arg8[%get3A_2509, %get3A_2510] : memref<32x8192xf32, #tpu.memory_space<vmem>>, vector<32x128xf32>
    %dot_general3A_2512 = arith.constant dense<0.000000e+00> : vector<128x128xf32>
    %dot_general3A_2513 = tpu.matmul %mul3A_2024, %get3A_2511, %dot_general3A_2512 {dimension_numbers = #tpu.dot_dimension_numbers<[1], [0], [0], [1], [0, 0, 1, 1], [], []>, transpose_lhs_hint = false} : vector<128x32xf32>, vector<32x128xf32>, vector<128x128xf32> -> vector<128x128xf32>
    %get3A_2514 = arith.constant 0 : index
    %get3A_2515 = arith.constant 4096 : index
    %get3A_2516 = vector.load %arg9[%get3A_2514, %get3A_2515] : memref<1x8192xf32, #tpu.memory_space<vmem>>, vector<1x128xf32>
    %add3A_2517 = vector.broadcast %get3A_2516 : vector<1x128xf32> to vector<128x128xf32>
    %add3A_2518 = arith.addf %dot_general3A_2513, %add3A_2517 : vector<128x128xf32>
    %lt3A_2519 = arith.cmpf olt, %add3A_2518, %min3A_2505 : vector<128x128xf32>
    %min3A_2520 = arith.minimumf %min3A_2505, %add3A_2518 : vector<128x128xf32>
    %jit3A_2521 = arith.constant 32 : i32
    %broadcast_in_dim3A_2522 = vector.broadcast %jit3A_2521 : i32 to vector<128x128xi32>
    %select_n3A_2523 = arith.select %lt3A_2519, %broadcast_in_dim3A_2522, %select_n3A_2508 : vector<128x128xi1>, vector<128x128xi32>
    %get3A_2524 = arith.constant 0 : index
    %get3A_2525 = arith.constant 4224 : index
    %get3A_2526 = vector.load %arg8[%get3A_2524, %get3A_2525] : memref<32x8192xf32, #tpu.memory_space<vmem>>, vector<32x128xf32>
    %dot_general3A_2527 = arith.constant dense<0.000000e+00> : vector<128x128xf32>
    %dot_general3A_2528 = tpu.matmul %mul3A_2024, %get3A_2526, %dot_general3A_2527 {dimension_numbers = #tpu.dot_dimension_numbers<[1], [0], [0], [1], [0, 0, 1, 1], [], []>, transpose_lhs_hint = false} : vector<128x32xf32>, vector<32x128xf32>, vector<128x128xf32> -> vector<128x128xf32>
    %get3A_2529 = arith.constant 0 : index
    %get3A_2530 = arith.constant 4224 : index
    %get3A_2531 = vector.load %arg9[%get3A_2529, %get3A_2530] : memref<1x8192xf32, #tpu.memory_space<vmem>>, vector<1x128xf32>
    %add3A_2532 = vector.broadcast %get3A_2531 : vector<1x128xf32> to vector<128x128xf32>
    %add3A_2533 = arith.addf %dot_general3A_2528, %add3A_2532 : vector<128x128xf32>
    %lt3A_2534 = arith.cmpf olt, %add3A_2533, %min3A_2520 : vector<128x128xf32>
    %min3A_2535 = arith.minimumf %min3A_2520, %add3A_2533 : vector<128x128xf32>
    %jit3A_2536 = arith.constant 33 : i32
    %broadcast_in_dim3A_2537 = vector.broadcast %jit3A_2536 : i32 to vector<128x128xi32>
    %select_n3A_2538 = arith.select %lt3A_2534, %broadcast_in_dim3A_2537, %select_n3A_2523 : vector<128x128xi1>, vector<128x128xi32>
    %get3A_2539 = arith.constant 0 : index
    %get3A_2540 = arith.constant 4352 : index
    %get3A_2541 = vector.load %arg8[%get3A_2539, %get3A_2540] : memref<32x8192xf32, #tpu.memory_space<vmem>>, vector<32x128xf32>
    %dot_general3A_2542 = arith.constant dense<0.000000e+00> : vector<128x128xf32>
    %dot_general3A_2543 = tpu.matmul %mul3A_2024, %get3A_2541, %dot_general3A_2542 {dimension_numbers = #tpu.dot_dimension_numbers<[1], [0], [0], [1], [0, 0, 1, 1], [], []>, transpose_lhs_hint = false} : vector<128x32xf32>, vector<32x128xf32>, vector<128x128xf32> -> vector<128x128xf32>
    %get3A_2544 = arith.constant 0 : index
    %get3A_2545 = arith.constant 4352 : index
    %get3A_2546 = vector.load %arg9[%get3A_2544, %get3A_2545] : memref<1x8192xf32, #tpu.memory_space<vmem>>, vector<1x128xf32>
    %add3A_2547 = vector.broadcast %get3A_2546 : vector<1x128xf32> to vector<128x128xf32>
    %add3A_2548 = arith.addf %dot_general3A_2543, %add3A_2547 : vector<128x128xf32>
    %lt3A_2549 = arith.cmpf olt, %add3A_2548, %min3A_2535 : vector<128x128xf32>
    %min3A_2550 = arith.minimumf %min3A_2535, %add3A_2548 : vector<128x128xf32>
    %jit3A_2551 = arith.constant 34 : i32
    %broadcast_in_dim3A_2552 = vector.broadcast %jit3A_2551 : i32 to vector<128x128xi32>
    %select_n3A_2553 = arith.select %lt3A_2549, %broadcast_in_dim3A_2552, %select_n3A_2538 : vector<128x128xi1>, vector<128x128xi32>
    %get3A_2554 = arith.constant 0 : index
    %get3A_2555 = arith.constant 4480 : index
    %get3A_2556 = vector.load %arg8[%get3A_2554, %get3A_2555] : memref<32x8192xf32, #tpu.memory_space<vmem>>, vector<32x128xf32>
    %dot_general3A_2557 = arith.constant dense<0.000000e+00> : vector<128x128xf32>
    %dot_general3A_2558 = tpu.matmul %mul3A_2024, %get3A_2556, %dot_general3A_2557 {dimension_numbers = #tpu.dot_dimension_numbers<[1], [0], [0], [1], [0, 0, 1, 1], [], []>, transpose_lhs_hint = false} : vector<128x32xf32>, vector<32x128xf32>, vector<128x128xf32> -> vector<128x128xf32>
    %get3A_2559 = arith.constant 0 : index
    %get3A_2560 = arith.constant 4480 : index
    %get3A_2561 = vector.load %arg9[%get3A_2559, %get3A_2560] : memref<1x8192xf32, #tpu.memory_space<vmem>>, vector<1x128xf32>
    %add3A_2562 = vector.broadcast %get3A_2561 : vector<1x128xf32> to vector<128x128xf32>
    %add3A_2563 = arith.addf %dot_general3A_2558, %add3A_2562 : vector<128x128xf32>
    %lt3A_2564 = arith.cmpf olt, %add3A_2563, %min3A_2550 : vector<128x128xf32>
    %min3A_2565 = arith.minimumf %min3A_2550, %add3A_2563 : vector<128x128xf32>
    %jit3A_2566 = arith.constant 35 : i32
    %broadcast_in_dim3A_2567 = vector.broadcast %jit3A_2566 : i32 to vector<128x128xi32>
    %select_n3A_2568 = arith.select %lt3A_2564, %broadcast_in_dim3A_2567, %select_n3A_2553 : vector<128x128xi1>, vector<128x128xi32>
    %get3A_2569 = arith.constant 0 : index
    %get3A_2570 = arith.constant 4608 : index
    %get3A_2571 = vector.load %arg8[%get3A_2569, %get3A_2570] : memref<32x8192xf32, #tpu.memory_space<vmem>>, vector<32x128xf32>
    %dot_general3A_2572 = arith.constant dense<0.000000e+00> : vector<128x128xf32>
    %dot_general3A_2573 = tpu.matmul %mul3A_2024, %get3A_2571, %dot_general3A_2572 {dimension_numbers = #tpu.dot_dimension_numbers<[1], [0], [0], [1], [0, 0, 1, 1], [], []>, transpose_lhs_hint = false} : vector<128x32xf32>, vector<32x128xf32>, vector<128x128xf32> -> vector<128x128xf32>
    %get3A_2574 = arith.constant 0 : index
    %get3A_2575 = arith.constant 4608 : index
    %get3A_2576 = vector.load %arg9[%get3A_2574, %get3A_2575] : memref<1x8192xf32, #tpu.memory_space<vmem>>, vector<1x128xf32>
    %add3A_2577 = vector.broadcast %get3A_2576 : vector<1x128xf32> to vector<128x128xf32>
    %add3A_2578 = arith.addf %dot_general3A_2573, %add3A_2577 : vector<128x128xf32>
    %lt3A_2579 = arith.cmpf olt, %add3A_2578, %min3A_2565 : vector<128x128xf32>
    %min3A_2580 = arith.minimumf %min3A_2565, %add3A_2578 : vector<128x128xf32>
    %jit3A_2581 = arith.constant 36 : i32
    %broadcast_in_dim3A_2582 = vector.broadcast %jit3A_2581 : i32 to vector<128x128xi32>
    %select_n3A_2583 = arith.select %lt3A_2579, %broadcast_in_dim3A_2582, %select_n3A_2568 : vector<128x128xi1>, vector<128x128xi32>
    %get3A_2584 = arith.constant 0 : index
    %get3A_2585 = arith.constant 4736 : index
    %get3A_2586 = vector.load %arg8[%get3A_2584, %get3A_2585] : memref<32x8192xf32, #tpu.memory_space<vmem>>, vector<32x128xf32>
    %dot_general3A_2587 = arith.constant dense<0.000000e+00> : vector<128x128xf32>
    %dot_general3A_2588 = tpu.matmul %mul3A_2024, %get3A_2586, %dot_general3A_2587 {dimension_numbers = #tpu.dot_dimension_numbers<[1], [0], [0], [1], [0, 0, 1, 1], [], []>, transpose_lhs_hint = false} : vector<128x32xf32>, vector<32x128xf32>, vector<128x128xf32> -> vector<128x128xf32>
    %get3A_2589 = arith.constant 0 : index
    %get3A_2590 = arith.constant 4736 : index
    %get3A_2591 = vector.load %arg9[%get3A_2589, %get3A_2590] : memref<1x8192xf32, #tpu.memory_space<vmem>>, vector<1x128xf32>
    %add3A_2592 = vector.broadcast %get3A_2591 : vector<1x128xf32> to vector<128x128xf32>
    %add3A_2593 = arith.addf %dot_general3A_2588, %add3A_2592 : vector<128x128xf32>
    %lt3A_2594 = arith.cmpf olt, %add3A_2593, %min3A_2580 : vector<128x128xf32>
    %min3A_2595 = arith.minimumf %min3A_2580, %add3A_2593 : vector<128x128xf32>
    %jit3A_2596 = arith.constant 37 : i32
    %broadcast_in_dim3A_2597 = vector.broadcast %jit3A_2596 : i32 to vector<128x128xi32>
    %select_n3A_2598 = arith.select %lt3A_2594, %broadcast_in_dim3A_2597, %select_n3A_2583 : vector<128x128xi1>, vector<128x128xi32>
    %get3A_2599 = arith.constant 0 : index
    %get3A_2600 = arith.constant 4864 : index
    %get3A_2601 = vector.load %arg8[%get3A_2599, %get3A_2600] : memref<32x8192xf32, #tpu.memory_space<vmem>>, vector<32x128xf32>
    %dot_general3A_2602 = arith.constant dense<0.000000e+00> : vector<128x128xf32>
    %dot_general3A_2603 = tpu.matmul %mul3A_2024, %get3A_2601, %dot_general3A_2602 {dimension_numbers = #tpu.dot_dimension_numbers<[1], [0], [0], [1], [0, 0, 1, 1], [], []>, transpose_lhs_hint = false} : vector<128x32xf32>, vector<32x128xf32>, vector<128x128xf32> -> vector<128x128xf32>
    %get3A_2604 = arith.constant 0 : index
    %get3A_2605 = arith.constant 4864 : index
    %get3A_2606 = vector.load %arg9[%get3A_2604, %get3A_2605] : memref<1x8192xf32, #tpu.memory_space<vmem>>, vector<1x128xf32>
    %add3A_2607 = vector.broadcast %get3A_2606 : vector<1x128xf32> to vector<128x128xf32>
    %add3A_2608 = arith.addf %dot_general3A_2603, %add3A_2607 : vector<128x128xf32>
    %lt3A_2609 = arith.cmpf olt, %add3A_2608, %min3A_2595 : vector<128x128xf32>
    %min3A_2610 = arith.minimumf %min3A_2595, %add3A_2608 : vector<128x128xf32>
    %jit3A_2611 = arith.constant 38 : i32
    %broadcast_in_dim3A_2612 = vector.broadcast %jit3A_2611 : i32 to vector<128x128xi32>
    %select_n3A_2613 = arith.select %lt3A_2609, %broadcast_in_dim3A_2612, %select_n3A_2598 : vector<128x128xi1>, vector<128x128xi32>
    %get3A_2614 = arith.constant 0 : index
    %get3A_2615 = arith.constant 4992 : index
    %get3A_2616 = vector.load %arg8[%get3A_2614, %get3A_2615] : memref<32x8192xf32, #tpu.memory_space<vmem>>, vector<32x128xf32>
    %dot_general3A_2617 = arith.constant dense<0.000000e+00> : vector<128x128xf32>
    %dot_general3A_2618 = tpu.matmul %mul3A_2024, %get3A_2616, %dot_general3A_2617 {dimension_numbers = #tpu.dot_dimension_numbers<[1], [0], [0], [1], [0, 0, 1, 1], [], []>, transpose_lhs_hint = false} : vector<128x32xf32>, vector<32x128xf32>, vector<128x128xf32> -> vector<128x128xf32>
    %get3A_2619 = arith.constant 0 : index
    %get3A_2620 = arith.constant 4992 : index
    %get3A_2621 = vector.load %arg9[%get3A_2619, %get3A_2620] : memref<1x8192xf32, #tpu.memory_space<vmem>>, vector<1x128xf32>
    %add3A_2622 = vector.broadcast %get3A_2621 : vector<1x128xf32> to vector<128x128xf32>
    %add3A_2623 = arith.addf %dot_general3A_2618, %add3A_2622 : vector<128x128xf32>
    %lt3A_2624 = arith.cmpf olt, %add3A_2623, %min3A_2610 : vector<128x128xf32>
    %min3A_2625 = arith.minimumf %min3A_2610, %add3A_2623 : vector<128x128xf32>
    %jit3A_2626 = arith.constant 39 : i32
    %broadcast_in_dim3A_2627 = vector.broadcast %jit3A_2626 : i32 to vector<128x128xi32>
    %select_n3A_2628 = arith.select %lt3A_2624, %broadcast_in_dim3A_2627, %select_n3A_2613 : vector<128x128xi1>, vector<128x128xi32>
    %get3A_2629 = arith.constant 0 : index
    %get3A_2630 = arith.constant 5120 : index
    %get3A_2631 = vector.load %arg8[%get3A_2629, %get3A_2630] : memref<32x8192xf32, #tpu.memory_space<vmem>>, vector<32x128xf32>
    %dot_general3A_2632 = arith.constant dense<0.000000e+00> : vector<128x128xf32>
    %dot_general3A_2633 = tpu.matmul %mul3A_2024, %get3A_2631, %dot_general3A_2632 {dimension_numbers = #tpu.dot_dimension_numbers<[1], [0], [0], [1], [0, 0, 1, 1], [], []>, transpose_lhs_hint = false} : vector<128x32xf32>, vector<32x128xf32>, vector<128x128xf32> -> vector<128x128xf32>
    %get3A_2634 = arith.constant 0 : index
    %get3A_2635 = arith.constant 5120 : index
    %get3A_2636 = vector.load %arg9[%get3A_2634, %get3A_2635] : memref<1x8192xf32, #tpu.memory_space<vmem>>, vector<1x128xf32>
    %add3A_2637 = vector.broadcast %get3A_2636 : vector<1x128xf32> to vector<128x128xf32>
    %add3A_2638 = arith.addf %dot_general3A_2633, %add3A_2637 : vector<128x128xf32>
    %lt3A_2639 = arith.cmpf olt, %add3A_2638, %min3A_2625 : vector<128x128xf32>
    %min3A_2640 = arith.minimumf %min3A_2625, %add3A_2638 : vector<128x128xf32>
    %jit3A_2641 = arith.constant 40 : i32
    %broadcast_in_dim3A_2642 = vector.broadcast %jit3A_2641 : i32 to vector<128x128xi32>
    %select_n3A_2643 = arith.select %lt3A_2639, %broadcast_in_dim3A_2642, %select_n3A_2628 : vector<128x128xi1>, vector<128x128xi32>
    %get3A_2644 = arith.constant 0 : index
    %get3A_2645 = arith.constant 5248 : index
    %get3A_2646 = vector.load %arg8[%get3A_2644, %get3A_2645] : memref<32x8192xf32, #tpu.memory_space<vmem>>, vector<32x128xf32>
    %dot_general3A_2647 = arith.constant dense<0.000000e+00> : vector<128x128xf32>
    %dot_general3A_2648 = tpu.matmul %mul3A_2024, %get3A_2646, %dot_general3A_2647 {dimension_numbers = #tpu.dot_dimension_numbers<[1], [0], [0], [1], [0, 0, 1, 1], [], []>, transpose_lhs_hint = false} : vector<128x32xf32>, vector<32x128xf32>, vector<128x128xf32> -> vector<128x128xf32>
    %get3A_2649 = arith.constant 0 : index
    %get3A_2650 = arith.constant 5248 : index
    %get3A_2651 = vector.load %arg9[%get3A_2649, %get3A_2650] : memref<1x8192xf32, #tpu.memory_space<vmem>>, vector<1x128xf32>
    %add3A_2652 = vector.broadcast %get3A_2651 : vector<1x128xf32> to vector<128x128xf32>
    %add3A_2653 = arith.addf %dot_general3A_2648, %add3A_2652 : vector<128x128xf32>
    %lt3A_2654 = arith.cmpf olt, %add3A_2653, %min3A_2640 : vector<128x128xf32>
    %min3A_2655 = arith.minimumf %min3A_2640, %add3A_2653 : vector<128x128xf32>
    %jit3A_2656 = arith.constant 41 : i32
    %broadcast_in_dim3A_2657 = vector.broadcast %jit3A_2656 : i32 to vector<128x128xi32>
    %select_n3A_2658 = arith.select %lt3A_2654, %broadcast_in_dim3A_2657, %select_n3A_2643 : vector<128x128xi1>, vector<128x128xi32>
    %get3A_2659 = arith.constant 0 : index
    %get3A_2660 = arith.constant 5376 : index
    %get3A_2661 = vector.load %arg8[%get3A_2659, %get3A_2660] : memref<32x8192xf32, #tpu.memory_space<vmem>>, vector<32x128xf32>
    %dot_general3A_2662 = arith.constant dense<0.000000e+00> : vector<128x128xf32>
    %dot_general3A_2663 = tpu.matmul %mul3A_2024, %get3A_2661, %dot_general3A_2662 {dimension_numbers = #tpu.dot_dimension_numbers<[1], [0], [0], [1], [0, 0, 1, 1], [], []>, transpose_lhs_hint = false} : vector<128x32xf32>, vector<32x128xf32>, vector<128x128xf32> -> vector<128x128xf32>
    %get3A_2664 = arith.constant 0 : index
    %get3A_2665 = arith.constant 5376 : index
    %get3A_2666 = vector.load %arg9[%get3A_2664, %get3A_2665] : memref<1x8192xf32, #tpu.memory_space<vmem>>, vector<1x128xf32>
    %add3A_2667 = vector.broadcast %get3A_2666 : vector<1x128xf32> to vector<128x128xf32>
    %add3A_2668 = arith.addf %dot_general3A_2663, %add3A_2667 : vector<128x128xf32>
    %lt3A_2669 = arith.cmpf olt, %add3A_2668, %min3A_2655 : vector<128x128xf32>
    %min3A_2670 = arith.minimumf %min3A_2655, %add3A_2668 : vector<128x128xf32>
    %jit3A_2671 = arith.constant 42 : i32
    %broadcast_in_dim3A_2672 = vector.broadcast %jit3A_2671 : i32 to vector<128x128xi32>
    %select_n3A_2673 = arith.select %lt3A_2669, %broadcast_in_dim3A_2672, %select_n3A_2658 : vector<128x128xi1>, vector<128x128xi32>
    %get3A_2674 = arith.constant 0 : index
    %get3A_2675 = arith.constant 5504 : index
    %get3A_2676 = vector.load %arg8[%get3A_2674, %get3A_2675] : memref<32x8192xf32, #tpu.memory_space<vmem>>, vector<32x128xf32>
    %dot_general3A_2677 = arith.constant dense<0.000000e+00> : vector<128x128xf32>
    %dot_general3A_2678 = tpu.matmul %mul3A_2024, %get3A_2676, %dot_general3A_2677 {dimension_numbers = #tpu.dot_dimension_numbers<[1], [0], [0], [1], [0, 0, 1, 1], [], []>, transpose_lhs_hint = false} : vector<128x32xf32>, vector<32x128xf32>, vector<128x128xf32> -> vector<128x128xf32>
    %get3A_2679 = arith.constant 0 : index
    %get3A_2680 = arith.constant 5504 : index
    %get3A_2681 = vector.load %arg9[%get3A_2679, %get3A_2680] : memref<1x8192xf32, #tpu.memory_space<vmem>>, vector<1x128xf32>
    %add3A_2682 = vector.broadcast %get3A_2681 : vector<1x128xf32> to vector<128x128xf32>
    %add3A_2683 = arith.addf %dot_general3A_2678, %add3A_2682 : vector<128x128xf32>
    %lt3A_2684 = arith.cmpf olt, %add3A_2683, %min3A_2670 : vector<128x128xf32>
    %min3A_2685 = arith.minimumf %min3A_2670, %add3A_2683 : vector<128x128xf32>
    %jit3A_2686 = arith.constant 43 : i32
    %broadcast_in_dim3A_2687 = vector.broadcast %jit3A_2686 : i32 to vector<128x128xi32>
    %select_n3A_2688 = arith.select %lt3A_2684, %broadcast_in_dim3A_2687, %select_n3A_2673 : vector<128x128xi1>, vector<128x128xi32>
    %get3A_2689 = arith.constant 0 : index
    %get3A_2690 = arith.constant 5632 : index
    %get3A_2691 = vector.load %arg8[%get3A_2689, %get3A_2690] : memref<32x8192xf32, #tpu.memory_space<vmem>>, vector<32x128xf32>
    %dot_general3A_2692 = arith.constant dense<0.000000e+00> : vector<128x128xf32>
    %dot_general3A_2693 = tpu.matmul %mul3A_2024, %get3A_2691, %dot_general3A_2692 {dimension_numbers = #tpu.dot_dimension_numbers<[1], [0], [0], [1], [0, 0, 1, 1], [], []>, transpose_lhs_hint = false} : vector<128x32xf32>, vector<32x128xf32>, vector<128x128xf32> -> vector<128x128xf32>
    %get3A_2694 = arith.constant 0 : index
    %get3A_2695 = arith.constant 5632 : index
    %get3A_2696 = vector.load %arg9[%get3A_2694, %get3A_2695] : memref<1x8192xf32, #tpu.memory_space<vmem>>, vector<1x128xf32>
    %add3A_2697 = vector.broadcast %get3A_2696 : vector<1x128xf32> to vector<128x128xf32>
    %add3A_2698 = arith.addf %dot_general3A_2693, %add3A_2697 : vector<128x128xf32>
    %lt3A_2699 = arith.cmpf olt, %add3A_2698, %min3A_2685 : vector<128x128xf32>
    %min3A_2700 = arith.minimumf %min3A_2685, %add3A_2698 : vector<128x128xf32>
    %jit3A_2701 = arith.constant 44 : i32
    %broadcast_in_dim3A_2702 = vector.broadcast %jit3A_2701 : i32 to vector<128x128xi32>
    %select_n3A_2703 = arith.select %lt3A_2699, %broadcast_in_dim3A_2702, %select_n3A_2688 : vector<128x128xi1>, vector<128x128xi32>
    %get3A_2704 = arith.constant 0 : index
    %get3A_2705 = arith.constant 5760 : index
    %get3A_2706 = vector.load %arg8[%get3A_2704, %get3A_2705] : memref<32x8192xf32, #tpu.memory_space<vmem>>, vector<32x128xf32>
    %dot_general3A_2707 = arith.constant dense<0.000000e+00> : vector<128x128xf32>
    %dot_general3A_2708 = tpu.matmul %mul3A_2024, %get3A_2706, %dot_general3A_2707 {dimension_numbers = #tpu.dot_dimension_numbers<[1], [0], [0], [1], [0, 0, 1, 1], [], []>, transpose_lhs_hint = false} : vector<128x32xf32>, vector<32x128xf32>, vector<128x128xf32> -> vector<128x128xf32>
    %get3A_2709 = arith.constant 0 : index
    %get3A_2710 = arith.constant 5760 : index
    %get3A_2711 = vector.load %arg9[%get3A_2709, %get3A_2710] : memref<1x8192xf32, #tpu.memory_space<vmem>>, vector<1x128xf32>
    %add3A_2712 = vector.broadcast %get3A_2711 : vector<1x128xf32> to vector<128x128xf32>
    %add3A_2713 = arith.addf %dot_general3A_2708, %add3A_2712 : vector<128x128xf32>
    %lt3A_2714 = arith.cmpf olt, %add3A_2713, %min3A_2700 : vector<128x128xf32>
    %min3A_2715 = arith.minimumf %min3A_2700, %add3A_2713 : vector<128x128xf32>
    %jit3A_2716 = arith.constant 45 : i32
    %broadcast_in_dim3A_2717 = vector.broadcast %jit3A_2716 : i32 to vector<128x128xi32>
    %select_n3A_2718 = arith.select %lt3A_2714, %broadcast_in_dim3A_2717, %select_n3A_2703 : vector<128x128xi1>, vector<128x128xi32>
    %get3A_2719 = arith.constant 0 : index
    %get3A_2720 = arith.constant 5888 : index
    %get3A_2721 = vector.load %arg8[%get3A_2719, %get3A_2720] : memref<32x8192xf32, #tpu.memory_space<vmem>>, vector<32x128xf32>
    %dot_general3A_2722 = arith.constant dense<0.000000e+00> : vector<128x128xf32>
    %dot_general3A_2723 = tpu.matmul %mul3A_2024, %get3A_2721, %dot_general3A_2722 {dimension_numbers = #tpu.dot_dimension_numbers<[1], [0], [0], [1], [0, 0, 1, 1], [], []>, transpose_lhs_hint = false} : vector<128x32xf32>, vector<32x128xf32>, vector<128x128xf32> -> vector<128x128xf32>
    %get3A_2724 = arith.constant 0 : index
    %get3A_2725 = arith.constant 5888 : index
    %get3A_2726 = vector.load %arg9[%get3A_2724, %get3A_2725] : memref<1x8192xf32, #tpu.memory_space<vmem>>, vector<1x128xf32>
    %add3A_2727 = vector.broadcast %get3A_2726 : vector<1x128xf32> to vector<128x128xf32>
    %add3A_2728 = arith.addf %dot_general3A_2723, %add3A_2727 : vector<128x128xf32>
    %lt3A_2729 = arith.cmpf olt, %add3A_2728, %min3A_2715 : vector<128x128xf32>
    %min3A_2730 = arith.minimumf %min3A_2715, %add3A_2728 : vector<128x128xf32>
    %jit3A_2731 = arith.constant 46 : i32
    %broadcast_in_dim3A_2732 = vector.broadcast %jit3A_2731 : i32 to vector<128x128xi32>
    %select_n3A_2733 = arith.select %lt3A_2729, %broadcast_in_dim3A_2732, %select_n3A_2718 : vector<128x128xi1>, vector<128x128xi32>
    %get3A_2734 = arith.constant 0 : index
    %get3A_2735 = arith.constant 6016 : index
    %get3A_2736 = vector.load %arg8[%get3A_2734, %get3A_2735] : memref<32x8192xf32, #tpu.memory_space<vmem>>, vector<32x128xf32>
    %dot_general3A_2737 = arith.constant dense<0.000000e+00> : vector<128x128xf32>
    %dot_general3A_2738 = tpu.matmul %mul3A_2024, %get3A_2736, %dot_general3A_2737 {dimension_numbers = #tpu.dot_dimension_numbers<[1], [0], [0], [1], [0, 0, 1, 1], [], []>, transpose_lhs_hint = false} : vector<128x32xf32>, vector<32x128xf32>, vector<128x128xf32> -> vector<128x128xf32>
    %get3A_2739 = arith.constant 0 : index
    %get3A_2740 = arith.constant 6016 : index
    %get3A_2741 = vector.load %arg9[%get3A_2739, %get3A_2740] : memref<1x8192xf32, #tpu.memory_space<vmem>>, vector<1x128xf32>
    %add3A_2742 = vector.broadcast %get3A_2741 : vector<1x128xf32> to vector<128x128xf32>
    %add3A_2743 = arith.addf %dot_general3A_2738, %add3A_2742 : vector<128x128xf32>
    %lt3A_2744 = arith.cmpf olt, %add3A_2743, %min3A_2730 : vector<128x128xf32>
    %min3A_2745 = arith.minimumf %min3A_2730, %add3A_2743 : vector<128x128xf32>
    %jit3A_2746 = arith.constant 47 : i32
    %broadcast_in_dim3A_2747 = vector.broadcast %jit3A_2746 : i32 to vector<128x128xi32>
    %select_n3A_2748 = arith.select %lt3A_2744, %broadcast_in_dim3A_2747, %select_n3A_2733 : vector<128x128xi1>, vector<128x128xi32>
    %get3A_2749 = arith.constant 0 : index
    %get3A_2750 = arith.constant 6144 : index
    %get3A_2751 = vector.load %arg8[%get3A_2749, %get3A_2750] : memref<32x8192xf32, #tpu.memory_space<vmem>>, vector<32x128xf32>
    %dot_general3A_2752 = arith.constant dense<0.000000e+00> : vector<128x128xf32>
    %dot_general3A_2753 = tpu.matmul %mul3A_2024, %get3A_2751, %dot_general3A_2752 {dimension_numbers = #tpu.dot_dimension_numbers<[1], [0], [0], [1], [0, 0, 1, 1], [], []>, transpose_lhs_hint = false} : vector<128x32xf32>, vector<32x128xf32>, vector<128x128xf32> -> vector<128x128xf32>
    %get3A_2754 = arith.constant 0 : index
    %get3A_2755 = arith.constant 6144 : index
    %get3A_2756 = vector.load %arg9[%get3A_2754, %get3A_2755] : memref<1x8192xf32, #tpu.memory_space<vmem>>, vector<1x128xf32>
    %add3A_2757 = vector.broadcast %get3A_2756 : vector<1x128xf32> to vector<128x128xf32>
    %add3A_2758 = arith.addf %dot_general3A_2753, %add3A_2757 : vector<128x128xf32>
    %lt3A_2759 = arith.cmpf olt, %add3A_2758, %min3A_2745 : vector<128x128xf32>
    %min3A_2760 = arith.minimumf %min3A_2745, %add3A_2758 : vector<128x128xf32>
    %jit3A_2761 = arith.constant 48 : i32
    %broadcast_in_dim3A_2762 = vector.broadcast %jit3A_2761 : i32 to vector<128x128xi32>
    %select_n3A_2763 = arith.select %lt3A_2759, %broadcast_in_dim3A_2762, %select_n3A_2748 : vector<128x128xi1>, vector<128x128xi32>
    %get3A_2764 = arith.constant 0 : index
    %get3A_2765 = arith.constant 6272 : index
    %get3A_2766 = vector.load %arg8[%get3A_2764, %get3A_2765] : memref<32x8192xf32, #tpu.memory_space<vmem>>, vector<32x128xf32>
    %dot_general3A_2767 = arith.constant dense<0.000000e+00> : vector<128x128xf32>
    %dot_general3A_2768 = tpu.matmul %mul3A_2024, %get3A_2766, %dot_general3A_2767 {dimension_numbers = #tpu.dot_dimension_numbers<[1], [0], [0], [1], [0, 0, 1, 1], [], []>, transpose_lhs_hint = false} : vector<128x32xf32>, vector<32x128xf32>, vector<128x128xf32> -> vector<128x128xf32>
    %get3A_2769 = arith.constant 0 : index
    %get3A_2770 = arith.constant 6272 : index
    %get3A_2771 = vector.load %arg9[%get3A_2769, %get3A_2770] : memref<1x8192xf32, #tpu.memory_space<vmem>>, vector<1x128xf32>
    %add3A_2772 = vector.broadcast %get3A_2771 : vector<1x128xf32> to vector<128x128xf32>
    %add3A_2773 = arith.addf %dot_general3A_2768, %add3A_2772 : vector<128x128xf32>
    %lt3A_2774 = arith.cmpf olt, %add3A_2773, %min3A_2760 : vector<128x128xf32>
    %min3A_2775 = arith.minimumf %min3A_2760, %add3A_2773 : vector<128x128xf32>
    %jit3A_2776 = arith.constant 49 : i32
    %broadcast_in_dim3A_2777 = vector.broadcast %jit3A_2776 : i32 to vector<128x128xi32>
    %select_n3A_2778 = arith.select %lt3A_2774, %broadcast_in_dim3A_2777, %select_n3A_2763 : vector<128x128xi1>, vector<128x128xi32>
    %get3A_2779 = arith.constant 0 : index
    %get3A_2780 = arith.constant 6400 : index
    %get3A_2781 = vector.load %arg8[%get3A_2779, %get3A_2780] : memref<32x8192xf32, #tpu.memory_space<vmem>>, vector<32x128xf32>
    %dot_general3A_2782 = arith.constant dense<0.000000e+00> : vector<128x128xf32>
    %dot_general3A_2783 = tpu.matmul %mul3A_2024, %get3A_2781, %dot_general3A_2782 {dimension_numbers = #tpu.dot_dimension_numbers<[1], [0], [0], [1], [0, 0, 1, 1], [], []>, transpose_lhs_hint = false} : vector<128x32xf32>, vector<32x128xf32>, vector<128x128xf32> -> vector<128x128xf32>
    %get3A_2784 = arith.constant 0 : index
    %get3A_2785 = arith.constant 6400 : index
    %get3A_2786 = vector.load %arg9[%get3A_2784, %get3A_2785] : memref<1x8192xf32, #tpu.memory_space<vmem>>, vector<1x128xf32>
    %add3A_2787 = vector.broadcast %get3A_2786 : vector<1x128xf32> to vector<128x128xf32>
    %add3A_2788 = arith.addf %dot_general3A_2783, %add3A_2787 : vector<128x128xf32>
    %lt3A_2789 = arith.cmpf olt, %add3A_2788, %min3A_2775 : vector<128x128xf32>
    %min3A_2790 = arith.minimumf %min3A_2775, %add3A_2788 : vector<128x128xf32>
    %jit3A_2791 = arith.constant 50 : i32
    %broadcast_in_dim3A_2792 = vector.broadcast %jit3A_2791 : i32 to vector<128x128xi32>
    %select_n3A_2793 = arith.select %lt3A_2789, %broadcast_in_dim3A_2792, %select_n3A_2778 : vector<128x128xi1>, vector<128x128xi32>
    %get3A_2794 = arith.constant 0 : index
    %get3A_2795 = arith.constant 6528 : index
    %get3A_2796 = vector.load %arg8[%get3A_2794, %get3A_2795] : memref<32x8192xf32, #tpu.memory_space<vmem>>, vector<32x128xf32>
    %dot_general3A_2797 = arith.constant dense<0.000000e+00> : vector<128x128xf32>
    %dot_general3A_2798 = tpu.matmul %mul3A_2024, %get3A_2796, %dot_general3A_2797 {dimension_numbers = #tpu.dot_dimension_numbers<[1], [0], [0], [1], [0, 0, 1, 1], [], []>, transpose_lhs_hint = false} : vector<128x32xf32>, vector<32x128xf32>, vector<128x128xf32> -> vector<128x128xf32>
    %get3A_2799 = arith.constant 0 : index
    %get3A_2800 = arith.constant 6528 : index
    %get3A_2801 = vector.load %arg9[%get3A_2799, %get3A_2800] : memref<1x8192xf32, #tpu.memory_space<vmem>>, vector<1x128xf32>
    %add3A_2802 = vector.broadcast %get3A_2801 : vector<1x128xf32> to vector<128x128xf32>
    %add3A_2803 = arith.addf %dot_general3A_2798, %add3A_2802 : vector<128x128xf32>
    %lt3A_2804 = arith.cmpf olt, %add3A_2803, %min3A_2790 : vector<128x128xf32>
    %min3A_2805 = arith.minimumf %min3A_2790, %add3A_2803 : vector<128x128xf32>
    %jit3A_2806 = arith.constant 51 : i32
    %broadcast_in_dim3A_2807 = vector.broadcast %jit3A_2806 : i32 to vector<128x128xi32>
    %select_n3A_2808 = arith.select %lt3A_2804, %broadcast_in_dim3A_2807, %select_n3A_2793 : vector<128x128xi1>, vector<128x128xi32>
    %get3A_2809 = arith.constant 0 : index
    %get3A_2810 = arith.constant 6656 : index
    %get3A_2811 = vector.load %arg8[%get3A_2809, %get3A_2810] : memref<32x8192xf32, #tpu.memory_space<vmem>>, vector<32x128xf32>
    %dot_general3A_2812 = arith.constant dense<0.000000e+00> : vector<128x128xf32>
    %dot_general3A_2813 = tpu.matmul %mul3A_2024, %get3A_2811, %dot_general3A_2812 {dimension_numbers = #tpu.dot_dimension_numbers<[1], [0], [0], [1], [0, 0, 1, 1], [], []>, transpose_lhs_hint = false} : vector<128x32xf32>, vector<32x128xf32>, vector<128x128xf32> -> vector<128x128xf32>
    %get3A_2814 = arith.constant 0 : index
    %get3A_2815 = arith.constant 6656 : index
    %get3A_2816 = vector.load %arg9[%get3A_2814, %get3A_2815] : memref<1x8192xf32, #tpu.memory_space<vmem>>, vector<1x128xf32>
    %add3A_2817 = vector.broadcast %get3A_2816 : vector<1x128xf32> to vector<128x128xf32>
    %add3A_2818 = arith.addf %dot_general3A_2813, %add3A_2817 : vector<128x128xf32>
    %lt3A_2819 = arith.cmpf olt, %add3A_2818, %min3A_2805 : vector<128x128xf32>
    %min3A_2820 = arith.minimumf %min3A_2805, %add3A_2818 : vector<128x128xf32>
    %jit3A_2821 = arith.constant 52 : i32
    %broadcast_in_dim3A_2822 = vector.broadcast %jit3A_2821 : i32 to vector<128x128xi32>
    %select_n3A_2823 = arith.select %lt3A_2819, %broadcast_in_dim3A_2822, %select_n3A_2808 : vector<128x128xi1>, vector<128x128xi32>
    %get3A_2824 = arith.constant 0 : index
    %get3A_2825 = arith.constant 6784 : index
    %get3A_2826 = vector.load %arg8[%get3A_2824, %get3A_2825] : memref<32x8192xf32, #tpu.memory_space<vmem>>, vector<32x128xf32>
    %dot_general3A_2827 = arith.constant dense<0.000000e+00> : vector<128x128xf32>
    %dot_general3A_2828 = tpu.matmul %mul3A_2024, %get3A_2826, %dot_general3A_2827 {dimension_numbers = #tpu.dot_dimension_numbers<[1], [0], [0], [1], [0, 0, 1, 1], [], []>, transpose_lhs_hint = false} : vector<128x32xf32>, vector<32x128xf32>, vector<128x128xf32> -> vector<128x128xf32>
    %get3A_2829 = arith.constant 0 : index
    %get3A_2830 = arith.constant 6784 : index
    %get3A_2831 = vector.load %arg9[%get3A_2829, %get3A_2830] : memref<1x8192xf32, #tpu.memory_space<vmem>>, vector<1x128xf32>
    %add3A_2832 = vector.broadcast %get3A_2831 : vector<1x128xf32> to vector<128x128xf32>
    %add3A_2833 = arith.addf %dot_general3A_2828, %add3A_2832 : vector<128x128xf32>
    %lt3A_2834 = arith.cmpf olt, %add3A_2833, %min3A_2820 : vector<128x128xf32>
    %min3A_2835 = arith.minimumf %min3A_2820, %add3A_2833 : vector<128x128xf32>
    %jit3A_2836 = arith.constant 53 : i32
    %broadcast_in_dim3A_2837 = vector.broadcast %jit3A_2836 : i32 to vector<128x128xi32>
    %select_n3A_2838 = arith.select %lt3A_2834, %broadcast_in_dim3A_2837, %select_n3A_2823 : vector<128x128xi1>, vector<128x128xi32>
    %get3A_2839 = arith.constant 0 : index
    %get3A_2840 = arith.constant 6912 : index
    %get3A_2841 = vector.load %arg8[%get3A_2839, %get3A_2840] : memref<32x8192xf32, #tpu.memory_space<vmem>>, vector<32x128xf32>
    %dot_general3A_2842 = arith.constant dense<0.000000e+00> : vector<128x128xf32>
    %dot_general3A_2843 = tpu.matmul %mul3A_2024, %get3A_2841, %dot_general3A_2842 {dimension_numbers = #tpu.dot_dimension_numbers<[1], [0], [0], [1], [0, 0, 1, 1], [], []>, transpose_lhs_hint = false} : vector<128x32xf32>, vector<32x128xf32>, vector<128x128xf32> -> vector<128x128xf32>
    %get3A_2844 = arith.constant 0 : index
    %get3A_2845 = arith.constant 6912 : index
    %get3A_2846 = vector.load %arg9[%get3A_2844, %get3A_2845] : memref<1x8192xf32, #tpu.memory_space<vmem>>, vector<1x128xf32>
    %add3A_2847 = vector.broadcast %get3A_2846 : vector<1x128xf32> to vector<128x128xf32>
    %add3A_2848 = arith.addf %dot_general3A_2843, %add3A_2847 : vector<128x128xf32>
    %lt3A_2849 = arith.cmpf olt, %add3A_2848, %min3A_2835 : vector<128x128xf32>
    %min3A_2850 = arith.minimumf %min3A_2835, %add3A_2848 : vector<128x128xf32>
    %jit3A_2851 = arith.constant 54 : i32
    %broadcast_in_dim3A_2852 = vector.broadcast %jit3A_2851 : i32 to vector<128x128xi32>
    %select_n3A_2853 = arith.select %lt3A_2849, %broadcast_in_dim3A_2852, %select_n3A_2838 : vector<128x128xi1>, vector<128x128xi32>
    %get3A_2854 = arith.constant 0 : index
    %get3A_2855 = arith.constant 7040 : index
    %get3A_2856 = vector.load %arg8[%get3A_2854, %get3A_2855] : memref<32x8192xf32, #tpu.memory_space<vmem>>, vector<32x128xf32>
    %dot_general3A_2857 = arith.constant dense<0.000000e+00> : vector<128x128xf32>
    %dot_general3A_2858 = tpu.matmul %mul3A_2024, %get3A_2856, %dot_general3A_2857 {dimension_numbers = #tpu.dot_dimension_numbers<[1], [0], [0], [1], [0, 0, 1, 1], [], []>, transpose_lhs_hint = false} : vector<128x32xf32>, vector<32x128xf32>, vector<128x128xf32> -> vector<128x128xf32>
    %get3A_2859 = arith.constant 0 : index
    %get3A_2860 = arith.constant 7040 : index
    %get3A_2861 = vector.load %arg9[%get3A_2859, %get3A_2860] : memref<1x8192xf32, #tpu.memory_space<vmem>>, vector<1x128xf32>
    %add3A_2862 = vector.broadcast %get3A_2861 : vector<1x128xf32> to vector<128x128xf32>
    %add3A_2863 = arith.addf %dot_general3A_2858, %add3A_2862 : vector<128x128xf32>
    %lt3A_2864 = arith.cmpf olt, %add3A_2863, %min3A_2850 : vector<128x128xf32>
    %min3A_2865 = arith.minimumf %min3A_2850, %add3A_2863 : vector<128x128xf32>
    %jit3A_2866 = arith.constant 55 : i32
    %broadcast_in_dim3A_2867 = vector.broadcast %jit3A_2866 : i32 to vector<128x128xi32>
    %select_n3A_2868 = arith.select %lt3A_2864, %broadcast_in_dim3A_2867, %select_n3A_2853 : vector<128x128xi1>, vector<128x128xi32>
    %get3A_2869 = arith.constant 0 : index
    %get3A_2870 = arith.constant 7168 : index
    %get3A_2871 = vector.load %arg8[%get3A_2869, %get3A_2870] : memref<32x8192xf32, #tpu.memory_space<vmem>>, vector<32x128xf32>
    %dot_general3A_2872 = arith.constant dense<0.000000e+00> : vector<128x128xf32>
    %dot_general3A_2873 = tpu.matmul %mul3A_2024, %get3A_2871, %dot_general3A_2872 {dimension_numbers = #tpu.dot_dimension_numbers<[1], [0], [0], [1], [0, 0, 1, 1], [], []>, transpose_lhs_hint = false} : vector<128x32xf32>, vector<32x128xf32>, vector<128x128xf32> -> vector<128x128xf32>
    %get3A_2874 = arith.constant 0 : index
    %get3A_2875 = arith.constant 7168 : index
    %get3A_2876 = vector.load %arg9[%get3A_2874, %get3A_2875] : memref<1x8192xf32, #tpu.memory_space<vmem>>, vector<1x128xf32>
    %add3A_2877 = vector.broadcast %get3A_2876 : vector<1x128xf32> to vector<128x128xf32>
    %add3A_2878 = arith.addf %dot_general3A_2873, %add3A_2877 : vector<128x128xf32>
    %lt3A_2879 = arith.cmpf olt, %add3A_2878, %min3A_2865 : vector<128x128xf32>
    %min3A_2880 = arith.minimumf %min3A_2865, %add3A_2878 : vector<128x128xf32>
    %jit3A_2881 = arith.constant 56 : i32
    %broadcast_in_dim3A_2882 = vector.broadcast %jit3A_2881 : i32 to vector<128x128xi32>
    %select_n3A_2883 = arith.select %lt3A_2879, %broadcast_in_dim3A_2882, %select_n3A_2868 : vector<128x128xi1>, vector<128x128xi32>
    %get3A_2884 = arith.constant 0 : index
    %get3A_2885 = arith.constant 7296 : index
    %get3A_2886 = vector.load %arg8[%get3A_2884, %get3A_2885] : memref<32x8192xf32, #tpu.memory_space<vmem>>, vector<32x128xf32>
    %dot_general3A_2887 = arith.constant dense<0.000000e+00> : vector<128x128xf32>
    %dot_general3A_2888 = tpu.matmul %mul3A_2024, %get3A_2886, %dot_general3A_2887 {dimension_numbers = #tpu.dot_dimension_numbers<[1], [0], [0], [1], [0, 0, 1, 1], [], []>, transpose_lhs_hint = false} : vector<128x32xf32>, vector<32x128xf32>, vector<128x128xf32> -> vector<128x128xf32>
    %get3A_2889 = arith.constant 0 : index
    %get3A_2890 = arith.constant 7296 : index
    %get3A_2891 = vector.load %arg9[%get3A_2889, %get3A_2890] : memref<1x8192xf32, #tpu.memory_space<vmem>>, vector<1x128xf32>
    %add3A_2892 = vector.broadcast %get3A_2891 : vector<1x128xf32> to vector<128x128xf32>
    %add3A_2893 = arith.addf %dot_general3A_2888, %add3A_2892 : vector<128x128xf32>
    %lt3A_2894 = arith.cmpf olt, %add3A_2893, %min3A_2880 : vector<128x128xf32>
    %min3A_2895 = arith.minimumf %min3A_2880, %add3A_2893 : vector<128x128xf32>
    %jit3A_2896 = arith.constant 57 : i32
    %broadcast_in_dim3A_2897 = vector.broadcast %jit3A_2896 : i32 to vector<128x128xi32>
    %select_n3A_2898 = arith.select %lt3A_2894, %broadcast_in_dim3A_2897, %select_n3A_2883 : vector<128x128xi1>, vector<128x128xi32>
    %get3A_2899 = arith.constant 0 : index
    %get3A_2900 = arith.constant 7424 : index
    %get3A_2901 = vector.load %arg8[%get3A_2899, %get3A_2900] : memref<32x8192xf32, #tpu.memory_space<vmem>>, vector<32x128xf32>
    %dot_general3A_2902 = arith.constant dense<0.000000e+00> : vector<128x128xf32>
    %dot_general3A_2903 = tpu.matmul %mul3A_2024, %get3A_2901, %dot_general3A_2902 {dimension_numbers = #tpu.dot_dimension_numbers<[1], [0], [0], [1], [0, 0, 1, 1], [], []>, transpose_lhs_hint = false} : vector<128x32xf32>, vector<32x128xf32>, vector<128x128xf32> -> vector<128x128xf32>
    %get3A_2904 = arith.constant 0 : index
    %get3A_2905 = arith.constant 7424 : index
    %get3A_2906 = vector.load %arg9[%get3A_2904, %get3A_2905] : memref<1x8192xf32, #tpu.memory_space<vmem>>, vector<1x128xf32>
    %add3A_2907 = vector.broadcast %get3A_2906 : vector<1x128xf32> to vector<128x128xf32>
    %add3A_2908 = arith.addf %dot_general3A_2903, %add3A_2907 : vector<128x128xf32>
    %lt3A_2909 = arith.cmpf olt, %add3A_2908, %min3A_2895 : vector<128x128xf32>
    %min3A_2910 = arith.minimumf %min3A_2895, %add3A_2908 : vector<128x128xf32>
    %jit3A_2911 = arith.constant 58 : i32
    %broadcast_in_dim3A_2912 = vector.broadcast %jit3A_2911 : i32 to vector<128x128xi32>
    %select_n3A_2913 = arith.select %lt3A_2909, %broadcast_in_dim3A_2912, %select_n3A_2898 : vector<128x128xi1>, vector<128x128xi32>
    %get3A_2914 = arith.constant 0 : index
    %get3A_2915 = arith.constant 7552 : index
    %get3A_2916 = vector.load %arg8[%get3A_2914, %get3A_2915] : memref<32x8192xf32, #tpu.memory_space<vmem>>, vector<32x128xf32>
    %dot_general3A_2917 = arith.constant dense<0.000000e+00> : vector<128x128xf32>
    %dot_general3A_2918 = tpu.matmul %mul3A_2024, %get3A_2916, %dot_general3A_2917 {dimension_numbers = #tpu.dot_dimension_numbers<[1], [0], [0], [1], [0, 0, 1, 1], [], []>, transpose_lhs_hint = false} : vector<128x32xf32>, vector<32x128xf32>, vector<128x128xf32> -> vector<128x128xf32>
    %get3A_2919 = arith.constant 0 : index
    %get3A_2920 = arith.constant 7552 : index
    %get3A_2921 = vector.load %arg9[%get3A_2919, %get3A_2920] : memref<1x8192xf32, #tpu.memory_space<vmem>>, vector<1x128xf32>
    %add3A_2922 = vector.broadcast %get3A_2921 : vector<1x128xf32> to vector<128x128xf32>
    %add3A_2923 = arith.addf %dot_general3A_2918, %add3A_2922 : vector<128x128xf32>
    %lt3A_2924 = arith.cmpf olt, %add3A_2923, %min3A_2910 : vector<128x128xf32>
    %min3A_2925 = arith.minimumf %min3A_2910, %add3A_2923 : vector<128x128xf32>
    %jit3A_2926 = arith.constant 59 : i32
    %broadcast_in_dim3A_2927 = vector.broadcast %jit3A_2926 : i32 to vector<128x128xi32>
    %select_n3A_2928 = arith.select %lt3A_2924, %broadcast_in_dim3A_2927, %select_n3A_2913 : vector<128x128xi1>, vector<128x128xi32>
    %get3A_2929 = arith.constant 0 : index
    %get3A_2930 = arith.constant 7680 : index
    %get3A_2931 = vector.load %arg8[%get3A_2929, %get3A_2930] : memref<32x8192xf32, #tpu.memory_space<vmem>>, vector<32x128xf32>
    %dot_general3A_2932 = arith.constant dense<0.000000e+00> : vector<128x128xf32>
    %dot_general3A_2933 = tpu.matmul %mul3A_2024, %get3A_2931, %dot_general3A_2932 {dimension_numbers = #tpu.dot_dimension_numbers<[1], [0], [0], [1], [0, 0, 1, 1], [], []>, transpose_lhs_hint = false} : vector<128x32xf32>, vector<32x128xf32>, vector<128x128xf32> -> vector<128x128xf32>
    %get3A_2934 = arith.constant 0 : index
    %get3A_2935 = arith.constant 7680 : index
    %get3A_2936 = vector.load %arg9[%get3A_2934, %get3A_2935] : memref<1x8192xf32, #tpu.memory_space<vmem>>, vector<1x128xf32>
    %add3A_2937 = vector.broadcast %get3A_2936 : vector<1x128xf32> to vector<128x128xf32>
    %add3A_2938 = arith.addf %dot_general3A_2933, %add3A_2937 : vector<128x128xf32>
    %lt3A_2939 = arith.cmpf olt, %add3A_2938, %min3A_2925 : vector<128x128xf32>
    %min3A_2940 = arith.minimumf %min3A_2925, %add3A_2938 : vector<128x128xf32>
    %jit3A_2941 = arith.constant 60 : i32
    %broadcast_in_dim3A_2942 = vector.broadcast %jit3A_2941 : i32 to vector<128x128xi32>
    %select_n3A_2943 = arith.select %lt3A_2939, %broadcast_in_dim3A_2942, %select_n3A_2928 : vector<128x128xi1>, vector<128x128xi32>
    %get3A_2944 = arith.constant 0 : index
    %get3A_2945 = arith.constant 7808 : index
    %get3A_2946 = vector.load %arg8[%get3A_2944, %get3A_2945] : memref<32x8192xf32, #tpu.memory_space<vmem>>, vector<32x128xf32>
    %dot_general3A_2947 = arith.constant dense<0.000000e+00> : vector<128x128xf32>
    %dot_general3A_2948 = tpu.matmul %mul3A_2024, %get3A_2946, %dot_general3A_2947 {dimension_numbers = #tpu.dot_dimension_numbers<[1], [0], [0], [1], [0, 0, 1, 1], [], []>, transpose_lhs_hint = false} : vector<128x32xf32>, vector<32x128xf32>, vector<128x128xf32> -> vector<128x128xf32>
    %get3A_2949 = arith.constant 0 : index
    %get3A_2950 = arith.constant 7808 : index
    %get3A_2951 = vector.load %arg9[%get3A_2949, %get3A_2950] : memref<1x8192xf32, #tpu.memory_space<vmem>>, vector<1x128xf32>
    %add3A_2952 = vector.broadcast %get3A_2951 : vector<1x128xf32> to vector<128x128xf32>
    %add3A_2953 = arith.addf %dot_general3A_2948, %add3A_2952 : vector<128x128xf32>
    %lt3A_2954 = arith.cmpf olt, %add3A_2953, %min3A_2940 : vector<128x128xf32>
    %min3A_2955 = arith.minimumf %min3A_2940, %add3A_2953 : vector<128x128xf32>
    %jit3A_2956 = arith.constant 61 : i32
    %broadcast_in_dim3A_2957 = vector.broadcast %jit3A_2956 : i32 to vector<128x128xi32>
    %select_n3A_2958 = arith.select %lt3A_2954, %broadcast_in_dim3A_2957, %select_n3A_2943 : vector<128x128xi1>, vector<128x128xi32>
    %get3A_2959 = arith.constant 0 : index
    %get3A_2960 = arith.constant 7936 : index
    %get3A_2961 = vector.load %arg8[%get3A_2959, %get3A_2960] : memref<32x8192xf32, #tpu.memory_space<vmem>>, vector<32x128xf32>
    %dot_general3A_2962 = arith.constant dense<0.000000e+00> : vector<128x128xf32>
    %dot_general3A_2963 = tpu.matmul %mul3A_2024, %get3A_2961, %dot_general3A_2962 {dimension_numbers = #tpu.dot_dimension_numbers<[1], [0], [0], [1], [0, 0, 1, 1], [], []>, transpose_lhs_hint = false} : vector<128x32xf32>, vector<32x128xf32>, vector<128x128xf32> -> vector<128x128xf32>
    %get3A_2964 = arith.constant 0 : index
    %get3A_2965 = arith.constant 7936 : index
    %get3A_2966 = vector.load %arg9[%get3A_2964, %get3A_2965] : memref<1x8192xf32, #tpu.memory_space<vmem>>, vector<1x128xf32>
    %add3A_2967 = vector.broadcast %get3A_2966 : vector<1x128xf32> to vector<128x128xf32>
    %add3A_2968 = arith.addf %dot_general3A_2963, %add3A_2967 : vector<128x128xf32>
    %lt3A_2969 = arith.cmpf olt, %add3A_2968, %min3A_2955 : vector<128x128xf32>
    %min3A_2970 = arith.minimumf %min3A_2955, %add3A_2968 : vector<128x128xf32>
    %jit3A_2971 = arith.constant 62 : i32
    %broadcast_in_dim3A_2972 = vector.broadcast %jit3A_2971 : i32 to vector<128x128xi32>
    %select_n3A_2973 = arith.select %lt3A_2969, %broadcast_in_dim3A_2972, %select_n3A_2958 : vector<128x128xi1>, vector<128x128xi32>
    %get3A_2974 = arith.constant 0 : index
    %get3A_2975 = arith.constant 8064 : index
    %get3A_2976 = vector.load %arg8[%get3A_2974, %get3A_2975] : memref<32x8192xf32, #tpu.memory_space<vmem>>, vector<32x128xf32>
    %dot_general3A_2977 = arith.constant dense<0.000000e+00> : vector<128x128xf32>
    %dot_general3A_2978 = tpu.matmul %mul3A_2024, %get3A_2976, %dot_general3A_2977 {dimension_numbers = #tpu.dot_dimension_numbers<[1], [0], [0], [1], [0, 0, 1, 1], [], []>, transpose_lhs_hint = false} : vector<128x32xf32>, vector<32x128xf32>, vector<128x128xf32> -> vector<128x128xf32>
    %get3A_2979 = arith.constant 0 : index
    %get3A_2980 = arith.constant 8064 : index
    %get3A_2981 = vector.load %arg9[%get3A_2979, %get3A_2980] : memref<1x8192xf32, #tpu.memory_space<vmem>>, vector<1x128xf32>
    %add3A_2982 = vector.broadcast %get3A_2981 : vector<1x128xf32> to vector<128x128xf32>
    %add3A_2983 = arith.addf %dot_general3A_2978, %add3A_2982 : vector<128x128xf32>
    %lt3A_2984 = arith.cmpf olt, %add3A_2983, %min3A_2970 : vector<128x128xf32>
    %min3A_2985 = arith.minimumf %min3A_2970, %add3A_2983 : vector<128x128xf32>
    %jit3A_2986 = arith.constant 63 : i32
    %broadcast_in_dim3A_2987 = vector.broadcast %jit3A_2986 : i32 to vector<128x128xi32>
    %select_n3A_2988 = arith.select %lt3A_2984, %broadcast_in_dim3A_2987, %select_n3A_2973 : vector<128x128xi1>, vector<128x128xi32>
    %reduce_min3A_2989 = arith.constant dense<0x7F800000> : vector<128xf32>
    %reduce_min3A_2990 = vector.multi_reduction <minimumf>, %min3A_2985, %reduce_min3A_2989 [1] : vector<128x128xf32> to vector<128xf32>
    %broadcast_in_dim3A_2991 = vector.shape_cast %reduce_min3A_2990 : vector<128xf32> to vector<128x1xf32>
    %mul3A_2992 = arith.constant 128 : i32
    %mul3A_2993 = vector.broadcast %mul3A_2992 : i32 to vector<128x128xi32>
    %mul3A_2994 = arith.muli %select_n3A_2988, %mul3A_2993 : vector<128x128xi32>
    %add3A_2995 = arith.addi %mul3A_2994, %iota3A_2021 : vector<128x128xi32>
    %le3A_2996 = vector.broadcast %broadcast_in_dim3A_2991 : vector<128x1xf32> to vector<128x128xf32>
    %le3A_2997 = arith.cmpf ole, %min3A_2985, %le3A_2996 : vector<128x128xf32>
    %jit3A_2998 = arith.constant 8192 : i32
    %broadcast_in_dim3A_2999 = vector.broadcast %jit3A_2998 : i32 to vector<128x128xi32>
    %select_n3A_3000 = arith.select %le3A_2997, %add3A_2995, %broadcast_in_dim3A_2999 : vector<128x128xi1>, vector<128x128xi32>
    %reduce_min3A_3001 = arith.constant dense<2147483647> : vector<128xi32>
    %reduce_min3A_3002 = vector.multi_reduction <minsi>, %select_n3A_3000, %reduce_min3A_3001 [1] : vector<128x128xi32> to vector<128xi32>
    %swap3A_3003 = arith.constant 1 : index
    %swap3A_3004 = arith.constant 0 : index
    %swap3A_3005 = vector.load %arg11[%swap3A_3003, %swap3A_3004] : memref<2x256xi32, #tpu.memory_space<vmem>>, vector<1x128xi32>
    %swap3A_3006 = vector.shape_cast %swap3A_3005 : vector<1x128xi32> to vector<128xi32>
    %swap3A_3007 = vector.shape_cast %reduce_min3A_3002 : vector<128xi32> to vector<1x128xi32>
    tpu.vector_store %arg11[%swap3A_3003, %swap3A_3004], %swap3A_3007 {strides = array<i32>} : memref<2x256xi32, #tpu.memory_space<vmem>>, vector<1x128xi32>,
    %slice3A_3008 = vector.extract_strided_slice %slice3A_50 {offsets = [128, 0], sizes = [128, 32], strides = [1, 1]} : vector<256x32xf32> to vector<128x32xf32>
    %iota3A_3009 = tpu.iota {dimensions = array<i32: 1>} : vector<128x128xi32>
    %mul3A_3010 = arith.constant -2.000000e+00 : f32
    %mul3A_3011 = vector.broadcast %mul3A_3010 : f32 to vector<128x32xf32>
    %mul3A_3012 = arith.mulf %mul3A_3011, %slice3A_3008 : vector<128x32xf32>
    %broadcast_in_dim3A_3013 = arith.constant 0x7F800000 : f32
    %broadcast_in_dim3A_3014 = vector.broadcast %broadcast_in_dim3A_3013 : f32 to vector<128x128xf32>
    %broadcast_in_dim3A_3015 = arith.constant 0 : i32
    %broadcast_in_dim3A_3016 = vector.broadcast %broadcast_in_dim3A_3015 : i32 to vector<128x128xi32>
    %get3A_3017 = arith.constant 0 : index
    %get3A_3018 = arith.constant 0 : index
    %get3A_3019 = vector.load %arg8[%get3A_3017, %get3A_3018] : memref<32x8192xf32, #tpu.memory_space<vmem>>, vector<32x128xf32>
    %dot_general3A_3020 = arith.constant dense<0.000000e+00> : vector<128x128xf32>
    %dot_general3A_3021 = tpu.matmul %mul3A_3012, %get3A_3019, %dot_general3A_3020 {dimension_numbers = #tpu.dot_dimension_numbers<[1], [0], [0], [1], [0, 0, 1, 1], [], []>, transpose_lhs_hint = false} : vector<128x32xf32>, vector<32x128xf32>, vector<128x128xf32> -> vector<128x128xf32>
    %get3A_3022 = arith.constant 0 : index
    %get3A_3023 = arith.constant 0 : index
    %get3A_3024 = vector.load %arg9[%get3A_3022, %get3A_3023] : memref<1x8192xf32, #tpu.memory_space<vmem>>, vector<1x128xf32>
    %add3A_3025 = vector.broadcast %get3A_3024 : vector<1x128xf32> to vector<128x128xf32>
    %add3A_3026 = arith.addf %dot_general3A_3021, %add3A_3025 : vector<128x128xf32>
    %lt3A_3027 = arith.cmpf olt, %add3A_3026, %broadcast_in_dim3A_3014 : vector<128x128xf32>
    %min3A_3028 = arith.minimumf %broadcast_in_dim3A_3014, %add3A_3026 : vector<128x128xf32>
    %jit3A_3029 = arith.constant 0 : i32
    %broadcast_in_dim3A_3030 = vector.broadcast %jit3A_3029 : i32 to vector<128x128xi32>
    %select_n3A_3031 = arith.select %lt3A_3027, %broadcast_in_dim3A_3030, %broadcast_in_dim3A_3016 : vector<128x128xi1>, vector<128x128xi32>
    %get3A_3032 = arith.constant 0 : index
    %get3A_3033 = arith.constant 128 : index
    %get3A_3034 = vector.load %arg8[%get3A_3032, %get3A_3033] : memref<32x8192xf32, #tpu.memory_space<vmem>>, vector<32x128xf32>
    %dot_general3A_3035 = arith.constant dense<0.000000e+00> : vector<128x128xf32>
    %dot_general3A_3036 = tpu.matmul %mul3A_3012, %get3A_3034, %dot_general3A_3035 {dimension_numbers = #tpu.dot_dimension_numbers<[1], [0], [0], [1], [0, 0, 1, 1], [], []>, transpose_lhs_hint = false} : vector<128x32xf32>, vector<32x128xf32>, vector<128x128xf32> -> vector<128x128xf32>
    %get3A_3037 = arith.constant 0 : index
    %get3A_3038 = arith.constant 128 : index
    %get3A_3039 = vector.load %arg9[%get3A_3037, %get3A_3038] : memref<1x8192xf32, #tpu.memory_space<vmem>>, vector<1x128xf32>
    %add3A_3040 = vector.broadcast %get3A_3039 : vector<1x128xf32> to vector<128x128xf32>
    %add3A_3041 = arith.addf %dot_general3A_3036, %add3A_3040 : vector<128x128xf32>
    %lt3A_3042 = arith.cmpf olt, %add3A_3041, %min3A_3028 : vector<128x128xf32>
    %min3A_3043 = arith.minimumf %min3A_3028, %add3A_3041 : vector<128x128xf32>
    %jit3A_3044 = arith.constant 1 : i32
    %broadcast_in_dim3A_3045 = vector.broadcast %jit3A_3044 : i32 to vector<128x128xi32>
    %select_n3A_3046 = arith.select %lt3A_3042, %broadcast_in_dim3A_3045, %select_n3A_3031 : vector<128x128xi1>, vector<128x128xi32>
    %get3A_3047 = arith.constant 0 : index
    %get3A_3048 = arith.constant 256 : index
    %get3A_3049 = vector.load %arg8[%get3A_3047, %get3A_3048] : memref<32x8192xf32, #tpu.memory_space<vmem>>, vector<32x128xf32>
    %dot_general3A_3050 = arith.constant dense<0.000000e+00> : vector<128x128xf32>
    %dot_general3A_3051 = tpu.matmul %mul3A_3012, %get3A_3049, %dot_general3A_3050 {dimension_numbers = #tpu.dot_dimension_numbers<[1], [0], [0], [1], [0, 0, 1, 1], [], []>, transpose_lhs_hint = false} : vector<128x32xf32>, vector<32x128xf32>, vector<128x128xf32> -> vector<128x128xf32>
    %get3A_3052 = arith.constant 0 : index
    %get3A_3053 = arith.constant 256 : index
    %get3A_3054 = vector.load %arg9[%get3A_3052, %get3A_3053] : memref<1x8192xf32, #tpu.memory_space<vmem>>, vector<1x128xf32>
    %add3A_3055 = vector.broadcast %get3A_3054 : vector<1x128xf32> to vector<128x128xf32>
    %add3A_3056 = arith.addf %dot_general3A_3051, %add3A_3055 : vector<128x128xf32>
    %lt3A_3057 = arith.cmpf olt, %add3A_3056, %min3A_3043 : vector<128x128xf32>
    %min3A_3058 = arith.minimumf %min3A_3043, %add3A_3056 : vector<128x128xf32>
    %jit3A_3059 = arith.constant 2 : i32
    %broadcast_in_dim3A_3060 = vector.broadcast %jit3A_3059 : i32 to vector<128x128xi32>
    %select_n3A_3061 = arith.select %lt3A_3057, %broadcast_in_dim3A_3060, %select_n3A_3046 : vector<128x128xi1>, vector<128x128xi32>
    %get3A_3062 = arith.constant 0 : index
    %get3A_3063 = arith.constant 384 : index
    %get3A_3064 = vector.load %arg8[%get3A_3062, %get3A_3063] : memref<32x8192xf32, #tpu.memory_space<vmem>>, vector<32x128xf32>
    %dot_general3A_3065 = arith.constant dense<0.000000e+00> : vector<128x128xf32>
    %dot_general3A_3066 = tpu.matmul %mul3A_3012, %get3A_3064, %dot_general3A_3065 {dimension_numbers = #tpu.dot_dimension_numbers<[1], [0], [0], [1], [0, 0, 1, 1], [], []>, transpose_lhs_hint = false} : vector<128x32xf32>, vector<32x128xf32>, vector<128x128xf32> -> vector<128x128xf32>
    %get3A_3067 = arith.constant 0 : index
    %get3A_3068 = arith.constant 384 : index
    %get3A_3069 = vector.load %arg9[%get3A_3067, %get3A_3068] : memref<1x8192xf32, #tpu.memory_space<vmem>>, vector<1x128xf32>
    %add3A_3070 = vector.broadcast %get3A_3069 : vector<1x128xf32> to vector<128x128xf32>
    %add3A_3071 = arith.addf %dot_general3A_3066, %add3A_3070 : vector<128x128xf32>
    %lt3A_3072 = arith.cmpf olt, %add3A_3071, %min3A_3058 : vector<128x128xf32>
    %min3A_3073 = arith.minimumf %min3A_3058, %add3A_3071 : vector<128x128xf32>
    %jit3A_3074 = arith.constant 3 : i32
    %broadcast_in_dim3A_3075 = vector.broadcast %jit3A_3074 : i32 to vector<128x128xi32>
    %select_n3A_3076 = arith.select %lt3A_3072, %broadcast_in_dim3A_3075, %select_n3A_3061 : vector<128x128xi1>, vector<128x128xi32>
    %get3A_3077 = arith.constant 0 : index
    %get3A_3078 = arith.constant 512 : index
    %get3A_3079 = vector.load %arg8[%get3A_3077, %get3A_3078] : memref<32x8192xf32, #tpu.memory_space<vmem>>, vector<32x128xf32>
    %dot_general3A_3080 = arith.constant dense<0.000000e+00> : vector<128x128xf32>
    %dot_general3A_3081 = tpu.matmul %mul3A_3012, %get3A_3079, %dot_general3A_3080 {dimension_numbers = #tpu.dot_dimension_numbers<[1], [0], [0], [1], [0, 0, 1, 1], [], []>, transpose_lhs_hint = false} : vector<128x32xf32>, vector<32x128xf32>, vector<128x128xf32> -> vector<128x128xf32>
    %get3A_3082 = arith.constant 0 : index
    %get3A_3083 = arith.constant 512 : index
    %get3A_3084 = vector.load %arg9[%get3A_3082, %get3A_3083] : memref<1x8192xf32, #tpu.memory_space<vmem>>, vector<1x128xf32>
    %add3A_3085 = vector.broadcast %get3A_3084 : vector<1x128xf32> to vector<128x128xf32>
    %add3A_3086 = arith.addf %dot_general3A_3081, %add3A_3085 : vector<128x128xf32>
    %lt3A_3087 = arith.cmpf olt, %add3A_3086, %min3A_3073 : vector<128x128xf32>
    %min3A_3088 = arith.minimumf %min3A_3073, %add3A_3086 : vector<128x128xf32>
    %jit3A_3089 = arith.constant 4 : i32
    %broadcast_in_dim3A_3090 = vector.broadcast %jit3A_3089 : i32 to vector<128x128xi32>
    %select_n3A_3091 = arith.select %lt3A_3087, %broadcast_in_dim3A_3090, %select_n3A_3076 : vector<128x128xi1>, vector<128x128xi32>
    %get3A_3092 = arith.constant 0 : index
    %get3A_3093 = arith.constant 640 : index
    %get3A_3094 = vector.load %arg8[%get3A_3092, %get3A_3093] : memref<32x8192xf32, #tpu.memory_space<vmem>>, vector<32x128xf32>
    %dot_general3A_3095 = arith.constant dense<0.000000e+00> : vector<128x128xf32>
    %dot_general3A_3096 = tpu.matmul %mul3A_3012, %get3A_3094, %dot_general3A_3095 {dimension_numbers = #tpu.dot_dimension_numbers<[1], [0], [0], [1], [0, 0, 1, 1], [], []>, transpose_lhs_hint = false} : vector<128x32xf32>, vector<32x128xf32>, vector<128x128xf32> -> vector<128x128xf32>
    %get3A_3097 = arith.constant 0 : index
    %get3A_3098 = arith.constant 640 : index
    %get3A_3099 = vector.load %arg9[%get3A_3097, %get3A_3098] : memref<1x8192xf32, #tpu.memory_space<vmem>>, vector<1x128xf32>
    %add3A_3100 = vector.broadcast %get3A_3099 : vector<1x128xf32> to vector<128x128xf32>
    %add3A_3101 = arith.addf %dot_general3A_3096, %add3A_3100 : vector<128x128xf32>
    %lt3A_3102 = arith.cmpf olt, %add3A_3101, %min3A_3088 : vector<128x128xf32>
    %min3A_3103 = arith.minimumf %min3A_3088, %add3A_3101 : vector<128x128xf32>
    %jit3A_3104 = arith.constant 5 : i32
    %broadcast_in_dim3A_3105 = vector.broadcast %jit3A_3104 : i32 to vector<128x128xi32>
    %select_n3A_3106 = arith.select %lt3A_3102, %broadcast_in_dim3A_3105, %select_n3A_3091 : vector<128x128xi1>, vector<128x128xi32>
    %get3A_3107 = arith.constant 0 : index
    %get3A_3108 = arith.constant 768 : index
    %get3A_3109 = vector.load %arg8[%get3A_3107, %get3A_3108] : memref<32x8192xf32, #tpu.memory_space<vmem>>, vector<32x128xf32>
    %dot_general3A_3110 = arith.constant dense<0.000000e+00> : vector<128x128xf32>
    %dot_general3A_3111 = tpu.matmul %mul3A_3012, %get3A_3109, %dot_general3A_3110 {dimension_numbers = #tpu.dot_dimension_numbers<[1], [0], [0], [1], [0, 0, 1, 1], [], []>, transpose_lhs_hint = false} : vector<128x32xf32>, vector<32x128xf32>, vector<128x128xf32> -> vector<128x128xf32>
    %get3A_3112 = arith.constant 0 : index
    %get3A_3113 = arith.constant 768 : index
    %get3A_3114 = vector.load %arg9[%get3A_3112, %get3A_3113] : memref<1x8192xf32, #tpu.memory_space<vmem>>, vector<1x128xf32>
    %add3A_3115 = vector.broadcast %get3A_3114 : vector<1x128xf32> to vector<128x128xf32>
    %add3A_3116 = arith.addf %dot_general3A_3111, %add3A_3115 : vector<128x128xf32>
    %lt3A_3117 = arith.cmpf olt, %add3A_3116, %min3A_3103 : vector<128x128xf32>
    %min3A_3118 = arith.minimumf %min3A_3103, %add3A_3116 : vector<128x128xf32>
    %jit3A_3119 = arith.constant 6 : i32
    %broadcast_in_dim3A_3120 = vector.broadcast %jit3A_3119 : i32 to vector<128x128xi32>
    %select_n3A_3121 = arith.select %lt3A_3117, %broadcast_in_dim3A_3120, %select_n3A_3106 : vector<128x128xi1>, vector<128x128xi32>
    %get3A_3122 = arith.constant 0 : index
    %get3A_3123 = arith.constant 896 : index
    %get3A_3124 = vector.load %arg8[%get3A_3122, %get3A_3123] : memref<32x8192xf32, #tpu.memory_space<vmem>>, vector<32x128xf32>
    %dot_general3A_3125 = arith.constant dense<0.000000e+00> : vector<128x128xf32>
    %dot_general3A_3126 = tpu.matmul %mul3A_3012, %get3A_3124, %dot_general3A_3125 {dimension_numbers = #tpu.dot_dimension_numbers<[1], [0], [0], [1], [0, 0, 1, 1], [], []>, transpose_lhs_hint = false} : vector<128x32xf32>, vector<32x128xf32>, vector<128x128xf32> -> vector<128x128xf32>
    %get3A_3127 = arith.constant 0 : index
    %get3A_3128 = arith.constant 896 : index
    %get3A_3129 = vector.load %arg9[%get3A_3127, %get3A_3128] : memref<1x8192xf32, #tpu.memory_space<vmem>>, vector<1x128xf32>
    %add3A_3130 = vector.broadcast %get3A_3129 : vector<1x128xf32> to vector<128x128xf32>
    %add3A_3131 = arith.addf %dot_general3A_3126, %add3A_3130 : vector<128x128xf32>
    %lt3A_3132 = arith.cmpf olt, %add3A_3131, %min3A_3118 : vector<128x128xf32>
    %min3A_3133 = arith.minimumf %min3A_3118, %add3A_3131 : vector<128x128xf32>
    %jit3A_3134 = arith.constant 7 : i32
    %broadcast_in_dim3A_3135 = vector.broadcast %jit3A_3134 : i32 to vector<128x128xi32>
    %select_n3A_3136 = arith.select %lt3A_3132, %broadcast_in_dim3A_3135, %select_n3A_3121 : vector<128x128xi1>, vector<128x128xi32>
    %get3A_3137 = arith.constant 0 : index
    %get3A_3138 = arith.constant 1024 : index
    %get3A_3139 = vector.load %arg8[%get3A_3137, %get3A_3138] : memref<32x8192xf32, #tpu.memory_space<vmem>>, vector<32x128xf32>
    %dot_general3A_3140 = arith.constant dense<0.000000e+00> : vector<128x128xf32>
    %dot_general3A_3141 = tpu.matmul %mul3A_3012, %get3A_3139, %dot_general3A_3140 {dimension_numbers = #tpu.dot_dimension_numbers<[1], [0], [0], [1], [0, 0, 1, 1], [], []>, transpose_lhs_hint = false} : vector<128x32xf32>, vector<32x128xf32>, vector<128x128xf32> -> vector<128x128xf32>
    %get3A_3142 = arith.constant 0 : index
    %get3A_3143 = arith.constant 1024 : index
    %get3A_3144 = vector.load %arg9[%get3A_3142, %get3A_3143] : memref<1x8192xf32, #tpu.memory_space<vmem>>, vector<1x128xf32>
    %add3A_3145 = vector.broadcast %get3A_3144 : vector<1x128xf32> to vector<128x128xf32>
    %add3A_3146 = arith.addf %dot_general3A_3141, %add3A_3145 : vector<128x128xf32>
    %lt3A_3147 = arith.cmpf olt, %add3A_3146, %min3A_3133 : vector<128x128xf32>
    %min3A_3148 = arith.minimumf %min3A_3133, %add3A_3146 : vector<128x128xf32>
    %jit3A_3149 = arith.constant 8 : i32
    %broadcast_in_dim3A_3150 = vector.broadcast %jit3A_3149 : i32 to vector<128x128xi32>
    %select_n3A_3151 = arith.select %lt3A_3147, %broadcast_in_dim3A_3150, %select_n3A_3136 : vector<128x128xi1>, vector<128x128xi32>
    %get3A_3152 = arith.constant 0 : index
    %get3A_3153 = arith.constant 1152 : index
    %get3A_3154 = vector.load %arg8[%get3A_3152, %get3A_3153] : memref<32x8192xf32, #tpu.memory_space<vmem>>, vector<32x128xf32>
    %dot_general3A_3155 = arith.constant dense<0.000000e+00> : vector<128x128xf32>
    %dot_general3A_3156 = tpu.matmul %mul3A_3012, %get3A_3154, %dot_general3A_3155 {dimension_numbers = #tpu.dot_dimension_numbers<[1], [0], [0], [1], [0, 0, 1, 1], [], []>, transpose_lhs_hint = false} : vector<128x32xf32>, vector<32x128xf32>, vector<128x128xf32> -> vector<128x128xf32>
    %get3A_3157 = arith.constant 0 : index
    %get3A_3158 = arith.constant 1152 : index
    %get3A_3159 = vector.load %arg9[%get3A_3157, %get3A_3158] : memref<1x8192xf32, #tpu.memory_space<vmem>>, vector<1x128xf32>
    %add3A_3160 = vector.broadcast %get3A_3159 : vector<1x128xf32> to vector<128x128xf32>
    %add3A_3161 = arith.addf %dot_general3A_3156, %add3A_3160 : vector<128x128xf32>
    %lt3A_3162 = arith.cmpf olt, %add3A_3161, %min3A_3148 : vector<128x128xf32>
    %min3A_3163 = arith.minimumf %min3A_3148, %add3A_3161 : vector<128x128xf32>
    %jit3A_3164 = arith.constant 9 : i32
    %broadcast_in_dim3A_3165 = vector.broadcast %jit3A_3164 : i32 to vector<128x128xi32>
    %select_n3A_3166 = arith.select %lt3A_3162, %broadcast_in_dim3A_3165, %select_n3A_3151 : vector<128x128xi1>, vector<128x128xi32>
    %get3A_3167 = arith.constant 0 : index
    %get3A_3168 = arith.constant 1280 : index
    %get3A_3169 = vector.load %arg8[%get3A_3167, %get3A_3168] : memref<32x8192xf32, #tpu.memory_space<vmem>>, vector<32x128xf32>
    %dot_general3A_3170 = arith.constant dense<0.000000e+00> : vector<128x128xf32>
    %dot_general3A_3171 = tpu.matmul %mul3A_3012, %get3A_3169, %dot_general3A_3170 {dimension_numbers = #tpu.dot_dimension_numbers<[1], [0], [0], [1], [0, 0, 1, 1], [], []>, transpose_lhs_hint = false} : vector<128x32xf32>, vector<32x128xf32>, vector<128x128xf32> -> vector<128x128xf32>
    %get3A_3172 = arith.constant 0 : index
    %get3A_3173 = arith.constant 1280 : index
    %get3A_3174 = vector.load %arg9[%get3A_3172, %get3A_3173] : memref<1x8192xf32, #tpu.memory_space<vmem>>, vector<1x128xf32>
    %add3A_3175 = vector.broadcast %get3A_3174 : vector<1x128xf32> to vector<128x128xf32>
    %add3A_3176 = arith.addf %dot_general3A_3171, %add3A_3175 : vector<128x128xf32>
    %lt3A_3177 = arith.cmpf olt, %add3A_3176, %min3A_3163 : vector<128x128xf32>
    %min3A_3178 = arith.minimumf %min3A_3163, %add3A_3176 : vector<128x128xf32>
    %jit3A_3179 = arith.constant 10 : i32
    %broadcast_in_dim3A_3180 = vector.broadcast %jit3A_3179 : i32 to vector<128x128xi32>
    %select_n3A_3181 = arith.select %lt3A_3177, %broadcast_in_dim3A_3180, %select_n3A_3166 : vector<128x128xi1>, vector<128x128xi32>
    %get3A_3182 = arith.constant 0 : index
    %get3A_3183 = arith.constant 1408 : index
    %get3A_3184 = vector.load %arg8[%get3A_3182, %get3A_3183] : memref<32x8192xf32, #tpu.memory_space<vmem>>, vector<32x128xf32>
    %dot_general3A_3185 = arith.constant dense<0.000000e+00> : vector<128x128xf32>
    %dot_general3A_3186 = tpu.matmul %mul3A_3012, %get3A_3184, %dot_general3A_3185 {dimension_numbers = #tpu.dot_dimension_numbers<[1], [0], [0], [1], [0, 0, 1, 1], [], []>, transpose_lhs_hint = false} : vector<128x32xf32>, vector<32x128xf32>, vector<128x128xf32> -> vector<128x128xf32>
    %get3A_3187 = arith.constant 0 : index
    %get3A_3188 = arith.constant 1408 : index
    %get3A_3189 = vector.load %arg9[%get3A_3187, %get3A_3188] : memref<1x8192xf32, #tpu.memory_space<vmem>>, vector<1x128xf32>
    %add3A_3190 = vector.broadcast %get3A_3189 : vector<1x128xf32> to vector<128x128xf32>
    %add3A_3191 = arith.addf %dot_general3A_3186, %add3A_3190 : vector<128x128xf32>
    %lt3A_3192 = arith.cmpf olt, %add3A_3191, %min3A_3178 : vector<128x128xf32>
    %min3A_3193 = arith.minimumf %min3A_3178, %add3A_3191 : vector<128x128xf32>
    %jit3A_3194 = arith.constant 11 : i32
    %broadcast_in_dim3A_3195 = vector.broadcast %jit3A_3194 : i32 to vector<128x128xi32>
    %select_n3A_3196 = arith.select %lt3A_3192, %broadcast_in_dim3A_3195, %select_n3A_3181 : vector<128x128xi1>, vector<128x128xi32>
    %get3A_3197 = arith.constant 0 : index
    %get3A_3198 = arith.constant 1536 : index
    %get3A_3199 = vector.load %arg8[%get3A_3197, %get3A_3198] : memref<32x8192xf32, #tpu.memory_space<vmem>>, vector<32x128xf32>
    %dot_general3A_3200 = arith.constant dense<0.000000e+00> : vector<128x128xf32>
    %dot_general3A_3201 = tpu.matmul %mul3A_3012, %get3A_3199, %dot_general3A_3200 {dimension_numbers = #tpu.dot_dimension_numbers<[1], [0], [0], [1], [0, 0, 1, 1], [], []>, transpose_lhs_hint = false} : vector<128x32xf32>, vector<32x128xf32>, vector<128x128xf32> -> vector<128x128xf32>
    %get3A_3202 = arith.constant 0 : index
    %get3A_3203 = arith.constant 1536 : index
    %get3A_3204 = vector.load %arg9[%get3A_3202, %get3A_3203] : memref<1x8192xf32, #tpu.memory_space<vmem>>, vector<1x128xf32>
    %add3A_3205 = vector.broadcast %get3A_3204 : vector<1x128xf32> to vector<128x128xf32>
    %add3A_3206 = arith.addf %dot_general3A_3201, %add3A_3205 : vector<128x128xf32>
    %lt3A_3207 = arith.cmpf olt, %add3A_3206, %min3A_3193 : vector<128x128xf32>
    %min3A_3208 = arith.minimumf %min3A_3193, %add3A_3206 : vector<128x128xf32>
    %jit3A_3209 = arith.constant 12 : i32
    %broadcast_in_dim3A_3210 = vector.broadcast %jit3A_3209 : i32 to vector<128x128xi32>
    %select_n3A_3211 = arith.select %lt3A_3207, %broadcast_in_dim3A_3210, %select_n3A_3196 : vector<128x128xi1>, vector<128x128xi32>
    %get3A_3212 = arith.constant 0 : index
    %get3A_3213 = arith.constant 1664 : index
    %get3A_3214 = vector.load %arg8[%get3A_3212, %get3A_3213] : memref<32x8192xf32, #tpu.memory_space<vmem>>, vector<32x128xf32>
    %dot_general3A_3215 = arith.constant dense<0.000000e+00> : vector<128x128xf32>
    %dot_general3A_3216 = tpu.matmul %mul3A_3012, %get3A_3214, %dot_general3A_3215 {dimension_numbers = #tpu.dot_dimension_numbers<[1], [0], [0], [1], [0, 0, 1, 1], [], []>, transpose_lhs_hint = false} : vector<128x32xf32>, vector<32x128xf32>, vector<128x128xf32> -> vector<128x128xf32>
    %get3A_3217 = arith.constant 0 : index
    %get3A_3218 = arith.constant 1664 : index
    %get3A_3219 = vector.load %arg9[%get3A_3217, %get3A_3218] : memref<1x8192xf32, #tpu.memory_space<vmem>>, vector<1x128xf32>
    %add3A_3220 = vector.broadcast %get3A_3219 : vector<1x128xf32> to vector<128x128xf32>
    %add3A_3221 = arith.addf %dot_general3A_3216, %add3A_3220 : vector<128x128xf32>
    %lt3A_3222 = arith.cmpf olt, %add3A_3221, %min3A_3208 : vector<128x128xf32>
    %min3A_3223 = arith.minimumf %min3A_3208, %add3A_3221 : vector<128x128xf32>
    %jit3A_3224 = arith.constant 13 : i32
    %broadcast_in_dim3A_3225 = vector.broadcast %jit3A_3224 : i32 to vector<128x128xi32>
    %select_n3A_3226 = arith.select %lt3A_3222, %broadcast_in_dim3A_3225, %select_n3A_3211 : vector<128x128xi1>, vector<128x128xi32>
    %get3A_3227 = arith.constant 0 : index
    %get3A_3228 = arith.constant 1792 : index
    %get3A_3229 = vector.load %arg8[%get3A_3227, %get3A_3228] : memref<32x8192xf32, #tpu.memory_space<vmem>>, vector<32x128xf32>
    %dot_general3A_3230 = arith.constant dense<0.000000e+00> : vector<128x128xf32>
    %dot_general3A_3231 = tpu.matmul %mul3A_3012, %get3A_3229, %dot_general3A_3230 {dimension_numbers = #tpu.dot_dimension_numbers<[1], [0], [0], [1], [0, 0, 1, 1], [], []>, transpose_lhs_hint = false} : vector<128x32xf32>, vector<32x128xf32>, vector<128x128xf32> -> vector<128x128xf32>
    %get3A_3232 = arith.constant 0 : index
    %get3A_3233 = arith.constant 1792 : index
    %get3A_3234 = vector.load %arg9[%get3A_3232, %get3A_3233] : memref<1x8192xf32, #tpu.memory_space<vmem>>, vector<1x128xf32>
    %add3A_3235 = vector.broadcast %get3A_3234 : vector<1x128xf32> to vector<128x128xf32>
    %add3A_3236 = arith.addf %dot_general3A_3231, %add3A_3235 : vector<128x128xf32>
    %lt3A_3237 = arith.cmpf olt, %add3A_3236, %min3A_3223 : vector<128x128xf32>
    %min3A_3238 = arith.minimumf %min3A_3223, %add3A_3236 : vector<128x128xf32>
    %jit3A_3239 = arith.constant 14 : i32
    %broadcast_in_dim3A_3240 = vector.broadcast %jit3A_3239 : i32 to vector<128x128xi32>
    %select_n3A_3241 = arith.select %lt3A_3237, %broadcast_in_dim3A_3240, %select_n3A_3226 : vector<128x128xi1>, vector<128x128xi32>
    %get3A_3242 = arith.constant 0 : index
    %get3A_3243 = arith.constant 1920 : index
    %get3A_3244 = vector.load %arg8[%get3A_3242, %get3A_3243] : memref<32x8192xf32, #tpu.memory_space<vmem>>, vector<32x128xf32>
    %dot_general3A_3245 = arith.constant dense<0.000000e+00> : vector<128x128xf32>
    %dot_general3A_3246 = tpu.matmul %mul3A_3012, %get3A_3244, %dot_general3A_3245 {dimension_numbers = #tpu.dot_dimension_numbers<[1], [0], [0], [1], [0, 0, 1, 1], [], []>, transpose_lhs_hint = false} : vector<128x32xf32>, vector<32x128xf32>, vector<128x128xf32> -> vector<128x128xf32>
    %get3A_3247 = arith.constant 0 : index
    %get3A_3248 = arith.constant 1920 : index
    %get3A_3249 = vector.load %arg9[%get3A_3247, %get3A_3248] : memref<1x8192xf32, #tpu.memory_space<vmem>>, vector<1x128xf32>
    %add3A_3250 = vector.broadcast %get3A_3249 : vector<1x128xf32> to vector<128x128xf32>
    %add3A_3251 = arith.addf %dot_general3A_3246, %add3A_3250 : vector<128x128xf32>
    %lt3A_3252 = arith.cmpf olt, %add3A_3251, %min3A_3238 : vector<128x128xf32>
    %min3A_3253 = arith.minimumf %min3A_3238, %add3A_3251 : vector<128x128xf32>
    %jit3A_3254 = arith.constant 15 : i32
    %broadcast_in_dim3A_3255 = vector.broadcast %jit3A_3254 : i32 to vector<128x128xi32>
    %select_n3A_3256 = arith.select %lt3A_3252, %broadcast_in_dim3A_3255, %select_n3A_3241 : vector<128x128xi1>, vector<128x128xi32>
    %get3A_3257 = arith.constant 0 : index
    %get3A_3258 = arith.constant 2048 : index
    %get3A_3259 = vector.load %arg8[%get3A_3257, %get3A_3258] : memref<32x8192xf32, #tpu.memory_space<vmem>>, vector<32x128xf32>
    %dot_general3A_3260 = arith.constant dense<0.000000e+00> : vector<128x128xf32>
    %dot_general3A_3261 = tpu.matmul %mul3A_3012, %get3A_3259, %dot_general3A_3260 {dimension_numbers = #tpu.dot_dimension_numbers<[1], [0], [0], [1], [0, 0, 1, 1], [], []>, transpose_lhs_hint = false} : vector<128x32xf32>, vector<32x128xf32>, vector<128x128xf32> -> vector<128x128xf32>
    %get3A_3262 = arith.constant 0 : index
    %get3A_3263 = arith.constant 2048 : index
    %get3A_3264 = vector.load %arg9[%get3A_3262, %get3A_3263] : memref<1x8192xf32, #tpu.memory_space<vmem>>, vector<1x128xf32>
    %add3A_3265 = vector.broadcast %get3A_3264 : vector<1x128xf32> to vector<128x128xf32>
    %add3A_3266 = arith.addf %dot_general3A_3261, %add3A_3265 : vector<128x128xf32>
    %lt3A_3267 = arith.cmpf olt, %add3A_3266, %min3A_3253 : vector<128x128xf32>
    %min3A_3268 = arith.minimumf %min3A_3253, %add3A_3266 : vector<128x128xf32>
    %jit3A_3269 = arith.constant 16 : i32
    %broadcast_in_dim3A_3270 = vector.broadcast %jit3A_3269 : i32 to vector<128x128xi32>
    %select_n3A_3271 = arith.select %lt3A_3267, %broadcast_in_dim3A_3270, %select_n3A_3256 : vector<128x128xi1>, vector<128x128xi32>
    %get3A_3272 = arith.constant 0 : index
    %get3A_3273 = arith.constant 2176 : index
    %get3A_3274 = vector.load %arg8[%get3A_3272, %get3A_3273] : memref<32x8192xf32, #tpu.memory_space<vmem>>, vector<32x128xf32>
    %dot_general3A_3275 = arith.constant dense<0.000000e+00> : vector<128x128xf32>
    %dot_general3A_3276 = tpu.matmul %mul3A_3012, %get3A_3274, %dot_general3A_3275 {dimension_numbers = #tpu.dot_dimension_numbers<[1], [0], [0], [1], [0, 0, 1, 1], [], []>, transpose_lhs_hint = false} : vector<128x32xf32>, vector<32x128xf32>, vector<128x128xf32> -> vector<128x128xf32>
    %get3A_3277 = arith.constant 0 : index
    %get3A_3278 = arith.constant 2176 : index
    %get3A_3279 = vector.load %arg9[%get3A_3277, %get3A_3278] : memref<1x8192xf32, #tpu.memory_space<vmem>>, vector<1x128xf32>
    %add3A_3280 = vector.broadcast %get3A_3279 : vector<1x128xf32> to vector<128x128xf32>
    %add3A_3281 = arith.addf %dot_general3A_3276, %add3A_3280 : vector<128x128xf32>
    %lt3A_3282 = arith.cmpf olt, %add3A_3281, %min3A_3268 : vector<128x128xf32>
    %min3A_3283 = arith.minimumf %min3A_3268, %add3A_3281 : vector<128x128xf32>
    %jit3A_3284 = arith.constant 17 : i32
    %broadcast_in_dim3A_3285 = vector.broadcast %jit3A_3284 : i32 to vector<128x128xi32>
    %select_n3A_3286 = arith.select %lt3A_3282, %broadcast_in_dim3A_3285, %select_n3A_3271 : vector<128x128xi1>, vector<128x128xi32>
    %get3A_3287 = arith.constant 0 : index
    %get3A_3288 = arith.constant 2304 : index
    %get3A_3289 = vector.load %arg8[%get3A_3287, %get3A_3288] : memref<32x8192xf32, #tpu.memory_space<vmem>>, vector<32x128xf32>
    %dot_general3A_3290 = arith.constant dense<0.000000e+00> : vector<128x128xf32>
    %dot_general3A_3291 = tpu.matmul %mul3A_3012, %get3A_3289, %dot_general3A_3290 {dimension_numbers = #tpu.dot_dimension_numbers<[1], [0], [0], [1], [0, 0, 1, 1], [], []>, transpose_lhs_hint = false} : vector<128x32xf32>, vector<32x128xf32>, vector<128x128xf32> -> vector<128x128xf32>
    %get3A_3292 = arith.constant 0 : index
    %get3A_3293 = arith.constant 2304 : index
    %get3A_3294 = vector.load %arg9[%get3A_3292, %get3A_3293] : memref<1x8192xf32, #tpu.memory_space<vmem>>, vector<1x128xf32>
    %add3A_3295 = vector.broadcast %get3A_3294 : vector<1x128xf32> to vector<128x128xf32>
    %add3A_3296 = arith.addf %dot_general3A_3291, %add3A_3295 : vector<128x128xf32>
    %lt3A_3297 = arith.cmpf olt, %add3A_3296, %min3A_3283 : vector<128x128xf32>
    %min3A_3298 = arith.minimumf %min3A_3283, %add3A_3296 : vector<128x128xf32>
    %jit3A_3299 = arith.constant 18 : i32
    %broadcast_in_dim3A_3300 = vector.broadcast %jit3A_3299 : i32 to vector<128x128xi32>
    %select_n3A_3301 = arith.select %lt3A_3297, %broadcast_in_dim3A_3300, %select_n3A_3286 : vector<128x128xi1>, vector<128x128xi32>
    %get3A_3302 = arith.constant 0 : index
    %get3A_3303 = arith.constant 2432 : index
    %get3A_3304 = vector.load %arg8[%get3A_3302, %get3A_3303] : memref<32x8192xf32, #tpu.memory_space<vmem>>, vector<32x128xf32>
    %dot_general3A_3305 = arith.constant dense<0.000000e+00> : vector<128x128xf32>
    %dot_general3A_3306 = tpu.matmul %mul3A_3012, %get3A_3304, %dot_general3A_3305 {dimension_numbers = #tpu.dot_dimension_numbers<[1], [0], [0], [1], [0, 0, 1, 1], [], []>, transpose_lhs_hint = false} : vector<128x32xf32>, vector<32x128xf32>, vector<128x128xf32> -> vector<128x128xf32>
    %get3A_3307 = arith.constant 0 : index
    %get3A_3308 = arith.constant 2432 : index
    %get3A_3309 = vector.load %arg9[%get3A_3307, %get3A_3308] : memref<1x8192xf32, #tpu.memory_space<vmem>>, vector<1x128xf32>
    %add3A_3310 = vector.broadcast %get3A_3309 : vector<1x128xf32> to vector<128x128xf32>
    %add3A_3311 = arith.addf %dot_general3A_3306, %add3A_3310 : vector<128x128xf32>
    %lt3A_3312 = arith.cmpf olt, %add3A_3311, %min3A_3298 : vector<128x128xf32>
    %min3A_3313 = arith.minimumf %min3A_3298, %add3A_3311 : vector<128x128xf32>
    %jit3A_3314 = arith.constant 19 : i32
    %broadcast_in_dim3A_3315 = vector.broadcast %jit3A_3314 : i32 to vector<128x128xi32>
    %select_n3A_3316 = arith.select %lt3A_3312, %broadcast_in_dim3A_3315, %select_n3A_3301 : vector<128x128xi1>, vector<128x128xi32>
    %get3A_3317 = arith.constant 0 : index
    %get3A_3318 = arith.constant 2560 : index
    %get3A_3319 = vector.load %arg8[%get3A_3317, %get3A_3318] : memref<32x8192xf32, #tpu.memory_space<vmem>>, vector<32x128xf32>
    %dot_general3A_3320 = arith.constant dense<0.000000e+00> : vector<128x128xf32>
    %dot_general3A_3321 = tpu.matmul %mul3A_3012, %get3A_3319, %dot_general3A_3320 {dimension_numbers = #tpu.dot_dimension_numbers<[1], [0], [0], [1], [0, 0, 1, 1], [], []>, transpose_lhs_hint = false} : vector<128x32xf32>, vector<32x128xf32>, vector<128x128xf32> -> vector<128x128xf32>
    %get3A_3322 = arith.constant 0 : index
    %get3A_3323 = arith.constant 2560 : index
    %get3A_3324 = vector.load %arg9[%get3A_3322, %get3A_3323] : memref<1x8192xf32, #tpu.memory_space<vmem>>, vector<1x128xf32>
    %add3A_3325 = vector.broadcast %get3A_3324 : vector<1x128xf32> to vector<128x128xf32>
    %add3A_3326 = arith.addf %dot_general3A_3321, %add3A_3325 : vector<128x128xf32>
    %lt3A_3327 = arith.cmpf olt, %add3A_3326, %min3A_3313 : vector<128x128xf32>
    %min3A_3328 = arith.minimumf %min3A_3313, %add3A_3326 : vector<128x128xf32>
    %jit3A_3329 = arith.constant 20 : i32
    %broadcast_in_dim3A_3330 = vector.broadcast %jit3A_3329 : i32 to vector<128x128xi32>
    %select_n3A_3331 = arith.select %lt3A_3327, %broadcast_in_dim3A_3330, %select_n3A_3316 : vector<128x128xi1>, vector<128x128xi32>
    %get3A_3332 = arith.constant 0 : index
    %get3A_3333 = arith.constant 2688 : index
    %get3A_3334 = vector.load %arg8[%get3A_3332, %get3A_3333] : memref<32x8192xf32, #tpu.memory_space<vmem>>, vector<32x128xf32>
    %dot_general3A_3335 = arith.constant dense<0.000000e+00> : vector<128x128xf32>
    %dot_general3A_3336 = tpu.matmul %mul3A_3012, %get3A_3334, %dot_general3A_3335 {dimension_numbers = #tpu.dot_dimension_numbers<[1], [0], [0], [1], [0, 0, 1, 1], [], []>, transpose_lhs_hint = false} : vector<128x32xf32>, vector<32x128xf32>, vector<128x128xf32> -> vector<128x128xf32>
    %get3A_3337 = arith.constant 0 : index
    %get3A_3338 = arith.constant 2688 : index
    %get3A_3339 = vector.load %arg9[%get3A_3337, %get3A_3338] : memref<1x8192xf32, #tpu.memory_space<vmem>>, vector<1x128xf32>
    %add3A_3340 = vector.broadcast %get3A_3339 : vector<1x128xf32> to vector<128x128xf32>
    %add3A_3341 = arith.addf %dot_general3A_3336, %add3A_3340 : vector<128x128xf32>
    %lt3A_3342 = arith.cmpf olt, %add3A_3341, %min3A_3328 : vector<128x128xf32>
    %min3A_3343 = arith.minimumf %min3A_3328, %add3A_3341 : vector<128x128xf32>
    %jit3A_3344 = arith.constant 21 : i32
    %broadcast_in_dim3A_3345 = vector.broadcast %jit3A_3344 : i32 to vector<128x128xi32>
    %select_n3A_3346 = arith.select %lt3A_3342, %broadcast_in_dim3A_3345, %select_n3A_3331 : vector<128x128xi1>, vector<128x128xi32>
    %get3A_3347 = arith.constant 0 : index
    %get3A_3348 = arith.constant 2816 : index
    %get3A_3349 = vector.load %arg8[%get3A_3347, %get3A_3348] : memref<32x8192xf32, #tpu.memory_space<vmem>>, vector<32x128xf32>
    %dot_general3A_3350 = arith.constant dense<0.000000e+00> : vector<128x128xf32>
    %dot_general3A_3351 = tpu.matmul %mul3A_3012, %get3A_3349, %dot_general3A_3350 {dimension_numbers = #tpu.dot_dimension_numbers<[1], [0], [0], [1], [0, 0, 1, 1], [], []>, transpose_lhs_hint = false} : vector<128x32xf32>, vector<32x128xf32>, vector<128x128xf32> -> vector<128x128xf32>
    %get3A_3352 = arith.constant 0 : index
    %get3A_3353 = arith.constant 2816 : index
    %get3A_3354 = vector.load %arg9[%get3A_3352, %get3A_3353] : memref<1x8192xf32, #tpu.memory_space<vmem>>, vector<1x128xf32>
    %add3A_3355 = vector.broadcast %get3A_3354 : vector<1x128xf32> to vector<128x128xf32>
    %add3A_3356 = arith.addf %dot_general3A_3351, %add3A_3355 : vector<128x128xf32>
    %lt3A_3357 = arith.cmpf olt, %add3A_3356, %min3A_3343 : vector<128x128xf32>
    %min3A_3358 = arith.minimumf %min3A_3343, %add3A_3356 : vector<128x128xf32>
    %jit3A_3359 = arith.constant 22 : i32
    %broadcast_in_dim3A_3360 = vector.broadcast %jit3A_3359 : i32 to vector<128x128xi32>
    %select_n3A_3361 = arith.select %lt3A_3357, %broadcast_in_dim3A_3360, %select_n3A_3346 : vector<128x128xi1>, vector<128x128xi32>
    %get3A_3362 = arith.constant 0 : index
    %get3A_3363 = arith.constant 2944 : index
    %get3A_3364 = vector.load %arg8[%get3A_3362, %get3A_3363] : memref<32x8192xf32, #tpu.memory_space<vmem>>, vector<32x128xf32>
    %dot_general3A_3365 = arith.constant dense<0.000000e+00> : vector<128x128xf32>
    %dot_general3A_3366 = tpu.matmul %mul3A_3012, %get3A_3364, %dot_general3A_3365 {dimension_numbers = #tpu.dot_dimension_numbers<[1], [0], [0], [1], [0, 0, 1, 1], [], []>, transpose_lhs_hint = false} : vector<128x32xf32>, vector<32x128xf32>, vector<128x128xf32> -> vector<128x128xf32>
    %get3A_3367 = arith.constant 0 : index
    %get3A_3368 = arith.constant 2944 : index
    %get3A_3369 = vector.load %arg9[%get3A_3367, %get3A_3368] : memref<1x8192xf32, #tpu.memory_space<vmem>>, vector<1x128xf32>
    %add3A_3370 = vector.broadcast %get3A_3369 : vector<1x128xf32> to vector<128x128xf32>
    %add3A_3371 = arith.addf %dot_general3A_3366, %add3A_3370 : vector<128x128xf32>
    %lt3A_3372 = arith.cmpf olt, %add3A_3371, %min3A_3358 : vector<128x128xf32>
    %min3A_3373 = arith.minimumf %min3A_3358, %add3A_3371 : vector<128x128xf32>
    %jit3A_3374 = arith.constant 23 : i32
    %broadcast_in_dim3A_3375 = vector.broadcast %jit3A_3374 : i32 to vector<128x128xi32>
    %select_n3A_3376 = arith.select %lt3A_3372, %broadcast_in_dim3A_3375, %select_n3A_3361 : vector<128x128xi1>, vector<128x128xi32>
    %get3A_3377 = arith.constant 0 : index
    %get3A_3378 = arith.constant 3072 : index
    %get3A_3379 = vector.load %arg8[%get3A_3377, %get3A_3378] : memref<32x8192xf32, #tpu.memory_space<vmem>>, vector<32x128xf32>
    %dot_general3A_3380 = arith.constant dense<0.000000e+00> : vector<128x128xf32>
    %dot_general3A_3381 = tpu.matmul %mul3A_3012, %get3A_3379, %dot_general3A_3380 {dimension_numbers = #tpu.dot_dimension_numbers<[1], [0], [0], [1], [0, 0, 1, 1], [], []>, transpose_lhs_hint = false} : vector<128x32xf32>, vector<32x128xf32>, vector<128x128xf32> -> vector<128x128xf32>
    %get3A_3382 = arith.constant 0 : index
    %get3A_3383 = arith.constant 3072 : index
    %get3A_3384 = vector.load %arg9[%get3A_3382, %get3A_3383] : memref<1x8192xf32, #tpu.memory_space<vmem>>, vector<1x128xf32>
    %add3A_3385 = vector.broadcast %get3A_3384 : vector<1x128xf32> to vector<128x128xf32>
    %add3A_3386 = arith.addf %dot_general3A_3381, %add3A_3385 : vector<128x128xf32>
    %lt3A_3387 = arith.cmpf olt, %add3A_3386, %min3A_3373 : vector<128x128xf32>
    %min3A_3388 = arith.minimumf %min3A_3373, %add3A_3386 : vector<128x128xf32>
    %jit3A_3389 = arith.constant 24 : i32
    %broadcast_in_dim3A_3390 = vector.broadcast %jit3A_3389 : i32 to vector<128x128xi32>
    %select_n3A_3391 = arith.select %lt3A_3387, %broadcast_in_dim3A_3390, %select_n3A_3376 : vector<128x128xi1>, vector<128x128xi32>
    %get3A_3392 = arith.constant 0 : index
    %get3A_3393 = arith.constant 3200 : index
    %get3A_3394 = vector.load %arg8[%get3A_3392, %get3A_3393] : memref<32x8192xf32, #tpu.memory_space<vmem>>, vector<32x128xf32>
    %dot_general3A_3395 = arith.constant dense<0.000000e+00> : vector<128x128xf32>
    %dot_general3A_3396 = tpu.matmul %mul3A_3012, %get3A_3394, %dot_general3A_3395 {dimension_numbers = #tpu.dot_dimension_numbers<[1], [0], [0], [1], [0, 0, 1, 1], [], []>, transpose_lhs_hint = false} : vector<128x32xf32>, vector<32x128xf32>, vector<128x128xf32> -> vector<128x128xf32>
    %get3A_3397 = arith.constant 0 : index
    %get3A_3398 = arith.constant 3200 : index
    %get3A_3399 = vector.load %arg9[%get3A_3397, %get3A_3398] : memref<1x8192xf32, #tpu.memory_space<vmem>>, vector<1x128xf32>
    %add3A_3400 = vector.broadcast %get3A_3399 : vector<1x128xf32> to vector<128x128xf32>
    %add3A_3401 = arith.addf %dot_general3A_3396, %add3A_3400 : vector<128x128xf32>
    %lt3A_3402 = arith.cmpf olt, %add3A_3401, %min3A_3388 : vector<128x128xf32>
    %min3A_3403 = arith.minimumf %min3A_3388, %add3A_3401 : vector<128x128xf32>
    %jit3A_3404 = arith.constant 25 : i32
    %broadcast_in_dim3A_3405 = vector.broadcast %jit3A_3404 : i32 to vector<128x128xi32>
    %select_n3A_3406 = arith.select %lt3A_3402, %broadcast_in_dim3A_3405, %select_n3A_3391 : vector<128x128xi1>, vector<128x128xi32>
    %get3A_3407 = arith.constant 0 : index
    %get3A_3408 = arith.constant 3328 : index
    %get3A_3409 = vector.load %arg8[%get3A_3407, %get3A_3408] : memref<32x8192xf32, #tpu.memory_space<vmem>>, vector<32x128xf32>
    %dot_general3A_3410 = arith.constant dense<0.000000e+00> : vector<128x128xf32>
    %dot_general3A_3411 = tpu.matmul %mul3A_3012, %get3A_3409, %dot_general3A_3410 {dimension_numbers = #tpu.dot_dimension_numbers<[1], [0], [0], [1], [0, 0, 1, 1], [], []>, transpose_lhs_hint = false} : vector<128x32xf32>, vector<32x128xf32>, vector<128x128xf32> -> vector<128x128xf32>
    %get3A_3412 = arith.constant 0 : index
    %get3A_3413 = arith.constant 3328 : index
    %get3A_3414 = vector.load %arg9[%get3A_3412, %get3A_3413] : memref<1x8192xf32, #tpu.memory_space<vmem>>, vector<1x128xf32>
    %add3A_3415 = vector.broadcast %get3A_3414 : vector<1x128xf32> to vector<128x128xf32>
    %add3A_3416 = arith.addf %dot_general3A_3411, %add3A_3415 : vector<128x128xf32>
    %lt3A_3417 = arith.cmpf olt, %add3A_3416, %min3A_3403 : vector<128x128xf32>
    %min3A_3418 = arith.minimumf %min3A_3403, %add3A_3416 : vector<128x128xf32>
    %jit3A_3419 = arith.constant 26 : i32
    %broadcast_in_dim3A_3420 = vector.broadcast %jit3A_3419 : i32 to vector<128x128xi32>
    %select_n3A_3421 = arith.select %lt3A_3417, %broadcast_in_dim3A_3420, %select_n3A_3406 : vector<128x128xi1>, vector<128x128xi32>
    %get3A_3422 = arith.constant 0 : index
    %get3A_3423 = arith.constant 3456 : index
    %get3A_3424 = vector.load %arg8[%get3A_3422, %get3A_3423] : memref<32x8192xf32, #tpu.memory_space<vmem>>, vector<32x128xf32>
    %dot_general3A_3425 = arith.constant dense<0.000000e+00> : vector<128x128xf32>
    %dot_general3A_3426 = tpu.matmul %mul3A_3012, %get3A_3424, %dot_general3A_3425 {dimension_numbers = #tpu.dot_dimension_numbers<[1], [0], [0], [1], [0, 0, 1, 1], [], []>, transpose_lhs_hint = false} : vector<128x32xf32>, vector<32x128xf32>, vector<128x128xf32> -> vector<128x128xf32>
    %get3A_3427 = arith.constant 0 : index
    %get3A_3428 = arith.constant 3456 : index
    %get3A_3429 = vector.load %arg9[%get3A_3427, %get3A_3428] : memref<1x8192xf32, #tpu.memory_space<vmem>>, vector<1x128xf32>
    %add3A_3430 = vector.broadcast %get3A_3429 : vector<1x128xf32> to vector<128x128xf32>
    %add3A_3431 = arith.addf %dot_general3A_3426, %add3A_3430 : vector<128x128xf32>
    %lt3A_3432 = arith.cmpf olt, %add3A_3431, %min3A_3418 : vector<128x128xf32>
    %min3A_3433 = arith.minimumf %min3A_3418, %add3A_3431 : vector<128x128xf32>
    %jit3A_3434 = arith.constant 27 : i32
    %broadcast_in_dim3A_3435 = vector.broadcast %jit3A_3434 : i32 to vector<128x128xi32>
    %select_n3A_3436 = arith.select %lt3A_3432, %broadcast_in_dim3A_3435, %select_n3A_3421 : vector<128x128xi1>, vector<128x128xi32>
    %get3A_3437 = arith.constant 0 : index
    %get3A_3438 = arith.constant 3584 : index
    %get3A_3439 = vector.load %arg8[%get3A_3437, %get3A_3438] : memref<32x8192xf32, #tpu.memory_space<vmem>>, vector<32x128xf32>
    %dot_general3A_3440 = arith.constant dense<0.000000e+00> : vector<128x128xf32>
    %dot_general3A_3441 = tpu.matmul %mul3A_3012, %get3A_3439, %dot_general3A_3440 {dimension_numbers = #tpu.dot_dimension_numbers<[1], [0], [0], [1], [0, 0, 1, 1], [], []>, transpose_lhs_hint = false} : vector<128x32xf32>, vector<32x128xf32>, vector<128x128xf32> -> vector<128x128xf32>
    %get3A_3442 = arith.constant 0 : index
    %get3A_3443 = arith.constant 3584 : index
    %get3A_3444 = vector.load %arg9[%get3A_3442, %get3A_3443] : memref<1x8192xf32, #tpu.memory_space<vmem>>, vector<1x128xf32>
    %add3A_3445 = vector.broadcast %get3A_3444 : vector<1x128xf32> to vector<128x128xf32>
    %add3A_3446 = arith.addf %dot_general3A_3441, %add3A_3445 : vector<128x128xf32>
    %lt3A_3447 = arith.cmpf olt, %add3A_3446, %min3A_3433 : vector<128x128xf32>
    %min3A_3448 = arith.minimumf %min3A_3433, %add3A_3446 : vector<128x128xf32>
    %jit3A_3449 = arith.constant 28 : i32
    %broadcast_in_dim3A_3450 = vector.broadcast %jit3A_3449 : i32 to vector<128x128xi32>
    %select_n3A_3451 = arith.select %lt3A_3447, %broadcast_in_dim3A_3450, %select_n3A_3436 : vector<128x128xi1>, vector<128x128xi32>
    %get3A_3452 = arith.constant 0 : index
    %get3A_3453 = arith.constant 3712 : index
    %get3A_3454 = vector.load %arg8[%get3A_3452, %get3A_3453] : memref<32x8192xf32, #tpu.memory_space<vmem>>, vector<32x128xf32>
    %dot_general3A_3455 = arith.constant dense<0.000000e+00> : vector<128x128xf32>
    %dot_general3A_3456 = tpu.matmul %mul3A_3012, %get3A_3454, %dot_general3A_3455 {dimension_numbers = #tpu.dot_dimension_numbers<[1], [0], [0], [1], [0, 0, 1, 1], [], []>, transpose_lhs_hint = false} : vector<128x32xf32>, vector<32x128xf32>, vector<128x128xf32> -> vector<128x128xf32>
    %get3A_3457 = arith.constant 0 : index
    %get3A_3458 = arith.constant 3712 : index
    %get3A_3459 = vector.load %arg9[%get3A_3457, %get3A_3458] : memref<1x8192xf32, #tpu.memory_space<vmem>>, vector<1x128xf32>
    %add3A_3460 = vector.broadcast %get3A_3459 : vector<1x128xf32> to vector<128x128xf32>
    %add3A_3461 = arith.addf %dot_general3A_3456, %add3A_3460 : vector<128x128xf32>
    %lt3A_3462 = arith.cmpf olt, %add3A_3461, %min3A_3448 : vector<128x128xf32>
    %min3A_3463 = arith.minimumf %min3A_3448, %add3A_3461 : vector<128x128xf32>
    %jit3A_3464 = arith.constant 29 : i32
    %broadcast_in_dim3A_3465 = vector.broadcast %jit3A_3464 : i32 to vector<128x128xi32>
    %select_n3A_3466 = arith.select %lt3A_3462, %broadcast_in_dim3A_3465, %select_n3A_3451 : vector<128x128xi1>, vector<128x128xi32>
    %get3A_3467 = arith.constant 0 : index
    %get3A_3468 = arith.constant 3840 : index
    %get3A_3469 = vector.load %arg8[%get3A_3467, %get3A_3468] : memref<32x8192xf32, #tpu.memory_space<vmem>>, vector<32x128xf32>
    %dot_general3A_3470 = arith.constant dense<0.000000e+00> : vector<128x128xf32>
    %dot_general3A_3471 = tpu.matmul %mul3A_3012, %get3A_3469, %dot_general3A_3470 {dimension_numbers = #tpu.dot_dimension_numbers<[1], [0], [0], [1], [0, 0, 1, 1], [], []>, transpose_lhs_hint = false} : vector<128x32xf32>, vector<32x128xf32>, vector<128x128xf32> -> vector<128x128xf32>
    %get3A_3472 = arith.constant 0 : index
    %get3A_3473 = arith.constant 3840 : index
    %get3A_3474 = vector.load %arg9[%get3A_3472, %get3A_3473] : memref<1x8192xf32, #tpu.memory_space<vmem>>, vector<1x128xf32>
    %add3A_3475 = vector.broadcast %get3A_3474 : vector<1x128xf32> to vector<128x128xf32>
    %add3A_3476 = arith.addf %dot_general3A_3471, %add3A_3475 : vector<128x128xf32>
    %lt3A_3477 = arith.cmpf olt, %add3A_3476, %min3A_3463 : vector<128x128xf32>
    %min3A_3478 = arith.minimumf %min3A_3463, %add3A_3476 : vector<128x128xf32>
    %jit3A_3479 = arith.constant 30 : i32
    %broadcast_in_dim3A_3480 = vector.broadcast %jit3A_3479 : i32 to vector<128x128xi32>
    %select_n3A_3481 = arith.select %lt3A_3477, %broadcast_in_dim3A_3480, %select_n3A_3466 : vector<128x128xi1>, vector<128x128xi32>
    %get3A_3482 = arith.constant 0 : index
    %get3A_3483 = arith.constant 3968 : index
    %get3A_3484 = vector.load %arg8[%get3A_3482, %get3A_3483] : memref<32x8192xf32, #tpu.memory_space<vmem>>, vector<32x128xf32>
    %dot_general3A_3485 = arith.constant dense<0.000000e+00> : vector<128x128xf32>
    %dot_general3A_3486 = tpu.matmul %mul3A_3012, %get3A_3484, %dot_general3A_3485 {dimension_numbers = #tpu.dot_dimension_numbers<[1], [0], [0], [1], [0, 0, 1, 1], [], []>, transpose_lhs_hint = false} : vector<128x32xf32>, vector<32x128xf32>, vector<128x128xf32> -> vector<128x128xf32>
    %get3A_3487 = arith.constant 0 : index
    %get3A_3488 = arith.constant 3968 : index
    %get3A_3489 = vector.load %arg9[%get3A_3487, %get3A_3488] : memref<1x8192xf32, #tpu.memory_space<vmem>>, vector<1x128xf32>
    %add3A_3490 = vector.broadcast %get3A_3489 : vector<1x128xf32> to vector<128x128xf32>
    %add3A_3491 = arith.addf %dot_general3A_3486, %add3A_3490 : vector<128x128xf32>
    %lt3A_3492 = arith.cmpf olt, %add3A_3491, %min3A_3478 : vector<128x128xf32>
    %min3A_3493 = arith.minimumf %min3A_3478, %add3A_3491 : vector<128x128xf32>
    %jit3A_3494 = arith.constant 31 : i32
    %broadcast_in_dim3A_3495 = vector.broadcast %jit3A_3494 : i32 to vector<128x128xi32>
    %select_n3A_3496 = arith.select %lt3A_3492, %broadcast_in_dim3A_3495, %select_n3A_3481 : vector<128x128xi1>, vector<128x128xi32>
    %get3A_3497 = arith.constant 0 : index
    %get3A_3498 = arith.constant 4096 : index
    %get3A_3499 = vector.load %arg8[%get3A_3497, %get3A_3498] : memref<32x8192xf32, #tpu.memory_space<vmem>>, vector<32x128xf32>
    %dot_general3A_3500 = arith.constant dense<0.000000e+00> : vector<128x128xf32>
    %dot_general3A_3501 = tpu.matmul %mul3A_3012, %get3A_3499, %dot_general3A_3500 {dimension_numbers = #tpu.dot_dimension_numbers<[1], [0], [0], [1], [0, 0, 1, 1], [], []>, transpose_lhs_hint = false} : vector<128x32xf32>, vector<32x128xf32>, vector<128x128xf32> -> vector<128x128xf32>
    %get3A_3502 = arith.constant 0 : index
    %get3A_3503 = arith.constant 4096 : index
    %get3A_3504 = vector.load %arg9[%get3A_3502, %get3A_3503] : memref<1x8192xf32, #tpu.memory_space<vmem>>, vector<1x128xf32>
    %add3A_3505 = vector.broadcast %get3A_3504 : vector<1x128xf32> to vector<128x128xf32>
    %add3A_3506 = arith.addf %dot_general3A_3501, %add3A_3505 : vector<128x128xf32>
    %lt3A_3507 = arith.cmpf olt, %add3A_3506, %min3A_3493 : vector<128x128xf32>
    %min3A_3508 = arith.minimumf %min3A_3493, %add3A_3506 : vector<128x128xf32>
    %jit3A_3509 = arith.constant 32 : i32
    %broadcast_in_dim3A_3510 = vector.broadcast %jit3A_3509 : i32 to vector<128x128xi32>
    %select_n3A_3511 = arith.select %lt3A_3507, %broadcast_in_dim3A_3510, %select_n3A_3496 : vector<128x128xi1>, vector<128x128xi32>
    %get3A_3512 = arith.constant 0 : index
    %get3A_3513 = arith.constant 4224 : index
    %get3A_3514 = vector.load %arg8[%get3A_3512, %get3A_3513] : memref<32x8192xf32, #tpu.memory_space<vmem>>, vector<32x128xf32>
    %dot_general3A_3515 = arith.constant dense<0.000000e+00> : vector<128x128xf32>
    %dot_general3A_3516 = tpu.matmul %mul3A_3012, %get3A_3514, %dot_general3A_3515 {dimension_numbers = #tpu.dot_dimension_numbers<[1], [0], [0], [1], [0, 0, 1, 1], [], []>, transpose_lhs_hint = false} : vector<128x32xf32>, vector<32x128xf32>, vector<128x128xf32> -> vector<128x128xf32>
    %get3A_3517 = arith.constant 0 : index
    %get3A_3518 = arith.constant 4224 : index
    %get3A_3519 = vector.load %arg9[%get3A_3517, %get3A_3518] : memref<1x8192xf32, #tpu.memory_space<vmem>>, vector<1x128xf32>
    %add3A_3520 = vector.broadcast %get3A_3519 : vector<1x128xf32> to vector<128x128xf32>
    %add3A_3521 = arith.addf %dot_general3A_3516, %add3A_3520 : vector<128x128xf32>
    %lt3A_3522 = arith.cmpf olt, %add3A_3521, %min3A_3508 : vector<128x128xf32>
    %min3A_3523 = arith.minimumf %min3A_3508, %add3A_3521 : vector<128x128xf32>
    %jit3A_3524 = arith.constant 33 : i32
    %broadcast_in_dim3A_3525 = vector.broadcast %jit3A_3524 : i32 to vector<128x128xi32>
    %select_n3A_3526 = arith.select %lt3A_3522, %broadcast_in_dim3A_3525, %select_n3A_3511 : vector<128x128xi1>, vector<128x128xi32>
    %get3A_3527 = arith.constant 0 : index
    %get3A_3528 = arith.constant 4352 : index
    %get3A_3529 = vector.load %arg8[%get3A_3527, %get3A_3528] : memref<32x8192xf32, #tpu.memory_space<vmem>>, vector<32x128xf32>
    %dot_general3A_3530 = arith.constant dense<0.000000e+00> : vector<128x128xf32>
    %dot_general3A_3531 = tpu.matmul %mul3A_3012, %get3A_3529, %dot_general3A_3530 {dimension_numbers = #tpu.dot_dimension_numbers<[1], [0], [0], [1], [0, 0, 1, 1], [], []>, transpose_lhs_hint = false} : vector<128x32xf32>, vector<32x128xf32>, vector<128x128xf32> -> vector<128x128xf32>
    %get3A_3532 = arith.constant 0 : index
    %get3A_3533 = arith.constant 4352 : index
    %get3A_3534 = vector.load %arg9[%get3A_3532, %get3A_3533] : memref<1x8192xf32, #tpu.memory_space<vmem>>, vector<1x128xf32>
    %add3A_3535 = vector.broadcast %get3A_3534 : vector<1x128xf32> to vector<128x128xf32>
    %add3A_3536 = arith.addf %dot_general3A_3531, %add3A_3535 : vector<128x128xf32>
    %lt3A_3537 = arith.cmpf olt, %add3A_3536, %min3A_3523 : vector<128x128xf32>
    %min3A_3538 = arith.minimumf %min3A_3523, %add3A_3536 : vector<128x128xf32>
    %jit3A_3539 = arith.constant 34 : i32
    %broadcast_in_dim3A_3540 = vector.broadcast %jit3A_3539 : i32 to vector<128x128xi32>
    %select_n3A_3541 = arith.select %lt3A_3537, %broadcast_in_dim3A_3540, %select_n3A_3526 : vector<128x128xi1>, vector<128x128xi32>
    %get3A_3542 = arith.constant 0 : index
    %get3A_3543 = arith.constant 4480 : index
    %get3A_3544 = vector.load %arg8[%get3A_3542, %get3A_3543] : memref<32x8192xf32, #tpu.memory_space<vmem>>, vector<32x128xf32>
    %dot_general3A_3545 = arith.constant dense<0.000000e+00> : vector<128x128xf32>
    %dot_general3A_3546 = tpu.matmul %mul3A_3012, %get3A_3544, %dot_general3A_3545 {dimension_numbers = #tpu.dot_dimension_numbers<[1], [0], [0], [1], [0, 0, 1, 1], [], []>, transpose_lhs_hint = false} : vector<128x32xf32>, vector<32x128xf32>, vector<128x128xf32> -> vector<128x128xf32>
    %get3A_3547 = arith.constant 0 : index
    %get3A_3548 = arith.constant 4480 : index
    %get3A_3549 = vector.load %arg9[%get3A_3547, %get3A_3548] : memref<1x8192xf32, #tpu.memory_space<vmem>>, vector<1x128xf32>
    %add3A_3550 = vector.broadcast %get3A_3549 : vector<1x128xf32> to vector<128x128xf32>
    %add3A_3551 = arith.addf %dot_general3A_3546, %add3A_3550 : vector<128x128xf32>
    %lt3A_3552 = arith.cmpf olt, %add3A_3551, %min3A_3538 : vector<128x128xf32>
    %min3A_3553 = arith.minimumf %min3A_3538, %add3A_3551 : vector<128x128xf32>
    %jit3A_3554 = arith.constant 35 : i32
    %broadcast_in_dim3A_3555 = vector.broadcast %jit3A_3554 : i32 to vector<128x128xi32>
    %select_n3A_3556 = arith.select %lt3A_3552, %broadcast_in_dim3A_3555, %select_n3A_3541 : vector<128x128xi1>, vector<128x128xi32>
    %get3A_3557 = arith.constant 0 : index
    %get3A_3558 = arith.constant 4608 : index
    %get3A_3559 = vector.load %arg8[%get3A_3557, %get3A_3558] : memref<32x8192xf32, #tpu.memory_space<vmem>>, vector<32x128xf32>
    %dot_general3A_3560 = arith.constant dense<0.000000e+00> : vector<128x128xf32>
    %dot_general3A_3561 = tpu.matmul %mul3A_3012, %get3A_3559, %dot_general3A_3560 {dimension_numbers = #tpu.dot_dimension_numbers<[1], [0], [0], [1], [0, 0, 1, 1], [], []>, transpose_lhs_hint = false} : vector<128x32xf32>, vector<32x128xf32>, vector<128x128xf32> -> vector<128x128xf32>
    %get3A_3562 = arith.constant 0 : index
    %get3A_3563 = arith.constant 4608 : index
    %get3A_3564 = vector.load %arg9[%get3A_3562, %get3A_3563] : memref<1x8192xf32, #tpu.memory_space<vmem>>, vector<1x128xf32>
    %add3A_3565 = vector.broadcast %get3A_3564 : vector<1x128xf32> to vector<128x128xf32>
    %add3A_3566 = arith.addf %dot_general3A_3561, %add3A_3565 : vector<128x128xf32>
    %lt3A_3567 = arith.cmpf olt, %add3A_3566, %min3A_3553 : vector<128x128xf32>
    %min3A_3568 = arith.minimumf %min3A_3553, %add3A_3566 : vector<128x128xf32>
    %jit3A_3569 = arith.constant 36 : i32
    %broadcast_in_dim3A_3570 = vector.broadcast %jit3A_3569 : i32 to vector<128x128xi32>
    %select_n3A_3571 = arith.select %lt3A_3567, %broadcast_in_dim3A_3570, %select_n3A_3556 : vector<128x128xi1>, vector<128x128xi32>
    %get3A_3572 = arith.constant 0 : index
    %get3A_3573 = arith.constant 4736 : index
    %get3A_3574 = vector.load %arg8[%get3A_3572, %get3A_3573] : memref<32x8192xf32, #tpu.memory_space<vmem>>, vector<32x128xf32>
    %dot_general3A_3575 = arith.constant dense<0.000000e+00> : vector<128x128xf32>
    %dot_general3A_3576 = tpu.matmul %mul3A_3012, %get3A_3574, %dot_general3A_3575 {dimension_numbers = #tpu.dot_dimension_numbers<[1], [0], [0], [1], [0, 0, 1, 1], [], []>, transpose_lhs_hint = false} : vector<128x32xf32>, vector<32x128xf32>, vector<128x128xf32> -> vector<128x128xf32>
    %get3A_3577 = arith.constant 0 : index
    %get3A_3578 = arith.constant 4736 : index
    %get3A_3579 = vector.load %arg9[%get3A_3577, %get3A_3578] : memref<1x8192xf32, #tpu.memory_space<vmem>>, vector<1x128xf32>
    %add3A_3580 = vector.broadcast %get3A_3579 : vector<1x128xf32> to vector<128x128xf32>
    %add3A_3581 = arith.addf %dot_general3A_3576, %add3A_3580 : vector<128x128xf32>
    %lt3A_3582 = arith.cmpf olt, %add3A_3581, %min3A_3568 : vector<128x128xf32>
    %min3A_3583 = arith.minimumf %min3A_3568, %add3A_3581 : vector<128x128xf32>
    %jit3A_3584 = arith.constant 37 : i32
    %broadcast_in_dim3A_3585 = vector.broadcast %jit3A_3584 : i32 to vector<128x128xi32>
    %select_n3A_3586 = arith.select %lt3A_3582, %broadcast_in_dim3A_3585, %select_n3A_3571 : vector<128x128xi1>, vector<128x128xi32>
    %get3A_3587 = arith.constant 0 : index
    %get3A_3588 = arith.constant 4864 : index
    %get3A_3589 = vector.load %arg8[%get3A_3587, %get3A_3588] : memref<32x8192xf32, #tpu.memory_space<vmem>>, vector<32x128xf32>
    %dot_general3A_3590 = arith.constant dense<0.000000e+00> : vector<128x128xf32>
    %dot_general3A_3591 = tpu.matmul %mul3A_3012, %get3A_3589, %dot_general3A_3590 {dimension_numbers = #tpu.dot_dimension_numbers<[1], [0], [0], [1], [0, 0, 1, 1], [], []>, transpose_lhs_hint = false} : vector<128x32xf32>, vector<32x128xf32>, vector<128x128xf32> -> vector<128x128xf32>
    %get3A_3592 = arith.constant 0 : index
    %get3A_3593 = arith.constant 4864 : index
    %get3A_3594 = vector.load %arg9[%get3A_3592, %get3A_3593] : memref<1x8192xf32, #tpu.memory_space<vmem>>, vector<1x128xf32>
    %add3A_3595 = vector.broadcast %get3A_3594 : vector<1x128xf32> to vector<128x128xf32>
    %add3A_3596 = arith.addf %dot_general3A_3591, %add3A_3595 : vector<128x128xf32>
    %lt3A_3597 = arith.cmpf olt, %add3A_3596, %min3A_3583 : vector<128x128xf32>
    %min3A_3598 = arith.minimumf %min3A_3583, %add3A_3596 : vector<128x128xf32>
    %jit3A_3599 = arith.constant 38 : i32
    %broadcast_in_dim3A_3600 = vector.broadcast %jit3A_3599 : i32 to vector<128x128xi32>
    %select_n3A_3601 = arith.select %lt3A_3597, %broadcast_in_dim3A_3600, %select_n3A_3586 : vector<128x128xi1>, vector<128x128xi32>
    %get3A_3602 = arith.constant 0 : index
    %get3A_3603 = arith.constant 4992 : index
    %get3A_3604 = vector.load %arg8[%get3A_3602, %get3A_3603] : memref<32x8192xf32, #tpu.memory_space<vmem>>, vector<32x128xf32>
    %dot_general3A_3605 = arith.constant dense<0.000000e+00> : vector<128x128xf32>
    %dot_general3A_3606 = tpu.matmul %mul3A_3012, %get3A_3604, %dot_general3A_3605 {dimension_numbers = #tpu.dot_dimension_numbers<[1], [0], [0], [1], [0, 0, 1, 1], [], []>, transpose_lhs_hint = false} : vector<128x32xf32>, vector<32x128xf32>, vector<128x128xf32> -> vector<128x128xf32>
    %get3A_3607 = arith.constant 0 : index
    %get3A_3608 = arith.constant 4992 : index
    %get3A_3609 = vector.load %arg9[%get3A_3607, %get3A_3608] : memref<1x8192xf32, #tpu.memory_space<vmem>>, vector<1x128xf32>
    %add3A_3610 = vector.broadcast %get3A_3609 : vector<1x128xf32> to vector<128x128xf32>
    %add3A_3611 = arith.addf %dot_general3A_3606, %add3A_3610 : vector<128x128xf32>
    %lt3A_3612 = arith.cmpf olt, %add3A_3611, %min3A_3598 : vector<128x128xf32>
    %min3A_3613 = arith.minimumf %min3A_3598, %add3A_3611 : vector<128x128xf32>
    %jit3A_3614 = arith.constant 39 : i32
    %broadcast_in_dim3A_3615 = vector.broadcast %jit3A_3614 : i32 to vector<128x128xi32>
    %select_n3A_3616 = arith.select %lt3A_3612, %broadcast_in_dim3A_3615, %select_n3A_3601 : vector<128x128xi1>, vector<128x128xi32>
    %get3A_3617 = arith.constant 0 : index
    %get3A_3618 = arith.constant 5120 : index
    %get3A_3619 = vector.load %arg8[%get3A_3617, %get3A_3618] : memref<32x8192xf32, #tpu.memory_space<vmem>>, vector<32x128xf32>
    %dot_general3A_3620 = arith.constant dense<0.000000e+00> : vector<128x128xf32>
    %dot_general3A_3621 = tpu.matmul %mul3A_3012, %get3A_3619, %dot_general3A_3620 {dimension_numbers = #tpu.dot_dimension_numbers<[1], [0], [0], [1], [0, 0, 1, 1], [], []>, transpose_lhs_hint = false} : vector<128x32xf32>, vector<32x128xf32>, vector<128x128xf32> -> vector<128x128xf32>
    %get3A_3622 = arith.constant 0 : index
    %get3A_3623 = arith.constant 5120 : index
    %get3A_3624 = vector.load %arg9[%get3A_3622, %get3A_3623] : memref<1x8192xf32, #tpu.memory_space<vmem>>, vector<1x128xf32>
    %add3A_3625 = vector.broadcast %get3A_3624 : vector<1x128xf32> to vector<128x128xf32>
    %add3A_3626 = arith.addf %dot_general3A_3621, %add3A_3625 : vector<128x128xf32>
    %lt3A_3627 = arith.cmpf olt, %add3A_3626, %min3A_3613 : vector<128x128xf32>
    %min3A_3628 = arith.minimumf %min3A_3613, %add3A_3626 : vector<128x128xf32>
    %jit3A_3629 = arith.constant 40 : i32
    %broadcast_in_dim3A_3630 = vector.broadcast %jit3A_3629 : i32 to vector<128x128xi32>
    %select_n3A_3631 = arith.select %lt3A_3627, %broadcast_in_dim3A_3630, %select_n3A_3616 : vector<128x128xi1>, vector<128x128xi32>
    %get3A_3632 = arith.constant 0 : index
    %get3A_3633 = arith.constant 5248 : index
    %get3A_3634 = vector.load %arg8[%get3A_3632, %get3A_3633] : memref<32x8192xf32, #tpu.memory_space<vmem>>, vector<32x128xf32>
    %dot_general3A_3635 = arith.constant dense<0.000000e+00> : vector<128x128xf32>
    %dot_general3A_3636 = tpu.matmul %mul3A_3012, %get3A_3634, %dot_general3A_3635 {dimension_numbers = #tpu.dot_dimension_numbers<[1], [0], [0], [1], [0, 0, 1, 1], [], []>, transpose_lhs_hint = false} : vector<128x32xf32>, vector<32x128xf32>, vector<128x128xf32> -> vector<128x128xf32>
    %get3A_3637 = arith.constant 0 : index
    %get3A_3638 = arith.constant 5248 : index
    %get3A_3639 = vector.load %arg9[%get3A_3637, %get3A_3638] : memref<1x8192xf32, #tpu.memory_space<vmem>>, vector<1x128xf32>
    %add3A_3640 = vector.broadcast %get3A_3639 : vector<1x128xf32> to vector<128x128xf32>
    %add3A_3641 = arith.addf %dot_general3A_3636, %add3A_3640 : vector<128x128xf32>
    %lt3A_3642 = arith.cmpf olt, %add3A_3641, %min3A_3628 : vector<128x128xf32>
    %min3A_3643 = arith.minimumf %min3A_3628, %add3A_3641 : vector<128x128xf32>
    %jit3A_3644 = arith.constant 41 : i32
    %broadcast_in_dim3A_3645 = vector.broadcast %jit3A_3644 : i32 to vector<128x128xi32>
    %select_n3A_3646 = arith.select %lt3A_3642, %broadcast_in_dim3A_3645, %select_n3A_3631 : vector<128x128xi1>, vector<128x128xi32>
    %get3A_3647 = arith.constant 0 : index
    %get3A_3648 = arith.constant 5376 : index
    %get3A_3649 = vector.load %arg8[%get3A_3647, %get3A_3648] : memref<32x8192xf32, #tpu.memory_space<vmem>>, vector<32x128xf32>
    %dot_general3A_3650 = arith.constant dense<0.000000e+00> : vector<128x128xf32>
    %dot_general3A_3651 = tpu.matmul %mul3A_3012, %get3A_3649, %dot_general3A_3650 {dimension_numbers = #tpu.dot_dimension_numbers<[1], [0], [0], [1], [0, 0, 1, 1], [], []>, transpose_lhs_hint = false} : vector<128x32xf32>, vector<32x128xf32>, vector<128x128xf32> -> vector<128x128xf32>
    %get3A_3652 = arith.constant 0 : index
    %get3A_3653 = arith.constant 5376 : index
    %get3A_3654 = vector.load %arg9[%get3A_3652, %get3A_3653] : memref<1x8192xf32, #tpu.memory_space<vmem>>, vector<1x128xf32>
    %add3A_3655 = vector.broadcast %get3A_3654 : vector<1x128xf32> to vector<128x128xf32>
    %add3A_3656 = arith.addf %dot_general3A_3651, %add3A_3655 : vector<128x128xf32>
    %lt3A_3657 = arith.cmpf olt, %add3A_3656, %min3A_3643 : vector<128x128xf32>
    %min3A_3658 = arith.minimumf %min3A_3643, %add3A_3656 : vector<128x128xf32>
    %jit3A_3659 = arith.constant 42 : i32
    %broadcast_in_dim3A_3660 = vector.broadcast %jit3A_3659 : i32 to vector<128x128xi32>
    %select_n3A_3661 = arith.select %lt3A_3657, %broadcast_in_dim3A_3660, %select_n3A_3646 : vector<128x128xi1>, vector<128x128xi32>
    %get3A_3662 = arith.constant 0 : index
    %get3A_3663 = arith.constant 5504 : index
    %get3A_3664 = vector.load %arg8[%get3A_3662, %get3A_3663] : memref<32x8192xf32, #tpu.memory_space<vmem>>, vector<32x128xf32>
    %dot_general3A_3665 = arith.constant dense<0.000000e+00> : vector<128x128xf32>
    %dot_general3A_3666 = tpu.matmul %mul3A_3012, %get3A_3664, %dot_general3A_3665 {dimension_numbers = #tpu.dot_dimension_numbers<[1], [0], [0], [1], [0, 0, 1, 1], [], []>, transpose_lhs_hint = false} : vector<128x32xf32>, vector<32x128xf32>, vector<128x128xf32> -> vector<128x128xf32>
    %get3A_3667 = arith.constant 0 : index
    %get3A_3668 = arith.constant 5504 : index
    %get3A_3669 = vector.load %arg9[%get3A_3667, %get3A_3668] : memref<1x8192xf32, #tpu.memory_space<vmem>>, vector<1x128xf32>
    %add3A_3670 = vector.broadcast %get3A_3669 : vector<1x128xf32> to vector<128x128xf32>
    %add3A_3671 = arith.addf %dot_general3A_3666, %add3A_3670 : vector<128x128xf32>
    %lt3A_3672 = arith.cmpf olt, %add3A_3671, %min3A_3658 : vector<128x128xf32>
    %min3A_3673 = arith.minimumf %min3A_3658, %add3A_3671 : vector<128x128xf32>
    %jit3A_3674 = arith.constant 43 : i32
    %broadcast_in_dim3A_3675 = vector.broadcast %jit3A_3674 : i32 to vector<128x128xi32>
    %select_n3A_3676 = arith.select %lt3A_3672, %broadcast_in_dim3A_3675, %select_n3A_3661 : vector<128x128xi1>, vector<128x128xi32>
    %get3A_3677 = arith.constant 0 : index
    %get3A_3678 = arith.constant 5632 : index
    %get3A_3679 = vector.load %arg8[%get3A_3677, %get3A_3678] : memref<32x8192xf32, #tpu.memory_space<vmem>>, vector<32x128xf32>
    %dot_general3A_3680 = arith.constant dense<0.000000e+00> : vector<128x128xf32>
    %dot_general3A_3681 = tpu.matmul %mul3A_3012, %get3A_3679, %dot_general3A_3680 {dimension_numbers = #tpu.dot_dimension_numbers<[1], [0], [0], [1], [0, 0, 1, 1], [], []>, transpose_lhs_hint = false} : vector<128x32xf32>, vector<32x128xf32>, vector<128x128xf32> -> vector<128x128xf32>
    %get3A_3682 = arith.constant 0 : index
    %get3A_3683 = arith.constant 5632 : index
    %get3A_3684 = vector.load %arg9[%get3A_3682, %get3A_3683] : memref<1x8192xf32, #tpu.memory_space<vmem>>, vector<1x128xf32>
    %add3A_3685 = vector.broadcast %get3A_3684 : vector<1x128xf32> to vector<128x128xf32>
    %add3A_3686 = arith.addf %dot_general3A_3681, %add3A_3685 : vector<128x128xf32>
    %lt3A_3687 = arith.cmpf olt, %add3A_3686, %min3A_3673 : vector<128x128xf32>
    %min3A_3688 = arith.minimumf %min3A_3673, %add3A_3686 : vector<128x128xf32>
    %jit3A_3689 = arith.constant 44 : i32
    %broadcast_in_dim3A_3690 = vector.broadcast %jit3A_3689 : i32 to vector<128x128xi32>
    %select_n3A_3691 = arith.select %lt3A_3687, %broadcast_in_dim3A_3690, %select_n3A_3676 : vector<128x128xi1>, vector<128x128xi32>
    %get3A_3692 = arith.constant 0 : index
    %get3A_3693 = arith.constant 5760 : index
    %get3A_3694 = vector.load %arg8[%get3A_3692, %get3A_3693] : memref<32x8192xf32, #tpu.memory_space<vmem>>, vector<32x128xf32>
    %dot_general3A_3695 = arith.constant dense<0.000000e+00> : vector<128x128xf32>
    %dot_general3A_3696 = tpu.matmul %mul3A_3012, %get3A_3694, %dot_general3A_3695 {dimension_numbers = #tpu.dot_dimension_numbers<[1], [0], [0], [1], [0, 0, 1, 1], [], []>, transpose_lhs_hint = false} : vector<128x32xf32>, vector<32x128xf32>, vector<128x128xf32> -> vector<128x128xf32>
    %get3A_3697 = arith.constant 0 : index
    %get3A_3698 = arith.constant 5760 : index
    %get3A_3699 = vector.load %arg9[%get3A_3697, %get3A_3698] : memref<1x8192xf32, #tpu.memory_space<vmem>>, vector<1x128xf32>
    %add3A_3700 = vector.broadcast %get3A_3699 : vector<1x128xf32> to vector<128x128xf32>
    %add3A_3701 = arith.addf %dot_general3A_3696, %add3A_3700 : vector<128x128xf32>
    %lt3A_3702 = arith.cmpf olt, %add3A_3701, %min3A_3688 : vector<128x128xf32>
    %min3A_3703 = arith.minimumf %min3A_3688, %add3A_3701 : vector<128x128xf32>
    %jit3A_3704 = arith.constant 45 : i32
    %broadcast_in_dim3A_3705 = vector.broadcast %jit3A_3704 : i32 to vector<128x128xi32>
    %select_n3A_3706 = arith.select %lt3A_3702, %broadcast_in_dim3A_3705, %select_n3A_3691 : vector<128x128xi1>, vector<128x128xi32>
    %get3A_3707 = arith.constant 0 : index
    %get3A_3708 = arith.constant 5888 : index
    %get3A_3709 = vector.load %arg8[%get3A_3707, %get3A_3708] : memref<32x8192xf32, #tpu.memory_space<vmem>>, vector<32x128xf32>
    %dot_general3A_3710 = arith.constant dense<0.000000e+00> : vector<128x128xf32>
    %dot_general3A_3711 = tpu.matmul %mul3A_3012, %get3A_3709, %dot_general3A_3710 {dimension_numbers = #tpu.dot_dimension_numbers<[1], [0], [0], [1], [0, 0, 1, 1], [], []>, transpose_lhs_hint = false} : vector<128x32xf32>, vector<32x128xf32>, vector<128x128xf32> -> vector<128x128xf32>
    %get3A_3712 = arith.constant 0 : index
    %get3A_3713 = arith.constant 5888 : index
    %get3A_3714 = vector.load %arg9[%get3A_3712, %get3A_3713] : memref<1x8192xf32, #tpu.memory_space<vmem>>, vector<1x128xf32>
    %add3A_3715 = vector.broadcast %get3A_3714 : vector<1x128xf32> to vector<128x128xf32>
    %add3A_3716 = arith.addf %dot_general3A_3711, %add3A_3715 : vector<128x128xf32>
    %lt3A_3717 = arith.cmpf olt, %add3A_3716, %min3A_3703 : vector<128x128xf32>
    %min3A_3718 = arith.minimumf %min3A_3703, %add3A_3716 : vector<128x128xf32>
    %jit3A_3719 = arith.constant 46 : i32
    %broadcast_in_dim3A_3720 = vector.broadcast %jit3A_3719 : i32 to vector<128x128xi32>
    %select_n3A_3721 = arith.select %lt3A_3717, %broadcast_in_dim3A_3720, %select_n3A_3706 : vector<128x128xi1>, vector<128x128xi32>
    %get3A_3722 = arith.constant 0 : index
    %get3A_3723 = arith.constant 6016 : index
    %get3A_3724 = vector.load %arg8[%get3A_3722, %get3A_3723] : memref<32x8192xf32, #tpu.memory_space<vmem>>, vector<32x128xf32>
    %dot_general3A_3725 = arith.constant dense<0.000000e+00> : vector<128x128xf32>
    %dot_general3A_3726 = tpu.matmul %mul3A_3012, %get3A_3724, %dot_general3A_3725 {dimension_numbers = #tpu.dot_dimension_numbers<[1], [0], [0], [1], [0, 0, 1, 1], [], []>, transpose_lhs_hint = false} : vector<128x32xf32>, vector<32x128xf32>, vector<128x128xf32> -> vector<128x128xf32>
    %get3A_3727 = arith.constant 0 : index
    %get3A_3728 = arith.constant 6016 : index
    %get3A_3729 = vector.load %arg9[%get3A_3727, %get3A_3728] : memref<1x8192xf32, #tpu.memory_space<vmem>>, vector<1x128xf32>
    %add3A_3730 = vector.broadcast %get3A_3729 : vector<1x128xf32> to vector<128x128xf32>
    %add3A_3731 = arith.addf %dot_general3A_3726, %add3A_3730 : vector<128x128xf32>
    %lt3A_3732 = arith.cmpf olt, %add3A_3731, %min3A_3718 : vector<128x128xf32>
    %min3A_3733 = arith.minimumf %min3A_3718, %add3A_3731 : vector<128x128xf32>
    %jit3A_3734 = arith.constant 47 : i32
    %broadcast_in_dim3A_3735 = vector.broadcast %jit3A_3734 : i32 to vector<128x128xi32>
    %select_n3A_3736 = arith.select %lt3A_3732, %broadcast_in_dim3A_3735, %select_n3A_3721 : vector<128x128xi1>, vector<128x128xi32>
    %get3A_3737 = arith.constant 0 : index
    %get3A_3738 = arith.constant 6144 : index
    %get3A_3739 = vector.load %arg8[%get3A_3737, %get3A_3738] : memref<32x8192xf32, #tpu.memory_space<vmem>>, vector<32x128xf32>
    %dot_general3A_3740 = arith.constant dense<0.000000e+00> : vector<128x128xf32>
    %dot_general3A_3741 = tpu.matmul %mul3A_3012, %get3A_3739, %dot_general3A_3740 {dimension_numbers = #tpu.dot_dimension_numbers<[1], [0], [0], [1], [0, 0, 1, 1], [], []>, transpose_lhs_hint = false} : vector<128x32xf32>, vector<32x128xf32>, vector<128x128xf32> -> vector<128x128xf32>
    %get3A_3742 = arith.constant 0 : index
    %get3A_3743 = arith.constant 6144 : index
    %get3A_3744 = vector.load %arg9[%get3A_3742, %get3A_3743] : memref<1x8192xf32, #tpu.memory_space<vmem>>, vector<1x128xf32>
    %add3A_3745 = vector.broadcast %get3A_3744 : vector<1x128xf32> to vector<128x128xf32>
    %add3A_3746 = arith.addf %dot_general3A_3741, %add3A_3745 : vector<128x128xf32>
    %lt3A_3747 = arith.cmpf olt, %add3A_3746, %min3A_3733 : vector<128x128xf32>
    %min3A_3748 = arith.minimumf %min3A_3733, %add3A_3746 : vector<128x128xf32>
    %jit3A_3749 = arith.constant 48 : i32
    %broadcast_in_dim3A_3750 = vector.broadcast %jit3A_3749 : i32 to vector<128x128xi32>
    %select_n3A_3751 = arith.select %lt3A_3747, %broadcast_in_dim3A_3750, %select_n3A_3736 : vector<128x128xi1>, vector<128x128xi32>
    %get3A_3752 = arith.constant 0 : index
    %get3A_3753 = arith.constant 6272 : index
    %get3A_3754 = vector.load %arg8[%get3A_3752, %get3A_3753] : memref<32x8192xf32, #tpu.memory_space<vmem>>, vector<32x128xf32>
    %dot_general3A_3755 = arith.constant dense<0.000000e+00> : vector<128x128xf32>
    %dot_general3A_3756 = tpu.matmul %mul3A_3012, %get3A_3754, %dot_general3A_3755 {dimension_numbers = #tpu.dot_dimension_numbers<[1], [0], [0], [1], [0, 0, 1, 1], [], []>, transpose_lhs_hint = false} : vector<128x32xf32>, vector<32x128xf32>, vector<128x128xf32> -> vector<128x128xf32>
    %get3A_3757 = arith.constant 0 : index
    %get3A_3758 = arith.constant 6272 : index
    %get3A_3759 = vector.load %arg9[%get3A_3757, %get3A_3758] : memref<1x8192xf32, #tpu.memory_space<vmem>>, vector<1x128xf32>
    %add3A_3760 = vector.broadcast %get3A_3759 : vector<1x128xf32> to vector<128x128xf32>
    %add3A_3761 = arith.addf %dot_general3A_3756, %add3A_3760 : vector<128x128xf32>
    %lt3A_3762 = arith.cmpf olt, %add3A_3761, %min3A_3748 : vector<128x128xf32>
    %min3A_3763 = arith.minimumf %min3A_3748, %add3A_3761 : vector<128x128xf32>
    %jit3A_3764 = arith.constant 49 : i32
    %broadcast_in_dim3A_3765 = vector.broadcast %jit3A_3764 : i32 to vector<128x128xi32>
    %select_n3A_3766 = arith.select %lt3A_3762, %broadcast_in_dim3A_3765, %select_n3A_3751 : vector<128x128xi1>, vector<128x128xi32>
    %get3A_3767 = arith.constant 0 : index
    %get3A_3768 = arith.constant 6400 : index
    %get3A_3769 = vector.load %arg8[%get3A_3767, %get3A_3768] : memref<32x8192xf32, #tpu.memory_space<vmem>>, vector<32x128xf32>
    %dot_general3A_3770 = arith.constant dense<0.000000e+00> : vector<128x128xf32>
    %dot_general3A_3771 = tpu.matmul %mul3A_3012, %get3A_3769, %dot_general3A_3770 {dimension_numbers = #tpu.dot_dimension_numbers<[1], [0], [0], [1], [0, 0, 1, 1], [], []>, transpose_lhs_hint = false} : vector<128x32xf32>, vector<32x128xf32>, vector<128x128xf32> -> vector<128x128xf32>
    %get3A_3772 = arith.constant 0 : index
    %get3A_3773 = arith.constant 6400 : index
    %get3A_3774 = vector.load %arg9[%get3A_3772, %get3A_3773] : memref<1x8192xf32, #tpu.memory_space<vmem>>, vector<1x128xf32>
    %add3A_3775 = vector.broadcast %get3A_3774 : vector<1x128xf32> to vector<128x128xf32>
    %add3A_3776 = arith.addf %dot_general3A_3771, %add3A_3775 : vector<128x128xf32>
    %lt3A_3777 = arith.cmpf olt, %add3A_3776, %min3A_3763 : vector<128x128xf32>
    %min3A_3778 = arith.minimumf %min3A_3763, %add3A_3776 : vector<128x128xf32>
    %jit3A_3779 = arith.constant 50 : i32
    %broadcast_in_dim3A_3780 = vector.broadcast %jit3A_3779 : i32 to vector<128x128xi32>
    %select_n3A_3781 = arith.select %lt3A_3777, %broadcast_in_dim3A_3780, %select_n3A_3766 : vector<128x128xi1>, vector<128x128xi32>
    %get3A_3782 = arith.constant 0 : index
    %get3A_3783 = arith.constant 6528 : index
    %get3A_3784 = vector.load %arg8[%get3A_3782, %get3A_3783] : memref<32x8192xf32, #tpu.memory_space<vmem>>, vector<32x128xf32>
    %dot_general3A_3785 = arith.constant dense<0.000000e+00> : vector<128x128xf32>
    %dot_general3A_3786 = tpu.matmul %mul3A_3012, %get3A_3784, %dot_general3A_3785 {dimension_numbers = #tpu.dot_dimension_numbers<[1], [0], [0], [1], [0, 0, 1, 1], [], []>, transpose_lhs_hint = false} : vector<128x32xf32>, vector<32x128xf32>, vector<128x128xf32> -> vector<128x128xf32>
    %get3A_3787 = arith.constant 0 : index
    %get3A_3788 = arith.constant 6528 : index
    %get3A_3789 = vector.load %arg9[%get3A_3787, %get3A_3788] : memref<1x8192xf32, #tpu.memory_space<vmem>>, vector<1x128xf32>
    %add3A_3790 = vector.broadcast %get3A_3789 : vector<1x128xf32> to vector<128x128xf32>
    %add3A_3791 = arith.addf %dot_general3A_3786, %add3A_3790 : vector<128x128xf32>
    %lt3A_3792 = arith.cmpf olt, %add3A_3791, %min3A_3778 : vector<128x128xf32>
    %min3A_3793 = arith.minimumf %min3A_3778, %add3A_3791 : vector<128x128xf32>
    %jit3A_3794 = arith.constant 51 : i32
    %broadcast_in_dim3A_3795 = vector.broadcast %jit3A_3794 : i32 to vector<128x128xi32>
    %select_n3A_3796 = arith.select %lt3A_3792, %broadcast_in_dim3A_3795, %select_n3A_3781 : vector<128x128xi1>, vector<128x128xi32>
    %get3A_3797 = arith.constant 0 : index
    %get3A_3798 = arith.constant 6656 : index
    %get3A_3799 = vector.load %arg8[%get3A_3797, %get3A_3798] : memref<32x8192xf32, #tpu.memory_space<vmem>>, vector<32x128xf32>
    %dot_general3A_3800 = arith.constant dense<0.000000e+00> : vector<128x128xf32>
    %dot_general3A_3801 = tpu.matmul %mul3A_3012, %get3A_3799, %dot_general3A_3800 {dimension_numbers = #tpu.dot_dimension_numbers<[1], [0], [0], [1], [0, 0, 1, 1], [], []>, transpose_lhs_hint = false} : vector<128x32xf32>, vector<32x128xf32>, vector<128x128xf32> -> vector<128x128xf32>
    %get3A_3802 = arith.constant 0 : index
    %get3A_3803 = arith.constant 6656 : index
    %get3A_3804 = vector.load %arg9[%get3A_3802, %get3A_3803] : memref<1x8192xf32, #tpu.memory_space<vmem>>, vector<1x128xf32>
    %add3A_3805 = vector.broadcast %get3A_3804 : vector<1x128xf32> to vector<128x128xf32>
    %add3A_3806 = arith.addf %dot_general3A_3801, %add3A_3805 : vector<128x128xf32>
    %lt3A_3807 = arith.cmpf olt, %add3A_3806, %min3A_3793 : vector<128x128xf32>
    %min3A_3808 = arith.minimumf %min3A_3793, %add3A_3806 : vector<128x128xf32>
    %jit3A_3809 = arith.constant 52 : i32
    %broadcast_in_dim3A_3810 = vector.broadcast %jit3A_3809 : i32 to vector<128x128xi32>
    %select_n3A_3811 = arith.select %lt3A_3807, %broadcast_in_dim3A_3810, %select_n3A_3796 : vector<128x128xi1>, vector<128x128xi32>
    %get3A_3812 = arith.constant 0 : index
    %get3A_3813 = arith.constant 6784 : index
    %get3A_3814 = vector.load %arg8[%get3A_3812, %get3A_3813] : memref<32x8192xf32, #tpu.memory_space<vmem>>, vector<32x128xf32>
    %dot_general3A_3815 = arith.constant dense<0.000000e+00> : vector<128x128xf32>
    %dot_general3A_3816 = tpu.matmul %mul3A_3012, %get3A_3814, %dot_general3A_3815 {dimension_numbers = #tpu.dot_dimension_numbers<[1], [0], [0], [1], [0, 0, 1, 1], [], []>, transpose_lhs_hint = false} : vector<128x32xf32>, vector<32x128xf32>, vector<128x128xf32> -> vector<128x128xf32>
    %get3A_3817 = arith.constant 0 : index
    %get3A_3818 = arith.constant 6784 : index
    %get3A_3819 = vector.load %arg9[%get3A_3817, %get3A_3818] : memref<1x8192xf32, #tpu.memory_space<vmem>>, vector<1x128xf32>
    %add3A_3820 = vector.broadcast %get3A_3819 : vector<1x128xf32> to vector<128x128xf32>
    %add3A_3821 = arith.addf %dot_general3A_3816, %add3A_3820 : vector<128x128xf32>
    %lt3A_3822 = arith.cmpf olt, %add3A_3821, %min3A_3808 : vector<128x128xf32>
    %min3A_3823 = arith.minimumf %min3A_3808, %add3A_3821 : vector<128x128xf32>
    %jit3A_3824 = arith.constant 53 : i32
    %broadcast_in_dim3A_3825 = vector.broadcast %jit3A_3824 : i32 to vector<128x128xi32>
    %select_n3A_3826 = arith.select %lt3A_3822, %broadcast_in_dim3A_3825, %select_n3A_3811 : vector<128x128xi1>, vector<128x128xi32>
    %get3A_3827 = arith.constant 0 : index
    %get3A_3828 = arith.constant 6912 : index
    %get3A_3829 = vector.load %arg8[%get3A_3827, %get3A_3828] : memref<32x8192xf32, #tpu.memory_space<vmem>>, vector<32x128xf32>
    %dot_general3A_3830 = arith.constant dense<0.000000e+00> : vector<128x128xf32>
    %dot_general3A_3831 = tpu.matmul %mul3A_3012, %get3A_3829, %dot_general3A_3830 {dimension_numbers = #tpu.dot_dimension_numbers<[1], [0], [0], [1], [0, 0, 1, 1], [], []>, transpose_lhs_hint = false} : vector<128x32xf32>, vector<32x128xf32>, vector<128x128xf32> -> vector<128x128xf32>
    %get3A_3832 = arith.constant 0 : index
    %get3A_3833 = arith.constant 6912 : index
    %get3A_3834 = vector.load %arg9[%get3A_3832, %get3A_3833] : memref<1x8192xf32, #tpu.memory_space<vmem>>, vector<1x128xf32>
    %add3A_3835 = vector.broadcast %get3A_3834 : vector<1x128xf32> to vector<128x128xf32>
    %add3A_3836 = arith.addf %dot_general3A_3831, %add3A_3835 : vector<128x128xf32>
    %lt3A_3837 = arith.cmpf olt, %add3A_3836, %min3A_3823 : vector<128x128xf32>
    %min3A_3838 = arith.minimumf %min3A_3823, %add3A_3836 : vector<128x128xf32>
    %jit3A_3839 = arith.constant 54 : i32
    %broadcast_in_dim3A_3840 = vector.broadcast %jit3A_3839 : i32 to vector<128x128xi32>
    %select_n3A_3841 = arith.select %lt3A_3837, %broadcast_in_dim3A_3840, %select_n3A_3826 : vector<128x128xi1>, vector<128x128xi32>
    %get3A_3842 = arith.constant 0 : index
    %get3A_3843 = arith.constant 7040 : index
    %get3A_3844 = vector.load %arg8[%get3A_3842, %get3A_3843] : memref<32x8192xf32, #tpu.memory_space<vmem>>, vector<32x128xf32>
    %dot_general3A_3845 = arith.constant dense<0.000000e+00> : vector<128x128xf32>
    %dot_general3A_3846 = tpu.matmul %mul3A_3012, %get3A_3844, %dot_general3A_3845 {dimension_numbers = #tpu.dot_dimension_numbers<[1], [0], [0], [1], [0, 0, 1, 1], [], []>, transpose_lhs_hint = false} : vector<128x32xf32>, vector<32x128xf32>, vector<128x128xf32> -> vector<128x128xf32>
    %get3A_3847 = arith.constant 0 : index
    %get3A_3848 = arith.constant 7040 : index
    %get3A_3849 = vector.load %arg9[%get3A_3847, %get3A_3848] : memref<1x8192xf32, #tpu.memory_space<vmem>>, vector<1x128xf32>
    %add3A_3850 = vector.broadcast %get3A_3849 : vector<1x128xf32> to vector<128x128xf32>
    %add3A_3851 = arith.addf %dot_general3A_3846, %add3A_3850 : vector<128x128xf32>
    %lt3A_3852 = arith.cmpf olt, %add3A_3851, %min3A_3838 : vector<128x128xf32>
    %min3A_3853 = arith.minimumf %min3A_3838, %add3A_3851 : vector<128x128xf32>
    %jit3A_3854 = arith.constant 55 : i32
    %broadcast_in_dim3A_3855 = vector.broadcast %jit3A_3854 : i32 to vector<128x128xi32>
    %select_n3A_3856 = arith.select %lt3A_3852, %broadcast_in_dim3A_3855, %select_n3A_3841 : vector<128x128xi1>, vector<128x128xi32>
    %get3A_3857 = arith.constant 0 : index
    %get3A_3858 = arith.constant 7168 : index
    %get3A_3859 = vector.load %arg8[%get3A_3857, %get3A_3858] : memref<32x8192xf32, #tpu.memory_space<vmem>>, vector<32x128xf32>
    %dot_general3A_3860 = arith.constant dense<0.000000e+00> : vector<128x128xf32>
    %dot_general3A_3861 = tpu.matmul %mul3A_3012, %get3A_3859, %dot_general3A_3860 {dimension_numbers = #tpu.dot_dimension_numbers<[1], [0], [0], [1], [0, 0, 1, 1], [], []>, transpose_lhs_hint = false} : vector<128x32xf32>, vector<32x128xf32>, vector<128x128xf32> -> vector<128x128xf32>
    %get3A_3862 = arith.constant 0 : index
    %get3A_3863 = arith.constant 7168 : index
    %get3A_3864 = vector.load %arg9[%get3A_3862, %get3A_3863] : memref<1x8192xf32, #tpu.memory_space<vmem>>, vector<1x128xf32>
    %add3A_3865 = vector.broadcast %get3A_3864 : vector<1x128xf32> to vector<128x128xf32>
    %add3A_3866 = arith.addf %dot_general3A_3861, %add3A_3865 : vector<128x128xf32>
    %lt3A_3867 = arith.cmpf olt, %add3A_3866, %min3A_3853 : vector<128x128xf32>
    %min3A_3868 = arith.minimumf %min3A_3853, %add3A_3866 : vector<128x128xf32>
    %jit3A_3869 = arith.constant 56 : i32
    %broadcast_in_dim3A_3870 = vector.broadcast %jit3A_3869 : i32 to vector<128x128xi32>
    %select_n3A_3871 = arith.select %lt3A_3867, %broadcast_in_dim3A_3870, %select_n3A_3856 : vector<128x128xi1>, vector<128x128xi32>
    %get3A_3872 = arith.constant 0 : index
    %get3A_3873 = arith.constant 7296 : index
    %get3A_3874 = vector.load %arg8[%get3A_3872, %get3A_3873] : memref<32x8192xf32, #tpu.memory_space<vmem>>, vector<32x128xf32>
    %dot_general3A_3875 = arith.constant dense<0.000000e+00> : vector<128x128xf32>
    %dot_general3A_3876 = tpu.matmul %mul3A_3012, %get3A_3874, %dot_general3A_3875 {dimension_numbers = #tpu.dot_dimension_numbers<[1], [0], [0], [1], [0, 0, 1, 1], [], []>, transpose_lhs_hint = false} : vector<128x32xf32>, vector<32x128xf32>, vector<128x128xf32> -> vector<128x128xf32>
    %get3A_3877 = arith.constant 0 : index
    %get3A_3878 = arith.constant 7296 : index
    %get3A_3879 = vector.load %arg9[%get3A_3877, %get3A_3878] : memref<1x8192xf32, #tpu.memory_space<vmem>>, vector<1x128xf32>
    %add3A_3880 = vector.broadcast %get3A_3879 : vector<1x128xf32> to vector<128x128xf32>
    %add3A_3881 = arith.addf %dot_general3A_3876, %add3A_3880 : vector<128x128xf32>
    %lt3A_3882 = arith.cmpf olt, %add3A_3881, %min3A_3868 : vector<128x128xf32>
    %min3A_3883 = arith.minimumf %min3A_3868, %add3A_3881 : vector<128x128xf32>
    %jit3A_3884 = arith.constant 57 : i32
    %broadcast_in_dim3A_3885 = vector.broadcast %jit3A_3884 : i32 to vector<128x128xi32>
    %select_n3A_3886 = arith.select %lt3A_3882, %broadcast_in_dim3A_3885, %select_n3A_3871 : vector<128x128xi1>, vector<128x128xi32>
    %get3A_3887 = arith.constant 0 : index
    %get3A_3888 = arith.constant 7424 : index
    %get3A_3889 = vector.load %arg8[%get3A_3887, %get3A_3888] : memref<32x8192xf32, #tpu.memory_space<vmem>>, vector<32x128xf32>
    %dot_general3A_3890 = arith.constant dense<0.000000e+00> : vector<128x128xf32>
    %dot_general3A_3891 = tpu.matmul %mul3A_3012, %get3A_3889, %dot_general3A_3890 {dimension_numbers = #tpu.dot_dimension_numbers<[1], [0], [0], [1], [0, 0, 1, 1], [], []>, transpose_lhs_hint = false} : vector<128x32xf32>, vector<32x128xf32>, vector<128x128xf32> -> vector<128x128xf32>
    %get3A_3892 = arith.constant 0 : index
    %get3A_3893 = arith.constant 7424 : index
    %get3A_3894 = vector.load %arg9[%get3A_3892, %get3A_3893] : memref<1x8192xf32, #tpu.memory_space<vmem>>, vector<1x128xf32>
    %add3A_3895 = vector.broadcast %get3A_3894 : vector<1x128xf32> to vector<128x128xf32>
    %add3A_3896 = arith.addf %dot_general3A_3891, %add3A_3895 : vector<128x128xf32>
    %lt3A_3897 = arith.cmpf olt, %add3A_3896, %min3A_3883 : vector<128x128xf32>
    %min3A_3898 = arith.minimumf %min3A_3883, %add3A_3896 : vector<128x128xf32>
    %jit3A_3899 = arith.constant 58 : i32
    %broadcast_in_dim3A_3900 = vector.broadcast %jit3A_3899 : i32 to vector<128x128xi32>
    %select_n3A_3901 = arith.select %lt3A_3897, %broadcast_in_dim3A_3900, %select_n3A_3886 : vector<128x128xi1>, vector<128x128xi32>
    %get3A_3902 = arith.constant 0 : index
    %get3A_3903 = arith.constant 7552 : index
    %get3A_3904 = vector.load %arg8[%get3A_3902, %get3A_3903] : memref<32x8192xf32, #tpu.memory_space<vmem>>, vector<32x128xf32>
    %dot_general3A_3905 = arith.constant dense<0.000000e+00> : vector<128x128xf32>
    %dot_general3A_3906 = tpu.matmul %mul3A_3012, %get3A_3904, %dot_general3A_3905 {dimension_numbers = #tpu.dot_dimension_numbers<[1], [0], [0], [1], [0, 0, 1, 1], [], []>, transpose_lhs_hint = false} : vector<128x32xf32>, vector<32x128xf32>, vector<128x128xf32> -> vector<128x128xf32>
    %get3A_3907 = arith.constant 0 : index
    %get3A_3908 = arith.constant 7552 : index
    %get3A_3909 = vector.load %arg9[%get3A_3907, %get3A_3908] : memref<1x8192xf32, #tpu.memory_space<vmem>>, vector<1x128xf32>
    %add3A_3910 = vector.broadcast %get3A_3909 : vector<1x128xf32> to vector<128x128xf32>
    %add3A_3911 = arith.addf %dot_general3A_3906, %add3A_3910 : vector<128x128xf32>
    %lt3A_3912 = arith.cmpf olt, %add3A_3911, %min3A_3898 : vector<128x128xf32>
    %min3A_3913 = arith.minimumf %min3A_3898, %add3A_3911 : vector<128x128xf32>
    %jit3A_3914 = arith.constant 59 : i32
    %broadcast_in_dim3A_3915 = vector.broadcast %jit3A_3914 : i32 to vector<128x128xi32>
    %select_n3A_3916 = arith.select %lt3A_3912, %broadcast_in_dim3A_3915, %select_n3A_3901 : vector<128x128xi1>, vector<128x128xi32>
    %get3A_3917 = arith.constant 0 : index
    %get3A_3918 = arith.constant 7680 : index
    %get3A_3919 = vector.load %arg8[%get3A_3917, %get3A_3918] : memref<32x8192xf32, #tpu.memory_space<vmem>>, vector<32x128xf32>
    %dot_general3A_3920 = arith.constant dense<0.000000e+00> : vector<128x128xf32>
    %dot_general3A_3921 = tpu.matmul %mul3A_3012, %get3A_3919, %dot_general3A_3920 {dimension_numbers = #tpu.dot_dimension_numbers<[1], [0], [0], [1], [0, 0, 1, 1], [], []>, transpose_lhs_hint = false} : vector<128x32xf32>, vector<32x128xf32>, vector<128x128xf32> -> vector<128x128xf32>
    %get3A_3922 = arith.constant 0 : index
    %get3A_3923 = arith.constant 7680 : index
    %get3A_3924 = vector.load %arg9[%get3A_3922, %get3A_3923] : memref<1x8192xf32, #tpu.memory_space<vmem>>, vector<1x128xf32>
    %add3A_3925 = vector.broadcast %get3A_3924 : vector<1x128xf32> to vector<128x128xf32>
    %add3A_3926 = arith.addf %dot_general3A_3921, %add3A_3925 : vector<128x128xf32>
    %lt3A_3927 = arith.cmpf olt, %add3A_3926, %min3A_3913 : vector<128x128xf32>
    %min3A_3928 = arith.minimumf %min3A_3913, %add3A_3926 : vector<128x128xf32>
    %jit3A_3929 = arith.constant 60 : i32
    %broadcast_in_dim3A_3930 = vector.broadcast %jit3A_3929 : i32 to vector<128x128xi32>
    %select_n3A_3931 = arith.select %lt3A_3927, %broadcast_in_dim3A_3930, %select_n3A_3916 : vector<128x128xi1>, vector<128x128xi32>
    %get3A_3932 = arith.constant 0 : index
    %get3A_3933 = arith.constant 7808 : index
    %get3A_3934 = vector.load %arg8[%get3A_3932, %get3A_3933] : memref<32x8192xf32, #tpu.memory_space<vmem>>, vector<32x128xf32>
    %dot_general3A_3935 = arith.constant dense<0.000000e+00> : vector<128x128xf32>
    %dot_general3A_3936 = tpu.matmul %mul3A_3012, %get3A_3934, %dot_general3A_3935 {dimension_numbers = #tpu.dot_dimension_numbers<[1], [0], [0], [1], [0, 0, 1, 1], [], []>, transpose_lhs_hint = false} : vector<128x32xf32>, vector<32x128xf32>, vector<128x128xf32> -> vector<128x128xf32>
    %get3A_3937 = arith.constant 0 : index
    %get3A_3938 = arith.constant 7808 : index
    %get3A_3939 = vector.load %arg9[%get3A_3937, %get3A_3938] : memref<1x8192xf32, #tpu.memory_space<vmem>>, vector<1x128xf32>
    %add3A_3940 = vector.broadcast %get3A_3939 : vector<1x128xf32> to vector<128x128xf32>
    %add3A_3941 = arith.addf %dot_general3A_3936, %add3A_3940 : vector<128x128xf32>
    %lt3A_3942 = arith.cmpf olt, %add3A_3941, %min3A_3928 : vector<128x128xf32>
    %min3A_3943 = arith.minimumf %min3A_3928, %add3A_3941 : vector<128x128xf32>
    %jit3A_3944 = arith.constant 61 : i32
    %broadcast_in_dim3A_3945 = vector.broadcast %jit3A_3944 : i32 to vector<128x128xi32>
    %select_n3A_3946 = arith.select %lt3A_3942, %broadcast_in_dim3A_3945, %select_n3A_3931 : vector<128x128xi1>, vector<128x128xi32>
    %get3A_3947 = arith.constant 0 : index
    %get3A_3948 = arith.constant 7936 : index
    %get3A_3949 = vector.load %arg8[%get3A_3947, %get3A_3948] : memref<32x8192xf32, #tpu.memory_space<vmem>>, vector<32x128xf32>
    %dot_general3A_3950 = arith.constant dense<0.000000e+00> : vector<128x128xf32>
    %dot_general3A_3951 = tpu.matmul %mul3A_3012, %get3A_3949, %dot_general3A_3950 {dimension_numbers = #tpu.dot_dimension_numbers<[1], [0], [0], [1], [0, 0, 1, 1], [], []>, transpose_lhs_hint = false} : vector<128x32xf32>, vector<32x128xf32>, vector<128x128xf32> -> vector<128x128xf32>
    %get3A_3952 = arith.constant 0 : index
    %get3A_3953 = arith.constant 7936 : index
    %get3A_3954 = vector.load %arg9[%get3A_3952, %get3A_3953] : memref<1x8192xf32, #tpu.memory_space<vmem>>, vector<1x128xf32>
    %add3A_3955 = vector.broadcast %get3A_3954 : vector<1x128xf32> to vector<128x128xf32>
    %add3A_3956 = arith.addf %dot_general3A_3951, %add3A_3955 : vector<128x128xf32>
    %lt3A_3957 = arith.cmpf olt, %add3A_3956, %min3A_3943 : vector<128x128xf32>
    %min3A_3958 = arith.minimumf %min3A_3943, %add3A_3956 : vector<128x128xf32>
    %jit3A_3959 = arith.constant 62 : i32
    %broadcast_in_dim3A_3960 = vector.broadcast %jit3A_3959 : i32 to vector<128x128xi32>
    %select_n3A_3961 = arith.select %lt3A_3957, %broadcast_in_dim3A_3960, %select_n3A_3946 : vector<128x128xi1>, vector<128x128xi32>
    %get3A_3962 = arith.constant 0 : index
    %get3A_3963 = arith.constant 8064 : index
    %get3A_3964 = vector.load %arg8[%get3A_3962, %get3A_3963] : memref<32x8192xf32, #tpu.memory_space<vmem>>, vector<32x128xf32>
    %dot_general3A_3965 = arith.constant dense<0.000000e+00> : vector<128x128xf32>
    %dot_general3A_3966 = tpu.matmul %mul3A_3012, %get3A_3964, %dot_general3A_3965 {dimension_numbers = #tpu.dot_dimension_numbers<[1], [0], [0], [1], [0, 0, 1, 1], [], []>, transpose_lhs_hint = false} : vector<128x32xf32>, vector<32x128xf32>, vector<128x128xf32> -> vector<128x128xf32>
    %get3A_3967 = arith.constant 0 : index
    %get3A_3968 = arith.constant 8064 : index
    %get3A_3969 = vector.load %arg9[%get3A_3967, %get3A_3968] : memref<1x8192xf32, #tpu.memory_space<vmem>>, vector<1x128xf32>
    %add3A_3970 = vector.broadcast %get3A_3969 : vector<1x128xf32> to vector<128x128xf32>
    %add3A_3971 = arith.addf %dot_general3A_3966, %add3A_3970 : vector<128x128xf32>
    %lt3A_3972 = arith.cmpf olt, %add3A_3971, %min3A_3958 : vector<128x128xf32>
    %min3A_3973 = arith.minimumf %min3A_3958, %add3A_3971 : vector<128x128xf32>
    %jit3A_3974 = arith.constant 63 : i32
    %broadcast_in_dim3A_3975 = vector.broadcast %jit3A_3974 : i32 to vector<128x128xi32>
    %select_n3A_3976 = arith.select %lt3A_3972, %broadcast_in_dim3A_3975, %select_n3A_3961 : vector<128x128xi1>, vector<128x128xi32>
    %reduce_min3A_3977 = arith.constant dense<0x7F800000> : vector<128xf32>
    %reduce_min3A_3978 = vector.multi_reduction <minimumf>, %min3A_3973, %reduce_min3A_3977 [1] : vector<128x128xf32> to vector<128xf32>
    %broadcast_in_dim3A_3979 = vector.shape_cast %reduce_min3A_3978 : vector<128xf32> to vector<128x1xf32>
    %mul3A_3980 = arith.constant 128 : i32
    %mul3A_3981 = vector.broadcast %mul3A_3980 : i32 to vector<128x128xi32>
    %mul3A_3982 = arith.muli %select_n3A_3976, %mul3A_3981 : vector<128x128xi32>
    %add3A_3983 = arith.addi %mul3A_3982, %iota3A_3009 : vector<128x128xi32>
    %le3A_3984 = vector.broadcast %broadcast_in_dim3A_3979 : vector<128x1xf32> to vector<128x128xf32>
    %le3A_3985 = arith.cmpf ole, %min3A_3973, %le3A_3984 : vector<128x128xf32>
    %jit3A_3986 = arith.constant 8192 : i32
    %broadcast_in_dim3A_3987 = vector.broadcast %jit3A_3986 : i32 to vector<128x128xi32>
    %select_n3A_3988 = arith.select %le3A_3985, %add3A_3983, %broadcast_in_dim3A_3987 : vector<128x128xi1>, vector<128x128xi32>
    %reduce_min3A_3989 = arith.constant dense<2147483647> : vector<128xi32>
    %reduce_min3A_3990 = vector.multi_reduction <minsi>, %select_n3A_3988, %reduce_min3A_3989 [1] : vector<128x128xi32> to vector<128xi32>
    %swap3A_3991 = arith.constant 1 : index
    %swap3A_3992 = arith.constant 128 : index
    %swap3A_3993 = vector.load %arg11[%swap3A_3991, %swap3A_3992] : memref<2x256xi32, #tpu.memory_space<vmem>>, vector<1x128xi32>
    %swap3A_3994 = vector.shape_cast %swap3A_3993 : vector<1x128xi32> to vector<128xi32>
    %swap3A_3995 = vector.shape_cast %reduce_min3A_3990 : vector<128xi32> to vector<1x128xi32>
    tpu.vector_store %arg11[%swap3A_3991, %swap3A_3992], %swap3A_3995 {strides = array<i32>} : memref<2x256xi32, #tpu.memory_space<vmem>>, vector<1x128xi32>,
    return
  }
  func.func @transform_0(%arg0: i32) -> (i32, i32) {
    %c0_i32 = arith.constant 0 : i32
    %c0_i32_0 = arith.constant 0 : i32
    return %arg0, %c0_i32 : i32, i32
  }
  func.func @transform_1(%arg0: i32) -> (i32, i32) {
    %c0_i32 = arith.constant 0 : i32
    %c0_i32_0 = arith.constant 0 : i32
    %c0_i32_1 = arith.constant 0 : i32
    return %c0_i32, %c0_i32_0 : i32, i32
  }
  func.func @transform_2(%arg0: i32) -> (i32, i32) {
    %c0_i32 = arith.constant 0 : i32
    %c0_i32_0 = arith.constant 0 : i32
    %c0_i32_1 = arith.constant 0 : i32
    return %c0_i32, %c0_i32_0 : i32, i32
  }
  func.func @transform_3(%arg0: i32) -> (i32, i32) {
    %c0_i32 = arith.constant 0 : i32
    %c0_i32_0 = arith.constant 0 : i32
    %c0_i32_1 = arith.constant 0 : i32
    return %c0_i32, %c0_i32_0 : i32, i32
  }
  func.func @transform_4(%arg0: i32) -> (i32, i32) {
    %c0_i32 = arith.constant 0 : i32
    %c0_i32_0 = arith.constant 0 : i32
    %c0_i32_1 = arith.constant 0 : i32
    return %c0_i32, %c0_i32_0 : i32, i32
  }
  func.func @transform_5(%arg0: i32) -> (i32, i32) {
    %c0_i32 = arith.constant 0 : i32
    %c0_i32_0 = arith.constant 0 : i32
    %c0_i32_1 = arith.constant 0 : i32
    return %c0_i32, %c0_i32_0 : i32, i32
  }
  func.func @transform_6(%arg0: i32) -> (i32, i32) {
    %c0_i32 = arith.constant 0 : i32
    %c0_i32_0 = arith.constant 0 : i32
    %c0_i32_1 = arith.constant 0 : i32
    return %c0_i32, %c0_i32_0 : i32, i32
  }
  func.func @transform_7(%arg0: i32) -> (i32, i32) {
    %c0_i32 = arith.constant 0 : i32
    %c0_i32_0 = arith.constant 0 : i32
    %c0_i32_1 = arith.constant 0 : i32
    return %c0_i32, %c0_i32_0 : i32, i32
  }
  func.func @transform_8(%arg0: i32) -> (i32, i32) {
    %c0_i32 = arith.constant 0 : i32
    %c0_i32_0 = arith.constant 0 : i32
    %c0_i32_1 = arith.constant 0 : i32
    return %c0_i32, %c0_i32_0 : i32, i32
  }
  func.func @transform_9(%arg0: i32) -> (i32, i32) {
    %c0_i32 = arith.constant 0 : i32
    %c0_i32_0 = arith.constant 0 : i32
    return %arg0, %c0_i32 : i32, i32
  }
  func.func @transform_10(%arg0: i32) -> (i32, i32) {
    %c0_i32 = arith.constant 0 : i32
    %c0_i32_0 = arith.constant 0 : i32
    return %c0_i32, %arg0 : i32, i32
  }
}

module attributes {stable_mosaic.version = 14 : i64} {
  func.func @_dec_kernel(%arg0: i32, %arg1: memref<1024x64xf32, #tpu.memory_space<vmem>>, %arg2: memref<1024x128xf32, #tpu.memory_space<vmem>>, %arg3: memref<1024x128xf32, #tpu.memory_space<vmem>>, %arg4: memref<64x128xf32, #tpu.memory_space<vmem>>, %arg5: memref<1x128xf32, #tpu.memory_space<vmem>>, %arg6: memref<128x256xf32, #tpu.memory_space<vmem>>, %arg7: memref<1x256xf32, #tpu.memory_space<vmem>>, %arg8: memref<256x128xf32, #tpu.memory_space<vmem>>, %arg9: memref<1x128xf32, #tpu.memory_space<vmem>>, %arg10: memref<1024x64xf32, #tpu.memory_space<vmem>>, %arg11: memref<1024x64xf32, #tpu.memory_space<vmem>>, %arg12: memref<1024x128xf32, #tpu.memory_space<vmem>>) attributes {dimension_semantics = [#tpu.dimension_semantics<arbitrary>], iteration_bounds = array<i64: 4>, scalar_prefetch = 0 : i64, scratch_operands = 0 : i64, tpu.core_type = #tpu.core_type<tc>, window_params = [{transform_indices = @transform_0, window_bounds = array<i64: 1024, 64>}, {transform_indices = @transform_1, window_bounds = array<i64: 1024, 128>}, {transform_indices = @transform_2, window_bounds = array<i64: 1024, 128>}, {pipeline_mode = #tpu.pipeline_mode<synchronous>, transform_indices = @transform_3, window_bounds = array<i64: 64, 128>}, {pipeline_mode = #tpu.pipeline_mode<synchronous>, transform_indices = @transform_4, window_bounds = array<i64: 1, 128>}, {pipeline_mode = #tpu.pipeline_mode<synchronous>, transform_indices = @transform_5, window_bounds = array<i64: 128, 256>}, {pipeline_mode = #tpu.pipeline_mode<synchronous>, transform_indices = @transform_6, window_bounds = array<i64: 1, 256>}, {pipeline_mode = #tpu.pipeline_mode<synchronous>, transform_indices = @transform_7, window_bounds = array<i64: 256, 128>}, {pipeline_mode = #tpu.pipeline_mode<synchronous>, transform_indices = @transform_8, window_bounds = array<i64: 1, 128>}, {transform_indices = @transform_9, window_bounds = array<i64: 1024, 64>}, {transform_indices = @transform_10, window_bounds = array<i64: 1024, 64>}, {transform_indices = @transform_11, window_bounds = array<i64: 1024, 128>}]} {
    %get3A = arith.constant 0 : index
    %get3A_0 = arith.constant 0 : index
    %get3A_1 = vector.load %arg1[%get3A, %get3A_0] : memref<1024x64xf32, #tpu.memory_space<vmem>>, vector<1024x64xf32>
    %get3A_2 = arith.constant 0 : index
    %get3A_3 = arith.constant 0 : index
    %get3A_4 = vector.load %arg2[%get3A_2, %get3A_3] : memref<1024x128xf32, #tpu.memory_space<vmem>>, vector<1024x32xf32>
    %get3A_5 = arith.constant 0 : index
    %get3A_6 = arith.constant 0 : index
    %get3A_7 = vector.load %arg3[%get3A_5, %get3A_6] : memref<1024x128xf32, #tpu.memory_space<vmem>>, vector<1024x32xf32>
    %concatenate3A = tpu.concatenate %get3A_4, %get3A_7 in 1 : vector<1024x32xf32>, vector<1024x32xf32> -> vector<1024x64xf32>
    %swap3A = arith.constant 0 : index
    %swap3A_8 = arith.constant 0 : index
    %swap3A_9 = vector.load %arg11[%swap3A, %swap3A_8] : memref<1024x64xf32, #tpu.memory_space<vmem>>, vector<1024x64xf32>
    tpu.vector_store %arg11[%swap3A, %swap3A_8], %concatenate3A {strides = array<i32>} : memref<1024x64xf32, #tpu.memory_space<vmem>>, vector<1024x64xf32>,
    %sub3A = arith.subf %concatenate3A, %get3A_1 : vector<1024x64xf32>
    %add3A = arith.addf %get3A_1, %sub3A : vector<1024x64xf32>
    %swap3A_10 = arith.constant 0 : index
    %swap3A_11 = arith.constant 0 : index
    %swap3A_12 = vector.load %arg10[%swap3A_10, %swap3A_11] : memref<1024x64xf32, #tpu.memory_space<vmem>>, vector<1024x64xf32>
    tpu.vector_store %arg10[%swap3A_10, %swap3A_11], %add3A {strides = array<i32>} : memref<1024x64xf32, #tpu.memory_space<vmem>>, vector<1024x64xf32>,
    %get3A_13 = arith.constant 0 : index
    %get3A_14 = arith.constant 0 : index
    %get3A_15 = vector.load %arg4[%get3A_13, %get3A_14] : memref<64x128xf32, #tpu.memory_space<vmem>>, vector<64x128xf32>
    %dot_general3A = arith.constant dense<0.000000e+00> : vector<1024x128xf32>
    %dot_general3A_16 = tpu.matmul %add3A, %get3A_15, %dot_general3A {dimension_numbers = #tpu.dot_dimension_numbers<[1], [0], [0], [1], [0, 0, 1, 1], [], []>, transpose_lhs_hint = false} : vector<1024x64xf32>, vector<64x128xf32>, vector<1024x128xf32> -> vector<1024x128xf32>
    %get3A_17 = arith.constant 0 : index
    %get3A_18 = arith.constant 0 : index
    %get3A_19 = vector.load %arg5[%get3A_17, %get3A_18] : memref<1x128xf32, #tpu.memory_space<vmem>>, vector<1x128xf32>
    %add3A_20 = vector.broadcast %get3A_19 : vector<1x128xf32> to vector<1024x128xf32>
    %add3A_21 = arith.addf %dot_general3A_16, %add3A_20 : vector<1024x128xf32>
    %gt3A = arith.constant 0.000000e+00 : f32
    %gt3A_22 = vector.broadcast %gt3A : f32 to vector<1024x128xf32>
    %gt3A_23 = arith.cmpf ogt, %add3A_21, %gt3A_22 : vector<1024x128xf32>
    %mul3A = arith.constant 0.00999999977 : f32
    %mul3A_24 = vector.broadcast %mul3A : f32 to vector<1024x128xf32>
    %mul3A_25 = arith.mulf %mul3A_24, %add3A_21 : vector<1024x128xf32>
    %select_n3A = arith.select %gt3A_23, %add3A_21, %mul3A_25 : vector<1024x128xi1>, vector<1024x128xf32>
    %get3A_26 = arith.constant 0 : index
    %get3A_27 = arith.constant 0 : index
    %get3A_28 = vector.load %arg6[%get3A_26, %get3A_27] : memref<128x256xf32, #tpu.memory_space<vmem>>, vector<128x256xf32>
    %dot_general3A_29 = arith.constant dense<0.000000e+00> : vector<1024x256xf32>
    %dot_general3A_30 = tpu.matmul %select_n3A, %get3A_28, %dot_general3A_29 {dimension_numbers = #tpu.dot_dimension_numbers<[1], [0], [0], [1], [0, 0, 1, 1], [], []>, transpose_lhs_hint = false} : vector<1024x128xf32>, vector<128x256xf32>, vector<1024x256xf32> -> vector<1024x256xf32>
    %get3A_31 = arith.constant 0 : index
    %get3A_32 = arith.constant 0 : index
    %get3A_33 = vector.load %arg7[%get3A_31, %get3A_32] : memref<1x256xf32, #tpu.memory_space<vmem>>, vector<1x256xf32>
    %add3A_34 = vector.broadcast %get3A_33 : vector<1x256xf32> to vector<1024x256xf32>
    %add3A_35 = arith.addf %dot_general3A_30, %add3A_34 : vector<1024x256xf32>
    %gt3A_36 = arith.constant 0.000000e+00 : f32
    %gt3A_37 = vector.broadcast %gt3A_36 : f32 to vector<1024x256xf32>
    %gt3A_38 = arith.cmpf ogt, %add3A_35, %gt3A_37 : vector<1024x256xf32>
    %mul3A_39 = arith.constant 0.00999999977 : f32
    %mul3A_40 = vector.broadcast %mul3A_39 : f32 to vector<1024x256xf32>
    %mul3A_41 = arith.mulf %mul3A_40, %add3A_35 : vector<1024x256xf32>
    %select_n3A_42 = arith.select %gt3A_38, %add3A_35, %mul3A_41 : vector<1024x256xi1>, vector<1024x256xf32>
    %get3A_43 = arith.constant 0 : index
    %get3A_44 = arith.constant 0 : index
    %get3A_45 = vector.load %arg8[%get3A_43, %get3A_44] : memref<256x128xf32, #tpu.memory_space<vmem>>, vector<256x128xf32>
    %dot_general3A_46 = arith.constant dense<0.000000e+00> : vector<1024x128xf32>
    %dot_general3A_47 = tpu.matmul %select_n3A_42, %get3A_45, %dot_general3A_46 {dimension_numbers = #tpu.dot_dimension_numbers<[1], [0], [0], [1], [0, 0, 1, 1], [], []>, transpose_lhs_hint = false} : vector<1024x256xf32>, vector<256x128xf32>, vector<1024x128xf32> -> vector<1024x128xf32>
    %get3A_48 = arith.constant 0 : index
    %get3A_49 = arith.constant 0 : index
    %get3A_50 = vector.load %arg9[%get3A_48, %get3A_49] : memref<1x128xf32, #tpu.memory_space<vmem>>, vector<1x128xf32>
    %add3A_51 = vector.broadcast %get3A_50 : vector<1x128xf32> to vector<1024x128xf32>
    %add3A_52 = arith.addf %dot_general3A_47, %add3A_51 : vector<1024x128xf32>
    %logistic3A = arith.negf %add3A_52 : vector<1024x128xf32>
    %logistic3A_53 = math.exp %logistic3A : vector<1024x128xf32>
    %logistic3A_54 = arith.constant 1.000000e+00 : f32
    %logistic3A_55 = vector.broadcast %logistic3A_54 : f32 to vector<1024x128xf32>
    %logistic3A_56 = arith.addf %logistic3A_55, %logistic3A_53 : vector<1024x128xf32>
    %logistic3A_57 = arith.divf %logistic3A_55, %logistic3A_56 : vector<1024x128xf32>
    %swap3A_58 = arith.constant 0 : index
    %swap3A_59 = arith.constant 0 : index
    %swap3A_60 = vector.load %arg12[%swap3A_58, %swap3A_59] : memref<1024x128xf32, #tpu.memory_space<vmem>>, vector<1024x128xf32>
    tpu.vector_store %arg12[%swap3A_58, %swap3A_59], %logistic3A_57 {strides = array<i32>} : memref<1024x128xf32, #tpu.memory_space<vmem>>, vector<1024x128xf32>,
    return
  }
  func.func @transform_0(%arg0: i32) -> (i32, i32) {
    %c0_i32 = arith.constant 0 : i32
    %c0_i32_0 = arith.constant 0 : i32
    return %arg0, %c0_i32 : i32, i32
  }
  func.func @transform_1(%arg0: i32) -> (i32, i32) {
    %c0_i32 = arith.constant 0 : i32
    %c0_i32_0 = arith.constant 0 : i32
    return %arg0, %c0_i32 : i32, i32
  }
  func.func @transform_2(%arg0: i32) -> (i32, i32) {
    %add3A = arith.constant 4 : i32
    %add3A_0 = arith.addi %arg0, %add3A : i32
    %c0_i32 = arith.constant 0 : i32
    %c0_i32_1 = arith.constant 0 : i32
    return %add3A_0, %c0_i32 : i32, i32
  }
  func.func @transform_3(%arg0: i32) -> (i32, i32) {
    %c0_i32 = arith.constant 0 : i32
    %c0_i32_0 = arith.constant 0 : i32
    %c0_i32_1 = arith.constant 0 : i32
    return %c0_i32, %c0_i32_0 : i32, i32
  }
  func.func @transform_4(%arg0: i32) -> (i32, i32) {
    %c0_i32 = arith.constant 0 : i32
    %c0_i32_0 = arith.constant 0 : i32
    %c0_i32_1 = arith.constant 0 : i32
    return %c0_i32, %c0_i32_0 : i32, i32
  }
  func.func @transform_5(%arg0: i32) -> (i32, i32) {
    %c0_i32 = arith.constant 0 : i32
    %c0_i32_0 = arith.constant 0 : i32
    %c0_i32_1 = arith.constant 0 : i32
    return %c0_i32, %c0_i32_0 : i32, i32
  }
  func.func @transform_6(%arg0: i32) -> (i32, i32) {
    %c0_i32 = arith.constant 0 : i32
    %c0_i32_0 = arith.constant 0 : i32
    %c0_i32_1 = arith.constant 0 : i32
    return %c0_i32, %c0_i32_0 : i32, i32
  }
  func.func @transform_7(%arg0: i32) -> (i32, i32) {
    %c0_i32 = arith.constant 0 : i32
    %c0_i32_0 = arith.constant 0 : i32
    %c0_i32_1 = arith.constant 0 : i32
    return %c0_i32, %c0_i32_0 : i32, i32
  }
  func.func @transform_8(%arg0: i32) -> (i32, i32) {
    %c0_i32 = arith.constant 0 : i32
    %c0_i32_0 = arith.constant 0 : i32
    %c0_i32_1 = arith.constant 0 : i32
    return %c0_i32, %c0_i32_0 : i32, i32
  }
  func.func @transform_9(%arg0: i32) -> (i32, i32) {
    %c0_i32 = arith.constant 0 : i32
    %c0_i32_0 = arith.constant 0 : i32
    return %arg0, %c0_i32 : i32, i32
  }
  func.func @transform_10(%arg0: i32) -> (i32, i32) {
    %c0_i32 = arith.constant 0 : i32
    %c0_i32_0 = arith.constant 0 : i32
    return %arg0, %c0_i32 : i32, i32
  }
  func.func @transform_11(%arg0: i32) -> (i32, i32) {
    %c0_i32 = arith.constant 0 : i32
    %c0_i32_0 = arith.constant 0 : i32
    return %arg0, %c0_i32 : i32, i32
  }
}

</mosaic_0001>

<sc_bundles>
// kernel: kernel.5.cloned.1.call-start
scs
__scs_entry_jumppad:
0x0: {  	(pc) =	sbr.rel $0x88, $3  }
0x1: {  	(tag) =	ssettag $0x0;
	lr =	simm.s32 $0x1  }
0x2: {  	[smem:$0x3F93] =	sst lr;
	_ =	strace $0xD0000000  }
0x3: {  	_ = 	snop  }
0x4: {  	_ = 	snop  }
0x5: {  	_ = 	snop  }
0x6: {  	_ = 	snop  }
0x7: {  	_ = 	snop  }
__scs_overlays_trampoline_lowered:
0x8: {  	[smem:$0x3FA2] =	sst s0  }
0x9: {  	[smem:$0x3FA3] =	sst s1  }
0xa: {  	[smem:$0x3FA4] =	sst s2  }
0xb: {  	[smem:$0x3FA5] =	sst s3  }
0xc: {  	[smem:$0x3FA6] =	sst s4  }
0xd: {  	[smem:$0x3FA7] =	sst s5  }
0xe: {  	[smem:$0x3FA8] =	sst s6  }
0xf: {  	[smem:$0x3FA9] =	sst s7  }
0x10: {  	[smem:$0x3FAA] =	sst s8  }
0x11: {  	[smem:$0x3FAB] =	sst s9;
	s0 =	simm.s32 @!p0 $0x0  }
0x12: {  	s1 =	sld [smem:$0x3F91];
	s0 =	simm.s32 @p0 $0x1  }
0x13: {  	[smem:$0x3FAC] =	sst s0;
	s0 =	simm.s32 @!p1 $0x0  }
0x14: {  	s2 =	sld [smem:$0x3F90];
	s0 =	simm.s32 @p1 $0x1  }
0x15: {  	[smem:$0x3FAD] =	sst s0;
	s0 =	simm.s32 @!p2 $0x0  }
0x16: {  	s3 =	sld [smem:$0x3FDB];
	s0 =	simm.s32 @p2 $0x1  }
0x17: {  	s4 =	simm.s32 $0x1BF5;
	[smem:$0x3FAF] =	sst s0  }
0x18: {  	s0 =	sld [smem:$0x3F92];
	_ =	swait.ge [sflag:s4], $0x0  }
0x19: {  	s7 =	sld [smem:$0x3F93]  }
0x1a: {  	s8 =	sadd.s32 $0xFFFFE003, lr  }
0x1b: {  	s9 =	sadd.s32 $0xFFFFFEF7, lr;
	s5 =	simm.s32 $0xFFFFFFFF;
	p2 =	slt.u32 s8, $0xFFFFF086  }
0x1c: {  	p1 =	slt.u32 s9, $0xF7A;
	s5 =	simm.s32 @!p2 $0x0  }
0x1d: {  	s5 =	simm.s32 @p1 $0x1;
	p0 =	seq.s32 s7, s2  }
0x1e: {  	s7 =	smul.u32 @!p0 $0xF7A, s2;
	p2 =	seq.s32 @!p0 s5, $0x0  }
0x1f: {  	s9 =	smul.u32 $0xF7A, s1;
	s8 =	simm.s32 @!p0 $0x1BF5;
	p2 =	por !p2, p0  }
0x20: {  	[sflag:s8] =	ssyncset.s32 @!p0 $0xFFFFF086;
	s6 =	sadd.s32 @!p0 s3, s7;
	s7 =	simm.s32 @!p0 $0x108  }
0x21: {  	s3 =	sadd.s32 s3, s9;
	s6 =	sadd.s32 @!p0 $0x88, s6;
	s7 =	simm.s32 @p2 $0x1082  }
0x22: {  	[simem:s7], [sflag:s8] =	dma.local @!p0 [hbm:s6], $0xF7A  }
0x23: {  	s9 =	sor.u32 $0xD0000000, s2;
	s6 =	simm.s32 $0x108;
	_ =	swait.ge @!p0 [sflag:s8], $0x0  }
0x24: {  	s3 =	sadd.s32 $0x88, s3;
	s6 =	simm.s32 @!p1 $0x1082;
	[sflag:s4] =	ssyncset.s32 $0xFFFFF086  }
0x25: {  	[simem:s6], [sflag:s4] =	dma.local [hbm:s3], $0xF7A  }
0x26: {  	[smem:$0x3F93] =	sst s1;
	(tag) =	ssettag s2;
	_ =	strace s9  }
0x27: {  	s1 =	sld [smem:$0x3FA3]  }
0x28: {  	s2 =	sld [smem:$0x3FA4]  }
0x29: {  	s4 =	sld [smem:$0x3FA6]  }
0x2a: {  	p0 =	seq.s32 s5, $0x0;
	s5 =	sld [smem:$0x3FA7]  }
0x2b: {  	s6 =	sld [smem:$0x3FA8]  }
0x2c: {  	s7 =	sld [smem:$0x3FA9]  }
0x2d: {  	s3 =	simm.s32 $0x108;
	s8 =	sld [smem:$0x3FAA]  }
0x2e: {  	s3 =	simm.s32 @!p0 $0x1082;
	s9 =	sld [smem:$0x3FAB]  }
0x2f: {  	lr =	sadd.s32 s0, s3;
	s0 =	sld [smem:$0x3FA2]  }
0x30: {  	s3 =	sld [smem:$0x3FA5]  }
0x31: {  	[smem:$0x3FAE] =	sst s10  }
0x32: {  	s10 =	sld [smem:$0x3FAC];
	_ =	sdelay $0x3  }
0x33: {  	p0 =	seq.s32 s10, $0x1;
	s10 =	sld [smem:$0x3FAE];
	_ =	sdelay $0x3  }
0x34: {  	[smem:$0x3FAE] =	sst s10  }
0x35: {  	s10 =	sld [smem:$0x3FAD];
	_ =	sdelay $0x3  }
0x36: {  	p1 =	seq.s32 s10, $0x1;
	s10 =	sld [smem:$0x3FAE];
	_ =	sdelay $0x3  }
0x37: {  	[smem:$0x3FAE] =	sst s10  }
0x38: {  	s10 =	sld [smem:$0x3FAF]  }
0x39: {  	_ = 	snop;
	(pc) =	sbr.ind lr, $3  }
0x3a: {  	_ = 	snop  }
0x3b: {  	_ = 	snop  }
0x3c: {  	p2 =	seq.s32 s10, $0x1;
	s10 =	sld [smem:$0x3FAE]  }
0x3d: {  	_ =	shalt  }
0x3e: {  	_ =	shalt  }
0x3f: {  	_ =	shalt  }
0x40: {  	_ =	shalt  }
0x41: {  	_ =	shalt  }
0x42: {  	_ =	shalt  }
0x43: {  	_ =	shalt  }
0x44: {  	_ =	shalt  }
0x45: {  	_ =	shalt  }
0x46: {  	_ =	shalt  }
0x47: {  	_ =	shalt  }
0x48: {  	_ =	shalt  }
0x49: {  	_ =	shalt  }
0x4a: {  	_ =	shalt  }
0x4b: {  	_ =	shalt  }
0x4c: {  	_ =	shalt  }
0x4d: {  	_ =	shalt  }
0x4e: {  	_ =	shalt  }
0x4f: {  	_ =	shalt  }
0x50: {  	_ =	shalt  }
0x51: {  	_ =	shalt  }
0x52: {  	_ =	shalt  }
0x53: {  	_ =	shalt  }
0x54: {  	_ =	shalt  }
0x55: {  	_ =	shalt  }
0x56: {  	_ =	shalt  }
0x57: {  	_ =	shalt  }
0x58: {  	_ =	shalt  }
0x59: {  	_ =	shalt  }
0x5a: {  	_ =	shalt  }
0x5b: {  	_ =	shalt  }
0x5c: {  	_ =	shalt  }
0x5d: {  	_ =	shalt  }
0x5e: {  	_ =	shalt  }
0x5f: {  	_ =	shalt  }
0x60: {  	_ =	shalt  }
0x61: {  	_ =	shalt  }
0x62: {  	_ =	shalt  }
0x63: {  	_ =	shalt  }
0x64: {  	_ =	shalt  }
0x65: {  	_ =	shalt  }
0x66: {  	_ =	shalt  }
0x67: {  	_ =	shalt  }
0x68: {  	_ =	shalt  }
0x69: {  	_ =	shalt  }
0x6a: {  	_ =	shalt  }
0x6b: {  	_ =	shalt  }
0x6c: {  	_ =	shalt  }
0x6d: {  	_ =	shalt  }
0x6e: {  	_ =	shalt  }
0x6f: {  	_ =	shalt  }
0x70: {  	_ =	shalt  }
0x71: {  	_ =	shalt  }
0x72: {  	_ =	shalt  }
0x73: {  	_ =	shalt  }
0x74: {  	_ =	shalt  }
0x75: {  	_ =	shalt  }
0x76: {  	_ =	shalt  }
0x77: {  	_ =	shalt  }
0x78: {  	_ =	shalt  }
0x79: {  	_ =	shalt  }
0x7a: {  	_ =	shalt  }
0x7b: {  	_ =	shalt  }
0x7c: {  	_ =	shalt  }
0x7d: {  	_ =	shalt  }
0x7e: {  	_ =	shalt  }
0x7f: {  	_ =	shalt  }
0x80: {  	_ =	shalt  }
0x81: {  	_ =	shalt  }
0x82: {  	_ =	shalt  }
0x83: {  	_ =	shalt  }
0x84: {  	_ =	shalt  }
0x85: {  	_ =	shalt  }
0x86: {  	_ =	shalt  }
0x87: {  	_ =	shalt  }
.Lfunc_end0:
.L_simem_size_0:
called_computation_lowered:
.L_overlay_start_0:
0x88: {  	s2 =	sld [smem:$0x3FD9]  }
0x89: {  	s3 =	sld [smem:$0x3FFE];
	_ =	sdelay $0x1  }
0x8a: {  	s1 =	srdreg.scid  }
0x8b: {  	s0 =	sand.u32 $0x1, s1  }
0x8c: {  	s14 =	sshll.u32 s0, $0xA;
	s2 =	sadd.s32 s3, s2  }
0x8d: {  	s2 =	sadd.s32 s2, s14  }
0x8e: {  	[smem:$0x3FBA] =	sst s2  }
0x8f: {  	_ = 	snop  }
0x90: {  	s2 =	sld [smem:$0x3FD0];
	_ =	sdelay $0x2  }
0x91: {  	s15 =	simm.s32 $0xA;
	s4 =	simm.s32 $0x10  }
0x92: {  	[smem:s4], [sflag:s15] =	dma.local [hbm:s2], $0x1  }
0x93: {  	_ =	swait.eq [sflag:s15], $0x1  }
0x94: {  	[sflag:s15] =	ssyncset.done $0x0  }
0x95: {  	[sflag:s15] =	ssyncadd.s32 $0xFFFFFFFF  }
0x96: {  	s16 =	sld [smem:$0x13];
	(tm) =	ssettm $0x1  }
0x97: {  	s17 =	sld [smem:$0x3FFB];
	_ =	sdelay $0x3  }
0x98: {  	_ =	strace s17  }
0x99: {  	s3 =	sld [smem:$0x3FFC];
	_ =	sdelay $0x3  }
0x9a: {  	_ =	strace s3  }
0x9b: {  	s3 =	sld [smem:$0x3FFD];
	_ =	sdelay $0x3  }
0x9c: {  	_ =	strace s3  }
0x9d: {  	_ =	strace $0x8FFFFFFF  }
0x9e: {  	s18 =	sld [smem:$0x3FDB];
	_ =	sdelay $0x1  }
0x9f: {  	s19 =	simm.s32 $_scs_section_size  }
0xa0: {  	s5 =	simm.s32 $_size__tile_overlayer_lowered;
	s6 =	simm.s32 $_tile_overlayer_lowered  }
0xa1: {  	s22 =	simm.s32 $0x1BFF;
	s21 =	sshll.u32 s6, $0x1;
	s3 =	sadd.s32 s19, s18  }
0xa2: {  	s7 =	simm.s32 $0x0;
	s20 =	sshll.u32 s5, $0x1;
	s5 =	sadd.s32 s21, s3  }
0xa3: {  	[timem:s7], [sflag:s22] =	dma.local [hbm:s5], s20  }
0xa4: {  	_ =	swait.ge [sflag:s22], s20  }
0xa5: {  	s4 =	ssub.s32 $0x0, s20;
	[sflag:s22] =	ssyncset.done $0x0  }
0xa6: {  	[sflag:s22] =	ssyncadd.s32 s4;
	_ =	sdelay $0x1  }
0xa7: {  	s23 =	simm.s32 $0x1B8B  }
0xa8: {  	_ =	swait.ge [sflag:s23], $0x1  }
0xa9: {  	[sflag:s23] =	ssyncset.done $0x0  }
0xaa: {  	s25 =	simm.s32 $0x1B8E;
	s24 =	sld [smem:$0x3FFE];
	[sflag:s23] =	ssyncadd.s32 $0xFFFFFFFF  }
0xab: {  	s26 =	simm.s32 $execute0_lowered;
	[smem:$0x3FD2] =	sst s25  }
0xac: {  	s5 =	sshll.u32 s26, $0x1;
	_ =	strace $0x80000046;
	[dreg:$0x1] =	wrdreg $0xFFFFFFFF  }
0xad: {  	s28 =	simm.s32 $_size_execute0_lowered;
	s3 =	sadd.s32 s3, s5;
	[dreg:$0x0] =	wrdreg $0x0  }
0xae: {  	s5 =	sshll.u32 s28, $0x1;
	[dreg:$0x2] =	wrdreg s3  }
0xaf: {  	[dreg:$0x3] =	wrdreg s5  }
0xb0: {  	[dreg:$0x4] =	wrdreg $0xC0  }
0xb1: {  	_ =	task [dreg:s7], $0x5FFFF  }
0xb2: {  	[dreg:$0x1] =	wrdreg $0xFFFFFFFF  }
0xb3: {  	[dreg:$0x0] =	wrdreg $0x60  }
0xb4: {  	[dreg:$0x2] =	wrdreg s24  }
0xb5: {  	[dreg:$0x3] =	wrdreg s16  }
0xb6: {  	[dreg:$0x4] =	wrdreg $0x81000  }
0xb7: {  	[dreg:$0x5] =	wrdreg $0x9  }
0xb8: {  	_ =	task.clear_ibuf [dreg:s7], $0x6FFFF;
	_ =	strace $0x90000046  }
0xb9: {  	s29 =	simm.s32 $0x9;
	_ =	strace $0x80000048  }
0xba: {  	_ =	swait.ge [sflag:s29], $0x1  }
0xbb: {  	[sflag:s29] =	ssyncadd.s32 $0xFFFFFFFF  }
0xbc: {  	_ =	strace $0x90000048  }
0xbd: {  	_ =	sfence  }
0xbe: {  	s30 =	sld [smem:$0x0];
	_ =	sdelay $0x2  }
0xbf: {  	s31 =	sshll.u32 s1, $0xD;
	s1 =	sshrl.u32 s1, $0x2  }
0xc0: {  	s3 =	sand.u32 $0x4000, s31;
	s1 =	sadd.s32 s1, s30  }
0xc1: {  	s0 =	sor.u32 s3, s0;
	s1 =	sshll.u32 s1, $0x11  }
0xc2: {  	s0 =	sor.u32 s1, s0  }
0xc3: {  	s0 =	sadd.s32 $0x8F2B, s0  }
0xc4: {  	[sflag:s0] =	ssyncadd.remote.s32 $0x1  }
0xc5: {  	_ =	sfence.sel $0xFFFF  }
0xc6: {  	[dreg:$0x0] =	wrdreg $0xFFFFFFFF;
	(pc) =	sbr.abs _section_cstart, $3  }
0xc7: {  	[dreg:$0x1] =	wrdreg $0xFFFFFFFF  }
0xc8: {  	_ =	task.clear_ibuf [dreg:s7], $0x2FFFF;
	_ =	strace $0x9FFFFFFF  }
0xc9: {  	(tm) =	ssettm $0x7FFFFFFF  }
tec
execute0_lowered:
.L_overlay_start_1:
0x0: {  	(tag) =	ssettag $0x1  }
0x1: {  	s13 =	rddreg [dreg:$0x0]  }
0x2: {  	s8 =	rddreg [dreg:$0x1]  }
0x3: {  	s2 =	rddreg [dreg:$0x2]  }
0x4: {  	s0 =	rddreg [dreg:$0x3];
	s3 =	simm.s32 $0x0;
	s1 =	stileid.u32  }
0x5: {  	s5 =	srdreg.scid;
	[smem:$0x7FF] =	sst s3;
	s4 =	sshll.u32 s1, $0xD  }
0x6: {  	s14 =	sand.u32 $0x1, s5;
	s9 =	sshll.u32 s1, $0x9;
	s30 =	sshll.u32 s1, $0x10  }
0x7: {  	s31 =	sshll.u32 s1, $0x6;
	_ =	strace $0x80000047;
	s4 =	sadd.s32 s4, s13  }
0x8: {  	s10 =	sshll.u32 s14, $0x8;
	s6 =	sadd.s32 s30, s2;
	s5 =	sor.u32 $0x1C02, s31  }
0x9: {  	s4 =	sadd.s32 $0x1E00, s4;
	s7 =	sshrl.u32 s6, $0x3;
	s6 =	simm.s32 $0x2  }
0xa: {  	[spmem:s7], [sflag:s5] =	dma.local [hbm:s4], $0x2000  }
0xb: {  	s15 =	sor.u32 s10, s9;
	_ =	swait.ge [sflag:s6], $0x2000  }
0xc: {  	s9 =	sshrl.u32 s15, $0x3;
	[sflag:s6] =	ssyncset.done $0x0  }
0xd: {  	s8 =	sadd.s32 s8, s9;
	[sflag:s6] =	ssyncadd.s32 $0xFFFFE000  }
0xe: {  	[tilespmem:s3], [sflag:$0x2] =	stream.linear.gather [hbm4b:s8+s3], $0x100, $0x38;
	[tilespmem:$0x18100] =	vst v63  }
0xf: {  	_ =	swait.ge [sflag:s6], $0x100  }
0x10: {  	[sflag:s6] =	ssyncset.done $0x0  }
0x11: {  	[sflag:s6] =	ssyncadd.s32 $0xFFFFFF00  }
0x12: {  	s10 =	simm.s32 $0x100;
	s9 =	simm.s32 $0x80;
	[bflag:$0x0] =	sbarrier.arrive $0xFFFF  }
0x13: {  	[tilespmem:s10], [sflag:$0x1] =	stream.indirect.gather [spmem:s2], $0x80, s3, s9, $0xb8;
	[tilespmem:$0x18100] =	vst v63  }
0x14: {  	s11 =	simm.s32 $0x4100;
	s12 =	simm.s32 $0x1;
	s14 =	ssub.s32 $0x2, s14  }
0x15: {  	[tilespmem:s11], [sflag:$0x1] =	stream.indirect.gather [spmem:s2], $0x80, s9, s9, $0xb8;
	[tilespmem:$0x18100] =	vst v63  }
0x16: {  	s16 =	sshrl.u32 s14, $0x1;
	_ =	swait.ge [sflag:s12], $0x4000  }
0x17: {  	s14 =	ssub.s32 s14, s16;
	[sflag:s12] =	ssyncset.done $0x0  }
0x18: {  	s14 =	smax.u32 s14, $0x1;
	[sflag:s12] =	ssyncadd.s32 $0xFFFFC000  }
0x19: {  	s15 =	sshll.u32 s15, $0x4;
	p0 =	sne.s32 s14, $0x1;
	_ =	swait.ge [sflag:s12], $0x4000  }
.Ltmp0:
0x1a: {  	s13 =	sadd.s32 s15, s13;
	[sflag:s12] =	ssyncset.done $0x0;
	(pc) =	sbr.rel @!p0 .LBB2_2-.Ltmp0, $4  }
0x1b: {  	s13 =	sadd.s32 $0x21E00, s13;
	[sflag:s12] =	ssyncadd.s32 $0xFFFFC000  }
0x1c: {  	[hbm4b:s13+s3] =	stream.linear.scatter [tilespmem:s10], [sflag:$0x2], $0x8000, $0x38;
	[tilespmem:$0x18100] =	vst v63  }
0x1d: {  	_ =	swait.ge [sflag:s6], $0x8000  }
0x1e: {  	s14 =	sadd.s32 $0xFFFFFFFF, s14;
	[sflag:s6] =	ssyncset.done $0x0  }
.LBB2_1:
0x1f: {  	p0 =	sne.s32 s14, $0x1;
	s14 =	sadd.s32 $0xFFFFFFFF, s14;
	[sflag:s6] =	ssyncadd.s32 $0xFFFF8000  }
0x20: {  	[spmem:s7], [sflag:s5] =	dma.local [hbm:s4], $0x2000  }
0x21: {  	_ =	swait.ge [sflag:s6], $0x2000  }
0x22: {  	[sflag:s6] =	ssyncset.done $0x0  }
0x23: {  	[sflag:s6] =	ssyncadd.s32 $0xFFFFE000  }
0x24: {  	[tilespmem:s3], [sflag:$0x2] =	stream.linear.gather [hbm4b:s8+s3], $0x100, $0x38;
	[tilespmem:$0x18100] =	vst v63  }
0x25: {  	_ =	swait.ge [sflag:s6], $0x100  }
0x26: {  	[sflag:s6] =	ssyncset.done $0x0  }
0x27: {  	[sflag:s6] =	ssyncadd.s32 $0xFFFFFF00  }
0x28: {  	[bflag:$0x0] =	sbarrier.arrive $0xFFFF  }
0x29: {  	[tilespmem:s10], [sflag:$0x1] =	stream.indirect.gather [spmem:s2], $0x80, s3, s9, $0xb8;
	[tilespmem:$0x18100] =	vst v63  }
0x2a: {  	_ = 	snop  }
0x2b: {  	[tilespmem:s11], [sflag:$0x1] =	stream.indirect.gather [spmem:s2], $0x80, s9, s9, $0xb8;
	[tilespmem:$0x18100] =	vst v63  }
0x2c: {  	_ =	swait.ge [sflag:s12], $0x4000  }
0x2d: {  	[sflag:s12] =	ssyncset.done $0x0  }
0x2e: {  	[sflag:s12] =	ssyncadd.s32 $0xFFFFC000  }
0x2f: {  	_ =	swait.ge [sflag:s12], $0x4000  }
.Ltmp1:
0x30: {  	[sflag:s12] =	ssyncset.done $0x0;
	(pc) =	sbr.rel @p0 .LBB2_1-.Ltmp1, $4  }
0x31: {  	[sflag:s12] =	ssyncadd.s32 $0xFFFFC000  }
0x32: {  	[hbm4b:s13+s3] =	stream.linear.scatter [tilespmem:s10], [sflag:$0x2], $0x8000, $0x38;
	[tilespmem:$0x18100] =	vst v63  }
0x33: {  	_ =	swait.ge [sflag:s6], $0x8000  }
0x34: {  	[sflag:s6] =	ssyncset.done $0x0  }
.LBB2_2:
0x35: {  	[sflag:s6] =	ssyncadd.s32 $0xFFFF8000  }
0x36: {  	_ =	sfence.sel $0x180000  }
0x37: {  	[bflag:$0x0] =	sbarrier.arrive $0xFFFF  }
0x38: {  	p0 =	sne.s32 s1, $0x0;
	_ =	strace $0x90000047  }
0x39: {  	s0 =	sadd.s32 @!p0 $0x100000, s0;
	[bflag:$0x2] =	sbarrier.arrive $0xFFFF  }
0x3a: {  	[sflag:s0] =	ssyncadd.tile.s32 @!p0 $0x1;
	_ =	shalt  }
.Lfunc_end2:
_tile_overlayer_lowered:
.L_overlay_start_2:
0x3b: {  	(tag) =	ssettag $0x2  }
0x3c: {  	s0 =	rddreg [dreg:$0x0];
	s2 =	stileid.u32  }
0x3d: {  	s1 =	rddreg [dreg:$0x1];
	p0 =	sne.s32 s2, $0x0  }
0x3e: {  	s3 =	rddreg [dreg:$0x2];
	[bflag:$0x3] =	sbarrier.arrive $0xFFFF;
	s2 =	simm.s32 @!p0 $0x1C02  }
0x3f: {  	[timem:s3], [sflag:s2] =	dma.local @!p0 [hbm:s0], s1  }
0x40: {  	s0 =	simm.s32 @!p0 $0x2  }
0x41: {  	_ =	swait.ge @!p0 [sflag:s0], s1  }
0x42: {  	s1 =	ssub.s32 @!p0 $0x0, s1;
	[sflag:s0] =	ssyncset.done @!p0 $0x0  }
0x43: {  	[sflag:s0] =	ssyncadd.s32 @!p0 s1  }
0x44: {  	[bflag:$0x3] =	sbarrier.arrive $0xFFFF  }
0x45: {  	_ =	shalt  }

</sc_bundles>
